<compile_context>
chip_gen: v7x
topology: tpu7x:2x2x1
jax: 0.10.2.dev20260603
libtpu: 0.0.44.dev20260713+nightly
codegen_flags: <defaults>
</compile_context>

<pallas_src>
import functools
import math

import jax
import jax.numpy as jnp
import numpy as np
from jax import lax
from jax.experimental import pallas as pl
from jax.experimental.pallas import tpu as pltpu
from jax.experimental.pallas import tpu_sc as plsc

N_IMG = 2
C = 256
SCALES = [8.0]
RATIOS = [0.5, 1.0, 2.0]
STRIDES = [4, 8, 16, 32]
SHAPES = [(128, 128), (64, 64), (32, 32), (16, 16)]
TILE_H = [32, 32, 32, 16]
PRE_NMS = 6000
POST_NMS = 300
NMS_T = 0.7
NTOT = 3 * sum(h * w for h, w in SHAPES)
NPAD = 65536
ROWS = NPAD // 128
TOPROWS = 48
BIG = 1 << 30

_JS, _KS = [], []
_k = 2
while _k <= NPAD:
    _j = _k // 2
    while _j >= 1:
        _JS.append(_j)
        _KS.append(_k)
        _j //= 2
    _k *= 2
N_STAGES = len(_JS)
_RUNS = []
for _s, _jv in enumerate(_JS):
    _kind = "lane" if _jv < 128 else "row"
    if _RUNS and _RUNS[-1][0] == _kind:
        _RUNS[-1][2] = _s + 1
    else:
        _RUNS.append([_kind, _s, _s + 1])

_PERM = np.zeros(NPAD, np.int32)
_b = 0
for _h, _w in SHAPES:
    _hw = _h * _w
    _yx = np.arange(_hw)
    for _a in range(3):
        _PERM[_b + _yx * 3 + _a] = _b + _a * _hw + _yx
    _b += 3 * _hw
_PERM[NTOT:] = np.arange(NTOT, NPAD)
_PERM_FULL = np.concatenate(
    [_PERM + _i * NPAD for _i in range(N_IMG)]).astype(np.int32)


def _base_anchors(stride):
    out = []
    c = stride / 2.0
    for s in SCALES:
        for r in RATIOS:
            h = stride * s * math.sqrt(r)
            w = stride * s * math.sqrt(1.0 / r)
            out.append((np.float32(c - h / 2.0), np.float32(c - w / 2.0),
                        np.float32(c + h / 2.0), np.float32(c + w / 2.0)))
    return out


def _head_kernel(H, W, Th, stride, base, idx_base,
                 xb_ref, w9_ref, cb_ref, hw_ref, hb_ref,
                 vs_ref, s_ref, y1_ref, x1_ref, y2_ref, x2_ref, id_ref):
    n = pl.program_id(0)
    t = pl.program_id(1)
    N = Th * W
    lw = W.bit_length() - 1
    p = jax.lax.broadcasted_iota(jnp.int32, (1, N), 1)
    iy = p >> lw
    ix = p & (W - 1)
    mask0 = ix == 0
    maskw = ix == W - 1
    acc = jnp.zeros((C, N), jnp.float32)
    for dy in range(3):
        xc = xb_ref[0, 0, :, dy * W:dy * W + N]
        for dx in range(3):
            if dx == 0:
                xs = jnp.where(mask0, 0.0, pltpu.roll(xc, 1, 1))
            elif dx == 1:
                xs = xc
            else:
                xs = jnp.where(maskw, 0.0, pltpu.roll(xc, N - 1, 1))
            acc = acc + jax.lax.dot(w9_ref[dy * 3 + dx], xs,
                                    preferred_element_type=jnp.float32)
    h1 = jnp.maximum(acc + cb_ref[...], 0.0)
    out16 = jax.lax.dot(hw_ref[...], h1,
                        preferred_element_type=jnp.float32) + hb_ref[...]

    hmax = vs_ref[n, 0].astype(jnp.float32)
    wmax = vs_ref[n, 1].astype(jnp.float32)
    gy = t * Th + iy
    gyf = (gy * stride).astype(jnp.float32)
    gxf = (ix * stride).astype(jnp.float32)
    flat3 = (gy * W + ix) * 3

    for a in range(3):
        s_ref[0, a:a + 1, :] = out16[a:a + 1, :]
        id_ref[0, a:a + 1, :] = idx_base + flat3 + a
        a0, a1, a2, a3 = base[a]
        A0 = a0 + gyf
        A1 = a1 + gxf
        A2 = a2 + gyf
        A3 = a3 + gxf
        ya = (A0 + A2) * 0.5
        xa = (A1 + A3) * 0.5
        ha = A2 - A0
        wa = A3 - A1
        d0 = out16[3 + 4 * a:4 + 4 * a, :]
        d1 = out16[4 + 4 * a:5 + 4 * a, :]
        d2 = out16[5 + 4 * a:6 + 4 * a, :]
        d3 = out16[6 + 4 * a:7 + 4 * a, :]
        yc = ya + d0 * ha
        xc = xa + d1 * wa
        hh = ha * jnp.exp(d2)
        ww = wa * jnp.exp(d3)
        b0 = yc - hh * 0.5
        b1 = xc - ww * 0.5
        b2 = yc + hh * 0.5
        b3 = xc + ww * 0.5
        b0 = jnp.minimum(jnp.maximum(b0, 0.0), hmax)
        b1 = jnp.minimum(jnp.maximum(b1, 0.0), wmax)
        b2 = jnp.minimum(jnp.maximum(b2, 0.0), hmax)
        b3 = jnp.minimum(jnp.maximum(b3, 0.0), wmax)
        y1_ref[0, a:a + 1, :] = b0
        x1_ref[0, a:a + 1, :] = b1
        y2_ref[0, a:a + 1, :] = b2
        x2_ref[0, a:a + 1, :] = b3


def _run_head(x, w9, cb, hw, hb, valid_size, level, idx_base):
    H, W = SHAPES[level]
    Th = TILE_H[level]
    T = H // Th
    stride = STRIDES[level]
    xf = jnp.pad(x, ((0, 0), (0, 0), (1, 1), (0, 0))).reshape(
        N_IMG, C, (H + 2) * W)
    xb = jnp.stack(
        [xf[:, :, t * Th * W:(t * Th + Th + 2) * W] for t in range(T)],
        axis=1)
    HW = H * W
    fs = jax.ShapeDtypeStruct((N_IMG, 3, HW), jnp.float32)
    out_shape = [fs, fs, fs, fs, fs,
                 jax.ShapeDtypeStruct((N_IMG, 3, HW), jnp.int32)]
    obs = pl.BlockSpec((1, 3, Th * W), lambda n, t: (n, 0, t))
    kern = functools.partial(_head_kernel, H, W, Th, stride,
                             _base_anchors(stride), idx_base)
    xspec = pl.BlockSpec((1, 1, C, (Th + 2) * W), lambda n, t: (n, t, 0, 0))
    return pl.pallas_call(
        kern,
        grid=(N_IMG, T),
        in_specs=[
            xspec,
            pl.BlockSpec((9, C, C), lambda n, t: (0, 0, 0)),
            pl.BlockSpec((C, 1), lambda n, t: (0, 0)),
            pl.BlockSpec((16, C), lambda n, t: (0, 0)),
            pl.BlockSpec((16, 1), lambda n, t: (0, 0)),
            pl.BlockSpec(memory_space=pltpu.SMEM),
        ],
        out_specs=[obs] * 6,
        out_shape=out_shape,
    )(xb, w9, cb, hw, hb, valid_size)


def _sort_kernel(js_ref, ks_ref, s_ref, i_ref, o_ref, ksc, isc):
    gio = (jax.lax.broadcasted_iota(jnp.int32, (ROWS, 128), 0) * 128
           + jax.lax.broadcasted_iota(jnp.int32, (ROWS, 128), 1))
    ksc[...] = s_ref[...]
    isc[...] = i_ref[...]

    def exchange(s, m, part):
        kstep = ks_ref[s]
        kk = ksc[...]
        ii = isc[...]
        kp = part(kk)
        ip = part(ii)
        want_first = (m == ((gio & kstep) == 0)[None])
        cur_first = (kk > kp) | ((kk == kp) & (ii < ip))
        tc = want_first == cur_first
        ksc[...] = jnp.where(tc, kk, kp)
        isc[...] = jnp.where(tc, ii, ip)
        return 0

    def lane_stage(s, _):
        j = js_ref[s]
        m = ((gio & j) == 0)[None]

        def part(x):
            return jnp.where(m, pltpu.roll(x, (128 - j) & 127, 2),
                             pltpu.roll(x, j, 2))

        return exchange(s, m, part)

    def row_stage(s, _):
        j = js_ref[s]
        sh1 = j >> 7
        m = ((gio & j) == 0)[None]

        def part(x):
            return jnp.where(m, pltpu.roll(x, (ROWS - sh1) & (ROWS - 1), 1),
                             pltpu.roll(x, sh1, 1))

        return exchange(s, m, part)

    for _kind, _a, _b in _RUNS:
        jax.lax.fori_loop(_a, _b,
                          lane_stage if _kind == "lane" else row_stage, 0)
    o_ref[...] = isc[:, :TOPROWS, :]


def _make_gather():
    NC, NS = 2, 16
    NW = NC * NS
    B = N_IMG * TOPROWS * 128
    b_per_w = B // NW
    mesh = plsc.VectorSubcoreMesh(core_axis_name="c", subcore_axis_name="s")

    fdt = jax.ShapeDtypeStruct((B,), jnp.float32)

    @functools.partial(
        pl.kernel, mesh=mesh,
        out_type=[fdt, fdt, fdt, fdt],
        scratch_types=[
            pltpu.VMEM((b_per_w,), jnp.int32),
            pltpu.VMEM((b_per_w,), jnp.int32),
            pltpu.VMEM((b_per_w,), jnp.float32),
            pltpu.VMEM((b_per_w,), jnp.float32),
            pltpu.VMEM((b_per_w,), jnp.float32),
            pltpu.VMEM((b_per_w,), jnp.float32),
            pltpu.SemaphoreType.DMA,
        ],
    )
    def gk(c0_hbm, c1_hbm, c2_hbm, c3_hbm, perm_hbm, idx_hbm,
           o0, o1, o2, o3, idx_v, pos_v, b0, b1, b2, b3, sem):
        wid = lax.axis_index("s") * NC + lax.axis_index("c")
        base = wid * b_per_w
        pltpu.sync_copy(idx_hbm.at[pl.ds(base, b_per_w)], idx_v)
        pltpu.async_copy(perm_hbm.at[idx_v], pos_v, sem).wait()
        for src, buf, out in ((c0_hbm, b0, o0), (c1_hbm, b1, o1),
                              (c2_hbm, b2, o2), (c3_hbm, b3, o3)):
            pltpu.async_copy(src.at[pos_v], buf, sem).wait()
            pltpu.sync_copy(buf, out.at[pl.ds(base, b_per_w)])

    return gk


def _nms_kernel(y1_ref, x1_ref, y2_ref, x2_ref, o_ref):
    y1s = y1_ref[...]
    x1s = x1_ref[...]
    y2s = y2_ref[...]
    x2s = x2_ref[...]
    g48 = (jax.lax.broadcasted_iota(jnp.int32, (TOPROWS, 128), 0) * 128
           + jax.lax.broadcasted_iota(jnp.int32, (TOPROWS, 128), 1))[None]
    areas = (y2s - y1s) * (x2s - x1s)
    active0 = jnp.broadcast_to(g48 < PRE_NMS,
                               (N_IMG, TOPROWS, 128)).astype(jnp.int32)
    li = jax.lax.broadcasted_iota(jnp.int32, (1, 1, 128), 2)

    def body(i, active_i):
        active = active_i != 0
        mm = jnp.where(active, g48, BIG)
        mn = jnp.min(mm, axis=(1, 2), keepdims=True)
        valid = mn < BIG
        oh = (g48 == mn).astype(jnp.float32)
        y1c = jnp.sum(y1s * oh, axis=(1, 2), keepdims=True)
        x1c = jnp.sum(x1s * oh, axis=(1, 2), keepdims=True)
        y2c = jnp.sum(y2s * oh, axis=(1, 2), keepdims=True)
        x2c = jnp.sum(x2s * oh, axis=(1, 2), keepdims=True)
        ac = (y2c - y1c) * (x2c - x1c)
        yy1 = jnp.maximum(y1c, y1s)
        xx1 = jnp.maximum(x1c, x1s)
        yy2 = jnp.minimum(y2c, y2s)
        xx2 = jnp.minimum(x2c, x2s)
        inter = jnp.maximum(yy2 - yy1, 0.0) * jnp.maximum(xx2 - xx1, 0.0)
        iou = inter / (ac + areas - inter + 1e-9)
        sup = (iou > NMS_T) & valid
        active = active & (~sup) & (g48 != mn)
        row = (jnp.where(li == 0, y1c, 0.0) + jnp.where(li == 1, x1c, 0.0)
               + jnp.where(li == 2, y2c, 0.0) + jnp.where(li == 3, x2c, 0.0))
        row = jnp.where(valid, row, 0.0)
        o_ref[:, pl.ds(i, 1), :] = row
        return active.astype(jnp.int32)

    jax.lax.fori_loop(0, POST_NMS, body, active0)


def kernel(x0, x1, x2, x3, conv_w, conv_b, obj_w, obj_b, bbx_w, bbx_b,
           valid_size):
    xs = [x0, x1, x2, x3]
    w9 = jnp.transpose(conv_w, (2, 3, 0, 1)).reshape(9, C, C)
    cb = conv_b.reshape(C, 1)
    hw = jnp.concatenate([obj_w[:, :, 0, 0], bbx_w[:, :, 0, 0],
                          jnp.zeros((1, C), jnp.float32)], axis=0)
    hb = jnp.concatenate([obj_b, bbx_b,
                          jnp.zeros((1,), jnp.float32)]).reshape(16, 1)

    parts = [[] for _ in range(6)]
    idx_base = 0
    for level in range(4):
        outs = _run_head(xs[level], w9, cb, hw, hb, valid_size, level,
                         idx_base)
        for p, o in zip(parts, outs):
            p.append(o.reshape(N_IMG, -1))
        idx_base += 3 * SHAPES[level][0] * SHAPES[level][1]

    npad = NPAD - NTOT
    sc = jnp.concatenate(parts[0] + [jnp.full((N_IMG, npad), -jnp.inf,
                                              jnp.float32)], axis=1)
    ids = jnp.concatenate(
        parts[5] + [jnp.broadcast_to(jnp.arange(NTOT, NPAD, dtype=jnp.int32),
                                     (N_IMG, npad))], axis=1)

    def r(a):
        return a.reshape(N_IMG, ROWS, 128)

    js = jnp.asarray(np.array(_JS, np.int32))
    ks = jnp.asarray(np.array(_KS, np.int32))
    topidx = pl.pallas_call(
        _sort_kernel,
        in_specs=[pl.BlockSpec(memory_space=pltpu.SMEM)] * 2
        + [pl.BlockSpec((N_IMG, ROWS, 128), lambda: (0, 0, 0))] * 2,
        out_specs=pl.BlockSpec((N_IMG, TOPROWS, 128), lambda: (0, 0, 0)),
        out_shape=jax.ShapeDtypeStruct((N_IMG, TOPROWS, 128), jnp.int32),
        scratch_shapes=[pltpu.VMEM((N_IMG, ROWS, 128), jnp.float32),
                        pltpu.VMEM((N_IMG, ROWS, 128), jnp.int32)],
    )(js, ks, r(sc), r(ids))

    planes = [jnp.pad(jnp.concatenate(parts[i], axis=1),
                      ((0, 0), (0, npad))).reshape(N_IMG * NPAD)
              for i in (1, 2, 3, 4)]
    perm = jnp.asarray(_PERM_FULL)
    idxb = (topidx.reshape(N_IMG, TOPROWS * 128)
            + (jnp.arange(N_IMG, dtype=jnp.int32) * NPAD)[:, None]
            ).reshape(N_IMG * TOPROWS * 128)
    g0, g1, g2, g3 = _make_gather()(planes[0], planes[1], planes[2],
                                    planes[3], perm, idxb)

    def q(a):
        return a.reshape(N_IMG, TOPROWS, 128)

    props = pl.pallas_call(
        _nms_kernel,
        in_specs=[pl.BlockSpec((N_IMG, TOPROWS, 128), lambda: (0, 0, 0))] * 4,
        out_specs=pl.BlockSpec((N_IMG, 304, 128), lambda: (0, 0, 0)),
        out_shape=jax.ShapeDtypeStruct((N_IMG, 304, 128), jnp.float32),
    )(q(g0), q(g1), q(g2), q(g3))
    return props[:, :POST_NMS, :4]

# --- scband reference (transcript-rebuilt; emitter-appended) ---
"""Pipeline reference for scband-rpnalgo-fpn-jit-58746562675171 (READ-ONLY COPY).

The authoritative reference and input builder live on the scoring server;
editing this copy changes nothing except your own understanding.
"""

import math
import jax, jax.numpy as jnp
import numpy as np

N_IMG = 2
C_FEAT = 256
ANCHOR_SCALES = [8.0]
ANCHOR_RATIOS = [0.5, 1.0, 2.0]
ANCHOR_STRIDES = [4, 8, 16, 32]
FEAT_SHAPES = [(128, 128), (64, 64), (32, 32), (16, 16)]
NUM_ANCHORS = len(ANCHOR_SCALES) * len(ANCHOR_RATIOS)
NMS_THRESHOLD = 0.7
NUM_PRE_NMS = 6000
NUM_POST_NMS = 300


def setup_inputs(seed: int = 0):
    key = jax.random.key(seed)
    ks = jax.random.split(key, 16)
    inp = {}
    for i, (h, w) in enumerate(FEAT_SHAPES):
        inp['x%d' % i] = jax.random.normal(ks[i], (N_IMG, C_FEAT, h, w), dtype=jnp.float32)
    inp['conv_w'] = jax.random.normal(ks[4], (C_FEAT, C_FEAT, 3, 3), dtype=jnp.float32) * 0.02
    inp['conv_b'] = jnp.zeros((C_FEAT,), jnp.float32)
    inp['obj_w'] = jax.random.normal(ks[5], (NUM_ANCHORS, C_FEAT, 1, 1), dtype=jnp.float32) * 0.02
    inp['obj_b'] = jnp.zeros((NUM_ANCHORS,), jnp.float32)
    inp['bbx_w'] = jax.random.normal(ks[6], (4 * NUM_ANCHORS, C_FEAT, 1, 1), dtype=jnp.float32) * 0.02
    inp['bbx_b'] = jnp.zeros((4 * NUM_ANCHORS,), jnp.float32)
    inp['valid_size'] = jax.random.randint(ks[7], (N_IMG, 2), 256, 513, dtype=jnp.int32)
    return inp


def conv2d(x, w, b, padding):
    out = jax.lax.conv_general_dilated(x, w, window_strides=(1, 1), padding=padding, dimension_numbers=('NCHW', 'OIHW', 'NCHW'))
    return out + b[None, :, None, None]


def base_anchors(stride):
    anchors = []
    center = stride / 2.0
    for scale in ANCHOR_SCALES:
        for ratio in ANCHOR_RATIOS:
            h = stride * scale * math.sqrt(ratio)
            w = stride * scale * math.sqrt(1.0 / ratio)
            anchors.append((center - h / 2.0, center - w / 2.0, center + h / 2.0, center + w / 2.0))
    return anchors


def shifted_anchors(anchors, stride, height, width, dtype=jnp.float32):
    grid_y = jnp.arange(0, stride * height, stride, dtype=dtype)
    grid_x = jnp.arange(0, stride * width, stride, dtype=dtype)
    gy = jnp.broadcast_to(grid_y[:, None], (height, width))
    gx = jnp.broadcast_to(grid_x[None, :], (height, width))
    grid = jnp.stack([gy, gx], axis=-1)
    a = jnp.asarray(anchors, dtype=dtype)
    shifted = a[None, None, :, :] + jnp.tile(grid, (1, 1, 2))[:, :, None, :]
    return shifted.reshape(-1, 4)


def shift_boxes(anchors, deltas):
    ya = (anchors[:, 0] + anchors[:, 2]) * 0.5
    xa = (anchors[:, 1] + anchors[:, 3]) * 0.5
    ha = anchors[:, 2] - anchors[:, 0]
    wa = anchors[:, 3] - anchors[:, 1]
    dy, dx, dh, dw = deltas[..., 0], deltas[..., 1], deltas[..., 2], deltas[..., 3]
    yc = ya + dy * ha
    xc = xa + dx * wa
    hh = ha * jnp.exp(dh)
    ww = wa * jnp.exp(dw)
    return jnp.stack([yc - hh * 0.5, xc - ww * 0.5, yc + hh * 0.5, xc + ww * 0.5], axis=-1)


def nms(boxes, scores, thresh, max_out):
    order = jnp.argsort(-scores)
    b = boxes[order]
    n = b.shape[0]
    y1, x1, y2, x2 = b[:, 0], b[:, 1], b[:, 2], b[:, 3]
    areas = (y2 - y1) * (x2 - x1)
    active = jnp.ones((n,), dtype=bool)
    keep = jnp.full((max_out,), -1, dtype=jnp.int32)

    def body(i, carry):
        active, keep = carry
        cur = jnp.argmax(active)
        valid = active[cur]
        keep = keep.at[i].set(jnp.where(valid, cur.astype(jnp.int32), jnp.int32(-1)))
        yy1 = jnp.maximum(y1[cur], y1)
        xx1 = jnp.maximum(x1[cur], x1)
        yy2 = jnp.minimum(y2[cur], y2)
        xx2 = jnp.minimum(x2[cur], x2)
        inter = jnp.maximum(yy2 - yy1, 0.0) * jnp.maximum(xx2 - xx1, 0.0)
        iou = inter / (areas[cur] + areas - inter + 1e-9)
        sup = (iou > thresh) & valid
        active = active & (~sup)
        active = active.at[cur].set(False)
        return (active, keep)

    active, keep = jax.lax.fori_loop(0, max_out, body, (active, keep))
    keep_orig = jnp.where(keep >= 0, order[jnp.maximum(keep, 0)].astype(jnp.int32), jnp.int32(-1))
    return keep_orig


def reference(x0, x1, x2, x3, conv_w, conv_b, obj_w, obj_b, bbx_w, bbx_b, valid_size):
    xs = [x0, x1, x2, x3]
    obj_list, bbx_list, anc_list = [], [], []
    for x_i, stride in zip(xs, ANCHOR_STRIDES):
        h1 = jax.nn.relu(conv2d(x_i, conv_w, conv_b, 'SAME'))
        obj = conv2d(h1, obj_w, obj_b, 'VALID')
        bbx = conv2d(h1, bbx_w, bbx_b, 'VALID')
        H, W = obj.shape[2], obj.shape[3]
        obj_list.append(jnp.transpose(obj, (0, 2, 3, 1)).reshape(obj.shape[0], -1))
        bbx_list.append(jnp.transpose(bbx, (0, 2, 3, 1)).reshape(bbx.shape[0], -1, 4))
        anc_list.append(shifted_anchors(base_anchors(stride), stride, H, W, jnp.float32))
    obj_logits = jnp.concatenate(obj_list, axis=1)
    bbx_logits = jnp.concatenate(bbx_list, axis=1)
    anchors = jnp.concatenate(anc_list, axis=0)
    boxes = shift_boxes(anchors, bbx_logits)
    hmax = valid_size[:, 0].astype(boxes.dtype)[:, None]
    wmax = valid_size[:, 1].astype(boxes.dtype)[:, None]
    b0 = jnp.clip(boxes[..., 0], 0.0, hmax)
    b1 = jnp.clip(boxes[..., 1], 0.0, wmax)
    b2 = jnp.clip(boxes[..., 2], 0.0, hmax)
    b3 = jnp.clip(boxes[..., 3], 0.0, wmax)
    boxes = jnp.stack([b0, b1, b2, b3], axis=-1)
    proposals = []
    for i in range(boxes.shape[0]):
        vals, idx = jax.lax.top_k(obj_logits[i], NUM_PRE_NMS)
        bsel = boxes[i][idx]
        keep = nms(jax.lax.stop_gradient(bsel), jax.lax.stop_gradient(vals), NMS_THRESHOLD, NUM_POST_NMS)
        props = bsel[jnp.maximum(keep, 0)]
        props = jnp.where((keep >= 0)[:, None], props, 0.0)
        proposals.append(props)
    return jnp.stack(proposals, axis=0)

if __name__ == "__main__":
    import jax
    _d = setup_inputs()
    print(jax.jit(kernel)(*tuple(_d.values())))

</pallas_src>

<mosaic_0001>
#map = affine_map<(d0, d1) -> (0)>
module attributes {stable_mosaic.version = 14 : i64} {
  func.func @gk(%arg0: i32, %arg1: i32, %arg2: memref<131072xf32, #tpu.memory_space<hbm>>, %arg3: memref<131072xf32, #tpu.memory_space<hbm>>, %arg4: memref<131072xf32, #tpu.memory_space<hbm>>, %arg5: memref<131072xf32, #tpu.memory_space<hbm>>, %arg6: memref<131072xi32, #tpu.memory_space<hbm>>, %arg7: memref<12288xi32, #tpu.memory_space<hbm>>, %arg8: memref<12288xf32, #tpu.memory_space<hbm>>, %arg9: memref<12288xf32, #tpu.memory_space<hbm>>, %arg10: memref<12288xf32, #tpu.memory_space<hbm>>, %arg11: memref<12288xf32, #tpu.memory_space<hbm>>, %arg12: memref<384xi32, #tpu.memory_space<vmem>>, %arg13: memref<384xi32, #tpu.memory_space<vmem>>, %arg14: memref<384xf32, #tpu.memory_space<vmem>>, %arg15: memref<384xf32, #tpu.memory_space<vmem>>, %arg16: memref<384xf32, #tpu.memory_space<vmem>>, %arg17: memref<384xf32, #tpu.memory_space<vmem>>, %arg18: memref<!tpu.dma_semaphore, #tpu.memory_space<semaphore_mem>>) attributes {dimension_semantics = [#tpu.dimension_semantics<core_parallel>, #tpu.dimension_semantics<subcore_parallel>], iteration_bounds = array<i64: 2, 16>, scalar_prefetch = 0 : i64, scratch_operands = 7 : i64, tpu.core_type = #tpu.core_type<sc_vector_subcore>, window_params = [{transform_indices = #map}, {transform_indices = #map}, {transform_indices = #map}, {transform_indices = #map}, {transform_indices = #map}, {transform_indices = #map}, {transform_indices = #map}, {transform_indices = #map}, {transform_indices = #map}, {transform_indices = #map}]} {
    %mul3A = arith.constant 2 : i32
    %mul3A_0 = arith.muli %arg1, %mul3A : i32
    %add3A = arith.addi %mul3A_0, %arg0 : i32
    %mul3A_1 = arith.constant 384 : i32
    %mul3A_2 = arith.muli %add3A, %mul3A_1 : i32
    "tpu.region"() ({
      %run_scoped3A = tpu.sem_alloc : memref<!tpu.dma_semaphore, #tpu.memory_space<semaphore_mem>>
      %dma_start3A_21 = tpu.memref_slice %arg7[%mul3A_2] : memref<12288xi32, #tpu.memory_space<hbm>> -> memref<384xi32, #tpu.memory_space<hbm>>
      %dma_start3A_22 = tpu.memref_slice %arg7[%mul3A_2] : memref<12288xi32, #tpu.memory_space<hbm>> -> memref<384xi32, #tpu.memory_space<hbm>>
      tpu.enqueue_dma source(%dma_start3A_22 : memref<384xi32, #tpu.memory_space<hbm>>) target(%arg12 : memref<384xi32, #tpu.memory_space<vmem>>) target_semaphore(%run_scoped3A : memref<!tpu.dma_semaphore, #tpu.memory_space<semaphore_mem>>)
      %dma_wait3A_23 = tpu.memref_slice %arg7[%mul3A_2] : memref<12288xi32, #tpu.memory_space<hbm>> -> memref<384xi32, #tpu.memory_space<hbm>>
      %dma_wait3A_24 = tpu.memref_slice %arg7[%mul3A_2] : memref<12288xi32, #tpu.memory_space<hbm>> -> memref<384xi32, #tpu.memory_space<hbm>>
      tpu.wait_dma2 semaphore(%run_scoped3A : memref<!tpu.dma_semaphore, #tpu.memory_space<semaphore_mem>>) src(%dma_wait3A_24 : memref<384xi32, #tpu.memory_space<hbm>>) dst(%arg12 : memref<384xi32, #tpu.memory_space<vmem>>)
      tpu.yield
    }) : () -> ()
    %dma_start3A = arith.constant 0 : i32
    %dma_start3A_3 = tpu.memref_slice %arg6[%dma_start3A] : memref<131072xi32, #tpu.memory_space<hbm>> -> memref<131072xi32, #tpu.memory_space<hbm>>
    tpu.enqueue_indirect_dma source(%dma_start3A_3 : memref<131072xi32, #tpu.memory_space<hbm>>) target(%arg13 : memref<384xi32, #tpu.memory_space<vmem>>) offsets(%arg12 : memref<384xi32, #tpu.memory_space<vmem>>) semaphore(%arg18 : memref<!tpu.dma_semaphore, #tpu.memory_space<semaphore_mem>>)
    %dma_wait3A = arith.constant 0 : i32
    %dma_wait3A_4 = tpu.memref_slice %arg6[%dma_wait3A] : memref<131072xi32, #tpu.memory_space<hbm>> -> memref<131072xi32, #tpu.memory_space<hbm>>
    tpu.wait_indirect_dma semaphore(%arg18 : memref<!tpu.dma_semaphore, #tpu.memory_space<semaphore_mem>>) src(%dma_wait3A_4 : memref<131072xi32, #tpu.memory_space<hbm>>) dst(%arg13 : memref<384xi32, #tpu.memory_space<vmem>>)
    %dma_start3A_5 = arith.constant 0 : i32
    %dma_start3A_6 = tpu.memref_slice %arg2[%dma_start3A_5] : memref<131072xf32, #tpu.memory_space<hbm>> -> memref<131072xf32, #tpu.memory_space<hbm>>
    tpu.enqueue_indirect_dma source(%dma_start3A_6 : memref<131072xf32, #tpu.memory_space<hbm>>) target(%arg14 : memref<384xf32, #tpu.memory_space<vmem>>) offsets(%arg13 : memref<384xi32, #tpu.memory_space<vmem>>) semaphore(%arg18 : memref<!tpu.dma_semaphore, #tpu.memory_space<semaphore_mem>>)
    %dma_wait3A_7 = arith.constant 0 : i32
    %dma_wait3A_8 = tpu.memref_slice %arg2[%dma_wait3A_7] : memref<131072xf32, #tpu.memory_space<hbm>> -> memref<131072xf32, #tpu.memory_space<hbm>>
    tpu.wait_indirect_dma semaphore(%arg18 : memref<!tpu.dma_semaphore, #tpu.memory_space<semaphore_mem>>) src(%dma_wait3A_8 : memref<131072xf32, #tpu.memory_space<hbm>>) dst(%arg14 : memref<384xf32, #tpu.memory_space<vmem>>)
    "tpu.region"() ({
      %run_scoped3A = tpu.sem_alloc : memref<!tpu.dma_semaphore, #tpu.memory_space<semaphore_mem>>
      %dma_start3A_21 = tpu.memref_slice %arg8[%mul3A_2] : memref<12288xf32, #tpu.memory_space<hbm>> -> memref<384xf32, #tpu.memory_space<hbm>>
      %dma_start3A_22 = tpu.memref_slice %arg8[%mul3A_2] : memref<12288xf32, #tpu.memory_space<hbm>> -> memref<384xf32, #tpu.memory_space<hbm>>
      tpu.enqueue_dma source(%arg14 : memref<384xf32, #tpu.memory_space<vmem>>) target(%dma_start3A_22 : memref<384xf32, #tpu.memory_space<hbm>>) target_semaphore(%run_scoped3A : memref<!tpu.dma_semaphore, #tpu.memory_space<semaphore_mem>>)
      %dma_wait3A_23 = tpu.memref_slice %arg8[%mul3A_2] : memref<12288xf32, #tpu.memory_space<hbm>> -> memref<384xf32, #tpu.memory_space<hbm>>
      %dma_wait3A_24 = tpu.memref_slice %arg8[%mul3A_2] : memref<12288xf32, #tpu.memory_space<hbm>> -> memref<384xf32, #tpu.memory_space<hbm>>
      tpu.wait_dma2 semaphore(%run_scoped3A : memref<!tpu.dma_semaphore, #tpu.memory_space<semaphore_mem>>) src(%arg14 : memref<384xf32, #tpu.memory_space<vmem>>) dst(%dma_wait3A_24 : memref<384xf32, #tpu.memory_space<hbm>>)
      tpu.yield
    }) : () -> ()
    %dma_start3A_9 = arith.constant 0 : i32
    %dma_start3A_10 = tpu.memref_slice %arg3[%dma_start3A_9] : memref<131072xf32, #tpu.memory_space<hbm>> -> memref<131072xf32, #tpu.memory_space<hbm>>
    tpu.enqueue_indirect_dma source(%dma_start3A_10 : memref<131072xf32, #tpu.memory_space<hbm>>) target(%arg15 : memref<384xf32, #tpu.memory_space<vmem>>) offsets(%arg13 : memref<384xi32, #tpu.memory_space<vmem>>) semaphore(%arg18 : memref<!tpu.dma_semaphore, #tpu.memory_space<semaphore_mem>>)
    %dma_wait3A_11 = arith.constant 0 : i32
    %dma_wait3A_12 = tpu.memref_slice %arg3[%dma_wait3A_11] : memref<131072xf32, #tpu.memory_space<hbm>> -> memref<131072xf32, #tpu.memory_space<hbm>>
    tpu.wait_indirect_dma semaphore(%arg18 : memref<!tpu.dma_semaphore, #tpu.memory_space<semaphore_mem>>) src(%dma_wait3A_12 : memref<131072xf32, #tpu.memory_space<hbm>>) dst(%arg15 : memref<384xf32, #tpu.memory_space<vmem>>)
    "tpu.region"() ({
      %run_scoped3A = tpu.sem_alloc : memref<!tpu.dma_semaphore, #tpu.memory_space<semaphore_mem>>
      %dma_start3A_21 = tpu.memref_slice %arg9[%mul3A_2] : memref<12288xf32, #tpu.memory_space<hbm>> -> memref<384xf32, #tpu.memory_space<hbm>>
      %dma_start3A_22 = tpu.memref_slice %arg9[%mul3A_2] : memref<12288xf32, #tpu.memory_space<hbm>> -> memref<384xf32, #tpu.memory_space<hbm>>
      tpu.enqueue_dma source(%arg15 : memref<384xf32, #tpu.memory_space<vmem>>) target(%dma_start3A_22 : memref<384xf32, #tpu.memory_space<hbm>>) target_semaphore(%run_scoped3A : memref<!tpu.dma_semaphore, #tpu.memory_space<semaphore_mem>>)
      %dma_wait3A_23 = tpu.memref_slice %arg9[%mul3A_2] : memref<12288xf32, #tpu.memory_space<hbm>> -> memref<384xf32, #tpu.memory_space<hbm>>
      %dma_wait3A_24 = tpu.memref_slice %arg9[%mul3A_2] : memref<12288xf32, #tpu.memory_space<hbm>> -> memref<384xf32, #tpu.memory_space<hbm>>
      tpu.wait_dma2 semaphore(%run_scoped3A : memref<!tpu.dma_semaphore, #tpu.memory_space<semaphore_mem>>) src(%arg15 : memref<384xf32, #tpu.memory_space<vmem>>) dst(%dma_wait3A_24 : memref<384xf32, #tpu.memory_space<hbm>>)
      tpu.yield
    }) : () -> ()
    %dma_start3A_13 = arith.constant 0 : i32
    %dma_start3A_14 = tpu.memref_slice %arg4[%dma_start3A_13] : memref<131072xf32, #tpu.memory_space<hbm>> -> memref<131072xf32, #tpu.memory_space<hbm>>
    tpu.enqueue_indirect_dma source(%dma_start3A_14 : memref<131072xf32, #tpu.memory_space<hbm>>) target(%arg16 : memref<384xf32, #tpu.memory_space<vmem>>) offsets(%arg13 : memref<384xi32, #tpu.memory_space<vmem>>) semaphore(%arg18 : memref<!tpu.dma_semaphore, #tpu.memory_space<semaphore_mem>>)
    %dma_wait3A_15 = arith.constant 0 : i32
    %dma_wait3A_16 = tpu.memref_slice %arg4[%dma_wait3A_15] : memref<131072xf32, #tpu.memory_space<hbm>> -> memref<131072xf32, #tpu.memory_space<hbm>>
    tpu.wait_indirect_dma semaphore(%arg18 : memref<!tpu.dma_semaphore, #tpu.memory_space<semaphore_mem>>) src(%dma_wait3A_16 : memref<131072xf32, #tpu.memory_space<hbm>>) dst(%arg16 : memref<384xf32, #tpu.memory_space<vmem>>)
    "tpu.region"() ({
      %run_scoped3A = tpu.sem_alloc : memref<!tpu.dma_semaphore, #tpu.memory_space<semaphore_mem>>
      %dma_start3A_21 = tpu.memref_slice %arg10[%mul3A_2] : memref<12288xf32, #tpu.memory_space<hbm>> -> memref<384xf32, #tpu.memory_space<hbm>>
      %dma_start3A_22 = tpu.memref_slice %arg10[%mul3A_2] : memref<12288xf32, #tpu.memory_space<hbm>> -> memref<384xf32, #tpu.memory_space<hbm>>
      tpu.enqueue_dma source(%arg16 : memref<384xf32, #tpu.memory_space<vmem>>) target(%dma_start3A_22 : memref<384xf32, #tpu.memory_space<hbm>>) target_semaphore(%run_scoped3A : memref<!tpu.dma_semaphore, #tpu.memory_space<semaphore_mem>>)
      %dma_wait3A_23 = tpu.memref_slice %arg10[%mul3A_2] : memref<12288xf32, #tpu.memory_space<hbm>> -> memref<384xf32, #tpu.memory_space<hbm>>
      %dma_wait3A_24 = tpu.memref_slice %arg10[%mul3A_2] : memref<12288xf32, #tpu.memory_space<hbm>> -> memref<384xf32, #tpu.memory_space<hbm>>
      tpu.wait_dma2 semaphore(%run_scoped3A : memref<!tpu.dma_semaphore, #tpu.memory_space<semaphore_mem>>) src(%arg16 : memref<384xf32, #tpu.memory_space<vmem>>) dst(%dma_wait3A_24 : memref<384xf32, #tpu.memory_space<hbm>>)
      tpu.yield
    }) : () -> ()
    %dma_start3A_17 = arith.constant 0 : i32
    %dma_start3A_18 = tpu.memref_slice %arg5[%dma_start3A_17] : memref<131072xf32, #tpu.memory_space<hbm>> -> memref<131072xf32, #tpu.memory_space<hbm>>
    tpu.enqueue_indirect_dma source(%dma_start3A_18 : memref<131072xf32, #tpu.memory_space<hbm>>) target(%arg17 : memref<384xf32, #tpu.memory_space<vmem>>) offsets(%arg13 : memref<384xi32, #tpu.memory_space<vmem>>) semaphore(%arg18 : memref<!tpu.dma_semaphore, #tpu.memory_space<semaphore_mem>>)
    %dma_wait3A_19 = arith.constant 0 : i32
    %dma_wait3A_20 = tpu.memref_slice %arg5[%dma_wait3A_19] : memref<131072xf32, #tpu.memory_space<hbm>> -> memref<131072xf32, #tpu.memory_space<hbm>>
    tpu.wait_indirect_dma semaphore(%arg18 : memref<!tpu.dma_semaphore, #tpu.memory_space<semaphore_mem>>) src(%dma_wait3A_20 : memref<131072xf32, #tpu.memory_space<hbm>>) dst(%arg17 : memref<384xf32, #tpu.memory_space<vmem>>)
    "tpu.region"() ({
      %run_scoped3A = tpu.sem_alloc : memref<!tpu.dma_semaphore, #tpu.memory_space<semaphore_mem>>
      %dma_start3A_21 = tpu.memref_slice %arg11[%mul3A_2] : memref<12288xf32, #tpu.memory_space<hbm>> -> memref<384xf32, #tpu.memory_space<hbm>>
      %dma_start3A_22 = tpu.memref_slice %arg11[%mul3A_2] : memref<12288xf32, #tpu.memory_space<hbm>> -> memref<384xf32, #tpu.memory_space<hbm>>
      tpu.enqueue_dma source(%arg17 : memref<384xf32, #tpu.memory_space<vmem>>) target(%dma_start3A_22 : memref<384xf32, #tpu.memory_space<hbm>>) target_semaphore(%run_scoped3A : memref<!tpu.dma_semaphore, #tpu.memory_space<semaphore_mem>>)
      %dma_wait3A_23 = tpu.memref_slice %arg11[%mul3A_2] : memref<12288xf32, #tpu.memory_space<hbm>> -> memref<384xf32, #tpu.memory_space<hbm>>
      %dma_wait3A_24 = tpu.memref_slice %arg11[%mul3A_2] : memref<12288xf32, #tpu.memory_space<hbm>> -> memref<384xf32, #tpu.memory_space<hbm>>
      tpu.wait_dma2 semaphore(%run_scoped3A : memref<!tpu.dma_semaphore, #tpu.memory_space<semaphore_mem>>) src(%arg17 : memref<384xf32, #tpu.memory_space<vmem>>) dst(%dma_wait3A_24 : memref<384xf32, #tpu.memory_space<hbm>>)
      tpu.yield
    }) : () -> ()
    return
  }
}

module attributes {stable_mosaic.version = 14 : i64} {
  func.func @_head_kernel(%arg0: i32, %arg1: i32, %arg2: memref<1x1x256x4352xf32, #tpu.memory_space<vmem>>, %arg3: memref<9x256x256xf32, #tpu.memory_space<vmem>>, %arg4: memref<256x1xf32, #tpu.memory_space<vmem>>, %arg5: memref<16x256xf32, #tpu.memory_space<vmem>>, %arg6: memref<16x1xf32, #tpu.memory_space<vmem>>, %arg7: memref<2x2xi32, #tpu.memory_space<smem>>, %arg8: memref<1x3x4096xf32, #tpu.memory_space<vmem>>, %arg9: memref<1x3x4096xf32, #tpu.memory_space<vmem>>, %arg10: memref<1x3x4096xf32, #tpu.memory_space<vmem>>, %arg11: memref<1x3x4096xf32, #tpu.memory_space<vmem>>, %arg12: memref<1x3x4096xf32, #tpu.memory_space<vmem>>, %arg13: memref<1x3x4096xi32, #tpu.memory_space<vmem>>) attributes {dimension_semantics = [#tpu.dimension_semantics<arbitrary>, #tpu.dimension_semantics<arbitrary>], iteration_bounds = array<i64: 2, 4>, scalar_prefetch = 0 : i64, scratch_operands = 0 : i64, tpu.core_type = #tpu.core_type<tc>, window_params = [{transform_indices = @transform_0, window_bounds = array<i64: 1, 1, 256, 4352>}, {pipeline_mode = #tpu.pipeline_mode<synchronous>, transform_indices = @transform_1, window_bounds = array<i64: 9, 256, 256>}, {pipeline_mode = #tpu.pipeline_mode<synchronous>, transform_indices = @transform_2, window_bounds = array<i64: 256, 1>}, {pipeline_mode = #tpu.pipeline_mode<synchronous>, transform_indices = @transform_3, window_bounds = array<i64: 16, 256>}, {pipeline_mode = #tpu.pipeline_mode<synchronous>, transform_indices = @transform_4, window_bounds = array<i64: 16, 1>}, {transform_indices = @transform_5, window_bounds = array<i64: 2, 2>}, {transform_indices = @transform_6, window_bounds = array<i64: 1, 3, 4096>}, {transform_indices = @transform_7, window_bounds = array<i64: 1, 3, 4096>}, {transform_indices = @transform_8, window_bounds = array<i64: 1, 3, 4096>}, {transform_indices = @transform_9, window_bounds = array<i64: 1, 3, 4096>}, {transform_indices = @transform_10, window_bounds = array<i64: 1, 3, 4096>}, {transform_indices = @transform_11, window_bounds = array<i64: 1, 3, 4096>}]} {
    %iota3A = tpu.iota {dimensions = array<i32: 1>} : vector<1x4096xi32>
    %shift_right_arithmetic3A = arith.constant 7 : i32
    %shift_right_arithmetic3A_0 = vector.broadcast %shift_right_arithmetic3A : i32 to vector<1x4096xi32>
    %shift_right_arithmetic3A_1 = arith.shrsi %iota3A, %shift_right_arithmetic3A_0 : vector<1x4096xi32>
    %and3A = arith.constant 127 : i32
    %and3A_2 = vector.broadcast %and3A : i32 to vector<1x4096xi32>
    %and3A_3 = arith.andi %iota3A, %and3A_2 : vector<1x4096xi32>
    %eq3A = arith.constant 0 : i32
    %eq3A_4 = vector.broadcast %eq3A : i32 to vector<1x4096xi32>
    %eq3A_5 = arith.cmpi eq, %and3A_3, %eq3A_4 : vector<1x4096xi32>
    %eq3A_6 = arith.constant 127 : i32
    %eq3A_7 = vector.broadcast %eq3A_6 : i32 to vector<1x4096xi32>
    %eq3A_8 = arith.cmpi eq, %and3A_3, %eq3A_7 : vector<1x4096xi32>
    %broadcast_in_dim3A = arith.constant 0.000000e+00 : f32
    %broadcast_in_dim3A_9 = vector.broadcast %broadcast_in_dim3A : f32 to vector<256x4096xf32>
    %get3A = arith.constant 0 : index
    %get3A_10 = arith.constant 0 : index
    %get3A_11 = arith.constant 0 : index
    %get3A_12 = arith.constant 0 : index
    %get3A_13 = vector.load %arg2[%get3A, %get3A_10, %get3A_11, %get3A_12] : memref<1x1x256x4352xf32, #tpu.memory_space<vmem>>, vector<1x1x256x4096xf32>
    %get3A_14 = vector.shape_cast %get3A_13 : vector<1x1x256x4096xf32> to vector<256x4096xf32>
    %roll3A = arith.constant 1 : i32
    %roll3A_15 = tpu.dynamic_rotate %get3A_14 by %roll3A dim 1 : vector<256x4096xf32>, i32 -> vector<256x4096xf32>
    %jit3A = arith.constant 0.000000e+00 : f32
    %broadcast_in_dim3A_16 = vector.shape_cast %eq3A_5 : vector<1x4096xi1> to vector<1x4096xi1>
    %broadcast_in_dim3A_17 = vector.broadcast %broadcast_in_dim3A_16 : vector<1x4096xi1> to vector<256x4096xi1>
    %broadcast_in_dim3A_18 = vector.broadcast %jit3A : f32 to vector<256x4096xf32>
    %select_n3A = arith.select %broadcast_in_dim3A_17, %broadcast_in_dim3A_18, %roll3A_15 : vector<256x4096xi1>, vector<256x4096xf32>
    %get3A_19 = arith.constant 0 : index
    %get3A_20 = arith.constant 0 : index
    %get3A_21 = arith.constant 0 : index
    %get3A_22 = vector.load %arg3[%get3A_19, %get3A_20, %get3A_21] : memref<9x256x256xf32, #tpu.memory_space<vmem>>, vector<1x256x256xf32>
    %get3A_23 = vector.shape_cast %get3A_22 : vector<1x256x256xf32> to vector<256x256xf32>
    %dot_general3A = arith.constant dense<0.000000e+00> : vector<256x4096xf32>
    %dot_general3A_24 = tpu.matmul %get3A_23, %select_n3A, %dot_general3A {dimension_numbers = #tpu.dot_dimension_numbers<[1], [0], [0], [1], [0, 0, 1, 1], [], []>, transpose_lhs_hint = false} : vector<256x256xf32>, vector<256x4096xf32>, vector<256x4096xf32> -> vector<256x4096xf32>
    %add3A = arith.addf %broadcast_in_dim3A_9, %dot_general3A_24 : vector<256x4096xf32>
    %get3A_25 = arith.constant 1 : index
    %get3A_26 = arith.constant 0 : index
    %get3A_27 = arith.constant 0 : index
    %get3A_28 = vector.load %arg3[%get3A_25, %get3A_26, %get3A_27] : memref<9x256x256xf32, #tpu.memory_space<vmem>>, vector<1x256x256xf32>
    %get3A_29 = vector.shape_cast %get3A_28 : vector<1x256x256xf32> to vector<256x256xf32>
    %dot_general3A_30 = arith.constant dense<0.000000e+00> : vector<256x4096xf32>
    %dot_general3A_31 = tpu.matmul %get3A_29, %get3A_14, %dot_general3A_30 {dimension_numbers = #tpu.dot_dimension_numbers<[1], [0], [0], [1], [0, 0, 1, 1], [], []>, transpose_lhs_hint = false} : vector<256x256xf32>, vector<256x4096xf32>, vector<256x4096xf32> -> vector<256x4096xf32>
    %add3A_32 = arith.addf %add3A, %dot_general3A_31 : vector<256x4096xf32>
    %roll3A_33 = arith.constant 4095 : i32
    %roll3A_34 = tpu.dynamic_rotate %get3A_14 by %roll3A_33 dim 1 : vector<256x4096xf32>, i32 -> vector<256x4096xf32>
    %jit3A_35 = arith.constant 0.000000e+00 : f32
    %broadcast_in_dim3A_36 = vector.shape_cast %eq3A_8 : vector<1x4096xi1> to vector<1x4096xi1>
    %broadcast_in_dim3A_37 = vector.broadcast %broadcast_in_dim3A_36 : vector<1x4096xi1> to vector<256x4096xi1>
    %broadcast_in_dim3A_38 = vector.broadcast %jit3A_35 : f32 to vector<256x4096xf32>
    %select_n3A_39 = arith.select %broadcast_in_dim3A_37, %broadcast_in_dim3A_38, %roll3A_34 : vector<256x4096xi1>, vector<256x4096xf32>
    %get3A_40 = arith.constant 2 : index
    %get3A_41 = arith.constant 0 : index
    %get3A_42 = arith.constant 0 : index
    %get3A_43 = vector.load %arg3[%get3A_40, %get3A_41, %get3A_42] : memref<9x256x256xf32, #tpu.memory_space<vmem>>, vector<1x256x256xf32>
    %get3A_44 = vector.shape_cast %get3A_43 : vector<1x256x256xf32> to vector<256x256xf32>
    %dot_general3A_45 = arith.constant dense<0.000000e+00> : vector<256x4096xf32>
    %dot_general3A_46 = tpu.matmul %get3A_44, %select_n3A_39, %dot_general3A_45 {dimension_numbers = #tpu.dot_dimension_numbers<[1], [0], [0], [1], [0, 0, 1, 1], [], []>, transpose_lhs_hint = false} : vector<256x256xf32>, vector<256x4096xf32>, vector<256x4096xf32> -> vector<256x4096xf32>
    %add3A_47 = arith.addf %add3A_32, %dot_general3A_46 : vector<256x4096xf32>
    %get3A_48 = arith.constant 0 : index
    %get3A_49 = arith.constant 0 : index
    %get3A_50 = arith.constant 0 : index
    %get3A_51 = arith.constant 128 : index
    %get3A_52 = vector.load %arg2[%get3A_48, %get3A_49, %get3A_50, %get3A_51] : memref<1x1x256x4352xf32, #tpu.memory_space<vmem>>, vector<1x1x256x4096xf32>
    %get3A_53 = vector.shape_cast %get3A_52 : vector<1x1x256x4096xf32> to vector<256x4096xf32>
    %roll3A_54 = arith.constant 1 : i32
    %roll3A_55 = tpu.dynamic_rotate %get3A_53 by %roll3A_54 dim 1 : vector<256x4096xf32>, i32 -> vector<256x4096xf32>
    %jit3A_56 = arith.constant 0.000000e+00 : f32
    %broadcast_in_dim3A_57 = vector.shape_cast %eq3A_5 : vector<1x4096xi1> to vector<1x4096xi1>
    %broadcast_in_dim3A_58 = vector.broadcast %broadcast_in_dim3A_57 : vector<1x4096xi1> to vector<256x4096xi1>
    %broadcast_in_dim3A_59 = vector.broadcast %jit3A_56 : f32 to vector<256x4096xf32>
    %select_n3A_60 = arith.select %broadcast_in_dim3A_58, %broadcast_in_dim3A_59, %roll3A_55 : vector<256x4096xi1>, vector<256x4096xf32>
    %get3A_61 = arith.constant 3 : index
    %get3A_62 = arith.constant 0 : index
    %get3A_63 = arith.constant 0 : index
    %get3A_64 = vector.load %arg3[%get3A_61, %get3A_62, %get3A_63] : memref<9x256x256xf32, #tpu.memory_space<vmem>>, vector<1x256x256xf32>
    %get3A_65 = vector.shape_cast %get3A_64 : vector<1x256x256xf32> to vector<256x256xf32>
    %dot_general3A_66 = arith.constant dense<0.000000e+00> : vector<256x4096xf32>
    %dot_general3A_67 = tpu.matmul %get3A_65, %select_n3A_60, %dot_general3A_66 {dimension_numbers = #tpu.dot_dimension_numbers<[1], [0], [0], [1], [0, 0, 1, 1], [], []>, transpose_lhs_hint = false} : vector<256x256xf32>, vector<256x4096xf32>, vector<256x4096xf32> -> vector<256x4096xf32>
    %add3A_68 = arith.addf %add3A_47, %dot_general3A_67 : vector<256x4096xf32>
    %get3A_69 = arith.constant 4 : index
    %get3A_70 = arith.constant 0 : index
    %get3A_71 = arith.constant 0 : index
    %get3A_72 = vector.load %arg3[%get3A_69, %get3A_70, %get3A_71] : memref<9x256x256xf32, #tpu.memory_space<vmem>>, vector<1x256x256xf32>
    %get3A_73 = vector.shape_cast %get3A_72 : vector<1x256x256xf32> to vector<256x256xf32>
    %dot_general3A_74 = arith.constant dense<0.000000e+00> : vector<256x4096xf32>
    %dot_general3A_75 = tpu.matmul %get3A_73, %get3A_53, %dot_general3A_74 {dimension_numbers = #tpu.dot_dimension_numbers<[1], [0], [0], [1], [0, 0, 1, 1], [], []>, transpose_lhs_hint = false} : vector<256x256xf32>, vector<256x4096xf32>, vector<256x4096xf32> -> vector<256x4096xf32>
    %add3A_76 = arith.addf %add3A_68, %dot_general3A_75 : vector<256x4096xf32>
    %roll3A_77 = arith.constant 4095 : i32
    %roll3A_78 = tpu.dynamic_rotate %get3A_53 by %roll3A_77 dim 1 : vector<256x4096xf32>, i32 -> vector<256x4096xf32>
    %jit3A_79 = arith.constant 0.000000e+00 : f32
    %broadcast_in_dim3A_80 = vector.shape_cast %eq3A_8 : vector<1x4096xi1> to vector<1x4096xi1>
    %broadcast_in_dim3A_81 = vector.broadcast %broadcast_in_dim3A_80 : vector<1x4096xi1> to vector<256x4096xi1>
    %broadcast_in_dim3A_82 = vector.broadcast %jit3A_79 : f32 to vector<256x4096xf32>
    %select_n3A_83 = arith.select %broadcast_in_dim3A_81, %broadcast_in_dim3A_82, %roll3A_78 : vector<256x4096xi1>, vector<256x4096xf32>
    %get3A_84 = arith.constant 5 : index
    %get3A_85 = arith.constant 0 : index
    %get3A_86 = arith.constant 0 : index
    %get3A_87 = vector.load %arg3[%get3A_84, %get3A_85, %get3A_86] : memref<9x256x256xf32, #tpu.memory_space<vmem>>, vector<1x256x256xf32>
    %get3A_88 = vector.shape_cast %get3A_87 : vector<1x256x256xf32> to vector<256x256xf32>
    %dot_general3A_89 = arith.constant dense<0.000000e+00> : vector<256x4096xf32>
    %dot_general3A_90 = tpu.matmul %get3A_88, %select_n3A_83, %dot_general3A_89 {dimension_numbers = #tpu.dot_dimension_numbers<[1], [0], [0], [1], [0, 0, 1, 1], [], []>, transpose_lhs_hint = false} : vector<256x256xf32>, vector<256x4096xf32>, vector<256x4096xf32> -> vector<256x4096xf32>
    %add3A_91 = arith.addf %add3A_76, %dot_general3A_90 : vector<256x4096xf32>
    %get3A_92 = arith.constant 0 : index
    %get3A_93 = arith.constant 0 : index
    %get3A_94 = arith.constant 0 : index
    %get3A_95 = arith.constant 256 : index
    %get3A_96 = vector.load %arg2[%get3A_92, %get3A_93, %get3A_94, %get3A_95] : memref<1x1x256x4352xf32, #tpu.memory_space<vmem>>, vector<1x1x256x4096xf32>
    %get3A_97 = vector.shape_cast %get3A_96 : vector<1x1x256x4096xf32> to vector<256x4096xf32>
    %roll3A_98 = arith.constant 1 : i32
    %roll3A_99 = tpu.dynamic_rotate %get3A_97 by %roll3A_98 dim 1 : vector<256x4096xf32>, i32 -> vector<256x4096xf32>
    %jit3A_100 = arith.constant 0.000000e+00 : f32
    %broadcast_in_dim3A_101 = vector.shape_cast %eq3A_5 : vector<1x4096xi1> to vector<1x4096xi1>
    %broadcast_in_dim3A_102 = vector.broadcast %broadcast_in_dim3A_101 : vector<1x4096xi1> to vector<256x4096xi1>
    %broadcast_in_dim3A_103 = vector.broadcast %jit3A_100 : f32 to vector<256x4096xf32>
    %select_n3A_104 = arith.select %broadcast_in_dim3A_102, %broadcast_in_dim3A_103, %roll3A_99 : vector<256x4096xi1>, vector<256x4096xf32>
    %get3A_105 = arith.constant 6 : index
    %get3A_106 = arith.constant 0 : index
    %get3A_107 = arith.constant 0 : index
    %get3A_108 = vector.load %arg3[%get3A_105, %get3A_106, %get3A_107] : memref<9x256x256xf32, #tpu.memory_space<vmem>>, vector<1x256x256xf32>
    %get3A_109 = vector.shape_cast %get3A_108 : vector<1x256x256xf32> to vector<256x256xf32>
    %dot_general3A_110 = arith.constant dense<0.000000e+00> : vector<256x4096xf32>
    %dot_general3A_111 = tpu.matmul %get3A_109, %select_n3A_104, %dot_general3A_110 {dimension_numbers = #tpu.dot_dimension_numbers<[1], [0], [0], [1], [0, 0, 1, 1], [], []>, transpose_lhs_hint = false} : vector<256x256xf32>, vector<256x4096xf32>, vector<256x4096xf32> -> vector<256x4096xf32>
    %add3A_112 = arith.addf %add3A_91, %dot_general3A_111 : vector<256x4096xf32>
    %get3A_113 = arith.constant 7 : index
    %get3A_114 = arith.constant 0 : index
    %get3A_115 = arith.constant 0 : index
    %get3A_116 = vector.load %arg3[%get3A_113, %get3A_114, %get3A_115] : memref<9x256x256xf32, #tpu.memory_space<vmem>>, vector<1x256x256xf32>
    %get3A_117 = vector.shape_cast %get3A_116 : vector<1x256x256xf32> to vector<256x256xf32>
    %dot_general3A_118 = arith.constant dense<0.000000e+00> : vector<256x4096xf32>
    %dot_general3A_119 = tpu.matmul %get3A_117, %get3A_97, %dot_general3A_118 {dimension_numbers = #tpu.dot_dimension_numbers<[1], [0], [0], [1], [0, 0, 1, 1], [], []>, transpose_lhs_hint = false} : vector<256x256xf32>, vector<256x4096xf32>, vector<256x4096xf32> -> vector<256x4096xf32>
    %add3A_120 = arith.addf %add3A_112, %dot_general3A_119 : vector<256x4096xf32>
    %roll3A_121 = arith.constant 4095 : i32
    %roll3A_122 = tpu.dynamic_rotate %get3A_97 by %roll3A_121 dim 1 : vector<256x4096xf32>, i32 -> vector<256x4096xf32>
    %jit3A_123 = arith.constant 0.000000e+00 : f32
    %broadcast_in_dim3A_124 = vector.shape_cast %eq3A_8 : vector<1x4096xi1> to vector<1x4096xi1>
    %broadcast_in_dim3A_125 = vector.broadcast %broadcast_in_dim3A_124 : vector<1x4096xi1> to vector<256x4096xi1>
    %broadcast_in_dim3A_126 = vector.broadcast %jit3A_123 : f32 to vector<256x4096xf32>
    %select_n3A_127 = arith.select %broadcast_in_dim3A_125, %broadcast_in_dim3A_126, %roll3A_122 : vector<256x4096xi1>, vector<256x4096xf32>
    %get3A_128 = arith.constant 8 : index
    %get3A_129 = arith.constant 0 : index
    %get3A_130 = arith.constant 0 : index
    %get3A_131 = vector.load %arg3[%get3A_128, %get3A_129, %get3A_130] : memref<9x256x256xf32, #tpu.memory_space<vmem>>, vector<1x256x256xf32>
    %get3A_132 = vector.shape_cast %get3A_131 : vector<1x256x256xf32> to vector<256x256xf32>
    %dot_general3A_133 = arith.constant dense<0.000000e+00> : vector<256x4096xf32>
    %dot_general3A_134 = tpu.matmul %get3A_132, %select_n3A_127, %dot_general3A_133 {dimension_numbers = #tpu.dot_dimension_numbers<[1], [0], [0], [1], [0, 0, 1, 1], [], []>, transpose_lhs_hint = false} : vector<256x256xf32>, vector<256x4096xf32>, vector<256x4096xf32> -> vector<256x4096xf32>
    %add3A_135 = arith.addf %add3A_120, %dot_general3A_134 : vector<256x4096xf32>
    %get3A_136 = arith.constant 0 : index
    %get3A_137 = arith.constant 0 : index
    %get3A_138 = vector.load %arg4[%get3A_136, %get3A_137] : memref<256x1xf32, #tpu.memory_space<vmem>>, vector<256x1xf32>
    %add3A_139 = vector.broadcast %get3A_138 : vector<256x1xf32> to vector<256x4096xf32>
    %add3A_140 = arith.addf %add3A_135, %add3A_139 : vector<256x4096xf32>
    %max3A = arith.constant 0.000000e+00 : f32
    %max3A_141 = vector.broadcast %max3A : f32 to vector<256x4096xf32>
    %max3A_142 = arith.maximumf %add3A_140, %max3A_141 : vector<256x4096xf32>
    %get3A_143 = arith.constant 0 : index
    %get3A_144 = arith.constant 0 : index
    %get3A_145 = vector.load %arg5[%get3A_143, %get3A_144] : memref<16x256xf32, #tpu.memory_space<vmem>>, vector<16x256xf32>
    %dot_general3A_146 = arith.constant dense<0.000000e+00> : vector<16x4096xf32>
    %dot_general3A_147 = tpu.matmul %get3A_145, %max3A_142, %dot_general3A_146 {dimension_numbers = #tpu.dot_dimension_numbers<[1], [0], [0], [1], [0, 0, 1, 1], [], []>, transpose_lhs_hint = false} : vector<16x256xf32>, vector<256x4096xf32>, vector<16x4096xf32> -> vector<16x4096xf32>
    %get3A_148 = arith.constant 0 : index
    %get3A_149 = arith.constant 0 : index
    %get3A_150 = vector.load %arg6[%get3A_148, %get3A_149] : memref<16x1xf32, #tpu.memory_space<vmem>>, vector<16x1xf32>
    %add3A_151 = vector.broadcast %get3A_150 : vector<16x1xf32> to vector<16x4096xf32>
    %add3A_152 = arith.addf %dot_general3A_147, %add3A_151 : vector<16x4096xf32>
    %get3A_153 = arith.index_cast %arg0 : i32 to index
    %get3A_154 = arith.constant 0 : index
    %get3A_155 = memref.load %arg7[%get3A_153, %get3A_154] : memref<2x2xi32, #tpu.memory_space<smem>>
    %convert_element_type3A = arith.sitofp %get3A_155 : i32 to f32
    %get3A_156 = arith.index_cast %arg0 : i32 to index
    %get3A_157 = arith.constant 1 : index
    %get3A_158 = memref.load %arg7[%get3A_156, %get3A_157] : memref<2x2xi32, #tpu.memory_space<smem>>
    %convert_element_type3A_159 = arith.sitofp %get3A_158 : i32 to f32
    %mul3A = arith.constant 32 : i32
    %mul3A_160 = arith.muli %arg1, %mul3A : i32
    %add3A_161 = vector.broadcast %mul3A_160 : i32 to vector<1x4096xi32>
    %add3A_162 = arith.addi %add3A_161, %shift_right_arithmetic3A_1 : vector<1x4096xi32>
    %mul3A_163 = arith.constant 4 : i32
    %mul3A_164 = vector.broadcast %mul3A_163 : i32 to vector<1x4096xi32>
    %mul3A_165 = arith.muli %add3A_162, %mul3A_164 : vector<1x4096xi32>
    %convert_element_type3A_166 = arith.sitofp %mul3A_165 : vector<1x4096xi32> to vector<1x4096xf32>
    %mul3A_167 = arith.constant 4 : i32
    %mul3A_168 = vector.broadcast %mul3A_167 : i32 to vector<1x4096xi32>
    %mul3A_169 = arith.muli %and3A_3, %mul3A_168 : vector<1x4096xi32>
    %convert_element_type3A_170 = arith.sitofp %mul3A_169 : vector<1x4096xi32> to vector<1x4096xf32>
    %mul3A_171 = arith.constant 128 : i32
    %mul3A_172 = vector.broadcast %mul3A_171 : i32 to vector<1x4096xi32>
    %mul3A_173 = arith.muli %add3A_162, %mul3A_172 : vector<1x4096xi32>
    %add3A_174 = arith.addi %mul3A_173, %and3A_3 : vector<1x4096xi32>
    %mul3A_175 = arith.constant 3 : i32
    %mul3A_176 = vector.broadcast %mul3A_175 : i32 to vector<1x4096xi32>
    %mul3A_177 = arith.muli %add3A_174, %mul3A_176 : vector<1x4096xi32>
    %slice3A = vector.extract_strided_slice %add3A_152 {offsets = [0, 0], sizes = [1, 4096], strides = [1, 1]} : vector<16x4096xf32> to vector<1x4096xf32>
    %swap3A = arith.constant 0 : index
    %swap3A_178 = arith.constant 0 : index
    %swap3A_179 = arith.constant 0 : index
    %swap3A_180 = vector.load %arg8[%swap3A, %swap3A_178, %swap3A_179] : memref<1x3x4096xf32, #tpu.memory_space<vmem>>, vector<1x1x4096xf32>
    %swap3A_181 = vector.shape_cast %swap3A_180 : vector<1x1x4096xf32> to vector<1x4096xf32>
    %swap3A_182 = vector.shape_cast %slice3A : vector<1x4096xf32> to vector<1x1x4096xf32>
    tpu.vector_store %arg8[%swap3A, %swap3A_178, %swap3A_179], %swap3A_182 {strides = array<i32>} : memref<1x3x4096xf32, #tpu.memory_space<vmem>>, vector<1x1x4096xf32>,
    %add3A_183 = arith.constant 0 : i32
    %add3A_184 = vector.broadcast %add3A_183 : i32 to vector<1x4096xi32>
    %add3A_185 = arith.addi %add3A_184, %mul3A_177 : vector<1x4096xi32>
    %add3A_186 = arith.constant 0 : i32
    %add3A_187 = vector.broadcast %add3A_186 : i32 to vector<1x4096xi32>
    %add3A_188 = arith.addi %add3A_185, %add3A_187 : vector<1x4096xi32>
    %swap3A_189 = arith.constant 0 : index
    %swap3A_190 = arith.constant 0 : index
    %swap3A_191 = arith.constant 0 : index
    %swap3A_192 = vector.load %arg13[%swap3A_189, %swap3A_190, %swap3A_191] : memref<1x3x4096xi32, #tpu.memory_space<vmem>>, vector<1x1x4096xi32>
    %swap3A_193 = vector.shape_cast %swap3A_192 : vector<1x1x4096xi32> to vector<1x4096xi32>
    %swap3A_194 = vector.shape_cast %add3A_188 : vector<1x4096xi32> to vector<1x1x4096xi32>
    tpu.vector_store %arg13[%swap3A_189, %swap3A_190, %swap3A_191], %swap3A_194 {strides = array<i32>} : memref<1x3x4096xi32, #tpu.memory_space<vmem>>, vector<1x1x4096xi32>,
    %add3A_195 = arith.constant -9.3137083 : f32
    %add3A_196 = vector.broadcast %add3A_195 : f32 to vector<1x4096xf32>
    %add3A_197 = arith.addf %add3A_196, %convert_element_type3A_166 : vector<1x4096xf32>
    %add3A_198 = arith.constant -20.6274166 : f32
    %add3A_199 = vector.broadcast %add3A_198 : f32 to vector<1x4096xf32>
    %add3A_200 = arith.addf %add3A_199, %convert_element_type3A_170 : vector<1x4096xf32>
    %add3A_201 = arith.constant 13.3137083 : f32
    %add3A_202 = vector.broadcast %add3A_201 : f32 to vector<1x4096xf32>
    %add3A_203 = arith.addf %add3A_202, %convert_element_type3A_166 : vector<1x4096xf32>
    %add3A_204 = arith.constant 24.6274166 : f32
    %add3A_205 = vector.broadcast %add3A_204 : f32 to vector<1x4096xf32>
    %add3A_206 = arith.addf %add3A_205, %convert_element_type3A_170 : vector<1x4096xf32>
    %add3A_207 = arith.addf %add3A_197, %add3A_203 : vector<1x4096xf32>
    %mul3A_208 = arith.constant 5.000000e-01 : f32
    %mul3A_209 = vector.broadcast %mul3A_208 : f32 to vector<1x4096xf32>
    %mul3A_210 = arith.mulf %add3A_207, %mul3A_209 : vector<1x4096xf32>
    %add3A_211 = arith.addf %add3A_200, %add3A_206 : vector<1x4096xf32>
    %mul3A_212 = arith.constant 5.000000e-01 : f32
    %mul3A_213 = vector.broadcast %mul3A_212 : f32 to vector<1x4096xf32>
    %mul3A_214 = arith.mulf %add3A_211, %mul3A_213 : vector<1x4096xf32>
    %sub3A = arith.subf %add3A_203, %add3A_197 : vector<1x4096xf32>
    %sub3A_215 = arith.subf %add3A_206, %add3A_200 : vector<1x4096xf32>
    %slice3A_216 = vector.extract_strided_slice %add3A_152 {offsets = [3, 0], sizes = [1, 4096], strides = [1, 1]} : vector<16x4096xf32> to vector<1x4096xf32>
    %slice3A_217 = vector.extract_strided_slice %add3A_152 {offsets = [4, 0], sizes = [1, 4096], strides = [1, 1]} : vector<16x4096xf32> to vector<1x4096xf32>
    %slice3A_218 = vector.extract_strided_slice %add3A_152 {offsets = [5, 0], sizes = [1, 4096], strides = [1, 1]} : vector<16x4096xf32> to vector<1x4096xf32>
    %slice3A_219 = vector.extract_strided_slice %add3A_152 {offsets = [6, 0], sizes = [1, 4096], strides = [1, 1]} : vector<16x4096xf32> to vector<1x4096xf32>
    %mul3A_220 = arith.mulf %slice3A_216, %sub3A : vector<1x4096xf32>
    %add3A_221 = arith.addf %mul3A_210, %mul3A_220 : vector<1x4096xf32>
    %mul3A_222 = arith.mulf %slice3A_217, %sub3A_215 : vector<1x4096xf32>
    %add3A_223 = arith.addf %mul3A_214, %mul3A_222 : vector<1x4096xf32>
    %exp3A = math.exp %slice3A_218 : vector<1x4096xf32>
    %mul3A_224 = arith.mulf %sub3A, %exp3A : vector<1x4096xf32>
    %exp3A_225 = math.exp %slice3A_219 : vector<1x4096xf32>
    %mul3A_226 = arith.mulf %sub3A_215, %exp3A_225 : vector<1x4096xf32>
    %mul3A_227 = arith.constant 5.000000e-01 : f32
    %mul3A_228 = vector.broadcast %mul3A_227 : f32 to vector<1x4096xf32>
    %mul3A_229 = arith.mulf %mul3A_224, %mul3A_228 : vector<1x4096xf32>
    %sub3A_230 = arith.subf %add3A_221, %mul3A_229 : vector<1x4096xf32>
    %mul3A_231 = arith.constant 5.000000e-01 : f32
    %mul3A_232 = vector.broadcast %mul3A_231 : f32 to vector<1x4096xf32>
    %mul3A_233 = arith.mulf %mul3A_226, %mul3A_232 : vector<1x4096xf32>
    %sub3A_234 = arith.subf %add3A_223, %mul3A_233 : vector<1x4096xf32>
    %mul3A_235 = arith.constant 5.000000e-01 : f32
    %mul3A_236 = vector.broadcast %mul3A_235 : f32 to vector<1x4096xf32>
    %mul3A_237 = arith.mulf %mul3A_224, %mul3A_236 : vector<1x4096xf32>
    %add3A_238 = arith.addf %add3A_221, %mul3A_237 : vector<1x4096xf32>
    %mul3A_239 = arith.constant 5.000000e-01 : f32
    %mul3A_240 = vector.broadcast %mul3A_239 : f32 to vector<1x4096xf32>
    %mul3A_241 = arith.mulf %mul3A_226, %mul3A_240 : vector<1x4096xf32>
    %add3A_242 = arith.addf %add3A_223, %mul3A_241 : vector<1x4096xf32>
    %max3A_243 = arith.constant 0.000000e+00 : f32
    %max3A_244 = vector.broadcast %max3A_243 : f32 to vector<1x4096xf32>
    %max3A_245 = arith.maximumf %sub3A_230, %max3A_244 : vector<1x4096xf32>
    %min3A = vector.broadcast %convert_element_type3A : f32 to vector<1x4096xf32>
    %min3A_246 = arith.minimumf %max3A_245, %min3A : vector<1x4096xf32>
    %max3A_247 = arith.constant 0.000000e+00 : f32
    %max3A_248 = vector.broadcast %max3A_247 : f32 to vector<1x4096xf32>
    %max3A_249 = arith.maximumf %sub3A_234, %max3A_248 : vector<1x4096xf32>
    %min3A_250 = vector.broadcast %convert_element_type3A_159 : f32 to vector<1x4096xf32>
    %min3A_251 = arith.minimumf %max3A_249, %min3A_250 : vector<1x4096xf32>
    %max3A_252 = arith.constant 0.000000e+00 : f32
    %max3A_253 = vector.broadcast %max3A_252 : f32 to vector<1x4096xf32>
    %max3A_254 = arith.maximumf %add3A_238, %max3A_253 : vector<1x4096xf32>
    %min3A_255 = vector.broadcast %convert_element_type3A : f32 to vector<1x4096xf32>
    %min3A_256 = arith.minimumf %max3A_254, %min3A_255 : vector<1x4096xf32>
    %max3A_257 = arith.constant 0.000000e+00 : f32
    %max3A_258 = vector.broadcast %max3A_257 : f32 to vector<1x4096xf32>
    %max3A_259 = arith.maximumf %add3A_242, %max3A_258 : vector<1x4096xf32>
    %min3A_260 = vector.broadcast %convert_element_type3A_159 : f32 to vector<1x4096xf32>
    %min3A_261 = arith.minimumf %max3A_259, %min3A_260 : vector<1x4096xf32>
    %swap3A_262 = arith.constant 0 : index
    %swap3A_263 = arith.constant 0 : index
    %swap3A_264 = arith.constant 0 : index
    %swap3A_265 = vector.load %arg9[%swap3A_262, %swap3A_263, %swap3A_264] : memref<1x3x4096xf32, #tpu.memory_space<vmem>>, vector<1x1x4096xf32>
    %swap3A_266 = vector.shape_cast %swap3A_265 : vector<1x1x4096xf32> to vector<1x4096xf32>
    %swap3A_267 = vector.shape_cast %min3A_246 : vector<1x4096xf32> to vector<1x1x4096xf32>
    tpu.vector_store %arg9[%swap3A_262, %swap3A_263, %swap3A_264], %swap3A_267 {strides = array<i32>} : memref<1x3x4096xf32, #tpu.memory_space<vmem>>, vector<1x1x4096xf32>,
    %swap3A_268 = arith.constant 0 : index
    %swap3A_269 = arith.constant 0 : index
    %swap3A_270 = arith.constant 0 : index
    %swap3A_271 = vector.load %arg10[%swap3A_268, %swap3A_269, %swap3A_270] : memref<1x3x4096xf32, #tpu.memory_space<vmem>>, vector<1x1x4096xf32>
    %swap3A_272 = vector.shape_cast %swap3A_271 : vector<1x1x4096xf32> to vector<1x4096xf32>
    %swap3A_273 = vector.shape_cast %min3A_251 : vector<1x4096xf32> to vector<1x1x4096xf32>
    tpu.vector_store %arg10[%swap3A_268, %swap3A_269, %swap3A_270], %swap3A_273 {strides = array<i32>} : memref<1x3x4096xf32, #tpu.memory_space<vmem>>, vector<1x1x4096xf32>,
    %swap3A_274 = arith.constant 0 : index
    %swap3A_275 = arith.constant 0 : index
    %swap3A_276 = arith.constant 0 : index
    %swap3A_277 = vector.load %arg11[%swap3A_274, %swap3A_275, %swap3A_276] : memref<1x3x4096xf32, #tpu.memory_space<vmem>>, vector<1x1x4096xf32>
    %swap3A_278 = vector.shape_cast %swap3A_277 : vector<1x1x4096xf32> to vector<1x4096xf32>
    %swap3A_279 = vector.shape_cast %min3A_256 : vector<1x4096xf32> to vector<1x1x4096xf32>
    tpu.vector_store %arg11[%swap3A_274, %swap3A_275, %swap3A_276], %swap3A_279 {strides = array<i32>} : memref<1x3x4096xf32, #tpu.memory_space<vmem>>, vector<1x1x4096xf32>,
    %swap3A_280 = arith.constant 0 : index
    %swap3A_281 = arith.constant 0 : index
    %swap3A_282 = arith.constant 0 : index
    %swap3A_283 = vector.load %arg12[%swap3A_280, %swap3A_281, %swap3A_282] : memref<1x3x4096xf32, #tpu.memory_space<vmem>>, vector<1x1x4096xf32>
    %swap3A_284 = vector.shape_cast %swap3A_283 : vector<1x1x4096xf32> to vector<1x4096xf32>
    %swap3A_285 = vector.shape_cast %min3A_261 : vector<1x4096xf32> to vector<1x1x4096xf32>
    tpu.vector_store %arg12[%swap3A_280, %swap3A_281, %swap3A_282], %swap3A_285 {strides = array<i32>} : memref<1x3x4096xf32, #tpu.memory_space<vmem>>, vector<1x1x4096xf32>,
    %slice3A_286 = vector.extract_strided_slice %add3A_152 {offsets = [1, 0], sizes = [1, 4096], strides = [1, 1]} : vector<16x4096xf32> to vector<1x4096xf32>
    %swap3A_287 = arith.constant 0 : index
    %swap3A_288 = arith.constant 1 : index
    %swap3A_289 = arith.constant 0 : index
    %swap3A_290 = vector.load %arg8[%swap3A_287, %swap3A_288, %swap3A_289] : memref<1x3x4096xf32, #tpu.memory_space<vmem>>, vector<1x1x4096xf32>
    %swap3A_291 = vector.shape_cast %swap3A_290 : vector<1x1x4096xf32> to vector<1x4096xf32>
    %swap3A_292 = vector.shape_cast %slice3A_286 : vector<1x4096xf32> to vector<1x1x4096xf32>
    tpu.vector_store %arg8[%swap3A_287, %swap3A_288, %swap3A_289], %swap3A_292 {strides = array<i32>} : memref<1x3x4096xf32, #tpu.memory_space<vmem>>, vector<1x1x4096xf32>,
    %add3A_293 = arith.constant 0 : i32
    %add3A_294 = vector.broadcast %add3A_293 : i32 to vector<1x4096xi32>
    %add3A_295 = arith.addi %add3A_294, %mul3A_177 : vector<1x4096xi32>
    %add3A_296 = arith.constant 1 : i32
    %add3A_297 = vector.broadcast %add3A_296 : i32 to vector<1x4096xi32>
    %add3A_298 = arith.addi %add3A_295, %add3A_297 : vector<1x4096xi32>
    %swap3A_299 = arith.constant 0 : index
    %swap3A_300 = arith.constant 1 : index
    %swap3A_301 = arith.constant 0 : index
    %swap3A_302 = vector.load %arg13[%swap3A_299, %swap3A_300, %swap3A_301] : memref<1x3x4096xi32, #tpu.memory_space<vmem>>, vector<1x1x4096xi32>
    %swap3A_303 = vector.shape_cast %swap3A_302 : vector<1x1x4096xi32> to vector<1x4096xi32>
    %swap3A_304 = vector.shape_cast %add3A_298 : vector<1x4096xi32> to vector<1x1x4096xi32>
    tpu.vector_store %arg13[%swap3A_299, %swap3A_300, %swap3A_301], %swap3A_304 {strides = array<i32>} : memref<1x3x4096xi32, #tpu.memory_space<vmem>>, vector<1x1x4096xi32>,
    %add3A_305 = arith.constant -1.400000e+01 : f32
    %add3A_306 = vector.broadcast %add3A_305 : f32 to vector<1x4096xf32>
    %add3A_307 = arith.addf %add3A_306, %convert_element_type3A_166 : vector<1x4096xf32>
    %add3A_308 = arith.constant -1.400000e+01 : f32
    %add3A_309 = vector.broadcast %add3A_308 : f32 to vector<1x4096xf32>
    %add3A_310 = arith.addf %add3A_309, %convert_element_type3A_170 : vector<1x4096xf32>
    %add3A_311 = arith.constant 1.800000e+01 : f32
    %add3A_312 = vector.broadcast %add3A_311 : f32 to vector<1x4096xf32>
    %add3A_313 = arith.addf %add3A_312, %convert_element_type3A_166 : vector<1x4096xf32>
    %add3A_314 = arith.constant 1.800000e+01 : f32
    %add3A_315 = vector.broadcast %add3A_314 : f32 to vector<1x4096xf32>
    %add3A_316 = arith.addf %add3A_315, %convert_element_type3A_170 : vector<1x4096xf32>
    %add3A_317 = arith.addf %add3A_307, %add3A_313 : vector<1x4096xf32>
    %mul3A_318 = arith.constant 5.000000e-01 : f32
    %mul3A_319 = vector.broadcast %mul3A_318 : f32 to vector<1x4096xf32>
    %mul3A_320 = arith.mulf %add3A_317, %mul3A_319 : vector<1x4096xf32>
    %add3A_321 = arith.addf %add3A_310, %add3A_316 : vector<1x4096xf32>
    %mul3A_322 = arith.constant 5.000000e-01 : f32
    %mul3A_323 = vector.broadcast %mul3A_322 : f32 to vector<1x4096xf32>
    %mul3A_324 = arith.mulf %add3A_321, %mul3A_323 : vector<1x4096xf32>
    %sub3A_325 = arith.subf %add3A_313, %add3A_307 : vector<1x4096xf32>
    %sub3A_326 = arith.subf %add3A_316, %add3A_310 : vector<1x4096xf32>
    %slice3A_327 = vector.extract_strided_slice %add3A_152 {offsets = [7, 0], sizes = [1, 4096], strides = [1, 1]} : vector<16x4096xf32> to vector<1x4096xf32>
    %slice3A_328 = vector.extract_strided_slice %add3A_152 {offsets = [8, 0], sizes = [1, 4096], strides = [1, 1]} : vector<16x4096xf32> to vector<1x4096xf32>
    %slice3A_329 = vector.extract_strided_slice %add3A_152 {offsets = [9, 0], sizes = [1, 4096], strides = [1, 1]} : vector<16x4096xf32> to vector<1x4096xf32>
    %slice3A_330 = vector.extract_strided_slice %add3A_152 {offsets = [10, 0], sizes = [1, 4096], strides = [1, 1]} : vector<16x4096xf32> to vector<1x4096xf32>
    %mul3A_331 = arith.mulf %slice3A_327, %sub3A_325 : vector<1x4096xf32>
    %add3A_332 = arith.addf %mul3A_320, %mul3A_331 : vector<1x4096xf32>
    %mul3A_333 = arith.mulf %slice3A_328, %sub3A_326 : vector<1x4096xf32>
    %add3A_334 = arith.addf %mul3A_324, %mul3A_333 : vector<1x4096xf32>
    %exp3A_335 = math.exp %slice3A_329 : vector<1x4096xf32>
    %mul3A_336 = arith.mulf %sub3A_325, %exp3A_335 : vector<1x4096xf32>
    %exp3A_337 = math.exp %slice3A_330 : vector<1x4096xf32>
    %mul3A_338 = arith.mulf %sub3A_326, %exp3A_337 : vector<1x4096xf32>
    %mul3A_339 = arith.constant 5.000000e-01 : f32
    %mul3A_340 = vector.broadcast %mul3A_339 : f32 to vector<1x4096xf32>
    %mul3A_341 = arith.mulf %mul3A_336, %mul3A_340 : vector<1x4096xf32>
    %sub3A_342 = arith.subf %add3A_332, %mul3A_341 : vector<1x4096xf32>
    %mul3A_343 = arith.constant 5.000000e-01 : f32
    %mul3A_344 = vector.broadcast %mul3A_343 : f32 to vector<1x4096xf32>
    %mul3A_345 = arith.mulf %mul3A_338, %mul3A_344 : vector<1x4096xf32>
    %sub3A_346 = arith.subf %add3A_334, %mul3A_345 : vector<1x4096xf32>
    %mul3A_347 = arith.constant 5.000000e-01 : f32
    %mul3A_348 = vector.broadcast %mul3A_347 : f32 to vector<1x4096xf32>
    %mul3A_349 = arith.mulf %mul3A_336, %mul3A_348 : vector<1x4096xf32>
    %add3A_350 = arith.addf %add3A_332, %mul3A_349 : vector<1x4096xf32>
    %mul3A_351 = arith.constant 5.000000e-01 : f32
    %mul3A_352 = vector.broadcast %mul3A_351 : f32 to vector<1x4096xf32>
    %mul3A_353 = arith.mulf %mul3A_338, %mul3A_352 : vector<1x4096xf32>
    %add3A_354 = arith.addf %add3A_334, %mul3A_353 : vector<1x4096xf32>
    %max3A_355 = arith.constant 0.000000e+00 : f32
    %max3A_356 = vector.broadcast %max3A_355 : f32 to vector<1x4096xf32>
    %max3A_357 = arith.maximumf %sub3A_342, %max3A_356 : vector<1x4096xf32>
    %min3A_358 = vector.broadcast %convert_element_type3A : f32 to vector<1x4096xf32>
    %min3A_359 = arith.minimumf %max3A_357, %min3A_358 : vector<1x4096xf32>
    %max3A_360 = arith.constant 0.000000e+00 : f32
    %max3A_361 = vector.broadcast %max3A_360 : f32 to vector<1x4096xf32>
    %max3A_362 = arith.maximumf %sub3A_346, %max3A_361 : vector<1x4096xf32>
    %min3A_363 = vector.broadcast %convert_element_type3A_159 : f32 to vector<1x4096xf32>
    %min3A_364 = arith.minimumf %max3A_362, %min3A_363 : vector<1x4096xf32>
    %max3A_365 = arith.constant 0.000000e+00 : f32
    %max3A_366 = vector.broadcast %max3A_365 : f32 to vector<1x4096xf32>
    %max3A_367 = arith.maximumf %add3A_350, %max3A_366 : vector<1x4096xf32>
    %min3A_368 = vector.broadcast %convert_element_type3A : f32 to vector<1x4096xf32>
    %min3A_369 = arith.minimumf %max3A_367, %min3A_368 : vector<1x4096xf32>
    %max3A_370 = arith.constant 0.000000e+00 : f32
    %max3A_371 = vector.broadcast %max3A_370 : f32 to vector<1x4096xf32>
    %max3A_372 = arith.maximumf %add3A_354, %max3A_371 : vector<1x4096xf32>
    %min3A_373 = vector.broadcast %convert_element_type3A_159 : f32 to vector<1x4096xf32>
    %min3A_374 = arith.minimumf %max3A_372, %min3A_373 : vector<1x4096xf32>
    %swap3A_375 = arith.constant 0 : index
    %swap3A_376 = arith.constant 1 : index
    %swap3A_377 = arith.constant 0 : index
    %swap3A_378 = vector.load %arg9[%swap3A_375, %swap3A_376, %swap3A_377] : memref<1x3x4096xf32, #tpu.memory_space<vmem>>, vector<1x1x4096xf32>
    %swap3A_379 = vector.shape_cast %swap3A_378 : vector<1x1x4096xf32> to vector<1x4096xf32>
    %swap3A_380 = vector.shape_cast %min3A_359 : vector<1x4096xf32> to vector<1x1x4096xf32>
    tpu.vector_store %arg9[%swap3A_375, %swap3A_376, %swap3A_377], %swap3A_380 {strides = array<i32>} : memref<1x3x4096xf32, #tpu.memory_space<vmem>>, vector<1x1x4096xf32>,
    %swap3A_381 = arith.constant 0 : index
    %swap3A_382 = arith.constant 1 : index
    %swap3A_383 = arith.constant 0 : index
    %swap3A_384 = vector.load %arg10[%swap3A_381, %swap3A_382, %swap3A_383] : memref<1x3x4096xf32, #tpu.memory_space<vmem>>, vector<1x1x4096xf32>
    %swap3A_385 = vector.shape_cast %swap3A_384 : vector<1x1x4096xf32> to vector<1x4096xf32>
    %swap3A_386 = vector.shape_cast %min3A_364 : vector<1x4096xf32> to vector<1x1x4096xf32>
    tpu.vector_store %arg10[%swap3A_381, %swap3A_382, %swap3A_383], %swap3A_386 {strides = array<i32>} : memref<1x3x4096xf32, #tpu.memory_space<vmem>>, vector<1x1x4096xf32>,
    %swap3A_387 = arith.constant 0 : index
    %swap3A_388 = arith.constant 1 : index
    %swap3A_389 = arith.constant 0 : index
    %swap3A_390 = vector.load %arg11[%swap3A_387, %swap3A_388, %swap3A_389] : memref<1x3x4096xf32, #tpu.memory_space<vmem>>, vector<1x1x4096xf32>
    %swap3A_391 = vector.shape_cast %swap3A_390 : vector<1x1x4096xf32> to vector<1x4096xf32>
    %swap3A_392 = vector.shape_cast %min3A_369 : vector<1x4096xf32> to vector<1x1x4096xf32>
    tpu.vector_store %arg11[%swap3A_387, %swap3A_388, %swap3A_389], %swap3A_392 {strides = array<i32>} : memref<1x3x4096xf32, #tpu.memory_space<vmem>>, vector<1x1x4096xf32>,
    %swap3A_393 = arith.constant 0 : index
    %swap3A_394 = arith.constant 1 : index
    %swap3A_395 = arith.constant 0 : index
    %swap3A_396 = vector.load %arg12[%swap3A_393, %swap3A_394, %swap3A_395] : memref<1x3x4096xf32, #tpu.memory_space<vmem>>, vector<1x1x4096xf32>
    %swap3A_397 = vector.shape_cast %swap3A_396 : vector<1x1x4096xf32> to vector<1x4096xf32>
    %swap3A_398 = vector.shape_cast %min3A_374 : vector<1x4096xf32> to vector<1x1x4096xf32>
    tpu.vector_store %arg12[%swap3A_393, %swap3A_394, %swap3A_395], %swap3A_398 {strides = array<i32>} : memref<1x3x4096xf32, #tpu.memory_space<vmem>>, vector<1x1x4096xf32>,
    %slice3A_399 = vector.extract_strided_slice %add3A_152 {offsets = [2, 0], sizes = [1, 4096], strides = [1, 1]} : vector<16x4096xf32> to vector<1x4096xf32>
    %swap3A_400 = arith.constant 0 : index
    %swap3A_401 = arith.constant 2 : index
    %swap3A_402 = arith.constant 0 : index
    %swap3A_403 = vector.load %arg8[%swap3A_400, %swap3A_401, %swap3A_402] : memref<1x3x4096xf32, #tpu.memory_space<vmem>>, vector<1x1x4096xf32>
    %swap3A_404 = vector.shape_cast %swap3A_403 : vector<1x1x4096xf32> to vector<1x4096xf32>
    %swap3A_405 = vector.shape_cast %slice3A_399 : vector<1x4096xf32> to vector<1x1x4096xf32>
    tpu.vector_store %arg8[%swap3A_400, %swap3A_401, %swap3A_402], %swap3A_405 {strides = array<i32>} : memref<1x3x4096xf32, #tpu.memory_space<vmem>>, vector<1x1x4096xf32>,
    %add3A_406 = arith.constant 0 : i32
    %add3A_407 = vector.broadcast %add3A_406 : i32 to vector<1x4096xi32>
    %add3A_408 = arith.addi %add3A_407, %mul3A_177 : vector<1x4096xi32>
    %add3A_409 = arith.constant 2 : i32
    %add3A_410 = vector.broadcast %add3A_409 : i32 to vector<1x4096xi32>
    %add3A_411 = arith.addi %add3A_408, %add3A_410 : vector<1x4096xi32>
    %swap3A_412 = arith.constant 0 : index
    %swap3A_413 = arith.constant 2 : index
    %swap3A_414 = arith.constant 0 : index
    %swap3A_415 = vector.load %arg13[%swap3A_412, %swap3A_413, %swap3A_414] : memref<1x3x4096xi32, #tpu.memory_space<vmem>>, vector<1x1x4096xi32>
    %swap3A_416 = vector.shape_cast %swap3A_415 : vector<1x1x4096xi32> to vector<1x4096xi32>
    %swap3A_417 = vector.shape_cast %add3A_411 : vector<1x4096xi32> to vector<1x1x4096xi32>
    tpu.vector_store %arg13[%swap3A_412, %swap3A_413, %swap3A_414], %swap3A_417 {strides = array<i32>} : memref<1x3x4096xi32, #tpu.memory_space<vmem>>, vector<1x1x4096xi32>,
    %add3A_418 = arith.constant -20.6274166 : f32
    %add3A_419 = vector.broadcast %add3A_418 : f32 to vector<1x4096xf32>
    %add3A_420 = arith.addf %add3A_419, %convert_element_type3A_166 : vector<1x4096xf32>
    %add3A_421 = arith.constant -9.3137083 : f32
    %add3A_422 = vector.broadcast %add3A_421 : f32 to vector<1x4096xf32>
    %add3A_423 = arith.addf %add3A_422, %convert_element_type3A_170 : vector<1x4096xf32>
    %add3A_424 = arith.constant 24.6274166 : f32
    %add3A_425 = vector.broadcast %add3A_424 : f32 to vector<1x4096xf32>
    %add3A_426 = arith.addf %add3A_425, %convert_element_type3A_166 : vector<1x4096xf32>
    %add3A_427 = arith.constant 13.3137083 : f32
    %add3A_428 = vector.broadcast %add3A_427 : f32 to vector<1x4096xf32>
    %add3A_429 = arith.addf %add3A_428, %convert_element_type3A_170 : vector<1x4096xf32>
    %add3A_430 = arith.addf %add3A_420, %add3A_426 : vector<1x4096xf32>
    %mul3A_431 = arith.constant 5.000000e-01 : f32
    %mul3A_432 = vector.broadcast %mul3A_431 : f32 to vector<1x4096xf32>
    %mul3A_433 = arith.mulf %add3A_430, %mul3A_432 : vector<1x4096xf32>
    %add3A_434 = arith.addf %add3A_423, %add3A_429 : vector<1x4096xf32>
    %mul3A_435 = arith.constant 5.000000e-01 : f32
    %mul3A_436 = vector.broadcast %mul3A_435 : f32 to vector<1x4096xf32>
    %mul3A_437 = arith.mulf %add3A_434, %mul3A_436 : vector<1x4096xf32>
    %sub3A_438 = arith.subf %add3A_426, %add3A_420 : vector<1x4096xf32>
    %sub3A_439 = arith.subf %add3A_429, %add3A_423 : vector<1x4096xf32>
    %slice3A_440 = vector.extract_strided_slice %add3A_152 {offsets = [11, 0], sizes = [1, 4096], strides = [1, 1]} : vector<16x4096xf32> to vector<1x4096xf32>
    %slice3A_441 = vector.extract_strided_slice %add3A_152 {offsets = [12, 0], sizes = [1, 4096], strides = [1, 1]} : vector<16x4096xf32> to vector<1x4096xf32>
    %slice3A_442 = vector.extract_strided_slice %add3A_152 {offsets = [13, 0], sizes = [1, 4096], strides = [1, 1]} : vector<16x4096xf32> to vector<1x4096xf32>
    %slice3A_443 = vector.extract_strided_slice %add3A_152 {offsets = [14, 0], sizes = [1, 4096], strides = [1, 1]} : vector<16x4096xf32> to vector<1x4096xf32>
    %mul3A_444 = arith.mulf %slice3A_440, %sub3A_438 : vector<1x4096xf32>
    %add3A_445 = arith.addf %mul3A_433, %mul3A_444 : vector<1x4096xf32>
    %mul3A_446 = arith.mulf %slice3A_441, %sub3A_439 : vector<1x4096xf32>
    %add3A_447 = arith.addf %mul3A_437, %mul3A_446 : vector<1x4096xf32>
    %exp3A_448 = math.exp %slice3A_442 : vector<1x4096xf32>
    %mul3A_449 = arith.mulf %sub3A_438, %exp3A_448 : vector<1x4096xf32>
    %exp3A_450 = math.exp %slice3A_443 : vector<1x4096xf32>
    %mul3A_451 = arith.mulf %sub3A_439, %exp3A_450 : vector<1x4096xf32>
    %mul3A_452 = arith.constant 5.000000e-01 : f32
    %mul3A_453 = vector.broadcast %mul3A_452 : f32 to vector<1x4096xf32>
    %mul3A_454 = arith.mulf %mul3A_449, %mul3A_453 : vector<1x4096xf32>
    %sub3A_455 = arith.subf %add3A_445, %mul3A_454 : vector<1x4096xf32>
    %mul3A_456 = arith.constant 5.000000e-01 : f32
    %mul3A_457 = vector.broadcast %mul3A_456 : f32 to vector<1x4096xf32>
    %mul3A_458 = arith.mulf %mul3A_451, %mul3A_457 : vector<1x4096xf32>
    %sub3A_459 = arith.subf %add3A_447, %mul3A_458 : vector<1x4096xf32>
    %mul3A_460 = arith.constant 5.000000e-01 : f32
    %mul3A_461 = vector.broadcast %mul3A_460 : f32 to vector<1x4096xf32>
    %mul3A_462 = arith.mulf %mul3A_449, %mul3A_461 : vector<1x4096xf32>
    %add3A_463 = arith.addf %add3A_445, %mul3A_462 : vector<1x4096xf32>
    %mul3A_464 = arith.constant 5.000000e-01 : f32
    %mul3A_465 = vector.broadcast %mul3A_464 : f32 to vector<1x4096xf32>
    %mul3A_466 = arith.mulf %mul3A_451, %mul3A_465 : vector<1x4096xf32>
    %add3A_467 = arith.addf %add3A_447, %mul3A_466 : vector<1x4096xf32>
    %max3A_468 = arith.constant 0.000000e+00 : f32
    %max3A_469 = vector.broadcast %max3A_468 : f32 to vector<1x4096xf32>
    %max3A_470 = arith.maximumf %sub3A_455, %max3A_469 : vector<1x4096xf32>
    %min3A_471 = vector.broadcast %convert_element_type3A : f32 to vector<1x4096xf32>
    %min3A_472 = arith.minimumf %max3A_470, %min3A_471 : vector<1x4096xf32>
    %max3A_473 = arith.constant 0.000000e+00 : f32
    %max3A_474 = vector.broadcast %max3A_473 : f32 to vector<1x4096xf32>
    %max3A_475 = arith.maximumf %sub3A_459, %max3A_474 : vector<1x4096xf32>
    %min3A_476 = vector.broadcast %convert_element_type3A_159 : f32 to vector<1x4096xf32>
    %min3A_477 = arith.minimumf %max3A_475, %min3A_476 : vector<1x4096xf32>
    %max3A_478 = arith.constant 0.000000e+00 : f32
    %max3A_479 = vector.broadcast %max3A_478 : f32 to vector<1x4096xf32>
    %max3A_480 = arith.maximumf %add3A_463, %max3A_479 : vector<1x4096xf32>
    %min3A_481 = vector.broadcast %convert_element_type3A : f32 to vector<1x4096xf32>
    %min3A_482 = arith.minimumf %max3A_480, %min3A_481 : vector<1x4096xf32>
    %max3A_483 = arith.constant 0.000000e+00 : f32
    %max3A_484 = vector.broadcast %max3A_483 : f32 to vector<1x4096xf32>
    %max3A_485 = arith.maximumf %add3A_467, %max3A_484 : vector<1x4096xf32>
    %min3A_486 = vector.broadcast %convert_element_type3A_159 : f32 to vector<1x4096xf32>
    %min3A_487 = arith.minimumf %max3A_485, %min3A_486 : vector<1x4096xf32>
    %swap3A_488 = arith.constant 0 : index
    %swap3A_489 = arith.constant 2 : index
    %swap3A_490 = arith.constant 0 : index
    %swap3A_491 = vector.load %arg9[%swap3A_488, %swap3A_489, %swap3A_490] : memref<1x3x4096xf32, #tpu.memory_space<vmem>>, vector<1x1x4096xf32>
    %swap3A_492 = vector.shape_cast %swap3A_491 : vector<1x1x4096xf32> to vector<1x4096xf32>
    %swap3A_493 = vector.shape_cast %min3A_472 : vector<1x4096xf32> to vector<1x1x4096xf32>
    tpu.vector_store %arg9[%swap3A_488, %swap3A_489, %swap3A_490], %swap3A_493 {strides = array<i32>} : memref<1x3x4096xf32, #tpu.memory_space<vmem>>, vector<1x1x4096xf32>,
    %swap3A_494 = arith.constant 0 : index
    %swap3A_495 = arith.constant 2 : index
    %swap3A_496 = arith.constant 0 : index
    %swap3A_497 = vector.load %arg10[%swap3A_494, %swap3A_495, %swap3A_496] : memref<1x3x4096xf32, #tpu.memory_space<vmem>>, vector<1x1x4096xf32>
    %swap3A_498 = vector.shape_cast %swap3A_497 : vector<1x1x4096xf32> to vector<1x4096xf32>
    %swap3A_499 = vector.shape_cast %min3A_477 : vector<1x4096xf32> to vector<1x1x4096xf32>
    tpu.vector_store %arg10[%swap3A_494, %swap3A_495, %swap3A_496], %swap3A_499 {strides = array<i32>} : memref<1x3x4096xf32, #tpu.memory_space<vmem>>, vector<1x1x4096xf32>,
    %swap3A_500 = arith.constant 0 : index
    %swap3A_501 = arith.constant 2 : index
    %swap3A_502 = arith.constant 0 : index
    %swap3A_503 = vector.load %arg11[%swap3A_500, %swap3A_501, %swap3A_502] : memref<1x3x4096xf32, #tpu.memory_space<vmem>>, vector<1x1x4096xf32>
    %swap3A_504 = vector.shape_cast %swap3A_503 : vector<1x1x4096xf32> to vector<1x4096xf32>
    %swap3A_505 = vector.shape_cast %min3A_482 : vector<1x4096xf32> to vector<1x1x4096xf32>
    tpu.vector_store %arg11[%swap3A_500, %swap3A_501, %swap3A_502], %swap3A_505 {strides = array<i32>} : memref<1x3x4096xf32, #tpu.memory_space<vmem>>, vector<1x1x4096xf32>,
    %swap3A_506 = arith.constant 0 : index
    %swap3A_507 = arith.constant 2 : index
    %swap3A_508 = arith.constant 0 : index
    %swap3A_509 = vector.load %arg12[%swap3A_506, %swap3A_507, %swap3A_508] : memref<1x3x4096xf32, #tpu.memory_space<vmem>>, vector<1x1x4096xf32>
    %swap3A_510 = vector.shape_cast %swap3A_509 : vector<1x1x4096xf32> to vector<1x4096xf32>
    %swap3A_511 = vector.shape_cast %min3A_487 : vector<1x4096xf32> to vector<1x1x4096xf32>
    tpu.vector_store %arg12[%swap3A_506, %swap3A_507, %swap3A_508], %swap3A_511 {strides = array<i32>} : memref<1x3x4096xf32, #tpu.memory_space<vmem>>, vector<1x1x4096xf32>,
    return
  }
  func.func @transform_0(%arg0: i32, %arg1: i32) -> (i32, i32, i32, i32) {
    %c0_i32 = arith.constant 0 : i32
    %c0_i32_0 = arith.constant 0 : i32
    %c0_i32_1 = arith.constant 0 : i32
    return %arg0, %arg1, %c0_i32, %c0_i32_0 : i32, i32, i32, i32
  }
  func.func @transform_1(%arg0: i32, %arg1: i32) -> (i32, i32, i32) {
    %c0_i32 = arith.constant 0 : i32
    %c0_i32_0 = arith.constant 0 : i32
    %c0_i32_1 = arith.constant 0 : i32
    %c0_i32_2 = arith.constant 0 : i32
    return %c0_i32, %c0_i32_0, %c0_i32_1 : i32, i32, i32
  }
  func.func @transform_2(%arg0: i32, %arg1: i32) -> (i32, i32) {
    %c0_i32 = arith.constant 0 : i32
    %c0_i32_0 = arith.constant 0 : i32
    %c0_i32_1 = arith.constant 0 : i32
    return %c0_i32, %c0_i32_0 : i32, i32
  }
  func.func @transform_3(%arg0: i32, %arg1: i32) -> (i32, i32) {
    %c0_i32 = arith.constant 0 : i32
    %c0_i32_0 = arith.constant 0 : i32
    %c0_i32_1 = arith.constant 0 : i32
    return %c0_i32, %c0_i32_0 : i32, i32
  }
  func.func @transform_4(%arg0: i32, %arg1: i32) -> (i32, i32) {
    %c0_i32 = arith.constant 0 : i32
    %c0_i32_0 = arith.constant 0 : i32
    %c0_i32_1 = arith.constant 0 : i32
    return %c0_i32, %c0_i32_0 : i32, i32
  }
  func.func @transform_5(%arg0: i32, %arg1: i32) -> (i32, i32) {
    %c0_i32 = arith.constant 0 : i32
    %c0_i32_0 = arith.constant 0 : i32
    %c0_i32_1 = arith.constant 0 : i32
    return %c0_i32, %c0_i32_0 : i32, i32
  }
  func.func @transform_6(%arg0: i32, %arg1: i32) -> (i32, i32, i32) {
    %c0_i32 = arith.constant 0 : i32
    %c0_i32_0 = arith.constant 0 : i32
    return %arg0, %c0_i32, %arg1 : i32, i32, i32
  }
  func.func @transform_7(%arg0: i32, %arg1: i32) -> (i32, i32, i32) {
    %c0_i32 = arith.constant 0 : i32
    %c0_i32_0 = arith.constant 0 : i32
    return %arg0, %c0_i32, %arg1 : i32, i32, i32
  }
  func.func @transform_8(%arg0: i32, %arg1: i32) -> (i32, i32, i32) {
    %c0_i32 = arith.constant 0 : i32
    %c0_i32_0 = arith.constant 0 : i32
    return %arg0, %c0_i32, %arg1 : i32, i32, i32
  }
  func.func @transform_9(%arg0: i32, %arg1: i32) -> (i32, i32, i32) {
    %c0_i32 = arith.constant 0 : i32
    %c0_i32_0 = arith.constant 0 : i32
    return %arg0, %c0_i32, %arg1 : i32, i32, i32
  }
  func.func @transform_10(%arg0: i32, %arg1: i32) -> (i32, i32, i32) {
    %c0_i32 = arith.constant 0 : i32
    %c0_i32_0 = arith.constant 0 : i32
    return %arg0, %c0_i32, %arg1 : i32, i32, i32
  }
  func.func @transform_11(%arg0: i32, %arg1: i32) -> (i32, i32, i32) {
    %c0_i32 = arith.constant 0 : i32
    %c0_i32_0 = arith.constant 0 : i32
    return %arg0, %c0_i32, %arg1 : i32, i32, i32
  }
}

module attributes {stable_mosaic.version = 14 : i64} {
  func.func @_head_kernel(%arg0: i32, %arg1: i32, %arg2: memref<1x1x256x2176xf32, #tpu.memory_space<vmem>>, %arg3: memref<9x256x256xf32, #tpu.memory_space<vmem>>, %arg4: memref<256x1xf32, #tpu.memory_space<vmem>>, %arg5: memref<16x256xf32, #tpu.memory_space<vmem>>, %arg6: memref<16x1xf32, #tpu.memory_space<vmem>>, %arg7: memref<2x2xi32, #tpu.memory_space<smem>>, %arg8: memref<1x3x2048xf32, #tpu.memory_space<vmem>>, %arg9: memref<1x3x2048xf32, #tpu.memory_space<vmem>>, %arg10: memref<1x3x2048xf32, #tpu.memory_space<vmem>>, %arg11: memref<1x3x2048xf32, #tpu.memory_space<vmem>>, %arg12: memref<1x3x2048xf32, #tpu.memory_space<vmem>>, %arg13: memref<1x3x2048xi32, #tpu.memory_space<vmem>>) attributes {dimension_semantics = [#tpu.dimension_semantics<arbitrary>, #tpu.dimension_semantics<arbitrary>], iteration_bounds = array<i64: 2, 2>, scalar_prefetch = 0 : i64, scratch_operands = 0 : i64, tpu.core_type = #tpu.core_type<tc>, window_params = [{transform_indices = @transform_0, window_bounds = array<i64: 1, 1, 256, 2176>}, {pipeline_mode = #tpu.pipeline_mode<synchronous>, transform_indices = @transform_1, window_bounds = array<i64: 9, 256, 256>}, {pipeline_mode = #tpu.pipeline_mode<synchronous>, transform_indices = @transform_2, window_bounds = array<i64: 256, 1>}, {pipeline_mode = #tpu.pipeline_mode<synchronous>, transform_indices = @transform_3, window_bounds = array<i64: 16, 256>}, {pipeline_mode = #tpu.pipeline_mode<synchronous>, transform_indices = @transform_4, window_bounds = array<i64: 16, 1>}, {transform_indices = @transform_5, window_bounds = array<i64: 2, 2>}, {transform_indices = @transform_6, window_bounds = array<i64: 1, 3, 2048>}, {transform_indices = @transform_7, window_bounds = array<i64: 1, 3, 2048>}, {transform_indices = @transform_8, window_bounds = array<i64: 1, 3, 2048>}, {transform_indices = @transform_9, window_bounds = array<i64: 1, 3, 2048>}, {transform_indices = @transform_10, window_bounds = array<i64: 1, 3, 2048>}, {transform_indices = @transform_11, window_bounds = array<i64: 1, 3, 2048>}]} {
    %iota3A = tpu.iota {dimensions = array<i32: 1>} : vector<1x2048xi32>
    %shift_right_arithmetic3A = arith.constant 6 : i32
    %shift_right_arithmetic3A_0 = vector.broadcast %shift_right_arithmetic3A : i32 to vector<1x2048xi32>
    %shift_right_arithmetic3A_1 = arith.shrsi %iota3A, %shift_right_arithmetic3A_0 : vector<1x2048xi32>
    %and3A = arith.constant 63 : i32
    %and3A_2 = vector.broadcast %and3A : i32 to vector<1x2048xi32>
    %and3A_3 = arith.andi %iota3A, %and3A_2 : vector<1x2048xi32>
    %eq3A = arith.constant 0 : i32
    %eq3A_4 = vector.broadcast %eq3A : i32 to vector<1x2048xi32>
    %eq3A_5 = arith.cmpi eq, %and3A_3, %eq3A_4 : vector<1x2048xi32>
    %eq3A_6 = arith.constant 63 : i32
    %eq3A_7 = vector.broadcast %eq3A_6 : i32 to vector<1x2048xi32>
    %eq3A_8 = arith.cmpi eq, %and3A_3, %eq3A_7 : vector<1x2048xi32>
    %broadcast_in_dim3A = arith.constant 0.000000e+00 : f32
    %broadcast_in_dim3A_9 = vector.broadcast %broadcast_in_dim3A : f32 to vector<256x2048xf32>
    %get3A = arith.constant 0 : index
    %get3A_10 = arith.constant 0 : index
    %get3A_11 = arith.constant 0 : index
    %get3A_12 = arith.constant 0 : index
    %get3A_13 = vector.load %arg2[%get3A, %get3A_10, %get3A_11, %get3A_12] : memref<1x1x256x2176xf32, #tpu.memory_space<vmem>>, vector<1x1x256x2048xf32>
    %get3A_14 = vector.shape_cast %get3A_13 : vector<1x1x256x2048xf32> to vector<256x2048xf32>
    %roll3A = arith.constant 1 : i32
    %roll3A_15 = tpu.dynamic_rotate %get3A_14 by %roll3A dim 1 : vector<256x2048xf32>, i32 -> vector<256x2048xf32>
    %jit3A = arith.constant 0.000000e+00 : f32
    %broadcast_in_dim3A_16 = vector.shape_cast %eq3A_5 : vector<1x2048xi1> to vector<1x2048xi1>
    %broadcast_in_dim3A_17 = vector.broadcast %broadcast_in_dim3A_16 : vector<1x2048xi1> to vector<256x2048xi1>
    %broadcast_in_dim3A_18 = vector.broadcast %jit3A : f32 to vector<256x2048xf32>
    %select_n3A = arith.select %broadcast_in_dim3A_17, %broadcast_in_dim3A_18, %roll3A_15 : vector<256x2048xi1>, vector<256x2048xf32>
    %get3A_19 = arith.constant 0 : index
    %get3A_20 = arith.constant 0 : index
    %get3A_21 = arith.constant 0 : index
    %get3A_22 = vector.load %arg3[%get3A_19, %get3A_20, %get3A_21] : memref<9x256x256xf32, #tpu.memory_space<vmem>>, vector<1x256x256xf32>
    %get3A_23 = vector.shape_cast %get3A_22 : vector<1x256x256xf32> to vector<256x256xf32>
    %dot_general3A = arith.constant dense<0.000000e+00> : vector<256x2048xf32>
    %dot_general3A_24 = tpu.matmul %get3A_23, %select_n3A, %dot_general3A {dimension_numbers = #tpu.dot_dimension_numbers<[1], [0], [0], [1], [0, 0, 1, 1], [], []>, transpose_lhs_hint = false} : vector<256x256xf32>, vector<256x2048xf32>, vector<256x2048xf32> -> vector<256x2048xf32>
    %add3A = arith.addf %broadcast_in_dim3A_9, %dot_general3A_24 : vector<256x2048xf32>
    %get3A_25 = arith.constant 1 : index
    %get3A_26 = arith.constant 0 : index
    %get3A_27 = arith.constant 0 : index
    %get3A_28 = vector.load %arg3[%get3A_25, %get3A_26, %get3A_27] : memref<9x256x256xf32, #tpu.memory_space<vmem>>, vector<1x256x256xf32>
    %get3A_29 = vector.shape_cast %get3A_28 : vector<1x256x256xf32> to vector<256x256xf32>
    %dot_general3A_30 = arith.constant dense<0.000000e+00> : vector<256x2048xf32>
    %dot_general3A_31 = tpu.matmul %get3A_29, %get3A_14, %dot_general3A_30 {dimension_numbers = #tpu.dot_dimension_numbers<[1], [0], [0], [1], [0, 0, 1, 1], [], []>, transpose_lhs_hint = false} : vector<256x256xf32>, vector<256x2048xf32>, vector<256x2048xf32> -> vector<256x2048xf32>
    %add3A_32 = arith.addf %add3A, %dot_general3A_31 : vector<256x2048xf32>
    %roll3A_33 = arith.constant 2047 : i32
    %roll3A_34 = tpu.dynamic_rotate %get3A_14 by %roll3A_33 dim 1 : vector<256x2048xf32>, i32 -> vector<256x2048xf32>
    %jit3A_35 = arith.constant 0.000000e+00 : f32
    %broadcast_in_dim3A_36 = vector.shape_cast %eq3A_8 : vector<1x2048xi1> to vector<1x2048xi1>
    %broadcast_in_dim3A_37 = vector.broadcast %broadcast_in_dim3A_36 : vector<1x2048xi1> to vector<256x2048xi1>
    %broadcast_in_dim3A_38 = vector.broadcast %jit3A_35 : f32 to vector<256x2048xf32>
    %select_n3A_39 = arith.select %broadcast_in_dim3A_37, %broadcast_in_dim3A_38, %roll3A_34 : vector<256x2048xi1>, vector<256x2048xf32>
    %get3A_40 = arith.constant 2 : index
    %get3A_41 = arith.constant 0 : index
    %get3A_42 = arith.constant 0 : index
    %get3A_43 = vector.load %arg3[%get3A_40, %get3A_41, %get3A_42] : memref<9x256x256xf32, #tpu.memory_space<vmem>>, vector<1x256x256xf32>
    %get3A_44 = vector.shape_cast %get3A_43 : vector<1x256x256xf32> to vector<256x256xf32>
    %dot_general3A_45 = arith.constant dense<0.000000e+00> : vector<256x2048xf32>
    %dot_general3A_46 = tpu.matmul %get3A_44, %select_n3A_39, %dot_general3A_45 {dimension_numbers = #tpu.dot_dimension_numbers<[1], [0], [0], [1], [0, 0, 1, 1], [], []>, transpose_lhs_hint = false} : vector<256x256xf32>, vector<256x2048xf32>, vector<256x2048xf32> -> vector<256x2048xf32>
    %add3A_47 = arith.addf %add3A_32, %dot_general3A_46 : vector<256x2048xf32>
    %get3A_48 = arith.constant 0 : index
    %get3A_49 = arith.constant 0 : index
    %get3A_50 = arith.constant 0 : index
    %get3A_51 = arith.constant 64 : index
    %get3A_52 = vector.load %arg2[%get3A_48, %get3A_49, %get3A_50, %get3A_51] : memref<1x1x256x2176xf32, #tpu.memory_space<vmem>>, vector<1x1x256x2048xf32>
    %get3A_53 = vector.shape_cast %get3A_52 : vector<1x1x256x2048xf32> to vector<256x2048xf32>
    %roll3A_54 = arith.constant 1 : i32
    %roll3A_55 = tpu.dynamic_rotate %get3A_53 by %roll3A_54 dim 1 : vector<256x2048xf32>, i32 -> vector<256x2048xf32>
    %jit3A_56 = arith.constant 0.000000e+00 : f32
    %broadcast_in_dim3A_57 = vector.shape_cast %eq3A_5 : vector<1x2048xi1> to vector<1x2048xi1>
    %broadcast_in_dim3A_58 = vector.broadcast %broadcast_in_dim3A_57 : vector<1x2048xi1> to vector<256x2048xi1>
    %broadcast_in_dim3A_59 = vector.broadcast %jit3A_56 : f32 to vector<256x2048xf32>
    %select_n3A_60 = arith.select %broadcast_in_dim3A_58, %broadcast_in_dim3A_59, %roll3A_55 : vector<256x2048xi1>, vector<256x2048xf32>
    %get3A_61 = arith.constant 3 : index
    %get3A_62 = arith.constant 0 : index
    %get3A_63 = arith.constant 0 : index
    %get3A_64 = vector.load %arg3[%get3A_61, %get3A_62, %get3A_63] : memref<9x256x256xf32, #tpu.memory_space<vmem>>, vector<1x256x256xf32>
    %get3A_65 = vector.shape_cast %get3A_64 : vector<1x256x256xf32> to vector<256x256xf32>
    %dot_general3A_66 = arith.constant dense<0.000000e+00> : vector<256x2048xf32>
    %dot_general3A_67 = tpu.matmul %get3A_65, %select_n3A_60, %dot_general3A_66 {dimension_numbers = #tpu.dot_dimension_numbers<[1], [0], [0], [1], [0, 0, 1, 1], [], []>, transpose_lhs_hint = false} : vector<256x256xf32>, vector<256x2048xf32>, vector<256x2048xf32> -> vector<256x2048xf32>
    %add3A_68 = arith.addf %add3A_47, %dot_general3A_67 : vector<256x2048xf32>
    %get3A_69 = arith.constant 4 : index
    %get3A_70 = arith.constant 0 : index
    %get3A_71 = arith.constant 0 : index
    %get3A_72 = vector.load %arg3[%get3A_69, %get3A_70, %get3A_71] : memref<9x256x256xf32, #tpu.memory_space<vmem>>, vector<1x256x256xf32>
    %get3A_73 = vector.shape_cast %get3A_72 : vector<1x256x256xf32> to vector<256x256xf32>
    %dot_general3A_74 = arith.constant dense<0.000000e+00> : vector<256x2048xf32>
    %dot_general3A_75 = tpu.matmul %get3A_73, %get3A_53, %dot_general3A_74 {dimension_numbers = #tpu.dot_dimension_numbers<[1], [0], [0], [1], [0, 0, 1, 1], [], []>, transpose_lhs_hint = false} : vector<256x256xf32>, vector<256x2048xf32>, vector<256x2048xf32> -> vector<256x2048xf32>
    %add3A_76 = arith.addf %add3A_68, %dot_general3A_75 : vector<256x2048xf32>
    %roll3A_77 = arith.constant 2047 : i32
    %roll3A_78 = tpu.dynamic_rotate %get3A_53 by %roll3A_77 dim 1 : vector<256x2048xf32>, i32 -> vector<256x2048xf32>
    %jit3A_79 = arith.constant 0.000000e+00 : f32
    %broadcast_in_dim3A_80 = vector.shape_cast %eq3A_8 : vector<1x2048xi1> to vector<1x2048xi1>
    %broadcast_in_dim3A_81 = vector.broadcast %broadcast_in_dim3A_80 : vector<1x2048xi1> to vector<256x2048xi1>
    %broadcast_in_dim3A_82 = vector.broadcast %jit3A_79 : f32 to vector<256x2048xf32>
    %select_n3A_83 = arith.select %broadcast_in_dim3A_81, %broadcast_in_dim3A_82, %roll3A_78 : vector<256x2048xi1>, vector<256x2048xf32>
    %get3A_84 = arith.constant 5 : index
    %get3A_85 = arith.constant 0 : index
    %get3A_86 = arith.constant 0 : index
    %get3A_87 = vector.load %arg3[%get3A_84, %get3A_85, %get3A_86] : memref<9x256x256xf32, #tpu.memory_space<vmem>>, vector<1x256x256xf32>
    %get3A_88 = vector.shape_cast %get3A_87 : vector<1x256x256xf32> to vector<256x256xf32>
    %dot_general3A_89 = arith.constant dense<0.000000e+00> : vector<256x2048xf32>
    %dot_general3A_90 = tpu.matmul %get3A_88, %select_n3A_83, %dot_general3A_89 {dimension_numbers = #tpu.dot_dimension_numbers<[1], [0], [0], [1], [0, 0, 1, 1], [], []>, transpose_lhs_hint = false} : vector<256x256xf32>, vector<256x2048xf32>, vector<256x2048xf32> -> vector<256x2048xf32>
    %add3A_91 = arith.addf %add3A_76, %dot_general3A_90 : vector<256x2048xf32>
    %get3A_92 = arith.constant 0 : index
    %get3A_93 = arith.constant 0 : index
    %get3A_94 = arith.constant 0 : index
    %get3A_95 = arith.constant 128 : index
    %get3A_96 = vector.load %arg2[%get3A_92, %get3A_93, %get3A_94, %get3A_95] : memref<1x1x256x2176xf32, #tpu.memory_space<vmem>>, vector<1x1x256x2048xf32>
    %get3A_97 = vector.shape_cast %get3A_96 : vector<1x1x256x2048xf32> to vector<256x2048xf32>
    %roll3A_98 = arith.constant 1 : i32
    %roll3A_99 = tpu.dynamic_rotate %get3A_97 by %roll3A_98 dim 1 : vector<256x2048xf32>, i32 -> vector<256x2048xf32>
    %jit3A_100 = arith.constant 0.000000e+00 : f32
    %broadcast_in_dim3A_101 = vector.shape_cast %eq3A_5 : vector<1x2048xi1> to vector<1x2048xi1>
    %broadcast_in_dim3A_102 = vector.broadcast %broadcast_in_dim3A_101 : vector<1x2048xi1> to vector<256x2048xi1>
    %broadcast_in_dim3A_103 = vector.broadcast %jit3A_100 : f32 to vector<256x2048xf32>
    %select_n3A_104 = arith.select %broadcast_in_dim3A_102, %broadcast_in_dim3A_103, %roll3A_99 : vector<256x2048xi1>, vector<256x2048xf32>
    %get3A_105 = arith.constant 6 : index
    %get3A_106 = arith.constant 0 : index
    %get3A_107 = arith.constant 0 : index
    %get3A_108 = vector.load %arg3[%get3A_105, %get3A_106, %get3A_107] : memref<9x256x256xf32, #tpu.memory_space<vmem>>, vector<1x256x256xf32>
    %get3A_109 = vector.shape_cast %get3A_108 : vector<1x256x256xf32> to vector<256x256xf32>
    %dot_general3A_110 = arith.constant dense<0.000000e+00> : vector<256x2048xf32>
    %dot_general3A_111 = tpu.matmul %get3A_109, %select_n3A_104, %dot_general3A_110 {dimension_numbers = #tpu.dot_dimension_numbers<[1], [0], [0], [1], [0, 0, 1, 1], [], []>, transpose_lhs_hint = false} : vector<256x256xf32>, vector<256x2048xf32>, vector<256x2048xf32> -> vector<256x2048xf32>
    %add3A_112 = arith.addf %add3A_91, %dot_general3A_111 : vector<256x2048xf32>
    %get3A_113 = arith.constant 7 : index
    %get3A_114 = arith.constant 0 : index
    %get3A_115 = arith.constant 0 : index
    %get3A_116 = vector.load %arg3[%get3A_113, %get3A_114, %get3A_115] : memref<9x256x256xf32, #tpu.memory_space<vmem>>, vector<1x256x256xf32>
    %get3A_117 = vector.shape_cast %get3A_116 : vector<1x256x256xf32> to vector<256x256xf32>
    %dot_general3A_118 = arith.constant dense<0.000000e+00> : vector<256x2048xf32>
    %dot_general3A_119 = tpu.matmul %get3A_117, %get3A_97, %dot_general3A_118 {dimension_numbers = #tpu.dot_dimension_numbers<[1], [0], [0], [1], [0, 0, 1, 1], [], []>, transpose_lhs_hint = false} : vector<256x256xf32>, vector<256x2048xf32>, vector<256x2048xf32> -> vector<256x2048xf32>
    %add3A_120 = arith.addf %add3A_112, %dot_general3A_119 : vector<256x2048xf32>
    %roll3A_121 = arith.constant 2047 : i32
    %roll3A_122 = tpu.dynamic_rotate %get3A_97 by %roll3A_121 dim 1 : vector<256x2048xf32>, i32 -> vector<256x2048xf32>
    %jit3A_123 = arith.constant 0.000000e+00 : f32
    %broadcast_in_dim3A_124 = vector.shape_cast %eq3A_8 : vector<1x2048xi1> to vector<1x2048xi1>
    %broadcast_in_dim3A_125 = vector.broadcast %broadcast_in_dim3A_124 : vector<1x2048xi1> to vector<256x2048xi1>
    %broadcast_in_dim3A_126 = vector.broadcast %jit3A_123 : f32 to vector<256x2048xf32>
    %select_n3A_127 = arith.select %broadcast_in_dim3A_125, %broadcast_in_dim3A_126, %roll3A_122 : vector<256x2048xi1>, vector<256x2048xf32>
    %get3A_128 = arith.constant 8 : index
    %get3A_129 = arith.constant 0 : index
    %get3A_130 = arith.constant 0 : index
    %get3A_131 = vector.load %arg3[%get3A_128, %get3A_129, %get3A_130] : memref<9x256x256xf32, #tpu.memory_space<vmem>>, vector<1x256x256xf32>
    %get3A_132 = vector.shape_cast %get3A_131 : vector<1x256x256xf32> to vector<256x256xf32>
    %dot_general3A_133 = arith.constant dense<0.000000e+00> : vector<256x2048xf32>
    %dot_general3A_134 = tpu.matmul %get3A_132, %select_n3A_127, %dot_general3A_133 {dimension_numbers = #tpu.dot_dimension_numbers<[1], [0], [0], [1], [0, 0, 1, 1], [], []>, transpose_lhs_hint = false} : vector<256x256xf32>, vector<256x2048xf32>, vector<256x2048xf32> -> vector<256x2048xf32>
    %add3A_135 = arith.addf %add3A_120, %dot_general3A_134 : vector<256x2048xf32>
    %get3A_136 = arith.constant 0 : index
    %get3A_137 = arith.constant 0 : index
    %get3A_138 = vector.load %arg4[%get3A_136, %get3A_137] : memref<256x1xf32, #tpu.memory_space<vmem>>, vector<256x1xf32>
    %add3A_139 = vector.broadcast %get3A_138 : vector<256x1xf32> to vector<256x2048xf32>
    %add3A_140 = arith.addf %add3A_135, %add3A_139 : vector<256x2048xf32>
    %max3A = arith.constant 0.000000e+00 : f32
    %max3A_141 = vector.broadcast %max3A : f32 to vector<256x2048xf32>
    %max3A_142 = arith.maximumf %add3A_140, %max3A_141 : vector<256x2048xf32>
    %get3A_143 = arith.constant 0 : index
    %get3A_144 = arith.constant 0 : index
    %get3A_145 = vector.load %arg5[%get3A_143, %get3A_144] : memref<16x256xf32, #tpu.memory_space<vmem>>, vector<16x256xf32>
    %dot_general3A_146 = arith.constant dense<0.000000e+00> : vector<16x2048xf32>
    %dot_general3A_147 = tpu.matmul %get3A_145, %max3A_142, %dot_general3A_146 {dimension_numbers = #tpu.dot_dimension_numbers<[1], [0], [0], [1], [0, 0, 1, 1], [], []>, transpose_lhs_hint = false} : vector<16x256xf32>, vector<256x2048xf32>, vector<16x2048xf32> -> vector<16x2048xf32>
    %get3A_148 = arith.constant 0 : index
    %get3A_149 = arith.constant 0 : index
    %get3A_150 = vector.load %arg6[%get3A_148, %get3A_149] : memref<16x1xf32, #tpu.memory_space<vmem>>, vector<16x1xf32>
    %add3A_151 = vector.broadcast %get3A_150 : vector<16x1xf32> to vector<16x2048xf32>
    %add3A_152 = arith.addf %dot_general3A_147, %add3A_151 : vector<16x2048xf32>
    %get3A_153 = arith.index_cast %arg0 : i32 to index
    %get3A_154 = arith.constant 0 : index
    %get3A_155 = memref.load %arg7[%get3A_153, %get3A_154] : memref<2x2xi32, #tpu.memory_space<smem>>
    %convert_element_type3A = arith.sitofp %get3A_155 : i32 to f32
    %get3A_156 = arith.index_cast %arg0 : i32 to index
    %get3A_157 = arith.constant 1 : index
    %get3A_158 = memref.load %arg7[%get3A_156, %get3A_157] : memref<2x2xi32, #tpu.memory_space<smem>>
    %convert_element_type3A_159 = arith.sitofp %get3A_158 : i32 to f32
    %mul3A = arith.constant 32 : i32
    %mul3A_160 = arith.muli %arg1, %mul3A : i32
    %add3A_161 = vector.broadcast %mul3A_160 : i32 to vector<1x2048xi32>
    %add3A_162 = arith.addi %add3A_161, %shift_right_arithmetic3A_1 : vector<1x2048xi32>
    %mul3A_163 = arith.constant 8 : i32
    %mul3A_164 = vector.broadcast %mul3A_163 : i32 to vector<1x2048xi32>
    %mul3A_165 = arith.muli %add3A_162, %mul3A_164 : vector<1x2048xi32>
    %convert_element_type3A_166 = arith.sitofp %mul3A_165 : vector<1x2048xi32> to vector<1x2048xf32>
    %mul3A_167 = arith.constant 8 : i32
    %mul3A_168 = vector.broadcast %mul3A_167 : i32 to vector<1x2048xi32>
    %mul3A_169 = arith.muli %and3A_3, %mul3A_168 : vector<1x2048xi32>
    %convert_element_type3A_170 = arith.sitofp %mul3A_169 : vector<1x2048xi32> to vector<1x2048xf32>
    %mul3A_171 = arith.constant 64 : i32
    %mul3A_172 = vector.broadcast %mul3A_171 : i32 to vector<1x2048xi32>
    %mul3A_173 = arith.muli %add3A_162, %mul3A_172 : vector<1x2048xi32>
    %add3A_174 = arith.addi %mul3A_173, %and3A_3 : vector<1x2048xi32>
    %mul3A_175 = arith.constant 3 : i32
    %mul3A_176 = vector.broadcast %mul3A_175 : i32 to vector<1x2048xi32>
    %mul3A_177 = arith.muli %add3A_174, %mul3A_176 : vector<1x2048xi32>
    %slice3A = vector.extract_strided_slice %add3A_152 {offsets = [0, 0], sizes = [1, 2048], strides = [1, 1]} : vector<16x2048xf32> to vector<1x2048xf32>
    %swap3A = arith.constant 0 : index
    %swap3A_178 = arith.constant 0 : index
    %swap3A_179 = arith.constant 0 : index
    %swap3A_180 = vector.load %arg8[%swap3A, %swap3A_178, %swap3A_179] : memref<1x3x2048xf32, #tpu.memory_space<vmem>>, vector<1x1x2048xf32>
    %swap3A_181 = vector.shape_cast %swap3A_180 : vector<1x1x2048xf32> to vector<1x2048xf32>
    %swap3A_182 = vector.shape_cast %slice3A : vector<1x2048xf32> to vector<1x1x2048xf32>
    tpu.vector_store %arg8[%swap3A, %swap3A_178, %swap3A_179], %swap3A_182 {strides = array<i32>} : memref<1x3x2048xf32, #tpu.memory_space<vmem>>, vector<1x1x2048xf32>,
    %add3A_183 = arith.constant 49152 : i32
    %add3A_184 = vector.broadcast %add3A_183 : i32 to vector<1x2048xi32>
    %add3A_185 = arith.addi %add3A_184, %mul3A_177 : vector<1x2048xi32>
    %add3A_186 = arith.constant 0 : i32
    %add3A_187 = vector.broadcast %add3A_186 : i32 to vector<1x2048xi32>
    %add3A_188 = arith.addi %add3A_185, %add3A_187 : vector<1x2048xi32>
    %swap3A_189 = arith.constant 0 : index
    %swap3A_190 = arith.constant 0 : index
    %swap3A_191 = arith.constant 0 : index
    %swap3A_192 = vector.load %arg13[%swap3A_189, %swap3A_190, %swap3A_191] : memref<1x3x2048xi32, #tpu.memory_space<vmem>>, vector<1x1x2048xi32>
    %swap3A_193 = vector.shape_cast %swap3A_192 : vector<1x1x2048xi32> to vector<1x2048xi32>
    %swap3A_194 = vector.shape_cast %add3A_188 : vector<1x2048xi32> to vector<1x1x2048xi32>
    tpu.vector_store %arg13[%swap3A_189, %swap3A_190, %swap3A_191], %swap3A_194 {strides = array<i32>} : memref<1x3x2048xi32, #tpu.memory_space<vmem>>, vector<1x1x2048xi32>,
    %add3A_195 = arith.constant -18.6274166 : f32
    %add3A_196 = vector.broadcast %add3A_195 : f32 to vector<1x2048xf32>
    %add3A_197 = arith.addf %add3A_196, %convert_element_type3A_166 : vector<1x2048xf32>
    %add3A_198 = arith.constant -41.2548332 : f32
    %add3A_199 = vector.broadcast %add3A_198 : f32 to vector<1x2048xf32>
    %add3A_200 = arith.addf %add3A_199, %convert_element_type3A_170 : vector<1x2048xf32>
    %add3A_201 = arith.constant 26.6274166 : f32
    %add3A_202 = vector.broadcast %add3A_201 : f32 to vector<1x2048xf32>
    %add3A_203 = arith.addf %add3A_202, %convert_element_type3A_166 : vector<1x2048xf32>
    %add3A_204 = arith.constant 49.2548332 : f32
    %add3A_205 = vector.broadcast %add3A_204 : f32 to vector<1x2048xf32>
    %add3A_206 = arith.addf %add3A_205, %convert_element_type3A_170 : vector<1x2048xf32>
    %add3A_207 = arith.addf %add3A_197, %add3A_203 : vector<1x2048xf32>
    %mul3A_208 = arith.constant 5.000000e-01 : f32
    %mul3A_209 = vector.broadcast %mul3A_208 : f32 to vector<1x2048xf32>
    %mul3A_210 = arith.mulf %add3A_207, %mul3A_209 : vector<1x2048xf32>
    %add3A_211 = arith.addf %add3A_200, %add3A_206 : vector<1x2048xf32>
    %mul3A_212 = arith.constant 5.000000e-01 : f32
    %mul3A_213 = vector.broadcast %mul3A_212 : f32 to vector<1x2048xf32>
    %mul3A_214 = arith.mulf %add3A_211, %mul3A_213 : vector<1x2048xf32>
    %sub3A = arith.subf %add3A_203, %add3A_197 : vector<1x2048xf32>
    %sub3A_215 = arith.subf %add3A_206, %add3A_200 : vector<1x2048xf32>
    %slice3A_216 = vector.extract_strided_slice %add3A_152 {offsets = [3, 0], sizes = [1, 2048], strides = [1, 1]} : vector<16x2048xf32> to vector<1x2048xf32>
    %slice3A_217 = vector.extract_strided_slice %add3A_152 {offsets = [4, 0], sizes = [1, 2048], strides = [1, 1]} : vector<16x2048xf32> to vector<1x2048xf32>
    %slice3A_218 = vector.extract_strided_slice %add3A_152 {offsets = [5, 0], sizes = [1, 2048], strides = [1, 1]} : vector<16x2048xf32> to vector<1x2048xf32>
    %slice3A_219 = vector.extract_strided_slice %add3A_152 {offsets = [6, 0], sizes = [1, 2048], strides = [1, 1]} : vector<16x2048xf32> to vector<1x2048xf32>
    %mul3A_220 = arith.mulf %slice3A_216, %sub3A : vector<1x2048xf32>
    %add3A_221 = arith.addf %mul3A_210, %mul3A_220 : vector<1x2048xf32>
    %mul3A_222 = arith.mulf %slice3A_217, %sub3A_215 : vector<1x2048xf32>
    %add3A_223 = arith.addf %mul3A_214, %mul3A_222 : vector<1x2048xf32>
    %exp3A = math.exp %slice3A_218 : vector<1x2048xf32>
    %mul3A_224 = arith.mulf %sub3A, %exp3A : vector<1x2048xf32>
    %exp3A_225 = math.exp %slice3A_219 : vector<1x2048xf32>
    %mul3A_226 = arith.mulf %sub3A_215, %exp3A_225 : vector<1x2048xf32>
    %mul3A_227 = arith.constant 5.000000e-01 : f32
    %mul3A_228 = vector.broadcast %mul3A_227 : f32 to vector<1x2048xf32>
    %mul3A_229 = arith.mulf %mul3A_224, %mul3A_228 : vector<1x2048xf32>
    %sub3A_230 = arith.subf %add3A_221, %mul3A_229 : vector<1x2048xf32>
    %mul3A_231 = arith.constant 5.000000e-01 : f32
    %mul3A_232 = vector.broadcast %mul3A_231 : f32 to vector<1x2048xf32>
    %mul3A_233 = arith.mulf %mul3A_226, %mul3A_232 : vector<1x2048xf32>
    %sub3A_234 = arith.subf %add3A_223, %mul3A_233 : vector<1x2048xf32>
    %mul3A_235 = arith.constant 5.000000e-01 : f32
    %mul3A_236 = vector.broadcast %mul3A_235 : f32 to vector<1x2048xf32>
    %mul3A_237 = arith.mulf %mul3A_224, %mul3A_236 : vector<1x2048xf32>
    %add3A_238 = arith.addf %add3A_221, %mul3A_237 : vector<1x2048xf32>
    %mul3A_239 = arith.constant 5.000000e-01 : f32
    %mul3A_240 = vector.broadcast %mul3A_239 : f32 to vector<1x2048xf32>
    %mul3A_241 = arith.mulf %mul3A_226, %mul3A_240 : vector<1x2048xf32>
    %add3A_242 = arith.addf %add3A_223, %mul3A_241 : vector<1x2048xf32>
    %max3A_243 = arith.constant 0.000000e+00 : f32
    %max3A_244 = vector.broadcast %max3A_243 : f32 to vector<1x2048xf32>
    %max3A_245 = arith.maximumf %sub3A_230, %max3A_244 : vector<1x2048xf32>
    %min3A = vector.broadcast %convert_element_type3A : f32 to vector<1x2048xf32>
    %min3A_246 = arith.minimumf %max3A_245, %min3A : vector<1x2048xf32>
    %max3A_247 = arith.constant 0.000000e+00 : f32
    %max3A_248 = vector.broadcast %max3A_247 : f32 to vector<1x2048xf32>
    %max3A_249 = arith.maximumf %sub3A_234, %max3A_248 : vector<1x2048xf32>
    %min3A_250 = vector.broadcast %convert_element_type3A_159 : f32 to vector<1x2048xf32>
    %min3A_251 = arith.minimumf %max3A_249, %min3A_250 : vector<1x2048xf32>
    %max3A_252 = arith.constant 0.000000e+00 : f32
    %max3A_253 = vector.broadcast %max3A_252 : f32 to vector<1x2048xf32>
    %max3A_254 = arith.maximumf %add3A_238, %max3A_253 : vector<1x2048xf32>
    %min3A_255 = vector.broadcast %convert_element_type3A : f32 to vector<1x2048xf32>
    %min3A_256 = arith.minimumf %max3A_254, %min3A_255 : vector<1x2048xf32>
    %max3A_257 = arith.constant 0.000000e+00 : f32
    %max3A_258 = vector.broadcast %max3A_257 : f32 to vector<1x2048xf32>
    %max3A_259 = arith.maximumf %add3A_242, %max3A_258 : vector<1x2048xf32>
    %min3A_260 = vector.broadcast %convert_element_type3A_159 : f32 to vector<1x2048xf32>
    %min3A_261 = arith.minimumf %max3A_259, %min3A_260 : vector<1x2048xf32>
    %swap3A_262 = arith.constant 0 : index
    %swap3A_263 = arith.constant 0 : index
    %swap3A_264 = arith.constant 0 : index
    %swap3A_265 = vector.load %arg9[%swap3A_262, %swap3A_263, %swap3A_264] : memref<1x3x2048xf32, #tpu.memory_space<vmem>>, vector<1x1x2048xf32>
    %swap3A_266 = vector.shape_cast %swap3A_265 : vector<1x1x2048xf32> to vector<1x2048xf32>
    %swap3A_267 = vector.shape_cast %min3A_246 : vector<1x2048xf32> to vector<1x1x2048xf32>
    tpu.vector_store %arg9[%swap3A_262, %swap3A_263, %swap3A_264], %swap3A_267 {strides = array<i32>} : memref<1x3x2048xf32, #tpu.memory_space<vmem>>, vector<1x1x2048xf32>,
    %swap3A_268 = arith.constant 0 : index
    %swap3A_269 = arith.constant 0 : index
    %swap3A_270 = arith.constant 0 : index
    %swap3A_271 = vector.load %arg10[%swap3A_268, %swap3A_269, %swap3A_270] : memref<1x3x2048xf32, #tpu.memory_space<vmem>>, vector<1x1x2048xf32>
    %swap3A_272 = vector.shape_cast %swap3A_271 : vector<1x1x2048xf32> to vector<1x2048xf32>
    %swap3A_273 = vector.shape_cast %min3A_251 : vector<1x2048xf32> to vector<1x1x2048xf32>
    tpu.vector_store %arg10[%swap3A_268, %swap3A_269, %swap3A_270], %swap3A_273 {strides = array<i32>} : memref<1x3x2048xf32, #tpu.memory_space<vmem>>, vector<1x1x2048xf32>,
    %swap3A_274 = arith.constant 0 : index
    %swap3A_275 = arith.constant 0 : index
    %swap3A_276 = arith.constant 0 : index
    %swap3A_277 = vector.load %arg11[%swap3A_274, %swap3A_275, %swap3A_276] : memref<1x3x2048xf32, #tpu.memory_space<vmem>>, vector<1x1x2048xf32>
    %swap3A_278 = vector.shape_cast %swap3A_277 : vector<1x1x2048xf32> to vector<1x2048xf32>
    %swap3A_279 = vector.shape_cast %min3A_256 : vector<1x2048xf32> to vector<1x1x2048xf32>
    tpu.vector_store %arg11[%swap3A_274, %swap3A_275, %swap3A_276], %swap3A_279 {strides = array<i32>} : memref<1x3x2048xf32, #tpu.memory_space<vmem>>, vector<1x1x2048xf32>,
    %swap3A_280 = arith.constant 0 : index
    %swap3A_281 = arith.constant 0 : index
    %swap3A_282 = arith.constant 0 : index
    %swap3A_283 = vector.load %arg12[%swap3A_280, %swap3A_281, %swap3A_282] : memref<1x3x2048xf32, #tpu.memory_space<vmem>>, vector<1x1x2048xf32>
    %swap3A_284 = vector.shape_cast %swap3A_283 : vector<1x1x2048xf32> to vector<1x2048xf32>
    %swap3A_285 = vector.shape_cast %min3A_261 : vector<1x2048xf32> to vector<1x1x2048xf32>
    tpu.vector_store %arg12[%swap3A_280, %swap3A_281, %swap3A_282], %swap3A_285 {strides = array<i32>} : memref<1x3x2048xf32, #tpu.memory_space<vmem>>, vector<1x1x2048xf32>,
    %slice3A_286 = vector.extract_strided_slice %add3A_152 {offsets = [1, 0], sizes = [1, 2048], strides = [1, 1]} : vector<16x2048xf32> to vector<1x2048xf32>
    %swap3A_287 = arith.constant 0 : index
    %swap3A_288 = arith.constant 1 : index
    %swap3A_289 = arith.constant 0 : index
    %swap3A_290 = vector.load %arg8[%swap3A_287, %swap3A_288, %swap3A_289] : memref<1x3x2048xf32, #tpu.memory_space<vmem>>, vector<1x1x2048xf32>
    %swap3A_291 = vector.shape_cast %swap3A_290 : vector<1x1x2048xf32> to vector<1x2048xf32>
    %swap3A_292 = vector.shape_cast %slice3A_286 : vector<1x2048xf32> to vector<1x1x2048xf32>
    tpu.vector_store %arg8[%swap3A_287, %swap3A_288, %swap3A_289], %swap3A_292 {strides = array<i32>} : memref<1x3x2048xf32, #tpu.memory_space<vmem>>, vector<1x1x2048xf32>,
    %add3A_293 = arith.constant 49152 : i32
    %add3A_294 = vector.broadcast %add3A_293 : i32 to vector<1x2048xi32>
    %add3A_295 = arith.addi %add3A_294, %mul3A_177 : vector<1x2048xi32>
    %add3A_296 = arith.constant 1 : i32
    %add3A_297 = vector.broadcast %add3A_296 : i32 to vector<1x2048xi32>
    %add3A_298 = arith.addi %add3A_295, %add3A_297 : vector<1x2048xi32>
    %swap3A_299 = arith.constant 0 : index
    %swap3A_300 = arith.constant 1 : index
    %swap3A_301 = arith.constant 0 : index
    %swap3A_302 = vector.load %arg13[%swap3A_299, %swap3A_300, %swap3A_301] : memref<1x3x2048xi32, #tpu.memory_space<vmem>>, vector<1x1x2048xi32>
    %swap3A_303 = vector.shape_cast %swap3A_302 : vector<1x1x2048xi32> to vector<1x2048xi32>
    %swap3A_304 = vector.shape_cast %add3A_298 : vector<1x2048xi32> to vector<1x1x2048xi32>
    tpu.vector_store %arg13[%swap3A_299, %swap3A_300, %swap3A_301], %swap3A_304 {strides = array<i32>} : memref<1x3x2048xi32, #tpu.memory_space<vmem>>, vector<1x1x2048xi32>,
    %add3A_305 = arith.constant -2.800000e+01 : f32
    %add3A_306 = vector.broadcast %add3A_305 : f32 to vector<1x2048xf32>
    %add3A_307 = arith.addf %add3A_306, %convert_element_type3A_166 : vector<1x2048xf32>
    %add3A_308 = arith.constant -2.800000e+01 : f32
    %add3A_309 = vector.broadcast %add3A_308 : f32 to vector<1x2048xf32>
    %add3A_310 = arith.addf %add3A_309, %convert_element_type3A_170 : vector<1x2048xf32>
    %add3A_311 = arith.constant 3.600000e+01 : f32
    %add3A_312 = vector.broadcast %add3A_311 : f32 to vector<1x2048xf32>
    %add3A_313 = arith.addf %add3A_312, %convert_element_type3A_166 : vector<1x2048xf32>
    %add3A_314 = arith.constant 3.600000e+01 : f32
    %add3A_315 = vector.broadcast %add3A_314 : f32 to vector<1x2048xf32>
    %add3A_316 = arith.addf %add3A_315, %convert_element_type3A_170 : vector<1x2048xf32>
    %add3A_317 = arith.addf %add3A_307, %add3A_313 : vector<1x2048xf32>
    %mul3A_318 = arith.constant 5.000000e-01 : f32
    %mul3A_319 = vector.broadcast %mul3A_318 : f32 to vector<1x2048xf32>
    %mul3A_320 = arith.mulf %add3A_317, %mul3A_319 : vector<1x2048xf32>
    %add3A_321 = arith.addf %add3A_310, %add3A_316 : vector<1x2048xf32>
    %mul3A_322 = arith.constant 5.000000e-01 : f32
    %mul3A_323 = vector.broadcast %mul3A_322 : f32 to vector<1x2048xf32>
    %mul3A_324 = arith.mulf %add3A_321, %mul3A_323 : vector<1x2048xf32>
    %sub3A_325 = arith.subf %add3A_313, %add3A_307 : vector<1x2048xf32>
    %sub3A_326 = arith.subf %add3A_316, %add3A_310 : vector<1x2048xf32>
    %slice3A_327 = vector.extract_strided_slice %add3A_152 {offsets = [7, 0], sizes = [1, 2048], strides = [1, 1]} : vector<16x2048xf32> to vector<1x2048xf32>
    %slice3A_328 = vector.extract_strided_slice %add3A_152 {offsets = [8, 0], sizes = [1, 2048], strides = [1, 1]} : vector<16x2048xf32> to vector<1x2048xf32>
    %slice3A_329 = vector.extract_strided_slice %add3A_152 {offsets = [9, 0], sizes = [1, 2048], strides = [1, 1]} : vector<16x2048xf32> to vector<1x2048xf32>
    %slice3A_330 = vector.extract_strided_slice %add3A_152 {offsets = [10, 0], sizes = [1, 2048], strides = [1, 1]} : vector<16x2048xf32> to vector<1x2048xf32>
    %mul3A_331 = arith.mulf %slice3A_327, %sub3A_325 : vector<1x2048xf32>
    %add3A_332 = arith.addf %mul3A_320, %mul3A_331 : vector<1x2048xf32>
    %mul3A_333 = arith.mulf %slice3A_328, %sub3A_326 : vector<1x2048xf32>
    %add3A_334 = arith.addf %mul3A_324, %mul3A_333 : vector<1x2048xf32>
    %exp3A_335 = math.exp %slice3A_329 : vector<1x2048xf32>
    %mul3A_336 = arith.mulf %sub3A_325, %exp3A_335 : vector<1x2048xf32>
    %exp3A_337 = math.exp %slice3A_330 : vector<1x2048xf32>
    %mul3A_338 = arith.mulf %sub3A_326, %exp3A_337 : vector<1x2048xf32>
    %mul3A_339 = arith.constant 5.000000e-01 : f32
    %mul3A_340 = vector.broadcast %mul3A_339 : f32 to vector<1x2048xf32>
    %mul3A_341 = arith.mulf %mul3A_336, %mul3A_340 : vector<1x2048xf32>
    %sub3A_342 = arith.subf %add3A_332, %mul3A_341 : vector<1x2048xf32>
    %mul3A_343 = arith.constant 5.000000e-01 : f32
    %mul3A_344 = vector.broadcast %mul3A_343 : f32 to vector<1x2048xf32>
    %mul3A_345 = arith.mulf %mul3A_338, %mul3A_344 : vector<1x2048xf32>
    %sub3A_346 = arith.subf %add3A_334, %mul3A_345 : vector<1x2048xf32>
    %mul3A_347 = arith.constant 5.000000e-01 : f32
    %mul3A_348 = vector.broadcast %mul3A_347 : f32 to vector<1x2048xf32>
    %mul3A_349 = arith.mulf %mul3A_336, %mul3A_348 : vector<1x2048xf32>
    %add3A_350 = arith.addf %add3A_332, %mul3A_349 : vector<1x2048xf32>
    %mul3A_351 = arith.constant 5.000000e-01 : f32
    %mul3A_352 = vector.broadcast %mul3A_351 : f32 to vector<1x2048xf32>
    %mul3A_353 = arith.mulf %mul3A_338, %mul3A_352 : vector<1x2048xf32>
    %add3A_354 = arith.addf %add3A_334, %mul3A_353 : vector<1x2048xf32>
    %max3A_355 = arith.constant 0.000000e+00 : f32
    %max3A_356 = vector.broadcast %max3A_355 : f32 to vector<1x2048xf32>
    %max3A_357 = arith.maximumf %sub3A_342, %max3A_356 : vector<1x2048xf32>
    %min3A_358 = vector.broadcast %convert_element_type3A : f32 to vector<1x2048xf32>
    %min3A_359 = arith.minimumf %max3A_357, %min3A_358 : vector<1x2048xf32>
    %max3A_360 = arith.constant 0.000000e+00 : f32
    %max3A_361 = vector.broadcast %max3A_360 : f32 to vector<1x2048xf32>
    %max3A_362 = arith.maximumf %sub3A_346, %max3A_361 : vector<1x2048xf32>
    %min3A_363 = vector.broadcast %convert_element_type3A_159 : f32 to vector<1x2048xf32>
    %min3A_364 = arith.minimumf %max3A_362, %min3A_363 : vector<1x2048xf32>
    %max3A_365 = arith.constant 0.000000e+00 : f32
    %max3A_366 = vector.broadcast %max3A_365 : f32 to vector<1x2048xf32>
    %max3A_367 = arith.maximumf %add3A_350, %max3A_366 : vector<1x2048xf32>
    %min3A_368 = vector.broadcast %convert_element_type3A : f32 to vector<1x2048xf32>
    %min3A_369 = arith.minimumf %max3A_367, %min3A_368 : vector<1x2048xf32>
    %max3A_370 = arith.constant 0.000000e+00 : f32
    %max3A_371 = vector.broadcast %max3A_370 : f32 to vector<1x2048xf32>
    %max3A_372 = arith.maximumf %add3A_354, %max3A_371 : vector<1x2048xf32>
    %min3A_373 = vector.broadcast %convert_element_type3A_159 : f32 to vector<1x2048xf32>
    %min3A_374 = arith.minimumf %max3A_372, %min3A_373 : vector<1x2048xf32>
    %swap3A_375 = arith.constant 0 : index
    %swap3A_376 = arith.constant 1 : index
    %swap3A_377 = arith.constant 0 : index
    %swap3A_378 = vector.load %arg9[%swap3A_375, %swap3A_376, %swap3A_377] : memref<1x3x2048xf32, #tpu.memory_space<vmem>>, vector<1x1x2048xf32>
    %swap3A_379 = vector.shape_cast %swap3A_378 : vector<1x1x2048xf32> to vector<1x2048xf32>
    %swap3A_380 = vector.shape_cast %min3A_359 : vector<1x2048xf32> to vector<1x1x2048xf32>
    tpu.vector_store %arg9[%swap3A_375, %swap3A_376, %swap3A_377], %swap3A_380 {strides = array<i32>} : memref<1x3x2048xf32, #tpu.memory_space<vmem>>, vector<1x1x2048xf32>,
    %swap3A_381 = arith.constant 0 : index
    %swap3A_382 = arith.constant 1 : index
    %swap3A_383 = arith.constant 0 : index
    %swap3A_384 = vector.load %arg10[%swap3A_381, %swap3A_382, %swap3A_383] : memref<1x3x2048xf32, #tpu.memory_space<vmem>>, vector<1x1x2048xf32>
    %swap3A_385 = vector.shape_cast %swap3A_384 : vector<1x1x2048xf32> to vector<1x2048xf32>
    %swap3A_386 = vector.shape_cast %min3A_364 : vector<1x2048xf32> to vector<1x1x2048xf32>
    tpu.vector_store %arg10[%swap3A_381, %swap3A_382, %swap3A_383], %swap3A_386 {strides = array<i32>} : memref<1x3x2048xf32, #tpu.memory_space<vmem>>, vector<1x1x2048xf32>,
    %swap3A_387 = arith.constant 0 : index
    %swap3A_388 = arith.constant 1 : index
    %swap3A_389 = arith.constant 0 : index
    %swap3A_390 = vector.load %arg11[%swap3A_387, %swap3A_388, %swap3A_389] : memref<1x3x2048xf32, #tpu.memory_space<vmem>>, vector<1x1x2048xf32>
    %swap3A_391 = vector.shape_cast %swap3A_390 : vector<1x1x2048xf32> to vector<1x2048xf32>
    %swap3A_392 = vector.shape_cast %min3A_369 : vector<1x2048xf32> to vector<1x1x2048xf32>
    tpu.vector_store %arg11[%swap3A_387, %swap3A_388, %swap3A_389], %swap3A_392 {strides = array<i32>} : memref<1x3x2048xf32, #tpu.memory_space<vmem>>, vector<1x1x2048xf32>,
    %swap3A_393 = arith.constant 0 : index
    %swap3A_394 = arith.constant 1 : index
    %swap3A_395 = arith.constant 0 : index
    %swap3A_396 = vector.load %arg12[%swap3A_393, %swap3A_394, %swap3A_395] : memref<1x3x2048xf32, #tpu.memory_space<vmem>>, vector<1x1x2048xf32>
    %swap3A_397 = vector.shape_cast %swap3A_396 : vector<1x1x2048xf32> to vector<1x2048xf32>
    %swap3A_398 = vector.shape_cast %min3A_374 : vector<1x2048xf32> to vector<1x1x2048xf32>
    tpu.vector_store %arg12[%swap3A_393, %swap3A_394, %swap3A_395], %swap3A_398 {strides = array<i32>} : memref<1x3x2048xf32, #tpu.memory_space<vmem>>, vector<1x1x2048xf32>,
    %slice3A_399 = vector.extract_strided_slice %add3A_152 {offsets = [2, 0], sizes = [1, 2048], strides = [1, 1]} : vector<16x2048xf32> to vector<1x2048xf32>
    %swap3A_400 = arith.constant 0 : index
    %swap3A_401 = arith.constant 2 : index
    %swap3A_402 = arith.constant 0 : index
    %swap3A_403 = vector.load %arg8[%swap3A_400, %swap3A_401, %swap3A_402] : memref<1x3x2048xf32, #tpu.memory_space<vmem>>, vector<1x1x2048xf32>
    %swap3A_404 = vector.shape_cast %swap3A_403 : vector<1x1x2048xf32> to vector<1x2048xf32>
    %swap3A_405 = vector.shape_cast %slice3A_399 : vector<1x2048xf32> to vector<1x1x2048xf32>
    tpu.vector_store %arg8[%swap3A_400, %swap3A_401, %swap3A_402], %swap3A_405 {strides = array<i32>} : memref<1x3x2048xf32, #tpu.memory_space<vmem>>, vector<1x1x2048xf32>,
    %add3A_406 = arith.constant 49152 : i32
    %add3A_407 = vector.broadcast %add3A_406 : i32 to vector<1x2048xi32>
    %add3A_408 = arith.addi %add3A_407, %mul3A_177 : vector<1x2048xi32>
    %add3A_409 = arith.constant 2 : i32
    %add3A_410 = vector.broadcast %add3A_409 : i32 to vector<1x2048xi32>
    %add3A_411 = arith.addi %add3A_408, %add3A_410 : vector<1x2048xi32>
    %swap3A_412 = arith.constant 0 : index
    %swap3A_413 = arith.constant 2 : index
    %swap3A_414 = arith.constant 0 : index
    %swap3A_415 = vector.load %arg13[%swap3A_412, %swap3A_413, %swap3A_414] : memref<1x3x2048xi32, #tpu.memory_space<vmem>>, vector<1x1x2048xi32>
    %swap3A_416 = vector.shape_cast %swap3A_415 : vector<1x1x2048xi32> to vector<1x2048xi32>
    %swap3A_417 = vector.shape_cast %add3A_411 : vector<1x2048xi32> to vector<1x1x2048xi32>
    tpu.vector_store %arg13[%swap3A_412, %swap3A_413, %swap3A_414], %swap3A_417 {strides = array<i32>} : memref<1x3x2048xi32, #tpu.memory_space<vmem>>, vector<1x1x2048xi32>,
    %add3A_418 = arith.constant -41.2548332 : f32
    %add3A_419 = vector.broadcast %add3A_418 : f32 to vector<1x2048xf32>
    %add3A_420 = arith.addf %add3A_419, %convert_element_type3A_166 : vector<1x2048xf32>
    %add3A_421 = arith.constant -18.6274166 : f32
    %add3A_422 = vector.broadcast %add3A_421 : f32 to vector<1x2048xf32>
    %add3A_423 = arith.addf %add3A_422, %convert_element_type3A_170 : vector<1x2048xf32>
    %add3A_424 = arith.constant 49.2548332 : f32
    %add3A_425 = vector.broadcast %add3A_424 : f32 to vector<1x2048xf32>
    %add3A_426 = arith.addf %add3A_425, %convert_element_type3A_166 : vector<1x2048xf32>
    %add3A_427 = arith.constant 26.6274166 : f32
    %add3A_428 = vector.broadcast %add3A_427 : f32 to vector<1x2048xf32>
    %add3A_429 = arith.addf %add3A_428, %convert_element_type3A_170 : vector<1x2048xf32>
    %add3A_430 = arith.addf %add3A_420, %add3A_426 : vector<1x2048xf32>
    %mul3A_431 = arith.constant 5.000000e-01 : f32
    %mul3A_432 = vector.broadcast %mul3A_431 : f32 to vector<1x2048xf32>
    %mul3A_433 = arith.mulf %add3A_430, %mul3A_432 : vector<1x2048xf32>
    %add3A_434 = arith.addf %add3A_423, %add3A_429 : vector<1x2048xf32>
    %mul3A_435 = arith.constant 5.000000e-01 : f32
    %mul3A_436 = vector.broadcast %mul3A_435 : f32 to vector<1x2048xf32>
    %mul3A_437 = arith.mulf %add3A_434, %mul3A_436 : vector<1x2048xf32>
    %sub3A_438 = arith.subf %add3A_426, %add3A_420 : vector<1x2048xf32>
    %sub3A_439 = arith.subf %add3A_429, %add3A_423 : vector<1x2048xf32>
    %slice3A_440 = vector.extract_strided_slice %add3A_152 {offsets = [11, 0], sizes = [1, 2048], strides = [1, 1]} : vector<16x2048xf32> to vector<1x2048xf32>
    %slice3A_441 = vector.extract_strided_slice %add3A_152 {offsets = [12, 0], sizes = [1, 2048], strides = [1, 1]} : vector<16x2048xf32> to vector<1x2048xf32>
    %slice3A_442 = vector.extract_strided_slice %add3A_152 {offsets = [13, 0], sizes = [1, 2048], strides = [1, 1]} : vector<16x2048xf32> to vector<1x2048xf32>
    %slice3A_443 = vector.extract_strided_slice %add3A_152 {offsets = [14, 0], sizes = [1, 2048], strides = [1, 1]} : vector<16x2048xf32> to vector<1x2048xf32>
    %mul3A_444 = arith.mulf %slice3A_440, %sub3A_438 : vector<1x2048xf32>
    %add3A_445 = arith.addf %mul3A_433, %mul3A_444 : vector<1x2048xf32>
    %mul3A_446 = arith.mulf %slice3A_441, %sub3A_439 : vector<1x2048xf32>
    %add3A_447 = arith.addf %mul3A_437, %mul3A_446 : vector<1x2048xf32>
    %exp3A_448 = math.exp %slice3A_442 : vector<1x2048xf32>
    %mul3A_449 = arith.mulf %sub3A_438, %exp3A_448 : vector<1x2048xf32>
    %exp3A_450 = math.exp %slice3A_443 : vector<1x2048xf32>
    %mul3A_451 = arith.mulf %sub3A_439, %exp3A_450 : vector<1x2048xf32>
    %mul3A_452 = arith.constant 5.000000e-01 : f32
    %mul3A_453 = vector.broadcast %mul3A_452 : f32 to vector<1x2048xf32>
    %mul3A_454 = arith.mulf %mul3A_449, %mul3A_453 : vector<1x2048xf32>
    %sub3A_455 = arith.subf %add3A_445, %mul3A_454 : vector<1x2048xf32>
    %mul3A_456 = arith.constant 5.000000e-01 : f32
    %mul3A_457 = vector.broadcast %mul3A_456 : f32 to vector<1x2048xf32>
    %mul3A_458 = arith.mulf %mul3A_451, %mul3A_457 : vector<1x2048xf32>
    %sub3A_459 = arith.subf %add3A_447, %mul3A_458 : vector<1x2048xf32>
    %mul3A_460 = arith.constant 5.000000e-01 : f32
    %mul3A_461 = vector.broadcast %mul3A_460 : f32 to vector<1x2048xf32>
    %mul3A_462 = arith.mulf %mul3A_449, %mul3A_461 : vector<1x2048xf32>
    %add3A_463 = arith.addf %add3A_445, %mul3A_462 : vector<1x2048xf32>
    %mul3A_464 = arith.constant 5.000000e-01 : f32
    %mul3A_465 = vector.broadcast %mul3A_464 : f32 to vector<1x2048xf32>
    %mul3A_466 = arith.mulf %mul3A_451, %mul3A_465 : vector<1x2048xf32>
    %add3A_467 = arith.addf %add3A_447, %mul3A_466 : vector<1x2048xf32>
    %max3A_468 = arith.constant 0.000000e+00 : f32
    %max3A_469 = vector.broadcast %max3A_468 : f32 to vector<1x2048xf32>
    %max3A_470 = arith.maximumf %sub3A_455, %max3A_469 : vector<1x2048xf32>
    %min3A_471 = vector.broadcast %convert_element_type3A : f32 to vector<1x2048xf32>
    %min3A_472 = arith.minimumf %max3A_470, %min3A_471 : vector<1x2048xf32>
    %max3A_473 = arith.constant 0.000000e+00 : f32
    %max3A_474 = vector.broadcast %max3A_473 : f32 to vector<1x2048xf32>
    %max3A_475 = arith.maximumf %sub3A_459, %max3A_474 : vector<1x2048xf32>
    %min3A_476 = vector.broadcast %convert_element_type3A_159 : f32 to vector<1x2048xf32>
    %min3A_477 = arith.minimumf %max3A_475, %min3A_476 : vector<1x2048xf32>
    %max3A_478 = arith.constant 0.000000e+00 : f32
    %max3A_479 = vector.broadcast %max3A_478 : f32 to vector<1x2048xf32>
    %max3A_480 = arith.maximumf %add3A_463, %max3A_479 : vector<1x2048xf32>
    %min3A_481 = vector.broadcast %convert_element_type3A : f32 to vector<1x2048xf32>
    %min3A_482 = arith.minimumf %max3A_480, %min3A_481 : vector<1x2048xf32>
    %max3A_483 = arith.constant 0.000000e+00 : f32
    %max3A_484 = vector.broadcast %max3A_483 : f32 to vector<1x2048xf32>
    %max3A_485 = arith.maximumf %add3A_467, %max3A_484 : vector<1x2048xf32>
    %min3A_486 = vector.broadcast %convert_element_type3A_159 : f32 to vector<1x2048xf32>
    %min3A_487 = arith.minimumf %max3A_485, %min3A_486 : vector<1x2048xf32>
    %swap3A_488 = arith.constant 0 : index
    %swap3A_489 = arith.constant 2 : index
    %swap3A_490 = arith.constant 0 : index
    %swap3A_491 = vector.load %arg9[%swap3A_488, %swap3A_489, %swap3A_490] : memref<1x3x2048xf32, #tpu.memory_space<vmem>>, vector<1x1x2048xf32>
    %swap3A_492 = vector.shape_cast %swap3A_491 : vector<1x1x2048xf32> to vector<1x2048xf32>
    %swap3A_493 = vector.shape_cast %min3A_472 : vector<1x2048xf32> to vector<1x1x2048xf32>
    tpu.vector_store %arg9[%swap3A_488, %swap3A_489, %swap3A_490], %swap3A_493 {strides = array<i32>} : memref<1x3x2048xf32, #tpu.memory_space<vmem>>, vector<1x1x2048xf32>,
    %swap3A_494 = arith.constant 0 : index
    %swap3A_495 = arith.constant 2 : index
    %swap3A_496 = arith.constant 0 : index
    %swap3A_497 = vector.load %arg10[%swap3A_494, %swap3A_495, %swap3A_496] : memref<1x3x2048xf32, #tpu.memory_space<vmem>>, vector<1x1x2048xf32>
    %swap3A_498 = vector.shape_cast %swap3A_497 : vector<1x1x2048xf32> to vector<1x2048xf32>
    %swap3A_499 = vector.shape_cast %min3A_477 : vector<1x2048xf32> to vector<1x1x2048xf32>
    tpu.vector_store %arg10[%swap3A_494, %swap3A_495, %swap3A_496], %swap3A_499 {strides = array<i32>} : memref<1x3x2048xf32, #tpu.memory_space<vmem>>, vector<1x1x2048xf32>,
    %swap3A_500 = arith.constant 0 : index
    %swap3A_501 = arith.constant 2 : index
    %swap3A_502 = arith.constant 0 : index
    %swap3A_503 = vector.load %arg11[%swap3A_500, %swap3A_501, %swap3A_502] : memref<1x3x2048xf32, #tpu.memory_space<vmem>>, vector<1x1x2048xf32>
    %swap3A_504 = vector.shape_cast %swap3A_503 : vector<1x1x2048xf32> to vector<1x2048xf32>
    %swap3A_505 = vector.shape_cast %min3A_482 : vector<1x2048xf32> to vector<1x1x2048xf32>
    tpu.vector_store %arg11[%swap3A_500, %swap3A_501, %swap3A_502], %swap3A_505 {strides = array<i32>} : memref<1x3x2048xf32, #tpu.memory_space<vmem>>, vector<1x1x2048xf32>,
    %swap3A_506 = arith.constant 0 : index
    %swap3A_507 = arith.constant 2 : index
    %swap3A_508 = arith.constant 0 : index
    %swap3A_509 = vector.load %arg12[%swap3A_506, %swap3A_507, %swap3A_508] : memref<1x3x2048xf32, #tpu.memory_space<vmem>>, vector<1x1x2048xf32>
    %swap3A_510 = vector.shape_cast %swap3A_509 : vector<1x1x2048xf32> to vector<1x2048xf32>
    %swap3A_511 = vector.shape_cast %min3A_487 : vector<1x2048xf32> to vector<1x1x2048xf32>
    tpu.vector_store %arg12[%swap3A_506, %swap3A_507, %swap3A_508], %swap3A_511 {strides = array<i32>} : memref<1x3x2048xf32, #tpu.memory_space<vmem>>, vector<1x1x2048xf32>,
    return
  }
  func.func @transform_0(%arg0: i32, %arg1: i32) -> (i32, i32, i32, i32) {
    %c0_i32 = arith.constant 0 : i32
    %c0_i32_0 = arith.constant 0 : i32
    %c0_i32_1 = arith.constant 0 : i32
    return %arg0, %arg1, %c0_i32, %c0_i32_0 : i32, i32, i32, i32
  }
  func.func @transform_1(%arg0: i32, %arg1: i32) -> (i32, i32, i32) {
    %c0_i32 = arith.constant 0 : i32
    %c0_i32_0 = arith.constant 0 : i32
    %c0_i32_1 = arith.constant 0 : i32
    %c0_i32_2 = arith.constant 0 : i32
    return %c0_i32, %c0_i32_0, %c0_i32_1 : i32, i32, i32
  }
  func.func @transform_2(%arg0: i32, %arg1: i32) -> (i32, i32) {
    %c0_i32 = arith.constant 0 : i32
    %c0_i32_0 = arith.constant 0 : i32
    %c0_i32_1 = arith.constant 0 : i32
    return %c0_i32, %c0_i32_0 : i32, i32
  }
  func.func @transform_3(%arg0: i32, %arg1: i32) -> (i32, i32) {
    %c0_i32 = arith.constant 0 : i32
    %c0_i32_0 = arith.constant 0 : i32
    %c0_i32_1 = arith.constant 0 : i32
    return %c0_i32, %c0_i32_0 : i32, i32
  }
  func.func @transform_4(%arg0: i32, %arg1: i32) -> (i32, i32) {
    %c0_i32 = arith.constant 0 : i32
    %c0_i32_0 = arith.constant 0 : i32
    %c0_i32_1 = arith.constant 0 : i32
    return %c0_i32, %c0_i32_0 : i32, i32
  }
  func.func @transform_5(%arg0: i32, %arg1: i32) -> (i32, i32) {
    %c0_i32 = arith.constant 0 : i32
    %c0_i32_0 = arith.constant 0 : i32
    %c0_i32_1 = arith.constant 0 : i32
    return %c0_i32, %c0_i32_0 : i32, i32
  }
  func.func @transform_6(%arg0: i32, %arg1: i32) -> (i32, i32, i32) {
    %c0_i32 = arith.constant 0 : i32
    %c0_i32_0 = arith.constant 0 : i32
    return %arg0, %c0_i32, %arg1 : i32, i32, i32
  }
  func.func @transform_7(%arg0: i32, %arg1: i32) -> (i32, i32, i32) {
    %c0_i32 = arith.constant 0 : i32
    %c0_i32_0 = arith.constant 0 : i32
    return %arg0, %c0_i32, %arg1 : i32, i32, i32
  }
  func.func @transform_8(%arg0: i32, %arg1: i32) -> (i32, i32, i32) {
    %c0_i32 = arith.constant 0 : i32
    %c0_i32_0 = arith.constant 0 : i32
    return %arg0, %c0_i32, %arg1 : i32, i32, i32
  }
  func.func @transform_9(%arg0: i32, %arg1: i32) -> (i32, i32, i32) {
    %c0_i32 = arith.constant 0 : i32
    %c0_i32_0 = arith.constant 0 : i32
    return %arg0, %c0_i32, %arg1 : i32, i32, i32
  }
  func.func @transform_10(%arg0: i32, %arg1: i32) -> (i32, i32, i32) {
    %c0_i32 = arith.constant 0 : i32
    %c0_i32_0 = arith.constant 0 : i32
    return %arg0, %c0_i32, %arg1 : i32, i32, i32
  }
  func.func @transform_11(%arg0: i32, %arg1: i32) -> (i32, i32, i32) {
    %c0_i32 = arith.constant 0 : i32
    %c0_i32_0 = arith.constant 0 : i32
    return %arg0, %c0_i32, %arg1 : i32, i32, i32
  }
}

module attributes {stable_mosaic.version = 14 : i64} {
  func.func @_head_kernel(%arg0: i32, %arg1: i32, %arg2: memref<1x1x256x1088xf32, #tpu.memory_space<vmem>>, %arg3: memref<9x256x256xf32, #tpu.memory_space<vmem>>, %arg4: memref<256x1xf32, #tpu.memory_space<vmem>>, %arg5: memref<16x256xf32, #tpu.memory_space<vmem>>, %arg6: memref<16x1xf32, #tpu.memory_space<vmem>>, %arg7: memref<2x2xi32, #tpu.memory_space<smem>>, %arg8: memref<1x3x1024xf32, #tpu.memory_space<vmem>>, %arg9: memref<1x3x1024xf32, #tpu.memory_space<vmem>>, %arg10: memref<1x3x1024xf32, #tpu.memory_space<vmem>>, %arg11: memref<1x3x1024xf32, #tpu.memory_space<vmem>>, %arg12: memref<1x3x1024xf32, #tpu.memory_space<vmem>>, %arg13: memref<1x3x1024xi32, #tpu.memory_space<vmem>>) attributes {dimension_semantics = [#tpu.dimension_semantics<arbitrary>, #tpu.dimension_semantics<arbitrary>], iteration_bounds = array<i64: 2, 1>, scalar_prefetch = 0 : i64, scratch_operands = 0 : i64, tpu.core_type = #tpu.core_type<tc>, window_params = [{transform_indices = @transform_0, window_bounds = array<i64: 1, 1, 256, 1088>}, {pipeline_mode = #tpu.pipeline_mode<synchronous>, transform_indices = @transform_1, window_bounds = array<i64: 9, 256, 256>}, {pipeline_mode = #tpu.pipeline_mode<synchronous>, transform_indices = @transform_2, window_bounds = array<i64: 256, 1>}, {pipeline_mode = #tpu.pipeline_mode<synchronous>, transform_indices = @transform_3, window_bounds = array<i64: 16, 256>}, {pipeline_mode = #tpu.pipeline_mode<synchronous>, transform_indices = @transform_4, window_bounds = array<i64: 16, 1>}, {transform_indices = @transform_5, window_bounds = array<i64: 2, 2>}, {transform_indices = @transform_6, window_bounds = array<i64: 1, 3, 1024>}, {transform_indices = @transform_7, window_bounds = array<i64: 1, 3, 1024>}, {transform_indices = @transform_8, window_bounds = array<i64: 1, 3, 1024>}, {transform_indices = @transform_9, window_bounds = array<i64: 1, 3, 1024>}, {transform_indices = @transform_10, window_bounds = array<i64: 1, 3, 1024>}, {transform_indices = @transform_11, window_bounds = array<i64: 1, 3, 1024>}]} {
    %iota3A = tpu.iota {dimensions = array<i32: 1>} : vector<1x1024xi32>
    %shift_right_arithmetic3A = arith.constant 5 : i32
    %shift_right_arithmetic3A_0 = vector.broadcast %shift_right_arithmetic3A : i32 to vector<1x1024xi32>
    %shift_right_arithmetic3A_1 = arith.shrsi %iota3A, %shift_right_arithmetic3A_0 : vector<1x1024xi32>
    %and3A = arith.constant 31 : i32
    %and3A_2 = vector.broadcast %and3A : i32 to vector<1x1024xi32>
    %and3A_3 = arith.andi %iota3A, %and3A_2 : vector<1x1024xi32>
    %eq3A = arith.constant 0 : i32
    %eq3A_4 = vector.broadcast %eq3A : i32 to vector<1x1024xi32>
    %eq3A_5 = arith.cmpi eq, %and3A_3, %eq3A_4 : vector<1x1024xi32>
    %eq3A_6 = arith.constant 31 : i32
    %eq3A_7 = vector.broadcast %eq3A_6 : i32 to vector<1x1024xi32>
    %eq3A_8 = arith.cmpi eq, %and3A_3, %eq3A_7 : vector<1x1024xi32>
    %broadcast_in_dim3A = arith.constant 0.000000e+00 : f32
    %broadcast_in_dim3A_9 = vector.broadcast %broadcast_in_dim3A : f32 to vector<256x1024xf32>
    %get3A = arith.constant 0 : index
    %get3A_10 = arith.constant 0 : index
    %get3A_11 = arith.constant 0 : index
    %get3A_12 = arith.constant 0 : index
    %get3A_13 = vector.load %arg2[%get3A, %get3A_10, %get3A_11, %get3A_12] : memref<1x1x256x1088xf32, #tpu.memory_space<vmem>>, vector<1x1x256x1024xf32>
    %get3A_14 = vector.shape_cast %get3A_13 : vector<1x1x256x1024xf32> to vector<256x1024xf32>
    %roll3A = arith.constant 1 : i32
    %roll3A_15 = tpu.dynamic_rotate %get3A_14 by %roll3A dim 1 : vector<256x1024xf32>, i32 -> vector<256x1024xf32>
    %jit3A = arith.constant 0.000000e+00 : f32
    %broadcast_in_dim3A_16 = vector.shape_cast %eq3A_5 : vector<1x1024xi1> to vector<1x1024xi1>
    %broadcast_in_dim3A_17 = vector.broadcast %broadcast_in_dim3A_16 : vector<1x1024xi1> to vector<256x1024xi1>
    %broadcast_in_dim3A_18 = vector.broadcast %jit3A : f32 to vector<256x1024xf32>
    %select_n3A = arith.select %broadcast_in_dim3A_17, %broadcast_in_dim3A_18, %roll3A_15 : vector<256x1024xi1>, vector<256x1024xf32>
    %get3A_19 = arith.constant 0 : index
    %get3A_20 = arith.constant 0 : index
    %get3A_21 = arith.constant 0 : index
    %get3A_22 = vector.load %arg3[%get3A_19, %get3A_20, %get3A_21] : memref<9x256x256xf32, #tpu.memory_space<vmem>>, vector<1x256x256xf32>
    %get3A_23 = vector.shape_cast %get3A_22 : vector<1x256x256xf32> to vector<256x256xf32>
    %dot_general3A = arith.constant dense<0.000000e+00> : vector<256x1024xf32>
    %dot_general3A_24 = tpu.matmul %get3A_23, %select_n3A, %dot_general3A {dimension_numbers = #tpu.dot_dimension_numbers<[1], [0], [0], [1], [0, 0, 1, 1], [], []>, transpose_lhs_hint = false} : vector<256x256xf32>, vector<256x1024xf32>, vector<256x1024xf32> -> vector<256x1024xf32>
    %add3A = arith.addf %broadcast_in_dim3A_9, %dot_general3A_24 : vector<256x1024xf32>
    %get3A_25 = arith.constant 1 : index
    %get3A_26 = arith.constant 0 : index
    %get3A_27 = arith.constant 0 : index
    %get3A_28 = vector.load %arg3[%get3A_25, %get3A_26, %get3A_27] : memref<9x256x256xf32, #tpu.memory_space<vmem>>, vector<1x256x256xf32>
    %get3A_29 = vector.shape_cast %get3A_28 : vector<1x256x256xf32> to vector<256x256xf32>
    %dot_general3A_30 = arith.constant dense<0.000000e+00> : vector<256x1024xf32>
    %dot_general3A_31 = tpu.matmul %get3A_29, %get3A_14, %dot_general3A_30 {dimension_numbers = #tpu.dot_dimension_numbers<[1], [0], [0], [1], [0, 0, 1, 1], [], []>, transpose_lhs_hint = false} : vector<256x256xf32>, vector<256x1024xf32>, vector<256x1024xf32> -> vector<256x1024xf32>
    %add3A_32 = arith.addf %add3A, %dot_general3A_31 : vector<256x1024xf32>
    %roll3A_33 = arith.constant 1023 : i32
    %roll3A_34 = tpu.dynamic_rotate %get3A_14 by %roll3A_33 dim 1 : vector<256x1024xf32>, i32 -> vector<256x1024xf32>
    %jit3A_35 = arith.constant 0.000000e+00 : f32
    %broadcast_in_dim3A_36 = vector.shape_cast %eq3A_8 : vector<1x1024xi1> to vector<1x1024xi1>
    %broadcast_in_dim3A_37 = vector.broadcast %broadcast_in_dim3A_36 : vector<1x1024xi1> to vector<256x1024xi1>
    %broadcast_in_dim3A_38 = vector.broadcast %jit3A_35 : f32 to vector<256x1024xf32>
    %select_n3A_39 = arith.select %broadcast_in_dim3A_37, %broadcast_in_dim3A_38, %roll3A_34 : vector<256x1024xi1>, vector<256x1024xf32>
    %get3A_40 = arith.constant 2 : index
    %get3A_41 = arith.constant 0 : index
    %get3A_42 = arith.constant 0 : index
    %get3A_43 = vector.load %arg3[%get3A_40, %get3A_41, %get3A_42] : memref<9x256x256xf32, #tpu.memory_space<vmem>>, vector<1x256x256xf32>
    %get3A_44 = vector.shape_cast %get3A_43 : vector<1x256x256xf32> to vector<256x256xf32>
    %dot_general3A_45 = arith.constant dense<0.000000e+00> : vector<256x1024xf32>
    %dot_general3A_46 = tpu.matmul %get3A_44, %select_n3A_39, %dot_general3A_45 {dimension_numbers = #tpu.dot_dimension_numbers<[1], [0], [0], [1], [0, 0, 1, 1], [], []>, transpose_lhs_hint = false} : vector<256x256xf32>, vector<256x1024xf32>, vector<256x1024xf32> -> vector<256x1024xf32>
    %add3A_47 = arith.addf %add3A_32, %dot_general3A_46 : vector<256x1024xf32>
    %get3A_48 = arith.constant 0 : index
    %get3A_49 = arith.constant 0 : index
    %get3A_50 = arith.constant 0 : index
    %get3A_51 = arith.constant 32 : index
    %get3A_52 = vector.load %arg2[%get3A_48, %get3A_49, %get3A_50, %get3A_51] : memref<1x1x256x1088xf32, #tpu.memory_space<vmem>>, vector<1x1x256x1024xf32>
    %get3A_53 = vector.shape_cast %get3A_52 : vector<1x1x256x1024xf32> to vector<256x1024xf32>
    %roll3A_54 = arith.constant 1 : i32
    %roll3A_55 = tpu.dynamic_rotate %get3A_53 by %roll3A_54 dim 1 : vector<256x1024xf32>, i32 -> vector<256x1024xf32>
    %jit3A_56 = arith.constant 0.000000e+00 : f32
    %broadcast_in_dim3A_57 = vector.shape_cast %eq3A_5 : vector<1x1024xi1> to vector<1x1024xi1>
    %broadcast_in_dim3A_58 = vector.broadcast %broadcast_in_dim3A_57 : vector<1x1024xi1> to vector<256x1024xi1>
    %broadcast_in_dim3A_59 = vector.broadcast %jit3A_56 : f32 to vector<256x1024xf32>
    %select_n3A_60 = arith.select %broadcast_in_dim3A_58, %broadcast_in_dim3A_59, %roll3A_55 : vector<256x1024xi1>, vector<256x1024xf32>
    %get3A_61 = arith.constant 3 : index
    %get3A_62 = arith.constant 0 : index
    %get3A_63 = arith.constant 0 : index
    %get3A_64 = vector.load %arg3[%get3A_61, %get3A_62, %get3A_63] : memref<9x256x256xf32, #tpu.memory_space<vmem>>, vector<1x256x256xf32>
    %get3A_65 = vector.shape_cast %get3A_64 : vector<1x256x256xf32> to vector<256x256xf32>
    %dot_general3A_66 = arith.constant dense<0.000000e+00> : vector<256x1024xf32>
    %dot_general3A_67 = tpu.matmul %get3A_65, %select_n3A_60, %dot_general3A_66 {dimension_numbers = #tpu.dot_dimension_numbers<[1], [0], [0], [1], [0, 0, 1, 1], [], []>, transpose_lhs_hint = false} : vector<256x256xf32>, vector<256x1024xf32>, vector<256x1024xf32> -> vector<256x1024xf32>
    %add3A_68 = arith.addf %add3A_47, %dot_general3A_67 : vector<256x1024xf32>
    %get3A_69 = arith.constant 4 : index
    %get3A_70 = arith.constant 0 : index
    %get3A_71 = arith.constant 0 : index
    %get3A_72 = vector.load %arg3[%get3A_69, %get3A_70, %get3A_71] : memref<9x256x256xf32, #tpu.memory_space<vmem>>, vector<1x256x256xf32>
    %get3A_73 = vector.shape_cast %get3A_72 : vector<1x256x256xf32> to vector<256x256xf32>
    %dot_general3A_74 = arith.constant dense<0.000000e+00> : vector<256x1024xf32>
    %dot_general3A_75 = tpu.matmul %get3A_73, %get3A_53, %dot_general3A_74 {dimension_numbers = #tpu.dot_dimension_numbers<[1], [0], [0], [1], [0, 0, 1, 1], [], []>, transpose_lhs_hint = false} : vector<256x256xf32>, vector<256x1024xf32>, vector<256x1024xf32> -> vector<256x1024xf32>
    %add3A_76 = arith.addf %add3A_68, %dot_general3A_75 : vector<256x1024xf32>
    %roll3A_77 = arith.constant 1023 : i32
    %roll3A_78 = tpu.dynamic_rotate %get3A_53 by %roll3A_77 dim 1 : vector<256x1024xf32>, i32 -> vector<256x1024xf32>
    %jit3A_79 = arith.constant 0.000000e+00 : f32
    %broadcast_in_dim3A_80 = vector.shape_cast %eq3A_8 : vector<1x1024xi1> to vector<1x1024xi1>
    %broadcast_in_dim3A_81 = vector.broadcast %broadcast_in_dim3A_80 : vector<1x1024xi1> to vector<256x1024xi1>
    %broadcast_in_dim3A_82 = vector.broadcast %jit3A_79 : f32 to vector<256x1024xf32>
    %select_n3A_83 = arith.select %broadcast_in_dim3A_81, %broadcast_in_dim3A_82, %roll3A_78 : vector<256x1024xi1>, vector<256x1024xf32>
    %get3A_84 = arith.constant 5 : index
    %get3A_85 = arith.constant 0 : index
    %get3A_86 = arith.constant 0 : index
    %get3A_87 = vector.load %arg3[%get3A_84, %get3A_85, %get3A_86] : memref<9x256x256xf32, #tpu.memory_space<vmem>>, vector<1x256x256xf32>
    %get3A_88 = vector.shape_cast %get3A_87 : vector<1x256x256xf32> to vector<256x256xf32>
    %dot_general3A_89 = arith.constant dense<0.000000e+00> : vector<256x1024xf32>
    %dot_general3A_90 = tpu.matmul %get3A_88, %select_n3A_83, %dot_general3A_89 {dimension_numbers = #tpu.dot_dimension_numbers<[1], [0], [0], [1], [0, 0, 1, 1], [], []>, transpose_lhs_hint = false} : vector<256x256xf32>, vector<256x1024xf32>, vector<256x1024xf32> -> vector<256x1024xf32>
    %add3A_91 = arith.addf %add3A_76, %dot_general3A_90 : vector<256x1024xf32>
    %get3A_92 = arith.constant 0 : index
    %get3A_93 = arith.constant 0 : index
    %get3A_94 = arith.constant 0 : index
    %get3A_95 = arith.constant 64 : index
    %get3A_96 = vector.load %arg2[%get3A_92, %get3A_93, %get3A_94, %get3A_95] : memref<1x1x256x1088xf32, #tpu.memory_space<vmem>>, vector<1x1x256x1024xf32>
    %get3A_97 = vector.shape_cast %get3A_96 : vector<1x1x256x1024xf32> to vector<256x1024xf32>
    %roll3A_98 = arith.constant 1 : i32
    %roll3A_99 = tpu.dynamic_rotate %get3A_97 by %roll3A_98 dim 1 : vector<256x1024xf32>, i32 -> vector<256x1024xf32>
    %jit3A_100 = arith.constant 0.000000e+00 : f32
    %broadcast_in_dim3A_101 = vector.shape_cast %eq3A_5 : vector<1x1024xi1> to vector<1x1024xi1>
    %broadcast_in_dim3A_102 = vector.broadcast %broadcast_in_dim3A_101 : vector<1x1024xi1> to vector<256x1024xi1>
    %broadcast_in_dim3A_103 = vector.broadcast %jit3A_100 : f32 to vector<256x1024xf32>
    %select_n3A_104 = arith.select %broadcast_in_dim3A_102, %broadcast_in_dim3A_103, %roll3A_99 : vector<256x1024xi1>, vector<256x1024xf32>
    %get3A_105 = arith.constant 6 : index
    %get3A_106 = arith.constant 0 : index
    %get3A_107 = arith.constant 0 : index
    %get3A_108 = vector.load %arg3[%get3A_105, %get3A_106, %get3A_107] : memref<9x256x256xf32, #tpu.memory_space<vmem>>, vector<1x256x256xf32>
    %get3A_109 = vector.shape_cast %get3A_108 : vector<1x256x256xf32> to vector<256x256xf32>
    %dot_general3A_110 = arith.constant dense<0.000000e+00> : vector<256x1024xf32>
    %dot_general3A_111 = tpu.matmul %get3A_109, %select_n3A_104, %dot_general3A_110 {dimension_numbers = #tpu.dot_dimension_numbers<[1], [0], [0], [1], [0, 0, 1, 1], [], []>, transpose_lhs_hint = false} : vector<256x256xf32>, vector<256x1024xf32>, vector<256x1024xf32> -> vector<256x1024xf32>
    %add3A_112 = arith.addf %add3A_91, %dot_general3A_111 : vector<256x1024xf32>
    %get3A_113 = arith.constant 7 : index
    %get3A_114 = arith.constant 0 : index
    %get3A_115 = arith.constant 0 : index
    %get3A_116 = vector.load %arg3[%get3A_113, %get3A_114, %get3A_115] : memref<9x256x256xf32, #tpu.memory_space<vmem>>, vector<1x256x256xf32>
    %get3A_117 = vector.shape_cast %get3A_116 : vector<1x256x256xf32> to vector<256x256xf32>
    %dot_general3A_118 = arith.constant dense<0.000000e+00> : vector<256x1024xf32>
    %dot_general3A_119 = tpu.matmul %get3A_117, %get3A_97, %dot_general3A_118 {dimension_numbers = #tpu.dot_dimension_numbers<[1], [0], [0], [1], [0, 0, 1, 1], [], []>, transpose_lhs_hint = false} : vector<256x256xf32>, vector<256x1024xf32>, vector<256x1024xf32> -> vector<256x1024xf32>
    %add3A_120 = arith.addf %add3A_112, %dot_general3A_119 : vector<256x1024xf32>
    %roll3A_121 = arith.constant 1023 : i32
    %roll3A_122 = tpu.dynamic_rotate %get3A_97 by %roll3A_121 dim 1 : vector<256x1024xf32>, i32 -> vector<256x1024xf32>
    %jit3A_123 = arith.constant 0.000000e+00 : f32
    %broadcast_in_dim3A_124 = vector.shape_cast %eq3A_8 : vector<1x1024xi1> to vector<1x1024xi1>
    %broadcast_in_dim3A_125 = vector.broadcast %broadcast_in_dim3A_124 : vector<1x1024xi1> to vector<256x1024xi1>
    %broadcast_in_dim3A_126 = vector.broadcast %jit3A_123 : f32 to vector<256x1024xf32>
    %select_n3A_127 = arith.select %broadcast_in_dim3A_125, %broadcast_in_dim3A_126, %roll3A_122 : vector<256x1024xi1>, vector<256x1024xf32>
    %get3A_128 = arith.constant 8 : index
    %get3A_129 = arith.constant 0 : index
    %get3A_130 = arith.constant 0 : index
    %get3A_131 = vector.load %arg3[%get3A_128, %get3A_129, %get3A_130] : memref<9x256x256xf32, #tpu.memory_space<vmem>>, vector<1x256x256xf32>
    %get3A_132 = vector.shape_cast %get3A_131 : vector<1x256x256xf32> to vector<256x256xf32>
    %dot_general3A_133 = arith.constant dense<0.000000e+00> : vector<256x1024xf32>
    %dot_general3A_134 = tpu.matmul %get3A_132, %select_n3A_127, %dot_general3A_133 {dimension_numbers = #tpu.dot_dimension_numbers<[1], [0], [0], [1], [0, 0, 1, 1], [], []>, transpose_lhs_hint = false} : vector<256x256xf32>, vector<256x1024xf32>, vector<256x1024xf32> -> vector<256x1024xf32>
    %add3A_135 = arith.addf %add3A_120, %dot_general3A_134 : vector<256x1024xf32>
    %get3A_136 = arith.constant 0 : index
    %get3A_137 = arith.constant 0 : index
    %get3A_138 = vector.load %arg4[%get3A_136, %get3A_137] : memref<256x1xf32, #tpu.memory_space<vmem>>, vector<256x1xf32>
    %add3A_139 = vector.broadcast %get3A_138 : vector<256x1xf32> to vector<256x1024xf32>
    %add3A_140 = arith.addf %add3A_135, %add3A_139 : vector<256x1024xf32>
    %max3A = arith.constant 0.000000e+00 : f32
    %max3A_141 = vector.broadcast %max3A : f32 to vector<256x1024xf32>
    %max3A_142 = arith.maximumf %add3A_140, %max3A_141 : vector<256x1024xf32>
    %get3A_143 = arith.constant 0 : index
    %get3A_144 = arith.constant 0 : index
    %get3A_145 = vector.load %arg5[%get3A_143, %get3A_144] : memref<16x256xf32, #tpu.memory_space<vmem>>, vector<16x256xf32>
    %dot_general3A_146 = arith.constant dense<0.000000e+00> : vector<16x1024xf32>
    %dot_general3A_147 = tpu.matmul %get3A_145, %max3A_142, %dot_general3A_146 {dimension_numbers = #tpu.dot_dimension_numbers<[1], [0], [0], [1], [0, 0, 1, 1], [], []>, transpose_lhs_hint = false} : vector<16x256xf32>, vector<256x1024xf32>, vector<16x1024xf32> -> vector<16x1024xf32>
    %get3A_148 = arith.constant 0 : index
    %get3A_149 = arith.constant 0 : index
    %get3A_150 = vector.load %arg6[%get3A_148, %get3A_149] : memref<16x1xf32, #tpu.memory_space<vmem>>, vector<16x1xf32>
    %add3A_151 = vector.broadcast %get3A_150 : vector<16x1xf32> to vector<16x1024xf32>
    %add3A_152 = arith.addf %dot_general3A_147, %add3A_151 : vector<16x1024xf32>
    %get3A_153 = arith.index_cast %arg0 : i32 to index
    %get3A_154 = arith.constant 0 : index
    %get3A_155 = memref.load %arg7[%get3A_153, %get3A_154] : memref<2x2xi32, #tpu.memory_space<smem>>
    %convert_element_type3A = arith.sitofp %get3A_155 : i32 to f32
    %get3A_156 = arith.index_cast %arg0 : i32 to index
    %get3A_157 = arith.constant 1 : index
    %get3A_158 = memref.load %arg7[%get3A_156, %get3A_157] : memref<2x2xi32, #tpu.memory_space<smem>>
    %convert_element_type3A_159 = arith.sitofp %get3A_158 : i32 to f32
    %mul3A = arith.constant 32 : i32
    %mul3A_160 = arith.muli %arg1, %mul3A : i32
    %add3A_161 = vector.broadcast %mul3A_160 : i32 to vector<1x1024xi32>
    %add3A_162 = arith.addi %add3A_161, %shift_right_arithmetic3A_1 : vector<1x1024xi32>
    %mul3A_163 = arith.constant 16 : i32
    %mul3A_164 = vector.broadcast %mul3A_163 : i32 to vector<1x1024xi32>
    %mul3A_165 = arith.muli %add3A_162, %mul3A_164 : vector<1x1024xi32>
    %convert_element_type3A_166 = arith.sitofp %mul3A_165 : vector<1x1024xi32> to vector<1x1024xf32>
    %mul3A_167 = arith.constant 16 : i32
    %mul3A_168 = vector.broadcast %mul3A_167 : i32 to vector<1x1024xi32>
    %mul3A_169 = arith.muli %and3A_3, %mul3A_168 : vector<1x1024xi32>
    %convert_element_type3A_170 = arith.sitofp %mul3A_169 : vector<1x1024xi32> to vector<1x1024xf32>
    %mul3A_171 = arith.constant 32 : i32
    %mul3A_172 = vector.broadcast %mul3A_171 : i32 to vector<1x1024xi32>
    %mul3A_173 = arith.muli %add3A_162, %mul3A_172 : vector<1x1024xi32>
    %add3A_174 = arith.addi %mul3A_173, %and3A_3 : vector<1x1024xi32>
    %mul3A_175 = arith.constant 3 : i32
    %mul3A_176 = vector.broadcast %mul3A_175 : i32 to vector<1x1024xi32>
    %mul3A_177 = arith.muli %add3A_174, %mul3A_176 : vector<1x1024xi32>
    %slice3A = vector.extract_strided_slice %add3A_152 {offsets = [0, 0], sizes = [1, 1024], strides = [1, 1]} : vector<16x1024xf32> to vector<1x1024xf32>
    %swap3A = arith.constant 0 : index
    %swap3A_178 = arith.constant 0 : index
    %swap3A_179 = arith.constant 0 : index
    %swap3A_180 = vector.load %arg8[%swap3A, %swap3A_178, %swap3A_179] : memref<1x3x1024xf32, #tpu.memory_space<vmem>>, vector<1x1x1024xf32>
    %swap3A_181 = vector.shape_cast %swap3A_180 : vector<1x1x1024xf32> to vector<1x1024xf32>
    %swap3A_182 = vector.shape_cast %slice3A : vector<1x1024xf32> to vector<1x1x1024xf32>
    tpu.vector_store %arg8[%swap3A, %swap3A_178, %swap3A_179], %swap3A_182 {strides = array<i32>} : memref<1x3x1024xf32, #tpu.memory_space<vmem>>, vector<1x1x1024xf32>,
    %add3A_183 = arith.constant 61440 : i32
    %add3A_184 = vector.broadcast %add3A_183 : i32 to vector<1x1024xi32>
    %add3A_185 = arith.addi %add3A_184, %mul3A_177 : vector<1x1024xi32>
    %add3A_186 = arith.constant 0 : i32
    %add3A_187 = vector.broadcast %add3A_186 : i32 to vector<1x1024xi32>
    %add3A_188 = arith.addi %add3A_185, %add3A_187 : vector<1x1024xi32>
    %swap3A_189 = arith.constant 0 : index
    %swap3A_190 = arith.constant 0 : index
    %swap3A_191 = arith.constant 0 : index
    %swap3A_192 = vector.load %arg13[%swap3A_189, %swap3A_190, %swap3A_191] : memref<1x3x1024xi32, #tpu.memory_space<vmem>>, vector<1x1x1024xi32>
    %swap3A_193 = vector.shape_cast %swap3A_192 : vector<1x1x1024xi32> to vector<1x1024xi32>
    %swap3A_194 = vector.shape_cast %add3A_188 : vector<1x1024xi32> to vector<1x1x1024xi32>
    tpu.vector_store %arg13[%swap3A_189, %swap3A_190, %swap3A_191], %swap3A_194 {strides = array<i32>} : memref<1x3x1024xi32, #tpu.memory_space<vmem>>, vector<1x1x1024xi32>,
    %add3A_195 = arith.constant -37.2548332 : f32
    %add3A_196 = vector.broadcast %add3A_195 : f32 to vector<1x1024xf32>
    %add3A_197 = arith.addf %add3A_196, %convert_element_type3A_166 : vector<1x1024xf32>
    %add3A_198 = arith.constant -82.5096664 : f32
    %add3A_199 = vector.broadcast %add3A_198 : f32 to vector<1x1024xf32>
    %add3A_200 = arith.addf %add3A_199, %convert_element_type3A_170 : vector<1x1024xf32>
    %add3A_201 = arith.constant 53.2548332 : f32
    %add3A_202 = vector.broadcast %add3A_201 : f32 to vector<1x1024xf32>
    %add3A_203 = arith.addf %add3A_202, %convert_element_type3A_166 : vector<1x1024xf32>
    %add3A_204 = arith.constant 98.5096664 : f32
    %add3A_205 = vector.broadcast %add3A_204 : f32 to vector<1x1024xf32>
    %add3A_206 = arith.addf %add3A_205, %convert_element_type3A_170 : vector<1x1024xf32>
    %add3A_207 = arith.addf %add3A_197, %add3A_203 : vector<1x1024xf32>
    %mul3A_208 = arith.constant 5.000000e-01 : f32
    %mul3A_209 = vector.broadcast %mul3A_208 : f32 to vector<1x1024xf32>
    %mul3A_210 = arith.mulf %add3A_207, %mul3A_209 : vector<1x1024xf32>
    %add3A_211 = arith.addf %add3A_200, %add3A_206 : vector<1x1024xf32>
    %mul3A_212 = arith.constant 5.000000e-01 : f32
    %mul3A_213 = vector.broadcast %mul3A_212 : f32 to vector<1x1024xf32>
    %mul3A_214 = arith.mulf %add3A_211, %mul3A_213 : vector<1x1024xf32>
    %sub3A = arith.subf %add3A_203, %add3A_197 : vector<1x1024xf32>
    %sub3A_215 = arith.subf %add3A_206, %add3A_200 : vector<1x1024xf32>
    %slice3A_216 = vector.extract_strided_slice %add3A_152 {offsets = [3, 0], sizes = [1, 1024], strides = [1, 1]} : vector<16x1024xf32> to vector<1x1024xf32>
    %slice3A_217 = vector.extract_strided_slice %add3A_152 {offsets = [4, 0], sizes = [1, 1024], strides = [1, 1]} : vector<16x1024xf32> to vector<1x1024xf32>
    %slice3A_218 = vector.extract_strided_slice %add3A_152 {offsets = [5, 0], sizes = [1, 1024], strides = [1, 1]} : vector<16x1024xf32> to vector<1x1024xf32>
    %slice3A_219 = vector.extract_strided_slice %add3A_152 {offsets = [6, 0], sizes = [1, 1024], strides = [1, 1]} : vector<16x1024xf32> to vector<1x1024xf32>
    %mul3A_220 = arith.mulf %slice3A_216, %sub3A : vector<1x1024xf32>
    %add3A_221 = arith.addf %mul3A_210, %mul3A_220 : vector<1x1024xf32>
    %mul3A_222 = arith.mulf %slice3A_217, %sub3A_215 : vector<1x1024xf32>
    %add3A_223 = arith.addf %mul3A_214, %mul3A_222 : vector<1x1024xf32>
    %exp3A = math.exp %slice3A_218 : vector<1x1024xf32>
    %mul3A_224 = arith.mulf %sub3A, %exp3A : vector<1x1024xf32>
    %exp3A_225 = math.exp %slice3A_219 : vector<1x1024xf32>
    %mul3A_226 = arith.mulf %sub3A_215, %exp3A_225 : vector<1x1024xf32>
    %mul3A_227 = arith.constant 5.000000e-01 : f32
    %mul3A_228 = vector.broadcast %mul3A_227 : f32 to vector<1x1024xf32>
    %mul3A_229 = arith.mulf %mul3A_224, %mul3A_228 : vector<1x1024xf32>
    %sub3A_230 = arith.subf %add3A_221, %mul3A_229 : vector<1x1024xf32>
    %mul3A_231 = arith.constant 5.000000e-01 : f32
    %mul3A_232 = vector.broadcast %mul3A_231 : f32 to vector<1x1024xf32>
    %mul3A_233 = arith.mulf %mul3A_226, %mul3A_232 : vector<1x1024xf32>
    %sub3A_234 = arith.subf %add3A_223, %mul3A_233 : vector<1x1024xf32>
    %mul3A_235 = arith.constant 5.000000e-01 : f32
    %mul3A_236 = vector.broadcast %mul3A_235 : f32 to vector<1x1024xf32>
    %mul3A_237 = arith.mulf %mul3A_224, %mul3A_236 : vector<1x1024xf32>
    %add3A_238 = arith.addf %add3A_221, %mul3A_237 : vector<1x1024xf32>
    %mul3A_239 = arith.constant 5.000000e-01 : f32
    %mul3A_240 = vector.broadcast %mul3A_239 : f32 to vector<1x1024xf32>
    %mul3A_241 = arith.mulf %mul3A_226, %mul3A_240 : vector<1x1024xf32>
    %add3A_242 = arith.addf %add3A_223, %mul3A_241 : vector<1x1024xf32>
    %max3A_243 = arith.constant 0.000000e+00 : f32
    %max3A_244 = vector.broadcast %max3A_243 : f32 to vector<1x1024xf32>
    %max3A_245 = arith.maximumf %sub3A_230, %max3A_244 : vector<1x1024xf32>
    %min3A = vector.broadcast %convert_element_type3A : f32 to vector<1x1024xf32>
    %min3A_246 = arith.minimumf %max3A_245, %min3A : vector<1x1024xf32>
    %max3A_247 = arith.constant 0.000000e+00 : f32
    %max3A_248 = vector.broadcast %max3A_247 : f32 to vector<1x1024xf32>
    %max3A_249 = arith.maximumf %sub3A_234, %max3A_248 : vector<1x1024xf32>
    %min3A_250 = vector.broadcast %convert_element_type3A_159 : f32 to vector<1x1024xf32>
    %min3A_251 = arith.minimumf %max3A_249, %min3A_250 : vector<1x1024xf32>
    %max3A_252 = arith.constant 0.000000e+00 : f32
    %max3A_253 = vector.broadcast %max3A_252 : f32 to vector<1x1024xf32>
    %max3A_254 = arith.maximumf %add3A_238, %max3A_253 : vector<1x1024xf32>
    %min3A_255 = vector.broadcast %convert_element_type3A : f32 to vector<1x1024xf32>
    %min3A_256 = arith.minimumf %max3A_254, %min3A_255 : vector<1x1024xf32>
    %max3A_257 = arith.constant 0.000000e+00 : f32
    %max3A_258 = vector.broadcast %max3A_257 : f32 to vector<1x1024xf32>
    %max3A_259 = arith.maximumf %add3A_242, %max3A_258 : vector<1x1024xf32>
    %min3A_260 = vector.broadcast %convert_element_type3A_159 : f32 to vector<1x1024xf32>
    %min3A_261 = arith.minimumf %max3A_259, %min3A_260 : vector<1x1024xf32>
    %swap3A_262 = arith.constant 0 : index
    %swap3A_263 = arith.constant 0 : index
    %swap3A_264 = arith.constant 0 : index
    %swap3A_265 = vector.load %arg9[%swap3A_262, %swap3A_263, %swap3A_264] : memref<1x3x1024xf32, #tpu.memory_space<vmem>>, vector<1x1x1024xf32>
    %swap3A_266 = vector.shape_cast %swap3A_265 : vector<1x1x1024xf32> to vector<1x1024xf32>
    %swap3A_267 = vector.shape_cast %min3A_246 : vector<1x1024xf32> to vector<1x1x1024xf32>
    tpu.vector_store %arg9[%swap3A_262, %swap3A_263, %swap3A_264], %swap3A_267 {strides = array<i32>} : memref<1x3x1024xf32, #tpu.memory_space<vmem>>, vector<1x1x1024xf32>,
    %swap3A_268 = arith.constant 0 : index
    %swap3A_269 = arith.constant 0 : index
    %swap3A_270 = arith.constant 0 : index
    %swap3A_271 = vector.load %arg10[%swap3A_268, %swap3A_269, %swap3A_270] : memref<1x3x1024xf32, #tpu.memory_space<vmem>>, vector<1x1x1024xf32>
    %swap3A_272 = vector.shape_cast %swap3A_271 : vector<1x1x1024xf32> to vector<1x1024xf32>
    %swap3A_273 = vector.shape_cast %min3A_251 : vector<1x1024xf32> to vector<1x1x1024xf32>
    tpu.vector_store %arg10[%swap3A_268, %swap3A_269, %swap3A_270], %swap3A_273 {strides = array<i32>} : memref<1x3x1024xf32, #tpu.memory_space<vmem>>, vector<1x1x1024xf32>,
    %swap3A_274 = arith.constant 0 : index
    %swap3A_275 = arith.constant 0 : index
    %swap3A_276 = arith.constant 0 : index
    %swap3A_277 = vector.load %arg11[%swap3A_274, %swap3A_275, %swap3A_276] : memref<1x3x1024xf32, #tpu.memory_space<vmem>>, vector<1x1x1024xf32>
    %swap3A_278 = vector.shape_cast %swap3A_277 : vector<1x1x1024xf32> to vector<1x1024xf32>
    %swap3A_279 = vector.shape_cast %min3A_256 : vector<1x1024xf32> to vector<1x1x1024xf32>
    tpu.vector_store %arg11[%swap3A_274, %swap3A_275, %swap3A_276], %swap3A_279 {strides = array<i32>} : memref<1x3x1024xf32, #tpu.memory_space<vmem>>, vector<1x1x1024xf32>,
    %swap3A_280 = arith.constant 0 : index
    %swap3A_281 = arith.constant 0 : index
    %swap3A_282 = arith.constant 0 : index
    %swap3A_283 = vector.load %arg12[%swap3A_280, %swap3A_281, %swap3A_282] : memref<1x3x1024xf32, #tpu.memory_space<vmem>>, vector<1x1x1024xf32>
    %swap3A_284 = vector.shape_cast %swap3A_283 : vector<1x1x1024xf32> to vector<1x1024xf32>
    %swap3A_285 = vector.shape_cast %min3A_261 : vector<1x1024xf32> to vector<1x1x1024xf32>
    tpu.vector_store %arg12[%swap3A_280, %swap3A_281, %swap3A_282], %swap3A_285 {strides = array<i32>} : memref<1x3x1024xf32, #tpu.memory_space<vmem>>, vector<1x1x1024xf32>,
    %slice3A_286 = vector.extract_strided_slice %add3A_152 {offsets = [1, 0], sizes = [1, 1024], strides = [1, 1]} : vector<16x1024xf32> to vector<1x1024xf32>
    %swap3A_287 = arith.constant 0 : index
    %swap3A_288 = arith.constant 1 : index
    %swap3A_289 = arith.constant 0 : index
    %swap3A_290 = vector.load %arg8[%swap3A_287, %swap3A_288, %swap3A_289] : memref<1x3x1024xf32, #tpu.memory_space<vmem>>, vector<1x1x1024xf32>
    %swap3A_291 = vector.shape_cast %swap3A_290 : vector<1x1x1024xf32> to vector<1x1024xf32>
    %swap3A_292 = vector.shape_cast %slice3A_286 : vector<1x1024xf32> to vector<1x1x1024xf32>
    tpu.vector_store %arg8[%swap3A_287, %swap3A_288, %swap3A_289], %swap3A_292 {strides = array<i32>} : memref<1x3x1024xf32, #tpu.memory_space<vmem>>, vector<1x1x1024xf32>,
    %add3A_293 = arith.constant 61440 : i32
    %add3A_294 = vector.broadcast %add3A_293 : i32 to vector<1x1024xi32>
    %add3A_295 = arith.addi %add3A_294, %mul3A_177 : vector<1x1024xi32>
    %add3A_296 = arith.constant 1 : i32
    %add3A_297 = vector.broadcast %add3A_296 : i32 to vector<1x1024xi32>
    %add3A_298 = arith.addi %add3A_295, %add3A_297 : vector<1x1024xi32>
    %swap3A_299 = arith.constant 0 : index
    %swap3A_300 = arith.constant 1 : index
    %swap3A_301 = arith.constant 0 : index
    %swap3A_302 = vector.load %arg13[%swap3A_299, %swap3A_300, %swap3A_301] : memref<1x3x1024xi32, #tpu.memory_space<vmem>>, vector<1x1x1024xi32>
    %swap3A_303 = vector.shape_cast %swap3A_302 : vector<1x1x1024xi32> to vector<1x1024xi32>
    %swap3A_304 = vector.shape_cast %add3A_298 : vector<1x1024xi32> to vector<1x1x1024xi32>
    tpu.vector_store %arg13[%swap3A_299, %swap3A_300, %swap3A_301], %swap3A_304 {strides = array<i32>} : memref<1x3x1024xi32, #tpu.memory_space<vmem>>, vector<1x1x1024xi32>,
    %add3A_305 = arith.constant -5.600000e+01 : f32
    %add3A_306 = vector.broadcast %add3A_305 : f32 to vector<1x1024xf32>
    %add3A_307 = arith.addf %add3A_306, %convert_element_type3A_166 : vector<1x1024xf32>
    %add3A_308 = arith.constant -5.600000e+01 : f32
    %add3A_309 = vector.broadcast %add3A_308 : f32 to vector<1x1024xf32>
    %add3A_310 = arith.addf %add3A_309, %convert_element_type3A_170 : vector<1x1024xf32>
    %add3A_311 = arith.constant 7.200000e+01 : f32
    %add3A_312 = vector.broadcast %add3A_311 : f32 to vector<1x1024xf32>
    %add3A_313 = arith.addf %add3A_312, %convert_element_type3A_166 : vector<1x1024xf32>
    %add3A_314 = arith.constant 7.200000e+01 : f32
    %add3A_315 = vector.broadcast %add3A_314 : f32 to vector<1x1024xf32>
    %add3A_316 = arith.addf %add3A_315, %convert_element_type3A_170 : vector<1x1024xf32>
    %add3A_317 = arith.addf %add3A_307, %add3A_313 : vector<1x1024xf32>
    %mul3A_318 = arith.constant 5.000000e-01 : f32
    %mul3A_319 = vector.broadcast %mul3A_318 : f32 to vector<1x1024xf32>
    %mul3A_320 = arith.mulf %add3A_317, %mul3A_319 : vector<1x1024xf32>
    %add3A_321 = arith.addf %add3A_310, %add3A_316 : vector<1x1024xf32>
    %mul3A_322 = arith.constant 5.000000e-01 : f32
    %mul3A_323 = vector.broadcast %mul3A_322 : f32 to vector<1x1024xf32>
    %mul3A_324 = arith.mulf %add3A_321, %mul3A_323 : vector<1x1024xf32>
    %sub3A_325 = arith.subf %add3A_313, %add3A_307 : vector<1x1024xf32>
    %sub3A_326 = arith.subf %add3A_316, %add3A_310 : vector<1x1024xf32>
    %slice3A_327 = vector.extract_strided_slice %add3A_152 {offsets = [7, 0], sizes = [1, 1024], strides = [1, 1]} : vector<16x1024xf32> to vector<1x1024xf32>
    %slice3A_328 = vector.extract_strided_slice %add3A_152 {offsets = [8, 0], sizes = [1, 1024], strides = [1, 1]} : vector<16x1024xf32> to vector<1x1024xf32>
    %slice3A_329 = vector.extract_strided_slice %add3A_152 {offsets = [9, 0], sizes = [1, 1024], strides = [1, 1]} : vector<16x1024xf32> to vector<1x1024xf32>
    %slice3A_330 = vector.extract_strided_slice %add3A_152 {offsets = [10, 0], sizes = [1, 1024], strides = [1, 1]} : vector<16x1024xf32> to vector<1x1024xf32>
    %mul3A_331 = arith.mulf %slice3A_327, %sub3A_325 : vector<1x1024xf32>
    %add3A_332 = arith.addf %mul3A_320, %mul3A_331 : vector<1x1024xf32>
    %mul3A_333 = arith.mulf %slice3A_328, %sub3A_326 : vector<1x1024xf32>
    %add3A_334 = arith.addf %mul3A_324, %mul3A_333 : vector<1x1024xf32>
    %exp3A_335 = math.exp %slice3A_329 : vector<1x1024xf32>
    %mul3A_336 = arith.mulf %sub3A_325, %exp3A_335 : vector<1x1024xf32>
    %exp3A_337 = math.exp %slice3A_330 : vector<1x1024xf32>
    %mul3A_338 = arith.mulf %sub3A_326, %exp3A_337 : vector<1x1024xf32>
    %mul3A_339 = arith.constant 5.000000e-01 : f32
    %mul3A_340 = vector.broadcast %mul3A_339 : f32 to vector<1x1024xf32>
    %mul3A_341 = arith.mulf %mul3A_336, %mul3A_340 : vector<1x1024xf32>
    %sub3A_342 = arith.subf %add3A_332, %mul3A_341 : vector<1x1024xf32>
    %mul3A_343 = arith.constant 5.000000e-01 : f32
    %mul3A_344 = vector.broadcast %mul3A_343 : f32 to vector<1x1024xf32>
    %mul3A_345 = arith.mulf %mul3A_338, %mul3A_344 : vector<1x1024xf32>
    %sub3A_346 = arith.subf %add3A_334, %mul3A_345 : vector<1x1024xf32>
    %mul3A_347 = arith.constant 5.000000e-01 : f32
    %mul3A_348 = vector.broadcast %mul3A_347 : f32 to vector<1x1024xf32>
    %mul3A_349 = arith.mulf %mul3A_336, %mul3A_348 : vector<1x1024xf32>
    %add3A_350 = arith.addf %add3A_332, %mul3A_349 : vector<1x1024xf32>
    %mul3A_351 = arith.constant 5.000000e-01 : f32
    %mul3A_352 = vector.broadcast %mul3A_351 : f32 to vector<1x1024xf32>
    %mul3A_353 = arith.mulf %mul3A_338, %mul3A_352 : vector<1x1024xf32>
    %add3A_354 = arith.addf %add3A_334, %mul3A_353 : vector<1x1024xf32>
    %max3A_355 = arith.constant 0.000000e+00 : f32
    %max3A_356 = vector.broadcast %max3A_355 : f32 to vector<1x1024xf32>
    %max3A_357 = arith.maximumf %sub3A_342, %max3A_356 : vector<1x1024xf32>
    %min3A_358 = vector.broadcast %convert_element_type3A : f32 to vector<1x1024xf32>
    %min3A_359 = arith.minimumf %max3A_357, %min3A_358 : vector<1x1024xf32>
    %max3A_360 = arith.constant 0.000000e+00 : f32
    %max3A_361 = vector.broadcast %max3A_360 : f32 to vector<1x1024xf32>
    %max3A_362 = arith.maximumf %sub3A_346, %max3A_361 : vector<1x1024xf32>
    %min3A_363 = vector.broadcast %convert_element_type3A_159 : f32 to vector<1x1024xf32>
    %min3A_364 = arith.minimumf %max3A_362, %min3A_363 : vector<1x1024xf32>
    %max3A_365 = arith.constant 0.000000e+00 : f32
    %max3A_366 = vector.broadcast %max3A_365 : f32 to vector<1x1024xf32>
    %max3A_367 = arith.maximumf %add3A_350, %max3A_366 : vector<1x1024xf32>
    %min3A_368 = vector.broadcast %convert_element_type3A : f32 to vector<1x1024xf32>
    %min3A_369 = arith.minimumf %max3A_367, %min3A_368 : vector<1x1024xf32>
    %max3A_370 = arith.constant 0.000000e+00 : f32
    %max3A_371 = vector.broadcast %max3A_370 : f32 to vector<1x1024xf32>
    %max3A_372 = arith.maximumf %add3A_354, %max3A_371 : vector<1x1024xf32>
    %min3A_373 = vector.broadcast %convert_element_type3A_159 : f32 to vector<1x1024xf32>
    %min3A_374 = arith.minimumf %max3A_372, %min3A_373 : vector<1x1024xf32>
    %swap3A_375 = arith.constant 0 : index
    %swap3A_376 = arith.constant 1 : index
    %swap3A_377 = arith.constant 0 : index
    %swap3A_378 = vector.load %arg9[%swap3A_375, %swap3A_376, %swap3A_377] : memref<1x3x1024xf32, #tpu.memory_space<vmem>>, vector<1x1x1024xf32>
    %swap3A_379 = vector.shape_cast %swap3A_378 : vector<1x1x1024xf32> to vector<1x1024xf32>
    %swap3A_380 = vector.shape_cast %min3A_359 : vector<1x1024xf32> to vector<1x1x1024xf32>
    tpu.vector_store %arg9[%swap3A_375, %swap3A_376, %swap3A_377], %swap3A_380 {strides = array<i32>} : memref<1x3x1024xf32, #tpu.memory_space<vmem>>, vector<1x1x1024xf32>,
    %swap3A_381 = arith.constant 0 : index
    %swap3A_382 = arith.constant 1 : index
    %swap3A_383 = arith.constant 0 : index
    %swap3A_384 = vector.load %arg10[%swap3A_381, %swap3A_382, %swap3A_383] : memref<1x3x1024xf32, #tpu.memory_space<vmem>>, vector<1x1x1024xf32>
    %swap3A_385 = vector.shape_cast %swap3A_384 : vector<1x1x1024xf32> to vector<1x1024xf32>
    %swap3A_386 = vector.shape_cast %min3A_364 : vector<1x1024xf32> to vector<1x1x1024xf32>
    tpu.vector_store %arg10[%swap3A_381, %swap3A_382, %swap3A_383], %swap3A_386 {strides = array<i32>} : memref<1x3x1024xf32, #tpu.memory_space<vmem>>, vector<1x1x1024xf32>,
    %swap3A_387 = arith.constant 0 : index
    %swap3A_388 = arith.constant 1 : index
    %swap3A_389 = arith.constant 0 : index
    %swap3A_390 = vector.load %arg11[%swap3A_387, %swap3A_388, %swap3A_389] : memref<1x3x1024xf32, #tpu.memory_space<vmem>>, vector<1x1x1024xf32>
    %swap3A_391 = vector.shape_cast %swap3A_390 : vector<1x1x1024xf32> to vector<1x1024xf32>
    %swap3A_392 = vector.shape_cast %min3A_369 : vector<1x1024xf32> to vector<1x1x1024xf32>
    tpu.vector_store %arg11[%swap3A_387, %swap3A_388, %swap3A_389], %swap3A_392 {strides = array<i32>} : memref<1x3x1024xf32, #tpu.memory_space<vmem>>, vector<1x1x1024xf32>,
    %swap3A_393 = arith.constant 0 : index
    %swap3A_394 = arith.constant 1 : index
    %swap3A_395 = arith.constant 0 : index
    %swap3A_396 = vector.load %arg12[%swap3A_393, %swap3A_394, %swap3A_395] : memref<1x3x1024xf32, #tpu.memory_space<vmem>>, vector<1x1x1024xf32>
    %swap3A_397 = vector.shape_cast %swap3A_396 : vector<1x1x1024xf32> to vector<1x1024xf32>
    %swap3A_398 = vector.shape_cast %min3A_374 : vector<1x1024xf32> to vector<1x1x1024xf32>
    tpu.vector_store %arg12[%swap3A_393, %swap3A_394, %swap3A_395], %swap3A_398 {strides = array<i32>} : memref<1x3x1024xf32, #tpu.memory_space<vmem>>, vector<1x1x1024xf32>,
    %slice3A_399 = vector.extract_strided_slice %add3A_152 {offsets = [2, 0], sizes = [1, 1024], strides = [1, 1]} : vector<16x1024xf32> to vector<1x1024xf32>
    %swap3A_400 = arith.constant 0 : index
    %swap3A_401 = arith.constant 2 : index
    %swap3A_402 = arith.constant 0 : index
    %swap3A_403 = vector.load %arg8[%swap3A_400, %swap3A_401, %swap3A_402] : memref<1x3x1024xf32, #tpu.memory_space<vmem>>, vector<1x1x1024xf32>
    %swap3A_404 = vector.shape_cast %swap3A_403 : vector<1x1x1024xf32> to vector<1x1024xf32>
    %swap3A_405 = vector.shape_cast %slice3A_399 : vector<1x1024xf32> to vector<1x1x1024xf32>
    tpu.vector_store %arg8[%swap3A_400, %swap3A_401, %swap3A_402], %swap3A_405 {strides = array<i32>} : memref<1x3x1024xf32, #tpu.memory_space<vmem>>, vector<1x1x1024xf32>,
    %add3A_406 = arith.constant 61440 : i32
    %add3A_407 = vector.broadcast %add3A_406 : i32 to vector<1x1024xi32>
    %add3A_408 = arith.addi %add3A_407, %mul3A_177 : vector<1x1024xi32>
    %add3A_409 = arith.constant 2 : i32
    %add3A_410 = vector.broadcast %add3A_409 : i32 to vector<1x1024xi32>
    %add3A_411 = arith.addi %add3A_408, %add3A_410 : vector<1x1024xi32>
    %swap3A_412 = arith.constant 0 : index
    %swap3A_413 = arith.constant 2 : index
    %swap3A_414 = arith.constant 0 : index
    %swap3A_415 = vector.load %arg13[%swap3A_412, %swap3A_413, %swap3A_414] : memref<1x3x1024xi32, #tpu.memory_space<vmem>>, vector<1x1x1024xi32>
    %swap3A_416 = vector.shape_cast %swap3A_415 : vector<1x1x1024xi32> to vector<1x1024xi32>
    %swap3A_417 = vector.shape_cast %add3A_411 : vector<1x1024xi32> to vector<1x1x1024xi32>
    tpu.vector_store %arg13[%swap3A_412, %swap3A_413, %swap3A_414], %swap3A_417 {strides = array<i32>} : memref<1x3x1024xi32, #tpu.memory_space<vmem>>, vector<1x1x1024xi32>,
    %add3A_418 = arith.constant -82.5096664 : f32
    %add3A_419 = vector.broadcast %add3A_418 : f32 to vector<1x1024xf32>
    %add3A_420 = arith.addf %add3A_419, %convert_element_type3A_166 : vector<1x1024xf32>
    %add3A_421 = arith.constant -37.2548332 : f32
    %add3A_422 = vector.broadcast %add3A_421 : f32 to vector<1x1024xf32>
    %add3A_423 = arith.addf %add3A_422, %convert_element_type3A_170 : vector<1x1024xf32>
    %add3A_424 = arith.constant 98.5096664 : f32
    %add3A_425 = vector.broadcast %add3A_424 : f32 to vector<1x1024xf32>
    %add3A_426 = arith.addf %add3A_425, %convert_element_type3A_166 : vector<1x1024xf32>
    %add3A_427 = arith.constant 53.2548332 : f32
    %add3A_428 = vector.broadcast %add3A_427 : f32 to vector<1x1024xf32>
    %add3A_429 = arith.addf %add3A_428, %convert_element_type3A_170 : vector<1x1024xf32>
    %add3A_430 = arith.addf %add3A_420, %add3A_426 : vector<1x1024xf32>
    %mul3A_431 = arith.constant 5.000000e-01 : f32
    %mul3A_432 = vector.broadcast %mul3A_431 : f32 to vector<1x1024xf32>
    %mul3A_433 = arith.mulf %add3A_430, %mul3A_432 : vector<1x1024xf32>
    %add3A_434 = arith.addf %add3A_423, %add3A_429 : vector<1x1024xf32>
    %mul3A_435 = arith.constant 5.000000e-01 : f32
    %mul3A_436 = vector.broadcast %mul3A_435 : f32 to vector<1x1024xf32>
    %mul3A_437 = arith.mulf %add3A_434, %mul3A_436 : vector<1x1024xf32>
    %sub3A_438 = arith.subf %add3A_426, %add3A_420 : vector<1x1024xf32>
    %sub3A_439 = arith.subf %add3A_429, %add3A_423 : vector<1x1024xf32>
    %slice3A_440 = vector.extract_strided_slice %add3A_152 {offsets = [11, 0], sizes = [1, 1024], strides = [1, 1]} : vector<16x1024xf32> to vector<1x1024xf32>
    %slice3A_441 = vector.extract_strided_slice %add3A_152 {offsets = [12, 0], sizes = [1, 1024], strides = [1, 1]} : vector<16x1024xf32> to vector<1x1024xf32>
    %slice3A_442 = vector.extract_strided_slice %add3A_152 {offsets = [13, 0], sizes = [1, 1024], strides = [1, 1]} : vector<16x1024xf32> to vector<1x1024xf32>
    %slice3A_443 = vector.extract_strided_slice %add3A_152 {offsets = [14, 0], sizes = [1, 1024], strides = [1, 1]} : vector<16x1024xf32> to vector<1x1024xf32>
    %mul3A_444 = arith.mulf %slice3A_440, %sub3A_438 : vector<1x1024xf32>
    %add3A_445 = arith.addf %mul3A_433, %mul3A_444 : vector<1x1024xf32>
    %mul3A_446 = arith.mulf %slice3A_441, %sub3A_439 : vector<1x1024xf32>
    %add3A_447 = arith.addf %mul3A_437, %mul3A_446 : vector<1x1024xf32>
    %exp3A_448 = math.exp %slice3A_442 : vector<1x1024xf32>
    %mul3A_449 = arith.mulf %sub3A_438, %exp3A_448 : vector<1x1024xf32>
    %exp3A_450 = math.exp %slice3A_443 : vector<1x1024xf32>
    %mul3A_451 = arith.mulf %sub3A_439, %exp3A_450 : vector<1x1024xf32>
    %mul3A_452 = arith.constant 5.000000e-01 : f32
    %mul3A_453 = vector.broadcast %mul3A_452 : f32 to vector<1x1024xf32>
    %mul3A_454 = arith.mulf %mul3A_449, %mul3A_453 : vector<1x1024xf32>
    %sub3A_455 = arith.subf %add3A_445, %mul3A_454 : vector<1x1024xf32>
    %mul3A_456 = arith.constant 5.000000e-01 : f32
    %mul3A_457 = vector.broadcast %mul3A_456 : f32 to vector<1x1024xf32>
    %mul3A_458 = arith.mulf %mul3A_451, %mul3A_457 : vector<1x1024xf32>
    %sub3A_459 = arith.subf %add3A_447, %mul3A_458 : vector<1x1024xf32>
    %mul3A_460 = arith.constant 5.000000e-01 : f32
    %mul3A_461 = vector.broadcast %mul3A_460 : f32 to vector<1x1024xf32>
    %mul3A_462 = arith.mulf %mul3A_449, %mul3A_461 : vector<1x1024xf32>
    %add3A_463 = arith.addf %add3A_445, %mul3A_462 : vector<1x1024xf32>
    %mul3A_464 = arith.constant 5.000000e-01 : f32
    %mul3A_465 = vector.broadcast %mul3A_464 : f32 to vector<1x1024xf32>
    %mul3A_466 = arith.mulf %mul3A_451, %mul3A_465 : vector<1x1024xf32>
    %add3A_467 = arith.addf %add3A_447, %mul3A_466 : vector<1x1024xf32>
    %max3A_468 = arith.constant 0.000000e+00 : f32
    %max3A_469 = vector.broadcast %max3A_468 : f32 to vector<1x1024xf32>
    %max3A_470 = arith.maximumf %sub3A_455, %max3A_469 : vector<1x1024xf32>
    %min3A_471 = vector.broadcast %convert_element_type3A : f32 to vector<1x1024xf32>
    %min3A_472 = arith.minimumf %max3A_470, %min3A_471 : vector<1x1024xf32>
    %max3A_473 = arith.constant 0.000000e+00 : f32
    %max3A_474 = vector.broadcast %max3A_473 : f32 to vector<1x1024xf32>
    %max3A_475 = arith.maximumf %sub3A_459, %max3A_474 : vector<1x1024xf32>
    %min3A_476 = vector.broadcast %convert_element_type3A_159 : f32 to vector<1x1024xf32>
    %min3A_477 = arith.minimumf %max3A_475, %min3A_476 : vector<1x1024xf32>
    %max3A_478 = arith.constant 0.000000e+00 : f32
    %max3A_479 = vector.broadcast %max3A_478 : f32 to vector<1x1024xf32>
    %max3A_480 = arith.maximumf %add3A_463, %max3A_479 : vector<1x1024xf32>
    %min3A_481 = vector.broadcast %convert_element_type3A : f32 to vector<1x1024xf32>
    %min3A_482 = arith.minimumf %max3A_480, %min3A_481 : vector<1x1024xf32>
    %max3A_483 = arith.constant 0.000000e+00 : f32
    %max3A_484 = vector.broadcast %max3A_483 : f32 to vector<1x1024xf32>
    %max3A_485 = arith.maximumf %add3A_467, %max3A_484 : vector<1x1024xf32>
    %min3A_486 = vector.broadcast %convert_element_type3A_159 : f32 to vector<1x1024xf32>
    %min3A_487 = arith.minimumf %max3A_485, %min3A_486 : vector<1x1024xf32>
    %swap3A_488 = arith.constant 0 : index
    %swap3A_489 = arith.constant 2 : index
    %swap3A_490 = arith.constant 0 : index
    %swap3A_491 = vector.load %arg9[%swap3A_488, %swap3A_489, %swap3A_490] : memref<1x3x1024xf32, #tpu.memory_space<vmem>>, vector<1x1x1024xf32>
    %swap3A_492 = vector.shape_cast %swap3A_491 : vector<1x1x1024xf32> to vector<1x1024xf32>
    %swap3A_493 = vector.shape_cast %min3A_472 : vector<1x1024xf32> to vector<1x1x1024xf32>
    tpu.vector_store %arg9[%swap3A_488, %swap3A_489, %swap3A_490], %swap3A_493 {strides = array<i32>} : memref<1x3x1024xf32, #tpu.memory_space<vmem>>, vector<1x1x1024xf32>,
    %swap3A_494 = arith.constant 0 : index
    %swap3A_495 = arith.constant 2 : index
    %swap3A_496 = arith.constant 0 : index
    %swap3A_497 = vector.load %arg10[%swap3A_494, %swap3A_495, %swap3A_496] : memref<1x3x1024xf32, #tpu.memory_space<vmem>>, vector<1x1x1024xf32>
    %swap3A_498 = vector.shape_cast %swap3A_497 : vector<1x1x1024xf32> to vector<1x1024xf32>
    %swap3A_499 = vector.shape_cast %min3A_477 : vector<1x1024xf32> to vector<1x1x1024xf32>
    tpu.vector_store %arg10[%swap3A_494, %swap3A_495, %swap3A_496], %swap3A_499 {strides = array<i32>} : memref<1x3x1024xf32, #tpu.memory_space<vmem>>, vector<1x1x1024xf32>,
    %swap3A_500 = arith.constant 0 : index
    %swap3A_501 = arith.constant 2 : index
    %swap3A_502 = arith.constant 0 : index
    %swap3A_503 = vector.load %arg11[%swap3A_500, %swap3A_501, %swap3A_502] : memref<1x3x1024xf32, #tpu.memory_space<vmem>>, vector<1x1x1024xf32>
    %swap3A_504 = vector.shape_cast %swap3A_503 : vector<1x1x1024xf32> to vector<1x1024xf32>
    %swap3A_505 = vector.shape_cast %min3A_482 : vector<1x1024xf32> to vector<1x1x1024xf32>
    tpu.vector_store %arg11[%swap3A_500, %swap3A_501, %swap3A_502], %swap3A_505 {strides = array<i32>} : memref<1x3x1024xf32, #tpu.memory_space<vmem>>, vector<1x1x1024xf32>,
    %swap3A_506 = arith.constant 0 : index
    %swap3A_507 = arith.constant 2 : index
    %swap3A_508 = arith.constant 0 : index
    %swap3A_509 = vector.load %arg12[%swap3A_506, %swap3A_507, %swap3A_508] : memref<1x3x1024xf32, #tpu.memory_space<vmem>>, vector<1x1x1024xf32>
    %swap3A_510 = vector.shape_cast %swap3A_509 : vector<1x1x1024xf32> to vector<1x1024xf32>
    %swap3A_511 = vector.shape_cast %min3A_487 : vector<1x1024xf32> to vector<1x1x1024xf32>
    tpu.vector_store %arg12[%swap3A_506, %swap3A_507, %swap3A_508], %swap3A_511 {strides = array<i32>} : memref<1x3x1024xf32, #tpu.memory_space<vmem>>, vector<1x1x1024xf32>,
    return
  }
  func.func @transform_0(%arg0: i32, %arg1: i32) -> (i32, i32, i32, i32) {
    %c0_i32 = arith.constant 0 : i32
    %c0_i32_0 = arith.constant 0 : i32
    %c0_i32_1 = arith.constant 0 : i32
    return %arg0, %arg1, %c0_i32, %c0_i32_0 : i32, i32, i32, i32
  }
  func.func @transform_1(%arg0: i32, %arg1: i32) -> (i32, i32, i32) {
    %c0_i32 = arith.constant 0 : i32
    %c0_i32_0 = arith.constant 0 : i32
    %c0_i32_1 = arith.constant 0 : i32
    %c0_i32_2 = arith.constant 0 : i32
    return %c0_i32, %c0_i32_0, %c0_i32_1 : i32, i32, i32
  }
  func.func @transform_2(%arg0: i32, %arg1: i32) -> (i32, i32) {
    %c0_i32 = arith.constant 0 : i32
    %c0_i32_0 = arith.constant 0 : i32
    %c0_i32_1 = arith.constant 0 : i32
    return %c0_i32, %c0_i32_0 : i32, i32
  }
  func.func @transform_3(%arg0: i32, %arg1: i32) -> (i32, i32) {
    %c0_i32 = arith.constant 0 : i32
    %c0_i32_0 = arith.constant 0 : i32
    %c0_i32_1 = arith.constant 0 : i32
    return %c0_i32, %c0_i32_0 : i32, i32
  }
  func.func @transform_4(%arg0: i32, %arg1: i32) -> (i32, i32) {
    %c0_i32 = arith.constant 0 : i32
    %c0_i32_0 = arith.constant 0 : i32
    %c0_i32_1 = arith.constant 0 : i32
    return %c0_i32, %c0_i32_0 : i32, i32
  }
  func.func @transform_5(%arg0: i32, %arg1: i32) -> (i32, i32) {
    %c0_i32 = arith.constant 0 : i32
    %c0_i32_0 = arith.constant 0 : i32
    %c0_i32_1 = arith.constant 0 : i32
    return %c0_i32, %c0_i32_0 : i32, i32
  }
  func.func @transform_6(%arg0: i32, %arg1: i32) -> (i32, i32, i32) {
    %c0_i32 = arith.constant 0 : i32
    %c0_i32_0 = arith.constant 0 : i32
    return %arg0, %c0_i32, %arg1 : i32, i32, i32
  }
  func.func @transform_7(%arg0: i32, %arg1: i32) -> (i32, i32, i32) {
    %c0_i32 = arith.constant 0 : i32
    %c0_i32_0 = arith.constant 0 : i32
    return %arg0, %c0_i32, %arg1 : i32, i32, i32
  }
  func.func @transform_8(%arg0: i32, %arg1: i32) -> (i32, i32, i32) {
    %c0_i32 = arith.constant 0 : i32
    %c0_i32_0 = arith.constant 0 : i32
    return %arg0, %c0_i32, %arg1 : i32, i32, i32
  }
  func.func @transform_9(%arg0: i32, %arg1: i32) -> (i32, i32, i32) {
    %c0_i32 = arith.constant 0 : i32
    %c0_i32_0 = arith.constant 0 : i32
    return %arg0, %c0_i32, %arg1 : i32, i32, i32
  }
  func.func @transform_10(%arg0: i32, %arg1: i32) -> (i32, i32, i32) {
    %c0_i32 = arith.constant 0 : i32
    %c0_i32_0 = arith.constant 0 : i32
    return %arg0, %c0_i32, %arg1 : i32, i32, i32
  }
  func.func @transform_11(%arg0: i32, %arg1: i32) -> (i32, i32, i32) {
    %c0_i32 = arith.constant 0 : i32
    %c0_i32_0 = arith.constant 0 : i32
    return %arg0, %c0_i32, %arg1 : i32, i32, i32
  }
}

module attributes {stable_mosaic.version = 14 : i64} {
  func.func @_head_kernel(%arg0: i32, %arg1: i32, %arg2: memref<1x1x256x288xf32, #tpu.memory_space<vmem>>, %arg3: memref<9x256x256xf32, #tpu.memory_space<vmem>>, %arg4: memref<256x1xf32, #tpu.memory_space<vmem>>, %arg5: memref<16x256xf32, #tpu.memory_space<vmem>>, %arg6: memref<16x1xf32, #tpu.memory_space<vmem>>, %arg7: memref<2x2xi32, #tpu.memory_space<smem>>, %arg8: memref<1x3x256xf32, #tpu.memory_space<vmem>>, %arg9: memref<1x3x256xf32, #tpu.memory_space<vmem>>, %arg10: memref<1x3x256xf32, #tpu.memory_space<vmem>>, %arg11: memref<1x3x256xf32, #tpu.memory_space<vmem>>, %arg12: memref<1x3x256xf32, #tpu.memory_space<vmem>>, %arg13: memref<1x3x256xi32, #tpu.memory_space<vmem>>) attributes {dimension_semantics = [#tpu.dimension_semantics<arbitrary>, #tpu.dimension_semantics<arbitrary>], iteration_bounds = array<i64: 2, 1>, scalar_prefetch = 0 : i64, scratch_operands = 0 : i64, tpu.core_type = #tpu.core_type<tc>, window_params = [{transform_indices = @transform_0, window_bounds = array<i64: 1, 1, 256, 288>}, {pipeline_mode = #tpu.pipeline_mode<synchronous>, transform_indices = @transform_1, window_bounds = array<i64: 9, 256, 256>}, {pipeline_mode = #tpu.pipeline_mode<synchronous>, transform_indices = @transform_2, window_bounds = array<i64: 256, 1>}, {pipeline_mode = #tpu.pipeline_mode<synchronous>, transform_indices = @transform_3, window_bounds = array<i64: 16, 256>}, {pipeline_mode = #tpu.pipeline_mode<synchronous>, transform_indices = @transform_4, window_bounds = array<i64: 16, 1>}, {transform_indices = @transform_5, window_bounds = array<i64: 2, 2>}, {transform_indices = @transform_6, window_bounds = array<i64: 1, 3, 256>}, {transform_indices = @transform_7, window_bounds = array<i64: 1, 3, 256>}, {transform_indices = @transform_8, window_bounds = array<i64: 1, 3, 256>}, {transform_indices = @transform_9, window_bounds = array<i64: 1, 3, 256>}, {transform_indices = @transform_10, window_bounds = array<i64: 1, 3, 256>}, {transform_indices = @transform_11, window_bounds = array<i64: 1, 3, 256>}]} {
    %iota3A = tpu.iota {dimensions = array<i32: 1>} : vector<1x256xi32>
    %shift_right_arithmetic3A = arith.constant 4 : i32
    %shift_right_arithmetic3A_0 = vector.broadcast %shift_right_arithmetic3A : i32 to vector<1x256xi32>
    %shift_right_arithmetic3A_1 = arith.shrsi %iota3A, %shift_right_arithmetic3A_0 : vector<1x256xi32>
    %and3A = arith.constant 15 : i32
    %and3A_2 = vector.broadcast %and3A : i32 to vector<1x256xi32>
    %and3A_3 = arith.andi %iota3A, %and3A_2 : vector<1x256xi32>
    %eq3A = arith.constant 0 : i32
    %eq3A_4 = vector.broadcast %eq3A : i32 to vector<1x256xi32>
    %eq3A_5 = arith.cmpi eq, %and3A_3, %eq3A_4 : vector<1x256xi32>
    %eq3A_6 = arith.constant 15 : i32
    %eq3A_7 = vector.broadcast %eq3A_6 : i32 to vector<1x256xi32>
    %eq3A_8 = arith.cmpi eq, %and3A_3, %eq3A_7 : vector<1x256xi32>
    %broadcast_in_dim3A = arith.constant 0.000000e+00 : f32
    %broadcast_in_dim3A_9 = vector.broadcast %broadcast_in_dim3A : f32 to vector<256x256xf32>
    %get3A = arith.constant 0 : index
    %get3A_10 = arith.constant 0 : index
    %get3A_11 = arith.constant 0 : index
    %get3A_12 = arith.constant 0 : index
    %get3A_13 = vector.load %arg2[%get3A, %get3A_10, %get3A_11, %get3A_12] : memref<1x1x256x288xf32, #tpu.memory_space<vmem>>, vector<1x1x256x256xf32>
    %get3A_14 = vector.shape_cast %get3A_13 : vector<1x1x256x256xf32> to vector<256x256xf32>
    %roll3A = arith.constant 1 : i32
    %roll3A_15 = tpu.dynamic_rotate %get3A_14 by %roll3A dim 1 : vector<256x256xf32>, i32 -> vector<256x256xf32>
    %jit3A = arith.constant 0.000000e+00 : f32
    %broadcast_in_dim3A_16 = vector.shape_cast %eq3A_5 : vector<1x256xi1> to vector<1x256xi1>
    %broadcast_in_dim3A_17 = vector.broadcast %broadcast_in_dim3A_16 : vector<1x256xi1> to vector<256x256xi1>
    %broadcast_in_dim3A_18 = vector.broadcast %jit3A : f32 to vector<256x256xf32>
    %select_n3A = arith.select %broadcast_in_dim3A_17, %broadcast_in_dim3A_18, %roll3A_15 : vector<256x256xi1>, vector<256x256xf32>
    %get3A_19 = arith.constant 0 : index
    %get3A_20 = arith.constant 0 : index
    %get3A_21 = arith.constant 0 : index
    %get3A_22 = vector.load %arg3[%get3A_19, %get3A_20, %get3A_21] : memref<9x256x256xf32, #tpu.memory_space<vmem>>, vector<1x256x256xf32>
    %get3A_23 = vector.shape_cast %get3A_22 : vector<1x256x256xf32> to vector<256x256xf32>
    %dot_general3A = arith.constant dense<0.000000e+00> : vector<256x256xf32>
    %dot_general3A_24 = tpu.matmul %get3A_23, %select_n3A, %dot_general3A {dimension_numbers = #tpu.dot_dimension_numbers<[1], [0], [0], [1], [0, 0, 1, 1], [], []>, transpose_lhs_hint = false} : vector<256x256xf32>, vector<256x256xf32>, vector<256x256xf32> -> vector<256x256xf32>
    %add3A = arith.addf %broadcast_in_dim3A_9, %dot_general3A_24 : vector<256x256xf32>
    %get3A_25 = arith.constant 1 : index
    %get3A_26 = arith.constant 0 : index
    %get3A_27 = arith.constant 0 : index
    %get3A_28 = vector.load %arg3[%get3A_25, %get3A_26, %get3A_27] : memref<9x256x256xf32, #tpu.memory_space<vmem>>, vector<1x256x256xf32>
    %get3A_29 = vector.shape_cast %get3A_28 : vector<1x256x256xf32> to vector<256x256xf32>
    %dot_general3A_30 = arith.constant dense<0.000000e+00> : vector<256x256xf32>
    %dot_general3A_31 = tpu.matmul %get3A_29, %get3A_14, %dot_general3A_30 {dimension_numbers = #tpu.dot_dimension_numbers<[1], [0], [0], [1], [0, 0, 1, 1], [], []>, transpose_lhs_hint = false} : vector<256x256xf32>, vector<256x256xf32>, vector<256x256xf32> -> vector<256x256xf32>
    %add3A_32 = arith.addf %add3A, %dot_general3A_31 : vector<256x256xf32>
    %roll3A_33 = arith.constant 255 : i32
    %roll3A_34 = tpu.dynamic_rotate %get3A_14 by %roll3A_33 dim 1 : vector<256x256xf32>, i32 -> vector<256x256xf32>
    %jit3A_35 = arith.constant 0.000000e+00 : f32
    %broadcast_in_dim3A_36 = vector.shape_cast %eq3A_8 : vector<1x256xi1> to vector<1x256xi1>
    %broadcast_in_dim3A_37 = vector.broadcast %broadcast_in_dim3A_36 : vector<1x256xi1> to vector<256x256xi1>
    %broadcast_in_dim3A_38 = vector.broadcast %jit3A_35 : f32 to vector<256x256xf32>
    %select_n3A_39 = arith.select %broadcast_in_dim3A_37, %broadcast_in_dim3A_38, %roll3A_34 : vector<256x256xi1>, vector<256x256xf32>
    %get3A_40 = arith.constant 2 : index
    %get3A_41 = arith.constant 0 : index
    %get3A_42 = arith.constant 0 : index
    %get3A_43 = vector.load %arg3[%get3A_40, %get3A_41, %get3A_42] : memref<9x256x256xf32, #tpu.memory_space<vmem>>, vector<1x256x256xf32>
    %get3A_44 = vector.shape_cast %get3A_43 : vector<1x256x256xf32> to vector<256x256xf32>
    %dot_general3A_45 = arith.constant dense<0.000000e+00> : vector<256x256xf32>
    %dot_general3A_46 = tpu.matmul %get3A_44, %select_n3A_39, %dot_general3A_45 {dimension_numbers = #tpu.dot_dimension_numbers<[1], [0], [0], [1], [0, 0, 1, 1], [], []>, transpose_lhs_hint = false} : vector<256x256xf32>, vector<256x256xf32>, vector<256x256xf32> -> vector<256x256xf32>
    %add3A_47 = arith.addf %add3A_32, %dot_general3A_46 : vector<256x256xf32>
    %get3A_48 = arith.constant 0 : index
    %get3A_49 = arith.constant 0 : index
    %get3A_50 = arith.constant 0 : index
    %get3A_51 = arith.constant 16 : index
    %get3A_52 = vector.load %arg2[%get3A_48, %get3A_49, %get3A_50, %get3A_51] : memref<1x1x256x288xf32, #tpu.memory_space<vmem>>, vector<1x1x256x256xf32>
    %get3A_53 = vector.shape_cast %get3A_52 : vector<1x1x256x256xf32> to vector<256x256xf32>
    %roll3A_54 = arith.constant 1 : i32
    %roll3A_55 = tpu.dynamic_rotate %get3A_53 by %roll3A_54 dim 1 : vector<256x256xf32>, i32 -> vector<256x256xf32>
    %jit3A_56 = arith.constant 0.000000e+00 : f32
    %broadcast_in_dim3A_57 = vector.shape_cast %eq3A_5 : vector<1x256xi1> to vector<1x256xi1>
    %broadcast_in_dim3A_58 = vector.broadcast %broadcast_in_dim3A_57 : vector<1x256xi1> to vector<256x256xi1>
    %broadcast_in_dim3A_59 = vector.broadcast %jit3A_56 : f32 to vector<256x256xf32>
    %select_n3A_60 = arith.select %broadcast_in_dim3A_58, %broadcast_in_dim3A_59, %roll3A_55 : vector<256x256xi1>, vector<256x256xf32>
    %get3A_61 = arith.constant 3 : index
    %get3A_62 = arith.constant 0 : index
    %get3A_63 = arith.constant 0 : index
    %get3A_64 = vector.load %arg3[%get3A_61, %get3A_62, %get3A_63] : memref<9x256x256xf32, #tpu.memory_space<vmem>>, vector<1x256x256xf32>
    %get3A_65 = vector.shape_cast %get3A_64 : vector<1x256x256xf32> to vector<256x256xf32>
    %dot_general3A_66 = arith.constant dense<0.000000e+00> : vector<256x256xf32>
    %dot_general3A_67 = tpu.matmul %get3A_65, %select_n3A_60, %dot_general3A_66 {dimension_numbers = #tpu.dot_dimension_numbers<[1], [0], [0], [1], [0, 0, 1, 1], [], []>, transpose_lhs_hint = false} : vector<256x256xf32>, vector<256x256xf32>, vector<256x256xf32> -> vector<256x256xf32>
    %add3A_68 = arith.addf %add3A_47, %dot_general3A_67 : vector<256x256xf32>
    %get3A_69 = arith.constant 4 : index
    %get3A_70 = arith.constant 0 : index
    %get3A_71 = arith.constant 0 : index
    %get3A_72 = vector.load %arg3[%get3A_69, %get3A_70, %get3A_71] : memref<9x256x256xf32, #tpu.memory_space<vmem>>, vector<1x256x256xf32>
    %get3A_73 = vector.shape_cast %get3A_72 : vector<1x256x256xf32> to vector<256x256xf32>
    %dot_general3A_74 = arith.constant dense<0.000000e+00> : vector<256x256xf32>
    %dot_general3A_75 = tpu.matmul %get3A_73, %get3A_53, %dot_general3A_74 {dimension_numbers = #tpu.dot_dimension_numbers<[1], [0], [0], [1], [0, 0, 1, 1], [], []>, transpose_lhs_hint = false} : vector<256x256xf32>, vector<256x256xf32>, vector<256x256xf32> -> vector<256x256xf32>
    %add3A_76 = arith.addf %add3A_68, %dot_general3A_75 : vector<256x256xf32>
    %roll3A_77 = arith.constant 255 : i32
    %roll3A_78 = tpu.dynamic_rotate %get3A_53 by %roll3A_77 dim 1 : vector<256x256xf32>, i32 -> vector<256x256xf32>
    %jit3A_79 = arith.constant 0.000000e+00 : f32
    %broadcast_in_dim3A_80 = vector.shape_cast %eq3A_8 : vector<1x256xi1> to vector<1x256xi1>
    %broadcast_in_dim3A_81 = vector.broadcast %broadcast_in_dim3A_80 : vector<1x256xi1> to vector<256x256xi1>
    %broadcast_in_dim3A_82 = vector.broadcast %jit3A_79 : f32 to vector<256x256xf32>
    %select_n3A_83 = arith.select %broadcast_in_dim3A_81, %broadcast_in_dim3A_82, %roll3A_78 : vector<256x256xi1>, vector<256x256xf32>
    %get3A_84 = arith.constant 5 : index
    %get3A_85 = arith.constant 0 : index
    %get3A_86 = arith.constant 0 : index
    %get3A_87 = vector.load %arg3[%get3A_84, %get3A_85, %get3A_86] : memref<9x256x256xf32, #tpu.memory_space<vmem>>, vector<1x256x256xf32>
    %get3A_88 = vector.shape_cast %get3A_87 : vector<1x256x256xf32> to vector<256x256xf32>
    %dot_general3A_89 = arith.constant dense<0.000000e+00> : vector<256x256xf32>
    %dot_general3A_90 = tpu.matmul %get3A_88, %select_n3A_83, %dot_general3A_89 {dimension_numbers = #tpu.dot_dimension_numbers<[1], [0], [0], [1], [0, 0, 1, 1], [], []>, transpose_lhs_hint = false} : vector<256x256xf32>, vector<256x256xf32>, vector<256x256xf32> -> vector<256x256xf32>
    %add3A_91 = arith.addf %add3A_76, %dot_general3A_90 : vector<256x256xf32>
    %get3A_92 = arith.constant 0 : index
    %get3A_93 = arith.constant 0 : index
    %get3A_94 = arith.constant 0 : index
    %get3A_95 = arith.constant 32 : index
    %get3A_96 = vector.load %arg2[%get3A_92, %get3A_93, %get3A_94, %get3A_95] : memref<1x1x256x288xf32, #tpu.memory_space<vmem>>, vector<1x1x256x256xf32>
    %get3A_97 = vector.shape_cast %get3A_96 : vector<1x1x256x256xf32> to vector<256x256xf32>
    %roll3A_98 = arith.constant 1 : i32
    %roll3A_99 = tpu.dynamic_rotate %get3A_97 by %roll3A_98 dim 1 : vector<256x256xf32>, i32 -> vector<256x256xf32>
    %jit3A_100 = arith.constant 0.000000e+00 : f32
    %broadcast_in_dim3A_101 = vector.shape_cast %eq3A_5 : vector<1x256xi1> to vector<1x256xi1>
    %broadcast_in_dim3A_102 = vector.broadcast %broadcast_in_dim3A_101 : vector<1x256xi1> to vector<256x256xi1>
    %broadcast_in_dim3A_103 = vector.broadcast %jit3A_100 : f32 to vector<256x256xf32>
    %select_n3A_104 = arith.select %broadcast_in_dim3A_102, %broadcast_in_dim3A_103, %roll3A_99 : vector<256x256xi1>, vector<256x256xf32>
    %get3A_105 = arith.constant 6 : index
    %get3A_106 = arith.constant 0 : index
    %get3A_107 = arith.constant 0 : index
    %get3A_108 = vector.load %arg3[%get3A_105, %get3A_106, %get3A_107] : memref<9x256x256xf32, #tpu.memory_space<vmem>>, vector<1x256x256xf32>
    %get3A_109 = vector.shape_cast %get3A_108 : vector<1x256x256xf32> to vector<256x256xf32>
    %dot_general3A_110 = arith.constant dense<0.000000e+00> : vector<256x256xf32>
    %dot_general3A_111 = tpu.matmul %get3A_109, %select_n3A_104, %dot_general3A_110 {dimension_numbers = #tpu.dot_dimension_numbers<[1], [0], [0], [1], [0, 0, 1, 1], [], []>, transpose_lhs_hint = false} : vector<256x256xf32>, vector<256x256xf32>, vector<256x256xf32> -> vector<256x256xf32>
    %add3A_112 = arith.addf %add3A_91, %dot_general3A_111 : vector<256x256xf32>
    %get3A_113 = arith.constant 7 : index
    %get3A_114 = arith.constant 0 : index
    %get3A_115 = arith.constant 0 : index
    %get3A_116 = vector.load %arg3[%get3A_113, %get3A_114, %get3A_115] : memref<9x256x256xf32, #tpu.memory_space<vmem>>, vector<1x256x256xf32>
    %get3A_117 = vector.shape_cast %get3A_116 : vector<1x256x256xf32> to vector<256x256xf32>
    %dot_general3A_118 = arith.constant dense<0.000000e+00> : vector<256x256xf32>
    %dot_general3A_119 = tpu.matmul %get3A_117, %get3A_97, %dot_general3A_118 {dimension_numbers = #tpu.dot_dimension_numbers<[1], [0], [0], [1], [0, 0, 1, 1], [], []>, transpose_lhs_hint = false} : vector<256x256xf32>, vector<256x256xf32>, vector<256x256xf32> -> vector<256x256xf32>
    %add3A_120 = arith.addf %add3A_112, %dot_general3A_119 : vector<256x256xf32>
    %roll3A_121 = arith.constant 255 : i32
    %roll3A_122 = tpu.dynamic_rotate %get3A_97 by %roll3A_121 dim 1 : vector<256x256xf32>, i32 -> vector<256x256xf32>
    %jit3A_123 = arith.constant 0.000000e+00 : f32
    %broadcast_in_dim3A_124 = vector.shape_cast %eq3A_8 : vector<1x256xi1> to vector<1x256xi1>
    %broadcast_in_dim3A_125 = vector.broadcast %broadcast_in_dim3A_124 : vector<1x256xi1> to vector<256x256xi1>
    %broadcast_in_dim3A_126 = vector.broadcast %jit3A_123 : f32 to vector<256x256xf32>
    %select_n3A_127 = arith.select %broadcast_in_dim3A_125, %broadcast_in_dim3A_126, %roll3A_122 : vector<256x256xi1>, vector<256x256xf32>
    %get3A_128 = arith.constant 8 : index
    %get3A_129 = arith.constant 0 : index
    %get3A_130 = arith.constant 0 : index
    %get3A_131 = vector.load %arg3[%get3A_128, %get3A_129, %get3A_130] : memref<9x256x256xf32, #tpu.memory_space<vmem>>, vector<1x256x256xf32>
    %get3A_132 = vector.shape_cast %get3A_131 : vector<1x256x256xf32> to vector<256x256xf32>
    %dot_general3A_133 = arith.constant dense<0.000000e+00> : vector<256x256xf32>
    %dot_general3A_134 = tpu.matmul %get3A_132, %select_n3A_127, %dot_general3A_133 {dimension_numbers = #tpu.dot_dimension_numbers<[1], [0], [0], [1], [0, 0, 1, 1], [], []>, transpose_lhs_hint = false} : vector<256x256xf32>, vector<256x256xf32>, vector<256x256xf32> -> vector<256x256xf32>
    %add3A_135 = arith.addf %add3A_120, %dot_general3A_134 : vector<256x256xf32>
    %get3A_136 = arith.constant 0 : index
    %get3A_137 = arith.constant 0 : index
    %get3A_138 = vector.load %arg4[%get3A_136, %get3A_137] : memref<256x1xf32, #tpu.memory_space<vmem>>, vector<256x1xf32>
    %add3A_139 = vector.broadcast %get3A_138 : vector<256x1xf32> to vector<256x256xf32>
    %add3A_140 = arith.addf %add3A_135, %add3A_139 : vector<256x256xf32>
    %max3A = arith.constant 0.000000e+00 : f32
    %max3A_141 = vector.broadcast %max3A : f32 to vector<256x256xf32>
    %max3A_142 = arith.maximumf %add3A_140, %max3A_141 : vector<256x256xf32>
    %get3A_143 = arith.constant 0 : index
    %get3A_144 = arith.constant 0 : index
    %get3A_145 = vector.load %arg5[%get3A_143, %get3A_144] : memref<16x256xf32, #tpu.memory_space<vmem>>, vector<16x256xf32>
    %dot_general3A_146 = arith.constant dense<0.000000e+00> : vector<16x256xf32>
    %dot_general3A_147 = tpu.matmul %get3A_145, %max3A_142, %dot_general3A_146 {dimension_numbers = #tpu.dot_dimension_numbers<[1], [0], [0], [1], [0, 0, 1, 1], [], []>, transpose_lhs_hint = false} : vector<16x256xf32>, vector<256x256xf32>, vector<16x256xf32> -> vector<16x256xf32>
    %get3A_148 = arith.constant 0 : index
    %get3A_149 = arith.constant 0 : index
    %get3A_150 = vector.load %arg6[%get3A_148, %get3A_149] : memref<16x1xf32, #tpu.memory_space<vmem>>, vector<16x1xf32>
    %add3A_151 = vector.broadcast %get3A_150 : vector<16x1xf32> to vector<16x256xf32>
    %add3A_152 = arith.addf %dot_general3A_147, %add3A_151 : vector<16x256xf32>
    %get3A_153 = arith.index_cast %arg0 : i32 to index
    %get3A_154 = arith.constant 0 : index
    %get3A_155 = memref.load %arg7[%get3A_153, %get3A_154] : memref<2x2xi32, #tpu.memory_space<smem>>
    %convert_element_type3A = arith.sitofp %get3A_155 : i32 to f32
    %get3A_156 = arith.index_cast %arg0 : i32 to index
    %get3A_157 = arith.constant 1 : index
    %get3A_158 = memref.load %arg7[%get3A_156, %get3A_157] : memref<2x2xi32, #tpu.memory_space<smem>>
    %convert_element_type3A_159 = arith.sitofp %get3A_158 : i32 to f32
    %mul3A = arith.constant 16 : i32
    %mul3A_160 = arith.muli %arg1, %mul3A : i32
    %add3A_161 = vector.broadcast %mul3A_160 : i32 to vector<1x256xi32>
    %add3A_162 = arith.addi %add3A_161, %shift_right_arithmetic3A_1 : vector<1x256xi32>
    %mul3A_163 = arith.constant 32 : i32
    %mul3A_164 = vector.broadcast %mul3A_163 : i32 to vector<1x256xi32>
    %mul3A_165 = arith.muli %add3A_162, %mul3A_164 : vector<1x256xi32>
    %convert_element_type3A_166 = arith.sitofp %mul3A_165 : vector<1x256xi32> to vector<1x256xf32>
    %mul3A_167 = arith.constant 32 : i32
    %mul3A_168 = vector.broadcast %mul3A_167 : i32 to vector<1x256xi32>
    %mul3A_169 = arith.muli %and3A_3, %mul3A_168 : vector<1x256xi32>
    %convert_element_type3A_170 = arith.sitofp %mul3A_169 : vector<1x256xi32> to vector<1x256xf32>
    %mul3A_171 = arith.constant 16 : i32
    %mul3A_172 = vector.broadcast %mul3A_171 : i32 to vector<1x256xi32>
    %mul3A_173 = arith.muli %add3A_162, %mul3A_172 : vector<1x256xi32>
    %add3A_174 = arith.addi %mul3A_173, %and3A_3 : vector<1x256xi32>
    %mul3A_175 = arith.constant 3 : i32
    %mul3A_176 = vector.broadcast %mul3A_175 : i32 to vector<1x256xi32>
    %mul3A_177 = arith.muli %add3A_174, %mul3A_176 : vector<1x256xi32>
    %slice3A = vector.extract_strided_slice %add3A_152 {offsets = [0, 0], sizes = [1, 256], strides = [1, 1]} : vector<16x256xf32> to vector<1x256xf32>
    %swap3A = arith.constant 0 : index
    %swap3A_178 = arith.constant 0 : index
    %swap3A_179 = arith.constant 0 : index
    %swap3A_180 = vector.load %arg8[%swap3A, %swap3A_178, %swap3A_179] : memref<1x3x256xf32, #tpu.memory_space<vmem>>, vector<1x1x256xf32>
    %swap3A_181 = vector.shape_cast %swap3A_180 : vector<1x1x256xf32> to vector<1x256xf32>
    %swap3A_182 = vector.shape_cast %slice3A : vector<1x256xf32> to vector<1x1x256xf32>
    tpu.vector_store %arg8[%swap3A, %swap3A_178, %swap3A_179], %swap3A_182 {strides = array<i32>} : memref<1x3x256xf32, #tpu.memory_space<vmem>>, vector<1x1x256xf32>,
    %add3A_183 = arith.constant 64512 : i32
    %add3A_184 = vector.broadcast %add3A_183 : i32 to vector<1x256xi32>
    %add3A_185 = arith.addi %add3A_184, %mul3A_177 : vector<1x256xi32>
    %add3A_186 = arith.constant 0 : i32
    %add3A_187 = vector.broadcast %add3A_186 : i32 to vector<1x256xi32>
    %add3A_188 = arith.addi %add3A_185, %add3A_187 : vector<1x256xi32>
    %swap3A_189 = arith.constant 0 : index
    %swap3A_190 = arith.constant 0 : index
    %swap3A_191 = arith.constant 0 : index
    %swap3A_192 = vector.load %arg13[%swap3A_189, %swap3A_190, %swap3A_191] : memref<1x3x256xi32, #tpu.memory_space<vmem>>, vector<1x1x256xi32>
    %swap3A_193 = vector.shape_cast %swap3A_192 : vector<1x1x256xi32> to vector<1x256xi32>
    %swap3A_194 = vector.shape_cast %add3A_188 : vector<1x256xi32> to vector<1x1x256xi32>
    tpu.vector_store %arg13[%swap3A_189, %swap3A_190, %swap3A_191], %swap3A_194 {strides = array<i32>} : memref<1x3x256xi32, #tpu.memory_space<vmem>>, vector<1x1x256xi32>,
    %add3A_195 = arith.constant -74.5096664 : f32
    %add3A_196 = vector.broadcast %add3A_195 : f32 to vector<1x256xf32>
    %add3A_197 = arith.addf %add3A_196, %convert_element_type3A_166 : vector<1x256xf32>
    %add3A_198 = arith.constant -165.019333 : f32
    %add3A_199 = vector.broadcast %add3A_198 : f32 to vector<1x256xf32>
    %add3A_200 = arith.addf %add3A_199, %convert_element_type3A_170 : vector<1x256xf32>
    %add3A_201 = arith.constant 106.509666 : f32
    %add3A_202 = vector.broadcast %add3A_201 : f32 to vector<1x256xf32>
    %add3A_203 = arith.addf %add3A_202, %convert_element_type3A_166 : vector<1x256xf32>
    %add3A_204 = arith.constant 197.019333 : f32
    %add3A_205 = vector.broadcast %add3A_204 : f32 to vector<1x256xf32>
    %add3A_206 = arith.addf %add3A_205, %convert_element_type3A_170 : vector<1x256xf32>
    %add3A_207 = arith.addf %add3A_197, %add3A_203 : vector<1x256xf32>
    %mul3A_208 = arith.constant 5.000000e-01 : f32
    %mul3A_209 = vector.broadcast %mul3A_208 : f32 to vector<1x256xf32>
    %mul3A_210 = arith.mulf %add3A_207, %mul3A_209 : vector<1x256xf32>
    %add3A_211 = arith.addf %add3A_200, %add3A_206 : vector<1x256xf32>
    %mul3A_212 = arith.constant 5.000000e-01 : f32
    %mul3A_213 = vector.broadcast %mul3A_212 : f32 to vector<1x256xf32>
    %mul3A_214 = arith.mulf %add3A_211, %mul3A_213 : vector<1x256xf32>
    %sub3A = arith.subf %add3A_203, %add3A_197 : vector<1x256xf32>
    %sub3A_215 = arith.subf %add3A_206, %add3A_200 : vector<1x256xf32>
    %slice3A_216 = vector.extract_strided_slice %add3A_152 {offsets = [3, 0], sizes = [1, 256], strides = [1, 1]} : vector<16x256xf32> to vector<1x256xf32>
    %slice3A_217 = vector.extract_strided_slice %add3A_152 {offsets = [4, 0], sizes = [1, 256], strides = [1, 1]} : vector<16x256xf32> to vector<1x256xf32>
    %slice3A_218 = vector.extract_strided_slice %add3A_152 {offsets = [5, 0], sizes = [1, 256], strides = [1, 1]} : vector<16x256xf32> to vector<1x256xf32>
    %slice3A_219 = vector.extract_strided_slice %add3A_152 {offsets = [6, 0], sizes = [1, 256], strides = [1, 1]} : vector<16x256xf32> to vector<1x256xf32>
    %mul3A_220 = arith.mulf %slice3A_216, %sub3A : vector<1x256xf32>
    %add3A_221 = arith.addf %mul3A_210, %mul3A_220 : vector<1x256xf32>
    %mul3A_222 = arith.mulf %slice3A_217, %sub3A_215 : vector<1x256xf32>
    %add3A_223 = arith.addf %mul3A_214, %mul3A_222 : vector<1x256xf32>
    %exp3A = math.exp %slice3A_218 : vector<1x256xf32>
    %mul3A_224 = arith.mulf %sub3A, %exp3A : vector<1x256xf32>
    %exp3A_225 = math.exp %slice3A_219 : vector<1x256xf32>
    %mul3A_226 = arith.mulf %sub3A_215, %exp3A_225 : vector<1x256xf32>
    %mul3A_227 = arith.constant 5.000000e-01 : f32
    %mul3A_228 = vector.broadcast %mul3A_227 : f32 to vector<1x256xf32>
    %mul3A_229 = arith.mulf %mul3A_224, %mul3A_228 : vector<1x256xf32>
    %sub3A_230 = arith.subf %add3A_221, %mul3A_229 : vector<1x256xf32>
    %mul3A_231 = arith.constant 5.000000e-01 : f32
    %mul3A_232 = vector.broadcast %mul3A_231 : f32 to vector<1x256xf32>
    %mul3A_233 = arith.mulf %mul3A_226, %mul3A_232 : vector<1x256xf32>
    %sub3A_234 = arith.subf %add3A_223, %mul3A_233 : vector<1x256xf32>
    %mul3A_235 = arith.constant 5.000000e-01 : f32
    %mul3A_236 = vector.broadcast %mul3A_235 : f32 to vector<1x256xf32>
    %mul3A_237 = arith.mulf %mul3A_224, %mul3A_236 : vector<1x256xf32>
    %add3A_238 = arith.addf %add3A_221, %mul3A_237 : vector<1x256xf32>
    %mul3A_239 = arith.constant 5.000000e-01 : f32
    %mul3A_240 = vector.broadcast %mul3A_239 : f32 to vector<1x256xf32>
    %mul3A_241 = arith.mulf %mul3A_226, %mul3A_240 : vector<1x256xf32>
    %add3A_242 = arith.addf %add3A_223, %mul3A_241 : vector<1x256xf32>
    %max3A_243 = arith.constant 0.000000e+00 : f32
    %max3A_244 = vector.broadcast %max3A_243 : f32 to vector<1x256xf32>
    %max3A_245 = arith.maximumf %sub3A_230, %max3A_244 : vector<1x256xf32>
    %min3A = vector.broadcast %convert_element_type3A : f32 to vector<1x256xf32>
    %min3A_246 = arith.minimumf %max3A_245, %min3A : vector<1x256xf32>
    %max3A_247 = arith.constant 0.000000e+00 : f32
    %max3A_248 = vector.broadcast %max3A_247 : f32 to vector<1x256xf32>
    %max3A_249 = arith.maximumf %sub3A_234, %max3A_248 : vector<1x256xf32>
    %min3A_250 = vector.broadcast %convert_element_type3A_159 : f32 to vector<1x256xf32>
    %min3A_251 = arith.minimumf %max3A_249, %min3A_250 : vector<1x256xf32>
    %max3A_252 = arith.constant 0.000000e+00 : f32
    %max3A_253 = vector.broadcast %max3A_252 : f32 to vector<1x256xf32>
    %max3A_254 = arith.maximumf %add3A_238, %max3A_253 : vector<1x256xf32>
    %min3A_255 = vector.broadcast %convert_element_type3A : f32 to vector<1x256xf32>
    %min3A_256 = arith.minimumf %max3A_254, %min3A_255 : vector<1x256xf32>
    %max3A_257 = arith.constant 0.000000e+00 : f32
    %max3A_258 = vector.broadcast %max3A_257 : f32 to vector<1x256xf32>
    %max3A_259 = arith.maximumf %add3A_242, %max3A_258 : vector<1x256xf32>
    %min3A_260 = vector.broadcast %convert_element_type3A_159 : f32 to vector<1x256xf32>
    %min3A_261 = arith.minimumf %max3A_259, %min3A_260 : vector<1x256xf32>
    %swap3A_262 = arith.constant 0 : index
    %swap3A_263 = arith.constant 0 : index
    %swap3A_264 = arith.constant 0 : index
    %swap3A_265 = vector.load %arg9[%swap3A_262, %swap3A_263, %swap3A_264] : memref<1x3x256xf32, #tpu.memory_space<vmem>>, vector<1x1x256xf32>
    %swap3A_266 = vector.shape_cast %swap3A_265 : vector<1x1x256xf32> to vector<1x256xf32>
    %swap3A_267 = vector.shape_cast %min3A_246 : vector<1x256xf32> to vector<1x1x256xf32>
    tpu.vector_store %arg9[%swap3A_262, %swap3A_263, %swap3A_264], %swap3A_267 {strides = array<i32>} : memref<1x3x256xf32, #tpu.memory_space<vmem>>, vector<1x1x256xf32>,
    %swap3A_268 = arith.constant 0 : index
    %swap3A_269 = arith.constant 0 : index
    %swap3A_270 = arith.constant 0 : index
    %swap3A_271 = vector.load %arg10[%swap3A_268, %swap3A_269, %swap3A_270] : memref<1x3x256xf32, #tpu.memory_space<vmem>>, vector<1x1x256xf32>
    %swap3A_272 = vector.shape_cast %swap3A_271 : vector<1x1x256xf32> to vector<1x256xf32>
    %swap3A_273 = vector.shape_cast %min3A_251 : vector<1x256xf32> to vector<1x1x256xf32>
    tpu.vector_store %arg10[%swap3A_268, %swap3A_269, %swap3A_270], %swap3A_273 {strides = array<i32>} : memref<1x3x256xf32, #tpu.memory_space<vmem>>, vector<1x1x256xf32>,
    %swap3A_274 = arith.constant 0 : index
    %swap3A_275 = arith.constant 0 : index
    %swap3A_276 = arith.constant 0 : index
    %swap3A_277 = vector.load %arg11[%swap3A_274, %swap3A_275, %swap3A_276] : memref<1x3x256xf32, #tpu.memory_space<vmem>>, vector<1x1x256xf32>
    %swap3A_278 = vector.shape_cast %swap3A_277 : vector<1x1x256xf32> to vector<1x256xf32>
    %swap3A_279 = vector.shape_cast %min3A_256 : vector<1x256xf32> to vector<1x1x256xf32>
    tpu.vector_store %arg11[%swap3A_274, %swap3A_275, %swap3A_276], %swap3A_279 {strides = array<i32>} : memref<1x3x256xf32, #tpu.memory_space<vmem>>, vector<1x1x256xf32>,
    %swap3A_280 = arith.constant 0 : index
    %swap3A_281 = arith.constant 0 : index
    %swap3A_282 = arith.constant 0 : index
    %swap3A_283 = vector.load %arg12[%swap3A_280, %swap3A_281, %swap3A_282] : memref<1x3x256xf32, #tpu.memory_space<vmem>>, vector<1x1x256xf32>
    %swap3A_284 = vector.shape_cast %swap3A_283 : vector<1x1x256xf32> to vector<1x256xf32>
    %swap3A_285 = vector.shape_cast %min3A_261 : vector<1x256xf32> to vector<1x1x256xf32>
    tpu.vector_store %arg12[%swap3A_280, %swap3A_281, %swap3A_282], %swap3A_285 {strides = array<i32>} : memref<1x3x256xf32, #tpu.memory_space<vmem>>, vector<1x1x256xf32>,
    %slice3A_286 = vector.extract_strided_slice %add3A_152 {offsets = [1, 0], sizes = [1, 256], strides = [1, 1]} : vector<16x256xf32> to vector<1x256xf32>
    %swap3A_287 = arith.constant 0 : index
    %swap3A_288 = arith.constant 1 : index
    %swap3A_289 = arith.constant 0 : index
    %swap3A_290 = vector.load %arg8[%swap3A_287, %swap3A_288, %swap3A_289] : memref<1x3x256xf32, #tpu.memory_space<vmem>>, vector<1x1x256xf32>
    %swap3A_291 = vector.shape_cast %swap3A_290 : vector<1x1x256xf32> to vector<1x256xf32>
    %swap3A_292 = vector.shape_cast %slice3A_286 : vector<1x256xf32> to vector<1x1x256xf32>
    tpu.vector_store %arg8[%swap3A_287, %swap3A_288, %swap3A_289], %swap3A_292 {strides = array<i32>} : memref<1x3x256xf32, #tpu.memory_space<vmem>>, vector<1x1x256xf32>,
    %add3A_293 = arith.constant 64512 : i32
    %add3A_294 = vector.broadcast %add3A_293 : i32 to vector<1x256xi32>
    %add3A_295 = arith.addi %add3A_294, %mul3A_177 : vector<1x256xi32>
    %add3A_296 = arith.constant 1 : i32
    %add3A_297 = vector.broadcast %add3A_296 : i32 to vector<1x256xi32>
    %add3A_298 = arith.addi %add3A_295, %add3A_297 : vector<1x256xi32>
    %swap3A_299 = arith.constant 0 : index
    %swap3A_300 = arith.constant 1 : index
    %swap3A_301 = arith.constant 0 : index
    %swap3A_302 = vector.load %arg13[%swap3A_299, %swap3A_300, %swap3A_301] : memref<1x3x256xi32, #tpu.memory_space<vmem>>, vector<1x1x256xi32>
    %swap3A_303 = vector.shape_cast %swap3A_302 : vector<1x1x256xi32> to vector<1x256xi32>
    %swap3A_304 = vector.shape_cast %add3A_298 : vector<1x256xi32> to vector<1x1x256xi32>
    tpu.vector_store %arg13[%swap3A_299, %swap3A_300, %swap3A_301], %swap3A_304 {strides = array<i32>} : memref<1x3x256xi32, #tpu.memory_space<vmem>>, vector<1x1x256xi32>,
    %add3A_305 = arith.constant -1.120000e+02 : f32
    %add3A_306 = vector.broadcast %add3A_305 : f32 to vector<1x256xf32>
    %add3A_307 = arith.addf %add3A_306, %convert_element_type3A_166 : vector<1x256xf32>
    %add3A_308 = arith.constant -1.120000e+02 : f32
    %add3A_309 = vector.broadcast %add3A_308 : f32 to vector<1x256xf32>
    %add3A_310 = arith.addf %add3A_309, %convert_element_type3A_170 : vector<1x256xf32>
    %add3A_311 = arith.constant 1.440000e+02 : f32
    %add3A_312 = vector.broadcast %add3A_311 : f32 to vector<1x256xf32>
    %add3A_313 = arith.addf %add3A_312, %convert_element_type3A_166 : vector<1x256xf32>
    %add3A_314 = arith.constant 1.440000e+02 : f32
    %add3A_315 = vector.broadcast %add3A_314 : f32 to vector<1x256xf32>
    %add3A_316 = arith.addf %add3A_315, %convert_element_type3A_170 : vector<1x256xf32>
    %add3A_317 = arith.addf %add3A_307, %add3A_313 : vector<1x256xf32>
    %mul3A_318 = arith.constant 5.000000e-01 : f32
    %mul3A_319 = vector.broadcast %mul3A_318 : f32 to vector<1x256xf32>
    %mul3A_320 = arith.mulf %add3A_317, %mul3A_319 : vector<1x256xf32>
    %add3A_321 = arith.addf %add3A_310, %add3A_316 : vector<1x256xf32>
    %mul3A_322 = arith.constant 5.000000e-01 : f32
    %mul3A_323 = vector.broadcast %mul3A_322 : f32 to vector<1x256xf32>
    %mul3A_324 = arith.mulf %add3A_321, %mul3A_323 : vector<1x256xf32>
    %sub3A_325 = arith.subf %add3A_313, %add3A_307 : vector<1x256xf32>
    %sub3A_326 = arith.subf %add3A_316, %add3A_310 : vector<1x256xf32>
    %slice3A_327 = vector.extract_strided_slice %add3A_152 {offsets = [7, 0], sizes = [1, 256], strides = [1, 1]} : vector<16x256xf32> to vector<1x256xf32>
    %slice3A_328 = vector.extract_strided_slice %add3A_152 {offsets = [8, 0], sizes = [1, 256], strides = [1, 1]} : vector<16x256xf32> to vector<1x256xf32>
    %slice3A_329 = vector.extract_strided_slice %add3A_152 {offsets = [9, 0], sizes = [1, 256], strides = [1, 1]} : vector<16x256xf32> to vector<1x256xf32>
    %slice3A_330 = vector.extract_strided_slice %add3A_152 {offsets = [10, 0], sizes = [1, 256], strides = [1, 1]} : vector<16x256xf32> to vector<1x256xf32>
    %mul3A_331 = arith.mulf %slice3A_327, %sub3A_325 : vector<1x256xf32>
    %add3A_332 = arith.addf %mul3A_320, %mul3A_331 : vector<1x256xf32>
    %mul3A_333 = arith.mulf %slice3A_328, %sub3A_326 : vector<1x256xf32>
    %add3A_334 = arith.addf %mul3A_324, %mul3A_333 : vector<1x256xf32>
    %exp3A_335 = math.exp %slice3A_329 : vector<1x256xf32>
    %mul3A_336 = arith.mulf %sub3A_325, %exp3A_335 : vector<1x256xf32>
    %exp3A_337 = math.exp %slice3A_330 : vector<1x256xf32>
    %mul3A_338 = arith.mulf %sub3A_326, %exp3A_337 : vector<1x256xf32>
    %mul3A_339 = arith.constant 5.000000e-01 : f32
    %mul3A_340 = vector.broadcast %mul3A_339 : f32 to vector<1x256xf32>
    %mul3A_341 = arith.mulf %mul3A_336, %mul3A_340 : vector<1x256xf32>
    %sub3A_342 = arith.subf %add3A_332, %mul3A_341 : vector<1x256xf32>
    %mul3A_343 = arith.constant 5.000000e-01 : f32
    %mul3A_344 = vector.broadcast %mul3A_343 : f32 to vector<1x256xf32>
    %mul3A_345 = arith.mulf %mul3A_338, %mul3A_344 : vector<1x256xf32>
    %sub3A_346 = arith.subf %add3A_334, %mul3A_345 : vector<1x256xf32>
    %mul3A_347 = arith.constant 5.000000e-01 : f32
    %mul3A_348 = vector.broadcast %mul3A_347 : f32 to vector<1x256xf32>
    %mul3A_349 = arith.mulf %mul3A_336, %mul3A_348 : vector<1x256xf32>
    %add3A_350 = arith.addf %add3A_332, %mul3A_349 : vector<1x256xf32>
    %mul3A_351 = arith.constant 5.000000e-01 : f32
    %mul3A_352 = vector.broadcast %mul3A_351 : f32 to vector<1x256xf32>
    %mul3A_353 = arith.mulf %mul3A_338, %mul3A_352 : vector<1x256xf32>
    %add3A_354 = arith.addf %add3A_334, %mul3A_353 : vector<1x256xf32>
    %max3A_355 = arith.constant 0.000000e+00 : f32
    %max3A_356 = vector.broadcast %max3A_355 : f32 to vector<1x256xf32>
    %max3A_357 = arith.maximumf %sub3A_342, %max3A_356 : vector<1x256xf32>
    %min3A_358 = vector.broadcast %convert_element_type3A : f32 to vector<1x256xf32>
    %min3A_359 = arith.minimumf %max3A_357, %min3A_358 : vector<1x256xf32>
    %max3A_360 = arith.constant 0.000000e+00 : f32
    %max3A_361 = vector.broadcast %max3A_360 : f32 to vector<1x256xf32>
    %max3A_362 = arith.maximumf %sub3A_346, %max3A_361 : vector<1x256xf32>
    %min3A_363 = vector.broadcast %convert_element_type3A_159 : f32 to vector<1x256xf32>
    %min3A_364 = arith.minimumf %max3A_362, %min3A_363 : vector<1x256xf32>
    %max3A_365 = arith.constant 0.000000e+00 : f32
    %max3A_366 = vector.broadcast %max3A_365 : f32 to vector<1x256xf32>
    %max3A_367 = arith.maximumf %add3A_350, %max3A_366 : vector<1x256xf32>
    %min3A_368 = vector.broadcast %convert_element_type3A : f32 to vector<1x256xf32>
    %min3A_369 = arith.minimumf %max3A_367, %min3A_368 : vector<1x256xf32>
    %max3A_370 = arith.constant 0.000000e+00 : f32
    %max3A_371 = vector.broadcast %max3A_370 : f32 to vector<1x256xf32>
    %max3A_372 = arith.maximumf %add3A_354, %max3A_371 : vector<1x256xf32>
    %min3A_373 = vector.broadcast %convert_element_type3A_159 : f32 to vector<1x256xf32>
    %min3A_374 = arith.minimumf %max3A_372, %min3A_373 : vector<1x256xf32>
    %swap3A_375 = arith.constant 0 : index
    %swap3A_376 = arith.constant 1 : index
    %swap3A_377 = arith.constant 0 : index
    %swap3A_378 = vector.load %arg9[%swap3A_375, %swap3A_376, %swap3A_377] : memref<1x3x256xf32, #tpu.memory_space<vmem>>, vector<1x1x256xf32>
    %swap3A_379 = vector.shape_cast %swap3A_378 : vector<1x1x256xf32> to vector<1x256xf32>
    %swap3A_380 = vector.shape_cast %min3A_359 : vector<1x256xf32> to vector<1x1x256xf32>
    tpu.vector_store %arg9[%swap3A_375, %swap3A_376, %swap3A_377], %swap3A_380 {strides = array<i32>} : memref<1x3x256xf32, #tpu.memory_space<vmem>>, vector<1x1x256xf32>,
    %swap3A_381 = arith.constant 0 : index
    %swap3A_382 = arith.constant 1 : index
    %swap3A_383 = arith.constant 0 : index
    %swap3A_384 = vector.load %arg10[%swap3A_381, %swap3A_382, %swap3A_383] : memref<1x3x256xf32, #tpu.memory_space<vmem>>, vector<1x1x256xf32>
    %swap3A_385 = vector.shape_cast %swap3A_384 : vector<1x1x256xf32> to vector<1x256xf32>
    %swap3A_386 = vector.shape_cast %min3A_364 : vector<1x256xf32> to vector<1x1x256xf32>
    tpu.vector_store %arg10[%swap3A_381, %swap3A_382, %swap3A_383], %swap3A_386 {strides = array<i32>} : memref<1x3x256xf32, #tpu.memory_space<vmem>>, vector<1x1x256xf32>,
    %swap3A_387 = arith.constant 0 : index
    %swap3A_388 = arith.constant 1 : index
    %swap3A_389 = arith.constant 0 : index
    %swap3A_390 = vector.load %arg11[%swap3A_387, %swap3A_388, %swap3A_389] : memref<1x3x256xf32, #tpu.memory_space<vmem>>, vector<1x1x256xf32>
    %swap3A_391 = vector.shape_cast %swap3A_390 : vector<1x1x256xf32> to vector<1x256xf32>
    %swap3A_392 = vector.shape_cast %min3A_369 : vector<1x256xf32> to vector<1x1x256xf32>
    tpu.vector_store %arg11[%swap3A_387, %swap3A_388, %swap3A_389], %swap3A_392 {strides = array<i32>} : memref<1x3x256xf32, #tpu.memory_space<vmem>>, vector<1x1x256xf32>,
    %swap3A_393 = arith.constant 0 : index
    %swap3A_394 = arith.constant 1 : index
    %swap3A_395 = arith.constant 0 : index
    %swap3A_396 = vector.load %arg12[%swap3A_393, %swap3A_394, %swap3A_395] : memref<1x3x256xf32, #tpu.memory_space<vmem>>, vector<1x1x256xf32>
    %swap3A_397 = vector.shape_cast %swap3A_396 : vector<1x1x256xf32> to vector<1x256xf32>
    %swap3A_398 = vector.shape_cast %min3A_374 : vector<1x256xf32> to vector<1x1x256xf32>
    tpu.vector_store %arg12[%swap3A_393, %swap3A_394, %swap3A_395], %swap3A_398 {strides = array<i32>} : memref<1x3x256xf32, #tpu.memory_space<vmem>>, vector<1x1x256xf32>,
    %slice3A_399 = vector.extract_strided_slice %add3A_152 {offsets = [2, 0], sizes = [1, 256], strides = [1, 1]} : vector<16x256xf32> to vector<1x256xf32>
    %swap3A_400 = arith.constant 0 : index
    %swap3A_401 = arith.constant 2 : index
    %swap3A_402 = arith.constant 0 : index
    %swap3A_403 = vector.load %arg8[%swap3A_400, %swap3A_401, %swap3A_402] : memref<1x3x256xf32, #tpu.memory_space<vmem>>, vector<1x1x256xf32>
    %swap3A_404 = vector.shape_cast %swap3A_403 : vector<1x1x256xf32> to vector<1x256xf32>
    %swap3A_405 = vector.shape_cast %slice3A_399 : vector<1x256xf32> to vector<1x1x256xf32>
    tpu.vector_store %arg8[%swap3A_400, %swap3A_401, %swap3A_402], %swap3A_405 {strides = array<i32>} : memref<1x3x256xf32, #tpu.memory_space<vmem>>, vector<1x1x256xf32>,
    %add3A_406 = arith.constant 64512 : i32
    %add3A_407 = vector.broadcast %add3A_406 : i32 to vector<1x256xi32>
    %add3A_408 = arith.addi %add3A_407, %mul3A_177 : vector<1x256xi32>
    %add3A_409 = arith.constant 2 : i32
    %add3A_410 = vector.broadcast %add3A_409 : i32 to vector<1x256xi32>
    %add3A_411 = arith.addi %add3A_408, %add3A_410 : vector<1x256xi32>
    %swap3A_412 = arith.constant 0 : index
    %swap3A_413 = arith.constant 2 : index
    %swap3A_414 = arith.constant 0 : index
    %swap3A_415 = vector.load %arg13[%swap3A_412, %swap3A_413, %swap3A_414] : memref<1x3x256xi32, #tpu.memory_space<vmem>>, vector<1x1x256xi32>
    %swap3A_416 = vector.shape_cast %swap3A_415 : vector<1x1x256xi32> to vector<1x256xi32>
    %swap3A_417 = vector.shape_cast %add3A_411 : vector<1x256xi32> to vector<1x1x256xi32>
    tpu.vector_store %arg13[%swap3A_412, %swap3A_413, %swap3A_414], %swap3A_417 {strides = array<i32>} : memref<1x3x256xi32, #tpu.memory_space<vmem>>, vector<1x1x256xi32>,
    %add3A_418 = arith.constant -165.019333 : f32
    %add3A_419 = vector.broadcast %add3A_418 : f32 to vector<1x256xf32>
    %add3A_420 = arith.addf %add3A_419, %convert_element_type3A_166 : vector<1x256xf32>
    %add3A_421 = arith.constant -74.5096664 : f32
    %add3A_422 = vector.broadcast %add3A_421 : f32 to vector<1x256xf32>
    %add3A_423 = arith.addf %add3A_422, %convert_element_type3A_170 : vector<1x256xf32>
    %add3A_424 = arith.constant 197.019333 : f32
    %add3A_425 = vector.broadcast %add3A_424 : f32 to vector<1x256xf32>
    %add3A_426 = arith.addf %add3A_425, %convert_element_type3A_166 : vector<1x256xf32>
    %add3A_427 = arith.constant 106.509666 : f32
    %add3A_428 = vector.broadcast %add3A_427 : f32 to vector<1x256xf32>
    %add3A_429 = arith.addf %add3A_428, %convert_element_type3A_170 : vector<1x256xf32>
    %add3A_430 = arith.addf %add3A_420, %add3A_426 : vector<1x256xf32>
    %mul3A_431 = arith.constant 5.000000e-01 : f32
    %mul3A_432 = vector.broadcast %mul3A_431 : f32 to vector<1x256xf32>
    %mul3A_433 = arith.mulf %add3A_430, %mul3A_432 : vector<1x256xf32>
    %add3A_434 = arith.addf %add3A_423, %add3A_429 : vector<1x256xf32>
    %mul3A_435 = arith.constant 5.000000e-01 : f32
    %mul3A_436 = vector.broadcast %mul3A_435 : f32 to vector<1x256xf32>
    %mul3A_437 = arith.mulf %add3A_434, %mul3A_436 : vector<1x256xf32>
    %sub3A_438 = arith.subf %add3A_426, %add3A_420 : vector<1x256xf32>
    %sub3A_439 = arith.subf %add3A_429, %add3A_423 : vector<1x256xf32>
    %slice3A_440 = vector.extract_strided_slice %add3A_152 {offsets = [11, 0], sizes = [1, 256], strides = [1, 1]} : vector<16x256xf32> to vector<1x256xf32>
    %slice3A_441 = vector.extract_strided_slice %add3A_152 {offsets = [12, 0], sizes = [1, 256], strides = [1, 1]} : vector<16x256xf32> to vector<1x256xf32>
    %slice3A_442 = vector.extract_strided_slice %add3A_152 {offsets = [13, 0], sizes = [1, 256], strides = [1, 1]} : vector<16x256xf32> to vector<1x256xf32>
    %slice3A_443 = vector.extract_strided_slice %add3A_152 {offsets = [14, 0], sizes = [1, 256], strides = [1, 1]} : vector<16x256xf32> to vector<1x256xf32>
    %mul3A_444 = arith.mulf %slice3A_440, %sub3A_438 : vector<1x256xf32>
    %add3A_445 = arith.addf %mul3A_433, %mul3A_444 : vector<1x256xf32>
    %mul3A_446 = arith.mulf %slice3A_441, %sub3A_439 : vector<1x256xf32>
    %add3A_447 = arith.addf %mul3A_437, %mul3A_446 : vector<1x256xf32>
    %exp3A_448 = math.exp %slice3A_442 : vector<1x256xf32>
    %mul3A_449 = arith.mulf %sub3A_438, %exp3A_448 : vector<1x256xf32>
    %exp3A_450 = math.exp %slice3A_443 : vector<1x256xf32>
    %mul3A_451 = arith.mulf %sub3A_439, %exp3A_450 : vector<1x256xf32>
    %mul3A_452 = arith.constant 5.000000e-01 : f32
    %mul3A_453 = vector.broadcast %mul3A_452 : f32 to vector<1x256xf32>
    %mul3A_454 = arith.mulf %mul3A_449, %mul3A_453 : vector<1x256xf32>
    %sub3A_455 = arith.subf %add3A_445, %mul3A_454 : vector<1x256xf32>
    %mul3A_456 = arith.constant 5.000000e-01 : f32
    %mul3A_457 = vector.broadcast %mul3A_456 : f32 to vector<1x256xf32>
    %mul3A_458 = arith.mulf %mul3A_451, %mul3A_457 : vector<1x256xf32>
    %sub3A_459 = arith.subf %add3A_447, %mul3A_458 : vector<1x256xf32>
    %mul3A_460 = arith.constant 5.000000e-01 : f32
    %mul3A_461 = vector.broadcast %mul3A_460 : f32 to vector<1x256xf32>
    %mul3A_462 = arith.mulf %mul3A_449, %mul3A_461 : vector<1x256xf32>
    %add3A_463 = arith.addf %add3A_445, %mul3A_462 : vector<1x256xf32>
    %mul3A_464 = arith.constant 5.000000e-01 : f32
    %mul3A_465 = vector.broadcast %mul3A_464 : f32 to vector<1x256xf32>
    %mul3A_466 = arith.mulf %mul3A_451, %mul3A_465 : vector<1x256xf32>
    %add3A_467 = arith.addf %add3A_447, %mul3A_466 : vector<1x256xf32>
    %max3A_468 = arith.constant 0.000000e+00 : f32
    %max3A_469 = vector.broadcast %max3A_468 : f32 to vector<1x256xf32>
    %max3A_470 = arith.maximumf %sub3A_455, %max3A_469 : vector<1x256xf32>
    %min3A_471 = vector.broadcast %convert_element_type3A : f32 to vector<1x256xf32>
    %min3A_472 = arith.minimumf %max3A_470, %min3A_471 : vector<1x256xf32>
    %max3A_473 = arith.constant 0.000000e+00 : f32
    %max3A_474 = vector.broadcast %max3A_473 : f32 to vector<1x256xf32>
    %max3A_475 = arith.maximumf %sub3A_459, %max3A_474 : vector<1x256xf32>
    %min3A_476 = vector.broadcast %convert_element_type3A_159 : f32 to vector<1x256xf32>
    %min3A_477 = arith.minimumf %max3A_475, %min3A_476 : vector<1x256xf32>
    %max3A_478 = arith.constant 0.000000e+00 : f32
    %max3A_479 = vector.broadcast %max3A_478 : f32 to vector<1x256xf32>
    %max3A_480 = arith.maximumf %add3A_463, %max3A_479 : vector<1x256xf32>
    %min3A_481 = vector.broadcast %convert_element_type3A : f32 to vector<1x256xf32>
    %min3A_482 = arith.minimumf %max3A_480, %min3A_481 : vector<1x256xf32>
    %max3A_483 = arith.constant 0.000000e+00 : f32
    %max3A_484 = vector.broadcast %max3A_483 : f32 to vector<1x256xf32>
    %max3A_485 = arith.maximumf %add3A_467, %max3A_484 : vector<1x256xf32>
    %min3A_486 = vector.broadcast %convert_element_type3A_159 : f32 to vector<1x256xf32>
    %min3A_487 = arith.minimumf %max3A_485, %min3A_486 : vector<1x256xf32>
    %swap3A_488 = arith.constant 0 : index
    %swap3A_489 = arith.constant 2 : index
    %swap3A_490 = arith.constant 0 : index
    %swap3A_491 = vector.load %arg9[%swap3A_488, %swap3A_489, %swap3A_490] : memref<1x3x256xf32, #tpu.memory_space<vmem>>, vector<1x1x256xf32>
    %swap3A_492 = vector.shape_cast %swap3A_491 : vector<1x1x256xf32> to vector<1x256xf32>
    %swap3A_493 = vector.shape_cast %min3A_472 : vector<1x256xf32> to vector<1x1x256xf32>
    tpu.vector_store %arg9[%swap3A_488, %swap3A_489, %swap3A_490], %swap3A_493 {strides = array<i32>} : memref<1x3x256xf32, #tpu.memory_space<vmem>>, vector<1x1x256xf32>,
    %swap3A_494 = arith.constant 0 : index
    %swap3A_495 = arith.constant 2 : index
    %swap3A_496 = arith.constant 0 : index
    %swap3A_497 = vector.load %arg10[%swap3A_494, %swap3A_495, %swap3A_496] : memref<1x3x256xf32, #tpu.memory_space<vmem>>, vector<1x1x256xf32>
    %swap3A_498 = vector.shape_cast %swap3A_497 : vector<1x1x256xf32> to vector<1x256xf32>
    %swap3A_499 = vector.shape_cast %min3A_477 : vector<1x256xf32> to vector<1x1x256xf32>
    tpu.vector_store %arg10[%swap3A_494, %swap3A_495, %swap3A_496], %swap3A_499 {strides = array<i32>} : memref<1x3x256xf32, #tpu.memory_space<vmem>>, vector<1x1x256xf32>,
    %swap3A_500 = arith.constant 0 : index
    %swap3A_501 = arith.constant 2 : index
    %swap3A_502 = arith.constant 0 : index
    %swap3A_503 = vector.load %arg11[%swap3A_500, %swap3A_501, %swap3A_502] : memref<1x3x256xf32, #tpu.memory_space<vmem>>, vector<1x1x256xf32>
    %swap3A_504 = vector.shape_cast %swap3A_503 : vector<1x1x256xf32> to vector<1x256xf32>
    %swap3A_505 = vector.shape_cast %min3A_482 : vector<1x256xf32> to vector<1x1x256xf32>
    tpu.vector_store %arg11[%swap3A_500, %swap3A_501, %swap3A_502], %swap3A_505 {strides = array<i32>} : memref<1x3x256xf32, #tpu.memory_space<vmem>>, vector<1x1x256xf32>,
    %swap3A_506 = arith.constant 0 : index
    %swap3A_507 = arith.constant 2 : index
    %swap3A_508 = arith.constant 0 : index
    %swap3A_509 = vector.load %arg12[%swap3A_506, %swap3A_507, %swap3A_508] : memref<1x3x256xf32, #tpu.memory_space<vmem>>, vector<1x1x256xf32>
    %swap3A_510 = vector.shape_cast %swap3A_509 : vector<1x1x256xf32> to vector<1x256xf32>
    %swap3A_511 = vector.shape_cast %min3A_487 : vector<1x256xf32> to vector<1x1x256xf32>
    tpu.vector_store %arg12[%swap3A_506, %swap3A_507, %swap3A_508], %swap3A_511 {strides = array<i32>} : memref<1x3x256xf32, #tpu.memory_space<vmem>>, vector<1x1x256xf32>,
    return
  }
  func.func @transform_0(%arg0: i32, %arg1: i32) -> (i32, i32, i32, i32) {
    %c0_i32 = arith.constant 0 : i32
    %c0_i32_0 = arith.constant 0 : i32
    %c0_i32_1 = arith.constant 0 : i32
    return %arg0, %arg1, %c0_i32, %c0_i32_0 : i32, i32, i32, i32
  }
  func.func @transform_1(%arg0: i32, %arg1: i32) -> (i32, i32, i32) {
    %c0_i32 = arith.constant 0 : i32
    %c0_i32_0 = arith.constant 0 : i32
    %c0_i32_1 = arith.constant 0 : i32
    %c0_i32_2 = arith.constant 0 : i32
    return %c0_i32, %c0_i32_0, %c0_i32_1 : i32, i32, i32
  }
  func.func @transform_2(%arg0: i32, %arg1: i32) -> (i32, i32) {
    %c0_i32 = arith.constant 0 : i32
    %c0_i32_0 = arith.constant 0 : i32
    %c0_i32_1 = arith.constant 0 : i32
    return %c0_i32, %c0_i32_0 : i32, i32
  }
  func.func @transform_3(%arg0: i32, %arg1: i32) -> (i32, i32) {
    %c0_i32 = arith.constant 0 : i32
    %c0_i32_0 = arith.constant 0 : i32
    %c0_i32_1 = arith.constant 0 : i32
    return %c0_i32, %c0_i32_0 : i32, i32
  }
  func.func @transform_4(%arg0: i32, %arg1: i32) -> (i32, i32) {
    %c0_i32 = arith.constant 0 : i32
    %c0_i32_0 = arith.constant 0 : i32
    %c0_i32_1 = arith.constant 0 : i32
    return %c0_i32, %c0_i32_0 : i32, i32
  }
  func.func @transform_5(%arg0: i32, %arg1: i32) -> (i32, i32) {
    %c0_i32 = arith.constant 0 : i32
    %c0_i32_0 = arith.constant 0 : i32
    %c0_i32_1 = arith.constant 0 : i32
    return %c0_i32, %c0_i32_0 : i32, i32
  }
  func.func @transform_6(%arg0: i32, %arg1: i32) -> (i32, i32, i32) {
    %c0_i32 = arith.constant 0 : i32
    %c0_i32_0 = arith.constant 0 : i32
    return %arg0, %c0_i32, %arg1 : i32, i32, i32
  }
  func.func @transform_7(%arg0: i32, %arg1: i32) -> (i32, i32, i32) {
    %c0_i32 = arith.constant 0 : i32
    %c0_i32_0 = arith.constant 0 : i32
    return %arg0, %c0_i32, %arg1 : i32, i32, i32
  }
  func.func @transform_8(%arg0: i32, %arg1: i32) -> (i32, i32, i32) {
    %c0_i32 = arith.constant 0 : i32
    %c0_i32_0 = arith.constant 0 : i32
    return %arg0, %c0_i32, %arg1 : i32, i32, i32
  }
  func.func @transform_9(%arg0: i32, %arg1: i32) -> (i32, i32, i32) {
    %c0_i32 = arith.constant 0 : i32
    %c0_i32_0 = arith.constant 0 : i32
    return %arg0, %c0_i32, %arg1 : i32, i32, i32
  }
  func.func @transform_10(%arg0: i32, %arg1: i32) -> (i32, i32, i32) {
    %c0_i32 = arith.constant 0 : i32
    %c0_i32_0 = arith.constant 0 : i32
    return %arg0, %c0_i32, %arg1 : i32, i32, i32
  }
  func.func @transform_11(%arg0: i32, %arg1: i32) -> (i32, i32, i32) {
    %c0_i32 = arith.constant 0 : i32
    %c0_i32_0 = arith.constant 0 : i32
    return %arg0, %c0_i32, %arg1 : i32, i32, i32
  }
}

module attributes {stable_mosaic.version = 14 : i64} {
  func.func @_sort_kernel(%arg0: memref<136xi32, #tpu.memory_space<smem>>, %arg1: memref<136xi32, #tpu.memory_space<smem>>, %arg2: memref<2x512x128xf32, #tpu.memory_space<vmem>>, %arg3: memref<2x512x128xi32, #tpu.memory_space<vmem>>, %arg4: memref<2x48x128xi32, #tpu.memory_space<vmem>>, %arg5: memref<2x512x128xf32, #tpu.memory_space<vmem>>, %arg6: memref<2x512x128xi32, #tpu.memory_space<vmem>>) attributes {dimension_semantics = [], scalar_prefetch = 0 : i64, scratch_operands = 2 : i64, tpu.core_type = #tpu.core_type<tc>} {
    %iota3A = tpu.iota {dimensions = array<i32: 0>} : vector<512x128xi32>
    %mul3A = arith.constant 128 : i32
    %mul3A_0 = vector.broadcast %mul3A : i32 to vector<512x128xi32>
    %mul3A_1 = arith.muli %iota3A, %mul3A_0 : vector<512x128xi32>
    %iota3A_2 = tpu.iota {dimensions = array<i32: 1>} : vector<512x128xi32>
    %add3A = arith.addi %mul3A_1, %iota3A_2 : vector<512x128xi32>
    %get3A = arith.constant 0 : index
    %get3A_3 = arith.constant 0 : index
    %get3A_4 = arith.constant 0 : index
    %get3A_5 = vector.load %arg2[%get3A, %get3A_3, %get3A_4] : memref<2x512x128xf32, #tpu.memory_space<vmem>>, vector<2x512x128xf32>
    %swap3A = arith.constant 0 : index
    %swap3A_6 = arith.constant 0 : index
    %swap3A_7 = arith.constant 0 : index
    %swap3A_8 = vector.load %arg5[%swap3A, %swap3A_6, %swap3A_7] : memref<2x512x128xf32, #tpu.memory_space<vmem>>, vector<2x512x128xf32>
    tpu.vector_store %arg5[%swap3A, %swap3A_6, %swap3A_7], %get3A_5 {strides = array<i32>} : memref<2x512x128xf32, #tpu.memory_space<vmem>>, vector<2x512x128xf32>,
    %get3A_9 = arith.constant 0 : index
    %get3A_10 = arith.constant 0 : index
    %get3A_11 = arith.constant 0 : index
    %get3A_12 = vector.load %arg3[%get3A_9, %get3A_10, %get3A_11] : memref<2x512x128xi32, #tpu.memory_space<vmem>>, vector<2x512x128xi32>
    %swap3A_13 = arith.constant 0 : index
    %swap3A_14 = arith.constant 0 : index
    %swap3A_15 = arith.constant 0 : index
    %swap3A_16 = vector.load %arg6[%swap3A_13, %swap3A_14, %swap3A_15] : memref<2x512x128xi32, #tpu.memory_space<vmem>>, vector<2x512x128xi32>
    tpu.vector_store %arg6[%swap3A_13, %swap3A_14, %swap3A_15], %get3A_12 {strides = array<i32>} : memref<2x512x128xi32, #tpu.memory_space<vmem>>, vector<2x512x128xi32>,
    %scan3A = arith.constant 0 : i32
    %scan3A_17 = arith.constant 28 : i32
    %scan3A_18 = arith.addi %scan3A, %scan3A_17 : i32
    %scan3A_19 = arith.constant 1 : i32
    scf.for %scan3A_173 = %scan3A to %scan3A_18 step %scan3A_19  : i32 {
      %get3A_174 = arith.index_cast %scan3A_173 : i32 to index
      %get3A_175 = memref.load %arg0[%get3A_174] : memref<136xi32, #tpu.memory_space<smem>>
      %and3A_176 = vector.broadcast %get3A_175 : i32 to vector<512x128xi32>
      %and3A_177 = arith.andi %add3A, %and3A_176 : vector<512x128xi32>
      %eq3A_178 = arith.constant 0 : i32
      %eq3A_179 = vector.broadcast %eq3A_178 : i32 to vector<512x128xi32>
      %eq3A_180 = arith.cmpi eq, %and3A_177, %eq3A_179 : vector<512x128xi32>
      %broadcast_in_dim3A_181 = vector.shape_cast %eq3A_180 : vector<512x128xi1> to vector<1x512x128xi1>
      %get3A_182 = arith.index_cast %scan3A_173 : i32 to index
      %get3A_183 = memref.load %arg1[%get3A_182] : memref<136xi32, #tpu.memory_space<smem>>
      %get3A_184 = arith.constant 0 : index
      %get3A_185 = arith.constant 0 : index
      %get3A_186 = arith.constant 0 : index
      %get3A_187 = vector.load %arg5[%get3A_184, %get3A_185, %get3A_186] : memref<2x512x128xf32, #tpu.memory_space<vmem>>, vector<2x512x128xf32>
      %get3A_188 = arith.constant 0 : index
      %get3A_189 = arith.constant 0 : index
      %get3A_190 = arith.constant 0 : index
      %get3A_191 = vector.load %arg6[%get3A_188, %get3A_189, %get3A_190] : memref<2x512x128xi32, #tpu.memory_space<vmem>>, vector<2x512x128xi32>
      %sub3A_192 = arith.constant 128 : i32
      %sub3A_193 = arith.subi %sub3A_192, %get3A_175 : i32
      %and3A_194 = arith.constant 127 : i32
      %and3A_195 = arith.andi %sub3A_193, %and3A_194 : i32
      %roll3A_196 = tpu.dynamic_rotate %get3A_187 by %and3A_195 dim 2 : vector<2x512x128xf32>, i32 -> vector<2x512x128xf32>
      %roll3A_197 = tpu.dynamic_rotate %get3A_187 by %get3A_175 dim 2 : vector<2x512x128xf32>, i32 -> vector<2x512x128xf32>
      %broadcast_in_dim3A_198 = vector.shape_cast %broadcast_in_dim3A_181 : vector<1x512x128xi1> to vector<1x512x128xi1>
      %broadcast_in_dim3A_199 = vector.broadcast %broadcast_in_dim3A_198 : vector<1x512x128xi1> to vector<2x512x128xi1>
      %select_n3A_200 = arith.select %broadcast_in_dim3A_199, %roll3A_196, %roll3A_197 : vector<2x512x128xi1>, vector<2x512x128xf32>
      %sub3A_201 = arith.constant 128 : i32
      %sub3A_202 = arith.subi %sub3A_201, %get3A_175 : i32
      %and3A_203 = arith.constant 127 : i32
      %and3A_204 = arith.andi %sub3A_202, %and3A_203 : i32
      %roll3A_205 = tpu.dynamic_rotate %get3A_191 by %and3A_204 dim 2 : vector<2x512x128xi32>, i32 -> vector<2x512x128xi32>
      %roll3A_206 = tpu.dynamic_rotate %get3A_191 by %get3A_175 dim 2 : vector<2x512x128xi32>, i32 -> vector<2x512x128xi32>
      %broadcast_in_dim3A_207 = vector.shape_cast %broadcast_in_dim3A_181 : vector<1x512x128xi1> to vector<1x512x128xi1>
      %broadcast_in_dim3A_208 = vector.broadcast %broadcast_in_dim3A_207 : vector<1x512x128xi1> to vector<2x512x128xi1>
      %select_n3A_209 = arith.select %broadcast_in_dim3A_208, %roll3A_205, %roll3A_206 : vector<2x512x128xi1>, vector<2x512x128xi32>
      %and3A_210 = vector.broadcast %get3A_183 : i32 to vector<512x128xi32>
      %and3A_211 = arith.andi %add3A, %and3A_210 : vector<512x128xi32>
      %eq3A_212 = arith.constant 0 : i32
      %eq3A_213 = vector.broadcast %eq3A_212 : i32 to vector<512x128xi32>
      %eq3A_214 = arith.cmpi eq, %and3A_211, %eq3A_213 : vector<512x128xi32>
      %broadcast_in_dim3A_215 = vector.shape_cast %eq3A_214 : vector<512x128xi1> to vector<1x512x128xi1>
      %eq3A_216 = arith.xori %broadcast_in_dim3A_181, %broadcast_in_dim3A_215 : vector<1x512x128xi1>
      %eq3A_217 = arith.constant dense<true> : vector<1x512x128xi1>
      %eq3A_218 = arith.xori %eq3A_216, %eq3A_217 : vector<1x512x128xi1>
      %gt3A_219 = arith.cmpf ogt, %get3A_187, %select_n3A_200 : vector<2x512x128xf32>
      %eq3A_220 = arith.cmpf oeq, %get3A_187, %select_n3A_200 : vector<2x512x128xf32>
      %lt3A_221 = arith.cmpi slt, %get3A_191, %select_n3A_209 : vector<2x512x128xi32>
      %and3A_222 = arith.andi %eq3A_220, %lt3A_221 : vector<2x512x128xi1>
      %or3A_223 = arith.ori %gt3A_219, %and3A_222 : vector<2x512x128xi1>
      %eq3A_224 = vector.broadcast %eq3A_218 : vector<1x512x128xi1> to vector<2x512x128xi1>
      %eq3A_225 = vector.broadcast %eq3A_224 : vector<2x512x128xi1> to vector<2x512x128xi1>
      %eq3A_226 = arith.xori %eq3A_225, %or3A_223 : vector<2x512x128xi1>
      %eq3A_227 = arith.constant dense<true> : vector<2x512x128xi1>
      %eq3A_228 = arith.xori %eq3A_226, %eq3A_227 : vector<2x512x128xi1>
      %select_n3A_229 = arith.select %eq3A_228, %get3A_187, %select_n3A_200 : vector<2x512x128xi1>, vector<2x512x128xf32>
      %swap3A_230 = arith.constant 0 : index
      %swap3A_231 = arith.constant 0 : index
      %swap3A_232 = arith.constant 0 : index
      %swap3A_233 = vector.load %arg5[%swap3A_230, %swap3A_231, %swap3A_232] : memref<2x512x128xf32, #tpu.memory_space<vmem>>, vector<2x512x128xf32>
      tpu.vector_store %arg5[%swap3A_230, %swap3A_231, %swap3A_232], %select_n3A_229 {strides = array<i32>} : memref<2x512x128xf32, #tpu.memory_space<vmem>>, vector<2x512x128xf32>,
      %select_n3A_234 = arith.select %eq3A_228, %get3A_191, %select_n3A_209 : vector<2x512x128xi1>, vector<2x512x128xi32>
      %swap3A_235 = arith.constant 0 : index
      %swap3A_236 = arith.constant 0 : index
      %swap3A_237 = arith.constant 0 : index
      %swap3A_238 = vector.load %arg6[%swap3A_235, %swap3A_236, %swap3A_237] : memref<2x512x128xi32, #tpu.memory_space<vmem>>, vector<2x512x128xi32>
      tpu.vector_store %arg6[%swap3A_235, %swap3A_236, %swap3A_237], %select_n3A_234 {strides = array<i32>} : memref<2x512x128xi32, #tpu.memory_space<vmem>>, vector<2x512x128xi32>,
    }
    %scan3A_20 = arith.constant 28 : i32
    %scan3A_21 = arith.constant 28 : i32
    %get3A_22 = arith.index_cast %scan3A_21 : i32 to index
    %get3A_23 = memref.load %arg0[%get3A_22] : memref<136xi32, #tpu.memory_space<smem>>
    %shift_right_arithmetic3A = arith.constant 7 : i32
    %shift_right_arithmetic3A_24 = arith.shrsi %get3A_23, %shift_right_arithmetic3A : i32
    %and3A = vector.broadcast %get3A_23 : i32 to vector<512x128xi32>
    %and3A_25 = arith.andi %add3A, %and3A : vector<512x128xi32>
    %eq3A = arith.constant 0 : i32
    %eq3A_26 = vector.broadcast %eq3A : i32 to vector<512x128xi32>
    %eq3A_27 = arith.cmpi eq, %and3A_25, %eq3A_26 : vector<512x128xi32>
    %broadcast_in_dim3A = vector.shape_cast %eq3A_27 : vector<512x128xi1> to vector<1x512x128xi1>
    %get3A_28 = arith.index_cast %scan3A_21 : i32 to index
    %get3A_29 = memref.load %arg1[%get3A_28] : memref<136xi32, #tpu.memory_space<smem>>
    %get3A_30 = arith.constant 0 : index
    %get3A_31 = arith.constant 0 : index
    %get3A_32 = arith.constant 0 : index
    %get3A_33 = vector.load %arg5[%get3A_30, %get3A_31, %get3A_32] : memref<2x512x128xf32, #tpu.memory_space<vmem>>, vector<2x512x128xf32>
    %get3A_34 = arith.constant 0 : index
    %get3A_35 = arith.constant 0 : index
    %get3A_36 = arith.constant 0 : index
    %get3A_37 = vector.load %arg6[%get3A_34, %get3A_35, %get3A_36] : memref<2x512x128xi32, #tpu.memory_space<vmem>>, vector<2x512x128xi32>
    %sub3A = arith.constant 512 : i32
    %sub3A_38 = arith.subi %sub3A, %shift_right_arithmetic3A_24 : i32
    %and3A_39 = arith.constant 511 : i32
    %and3A_40 = arith.andi %sub3A_38, %and3A_39 : i32
    %roll3A = tpu.dynamic_rotate %get3A_33 by %and3A_40 dim 1 : vector<2x512x128xf32>, i32 -> vector<2x512x128xf32>
    %roll3A_41 = tpu.dynamic_rotate %get3A_33 by %shift_right_arithmetic3A_24 dim 1 : vector<2x512x128xf32>, i32 -> vector<2x512x128xf32>
    %broadcast_in_dim3A_42 = vector.shape_cast %broadcast_in_dim3A : vector<1x512x128xi1> to vector<1x512x128xi1>
    %broadcast_in_dim3A_43 = vector.broadcast %broadcast_in_dim3A_42 : vector<1x512x128xi1> to vector<2x512x128xi1>
    %select_n3A = arith.select %broadcast_in_dim3A_43, %roll3A, %roll3A_41 : vector<2x512x128xi1>, vector<2x512x128xf32>
    %sub3A_44 = arith.constant 512 : i32
    %sub3A_45 = arith.subi %sub3A_44, %shift_right_arithmetic3A_24 : i32
    %and3A_46 = arith.constant 511 : i32
    %and3A_47 = arith.andi %sub3A_45, %and3A_46 : i32
    %roll3A_48 = tpu.dynamic_rotate %get3A_37 by %and3A_47 dim 1 : vector<2x512x128xi32>, i32 -> vector<2x512x128xi32>
    %roll3A_49 = tpu.dynamic_rotate %get3A_37 by %shift_right_arithmetic3A_24 dim 1 : vector<2x512x128xi32>, i32 -> vector<2x512x128xi32>
    %broadcast_in_dim3A_50 = vector.shape_cast %broadcast_in_dim3A : vector<1x512x128xi1> to vector<1x512x128xi1>
    %broadcast_in_dim3A_51 = vector.broadcast %broadcast_in_dim3A_50 : vector<1x512x128xi1> to vector<2x512x128xi1>
    %select_n3A_52 = arith.select %broadcast_in_dim3A_51, %roll3A_48, %roll3A_49 : vector<2x512x128xi1>, vector<2x512x128xi32>
    %and3A_53 = vector.broadcast %get3A_29 : i32 to vector<512x128xi32>
    %and3A_54 = arith.andi %add3A, %and3A_53 : vector<512x128xi32>
    %eq3A_55 = arith.constant 0 : i32
    %eq3A_56 = vector.broadcast %eq3A_55 : i32 to vector<512x128xi32>
    %eq3A_57 = arith.cmpi eq, %and3A_54, %eq3A_56 : vector<512x128xi32>
    %broadcast_in_dim3A_58 = vector.shape_cast %eq3A_57 : vector<512x128xi1> to vector<1x512x128xi1>
    %eq3A_59 = arith.xori %broadcast_in_dim3A, %broadcast_in_dim3A_58 : vector<1x512x128xi1>
    %eq3A_60 = arith.constant dense<true> : vector<1x512x128xi1>
    %eq3A_61 = arith.xori %eq3A_59, %eq3A_60 : vector<1x512x128xi1>
    %gt3A = arith.cmpf ogt, %get3A_33, %select_n3A : vector<2x512x128xf32>
    %eq3A_62 = arith.cmpf oeq, %get3A_33, %select_n3A : vector<2x512x128xf32>
    %lt3A = arith.cmpi slt, %get3A_37, %select_n3A_52 : vector<2x512x128xi32>
    %and3A_63 = arith.andi %eq3A_62, %lt3A : vector<2x512x128xi1>
    %or3A = arith.ori %gt3A, %and3A_63 : vector<2x512x128xi1>
    %eq3A_64 = vector.broadcast %eq3A_61 : vector<1x512x128xi1> to vector<2x512x128xi1>
    %eq3A_65 = vector.broadcast %eq3A_64 : vector<2x512x128xi1> to vector<2x512x128xi1>
    %eq3A_66 = arith.xori %eq3A_65, %or3A : vector<2x512x128xi1>
    %eq3A_67 = arith.constant dense<true> : vector<2x512x128xi1>
    %eq3A_68 = arith.xori %eq3A_66, %eq3A_67 : vector<2x512x128xi1>
    %select_n3A_69 = arith.select %eq3A_68, %get3A_33, %select_n3A : vector<2x512x128xi1>, vector<2x512x128xf32>
    %swap3A_70 = arith.constant 0 : index
    %swap3A_71 = arith.constant 0 : index
    %swap3A_72 = arith.constant 0 : index
    %swap3A_73 = vector.load %arg5[%swap3A_70, %swap3A_71, %swap3A_72] : memref<2x512x128xf32, #tpu.memory_space<vmem>>, vector<2x512x128xf32>
    tpu.vector_store %arg5[%swap3A_70, %swap3A_71, %swap3A_72], %select_n3A_69 {strides = array<i32>} : memref<2x512x128xf32, #tpu.memory_space<vmem>>, vector<2x512x128xf32>,
    %select_n3A_74 = arith.select %eq3A_68, %get3A_37, %select_n3A_52 : vector<2x512x128xi1>, vector<2x512x128xi32>
    %swap3A_75 = arith.constant 0 : index
    %swap3A_76 = arith.constant 0 : index
    %swap3A_77 = arith.constant 0 : index
    %swap3A_78 = vector.load %arg6[%swap3A_75, %swap3A_76, %swap3A_77] : memref<2x512x128xi32, #tpu.memory_space<vmem>>, vector<2x512x128xi32>
    tpu.vector_store %arg6[%swap3A_75, %swap3A_76, %swap3A_77], %select_n3A_74 {strides = array<i32>} : memref<2x512x128xi32, #tpu.memory_space<vmem>>, vector<2x512x128xi32>,
    %scan3A_79 = arith.constant 1 : i32
    %scan3A_80 = arith.constant 29 : i32
    %scan3A_81 = arith.constant 7 : i32
    %scan3A_82 = arith.addi %scan3A_80, %scan3A_81 : i32
    %scan3A_83 = arith.constant 1 : i32
    scf.for %scan3A_173 = %scan3A_80 to %scan3A_82 step %scan3A_83  : i32 {
      %get3A_174 = arith.index_cast %scan3A_173 : i32 to index
      %get3A_175 = memref.load %arg0[%get3A_174] : memref<136xi32, #tpu.memory_space<smem>>
      %and3A_176 = vector.broadcast %get3A_175 : i32 to vector<512x128xi32>
      %and3A_177 = arith.andi %add3A, %and3A_176 : vector<512x128xi32>
      %eq3A_178 = arith.constant 0 : i32
      %eq3A_179 = vector.broadcast %eq3A_178 : i32 to vector<512x128xi32>
      %eq3A_180 = arith.cmpi eq, %and3A_177, %eq3A_179 : vector<512x128xi32>
      %broadcast_in_dim3A_181 = vector.shape_cast %eq3A_180 : vector<512x128xi1> to vector<1x512x128xi1>
      %get3A_182 = arith.index_cast %scan3A_173 : i32 to index
      %get3A_183 = memref.load %arg1[%get3A_182] : memref<136xi32, #tpu.memory_space<smem>>
      %get3A_184 = arith.constant 0 : index
      %get3A_185 = arith.constant 0 : index
      %get3A_186 = arith.constant 0 : index
      %get3A_187 = vector.load %arg5[%get3A_184, %get3A_185, %get3A_186] : memref<2x512x128xf32, #tpu.memory_space<vmem>>, vector<2x512x128xf32>
      %get3A_188 = arith.constant 0 : index
      %get3A_189 = arith.constant 0 : index
      %get3A_190 = arith.constant 0 : index
      %get3A_191 = vector.load %arg6[%get3A_188, %get3A_189, %get3A_190] : memref<2x512x128xi32, #tpu.memory_space<vmem>>, vector<2x512x128xi32>
      %sub3A_192 = arith.constant 128 : i32
      %sub3A_193 = arith.subi %sub3A_192, %get3A_175 : i32
      %and3A_194 = arith.constant 127 : i32
      %and3A_195 = arith.andi %sub3A_193, %and3A_194 : i32
      %roll3A_196 = tpu.dynamic_rotate %get3A_187 by %and3A_195 dim 2 : vector<2x512x128xf32>, i32 -> vector<2x512x128xf32>
      %roll3A_197 = tpu.dynamic_rotate %get3A_187 by %get3A_175 dim 2 : vector<2x512x128xf32>, i32 -> vector<2x512x128xf32>
      %broadcast_in_dim3A_198 = vector.shape_cast %broadcast_in_dim3A_181 : vector<1x512x128xi1> to vector<1x512x128xi1>
      %broadcast_in_dim3A_199 = vector.broadcast %broadcast_in_dim3A_198 : vector<1x512x128xi1> to vector<2x512x128xi1>
      %select_n3A_200 = arith.select %broadcast_in_dim3A_199, %roll3A_196, %roll3A_197 : vector<2x512x128xi1>, vector<2x512x128xf32>
      %sub3A_201 = arith.constant 128 : i32
      %sub3A_202 = arith.subi %sub3A_201, %get3A_175 : i32
      %and3A_203 = arith.constant 127 : i32
      %and3A_204 = arith.andi %sub3A_202, %and3A_203 : i32
      %roll3A_205 = tpu.dynamic_rotate %get3A_191 by %and3A_204 dim 2 : vector<2x512x128xi32>, i32 -> vector<2x512x128xi32>
      %roll3A_206 = tpu.dynamic_rotate %get3A_191 by %get3A_175 dim 2 : vector<2x512x128xi32>, i32 -> vector<2x512x128xi32>
      %broadcast_in_dim3A_207 = vector.shape_cast %broadcast_in_dim3A_181 : vector<1x512x128xi1> to vector<1x512x128xi1>
      %broadcast_in_dim3A_208 = vector.broadcast %broadcast_in_dim3A_207 : vector<1x512x128xi1> to vector<2x512x128xi1>
      %select_n3A_209 = arith.select %broadcast_in_dim3A_208, %roll3A_205, %roll3A_206 : vector<2x512x128xi1>, vector<2x512x128xi32>
      %and3A_210 = vector.broadcast %get3A_183 : i32 to vector<512x128xi32>
      %and3A_211 = arith.andi %add3A, %and3A_210 : vector<512x128xi32>
      %eq3A_212 = arith.constant 0 : i32
      %eq3A_213 = vector.broadcast %eq3A_212 : i32 to vector<512x128xi32>
      %eq3A_214 = arith.cmpi eq, %and3A_211, %eq3A_213 : vector<512x128xi32>
      %broadcast_in_dim3A_215 = vector.shape_cast %eq3A_214 : vector<512x128xi1> to vector<1x512x128xi1>
      %eq3A_216 = arith.xori %broadcast_in_dim3A_181, %broadcast_in_dim3A_215 : vector<1x512x128xi1>
      %eq3A_217 = arith.constant dense<true> : vector<1x512x128xi1>
      %eq3A_218 = arith.xori %eq3A_216, %eq3A_217 : vector<1x512x128xi1>
      %gt3A_219 = arith.cmpf ogt, %get3A_187, %select_n3A_200 : vector<2x512x128xf32>
      %eq3A_220 = arith.cmpf oeq, %get3A_187, %select_n3A_200 : vector<2x512x128xf32>
      %lt3A_221 = arith.cmpi slt, %get3A_191, %select_n3A_209 : vector<2x512x128xi32>
      %and3A_222 = arith.andi %eq3A_220, %lt3A_221 : vector<2x512x128xi1>
      %or3A_223 = arith.ori %gt3A_219, %and3A_222 : vector<2x512x128xi1>
      %eq3A_224 = vector.broadcast %eq3A_218 : vector<1x512x128xi1> to vector<2x512x128xi1>
      %eq3A_225 = vector.broadcast %eq3A_224 : vector<2x512x128xi1> to vector<2x512x128xi1>
      %eq3A_226 = arith.xori %eq3A_225, %or3A_223 : vector<2x512x128xi1>
      %eq3A_227 = arith.constant dense<true> : vector<2x512x128xi1>
      %eq3A_228 = arith.xori %eq3A_226, %eq3A_227 : vector<2x512x128xi1>
      %select_n3A_229 = arith.select %eq3A_228, %get3A_187, %select_n3A_200 : vector<2x512x128xi1>, vector<2x512x128xf32>
      %swap3A_230 = arith.constant 0 : index
      %swap3A_231 = arith.constant 0 : index
      %swap3A_232 = arith.constant 0 : index
      %swap3A_233 = vector.load %arg5[%swap3A_230, %swap3A_231, %swap3A_232] : memref<2x512x128xf32, #tpu.memory_space<vmem>>, vector<2x512x128xf32>
      tpu.vector_store %arg5[%swap3A_230, %swap3A_231, %swap3A_232], %select_n3A_229 {strides = array<i32>} : memref<2x512x128xf32, #tpu.memory_space<vmem>>, vector<2x512x128xf32>,
      %select_n3A_234 = arith.select %eq3A_228, %get3A_191, %select_n3A_209 : vector<2x512x128xi1>, vector<2x512x128xi32>
      %swap3A_235 = arith.constant 0 : index
      %swap3A_236 = arith.constant 0 : index
      %swap3A_237 = arith.constant 0 : index
      %swap3A_238 = vector.load %arg6[%swap3A_235, %swap3A_236, %swap3A_237] : memref<2x512x128xi32, #tpu.memory_space<vmem>>, vector<2x512x128xi32>
      tpu.vector_store %arg6[%swap3A_235, %swap3A_236, %swap3A_237], %select_n3A_234 {strides = array<i32>} : memref<2x512x128xi32, #tpu.memory_space<vmem>>, vector<2x512x128xi32>,
    }
    %scan3A_84 = arith.constant 7 : i32
    %scan3A_85 = arith.constant 36 : i32
    %scan3A_86 = arith.constant 2 : i32
    %scan3A_87 = arith.addi %scan3A_85, %scan3A_86 : i32
    %scan3A_88 = arith.constant 1 : i32
    scf.for %scan3A_173 = %scan3A_85 to %scan3A_87 step %scan3A_88  : i32 {
      %get3A_174 = arith.index_cast %scan3A_173 : i32 to index
      %get3A_175 = memref.load %arg0[%get3A_174] : memref<136xi32, #tpu.memory_space<smem>>
      %shift_right_arithmetic3A_176 = arith.constant 7 : i32
      %shift_right_arithmetic3A_177 = arith.shrsi %get3A_175, %shift_right_arithmetic3A_176 : i32
      %and3A_178 = vector.broadcast %get3A_175 : i32 to vector<512x128xi32>
      %and3A_179 = arith.andi %add3A, %and3A_178 : vector<512x128xi32>
      %eq3A_180 = arith.constant 0 : i32
      %eq3A_181 = vector.broadcast %eq3A_180 : i32 to vector<512x128xi32>
      %eq3A_182 = arith.cmpi eq, %and3A_179, %eq3A_181 : vector<512x128xi32>
      %broadcast_in_dim3A_183 = vector.shape_cast %eq3A_182 : vector<512x128xi1> to vector<1x512x128xi1>
      %get3A_184 = arith.index_cast %scan3A_173 : i32 to index
      %get3A_185 = memref.load %arg1[%get3A_184] : memref<136xi32, #tpu.memory_space<smem>>
      %get3A_186 = arith.constant 0 : index
      %get3A_187 = arith.constant 0 : index
      %get3A_188 = arith.constant 0 : index
      %get3A_189 = vector.load %arg5[%get3A_186, %get3A_187, %get3A_188] : memref<2x512x128xf32, #tpu.memory_space<vmem>>, vector<2x512x128xf32>
      %get3A_190 = arith.constant 0 : index
      %get3A_191 = arith.constant 0 : index
      %get3A_192 = arith.constant 0 : index
      %get3A_193 = vector.load %arg6[%get3A_190, %get3A_191, %get3A_192] : memref<2x512x128xi32, #tpu.memory_space<vmem>>, vector<2x512x128xi32>
      %sub3A_194 = arith.constant 512 : i32
      %sub3A_195 = arith.subi %sub3A_194, %shift_right_arithmetic3A_177 : i32
      %and3A_196 = arith.constant 511 : i32
      %and3A_197 = arith.andi %sub3A_195, %and3A_196 : i32
      %roll3A_198 = tpu.dynamic_rotate %get3A_189 by %and3A_197 dim 1 : vector<2x512x128xf32>, i32 -> vector<2x512x128xf32>
      %roll3A_199 = tpu.dynamic_rotate %get3A_189 by %shift_right_arithmetic3A_177 dim 1 : vector<2x512x128xf32>, i32 -> vector<2x512x128xf32>
      %broadcast_in_dim3A_200 = vector.shape_cast %broadcast_in_dim3A_183 : vector<1x512x128xi1> to vector<1x512x128xi1>
      %broadcast_in_dim3A_201 = vector.broadcast %broadcast_in_dim3A_200 : vector<1x512x128xi1> to vector<2x512x128xi1>
      %select_n3A_202 = arith.select %broadcast_in_dim3A_201, %roll3A_198, %roll3A_199 : vector<2x512x128xi1>, vector<2x512x128xf32>
      %sub3A_203 = arith.constant 512 : i32
      %sub3A_204 = arith.subi %sub3A_203, %shift_right_arithmetic3A_177 : i32
      %and3A_205 = arith.constant 511 : i32
      %and3A_206 = arith.andi %sub3A_204, %and3A_205 : i32
      %roll3A_207 = tpu.dynamic_rotate %get3A_193 by %and3A_206 dim 1 : vector<2x512x128xi32>, i32 -> vector<2x512x128xi32>
      %roll3A_208 = tpu.dynamic_rotate %get3A_193 by %shift_right_arithmetic3A_177 dim 1 : vector<2x512x128xi32>, i32 -> vector<2x512x128xi32>
      %broadcast_in_dim3A_209 = vector.shape_cast %broadcast_in_dim3A_183 : vector<1x512x128xi1> to vector<1x512x128xi1>
      %broadcast_in_dim3A_210 = vector.broadcast %broadcast_in_dim3A_209 : vector<1x512x128xi1> to vector<2x512x128xi1>
      %select_n3A_211 = arith.select %broadcast_in_dim3A_210, %roll3A_207, %roll3A_208 : vector<2x512x128xi1>, vector<2x512x128xi32>
      %and3A_212 = vector.broadcast %get3A_185 : i32 to vector<512x128xi32>
      %and3A_213 = arith.andi %add3A, %and3A_212 : vector<512x128xi32>
      %eq3A_214 = arith.constant 0 : i32
      %eq3A_215 = vector.broadcast %eq3A_214 : i32 to vector<512x128xi32>
      %eq3A_216 = arith.cmpi eq, %and3A_213, %eq3A_215 : vector<512x128xi32>
      %broadcast_in_dim3A_217 = vector.shape_cast %eq3A_216 : vector<512x128xi1> to vector<1x512x128xi1>
      %eq3A_218 = arith.xori %broadcast_in_dim3A_183, %broadcast_in_dim3A_217 : vector<1x512x128xi1>
      %eq3A_219 = arith.constant dense<true> : vector<1x512x128xi1>
      %eq3A_220 = arith.xori %eq3A_218, %eq3A_219 : vector<1x512x128xi1>
      %gt3A_221 = arith.cmpf ogt, %get3A_189, %select_n3A_202 : vector<2x512x128xf32>
      %eq3A_222 = arith.cmpf oeq, %get3A_189, %select_n3A_202 : vector<2x512x128xf32>
      %lt3A_223 = arith.cmpi slt, %get3A_193, %select_n3A_211 : vector<2x512x128xi32>
      %and3A_224 = arith.andi %eq3A_222, %lt3A_223 : vector<2x512x128xi1>
      %or3A_225 = arith.ori %gt3A_221, %and3A_224 : vector<2x512x128xi1>
      %eq3A_226 = vector.broadcast %eq3A_220 : vector<1x512x128xi1> to vector<2x512x128xi1>
      %eq3A_227 = vector.broadcast %eq3A_226 : vector<2x512x128xi1> to vector<2x512x128xi1>
      %eq3A_228 = arith.xori %eq3A_227, %or3A_225 : vector<2x512x128xi1>
      %eq3A_229 = arith.constant dense<true> : vector<2x512x128xi1>
      %eq3A_230 = arith.xori %eq3A_228, %eq3A_229 : vector<2x512x128xi1>
      %select_n3A_231 = arith.select %eq3A_230, %get3A_189, %select_n3A_202 : vector<2x512x128xi1>, vector<2x512x128xf32>
      %swap3A_232 = arith.constant 0 : index
      %swap3A_233 = arith.constant 0 : index
      %swap3A_234 = arith.constant 0 : index
      %swap3A_235 = vector.load %arg5[%swap3A_232, %swap3A_233, %swap3A_234] : memref<2x512x128xf32, #tpu.memory_space<vmem>>, vector<2x512x128xf32>
      tpu.vector_store %arg5[%swap3A_232, %swap3A_233, %swap3A_234], %select_n3A_231 {strides = array<i32>} : memref<2x512x128xf32, #tpu.memory_space<vmem>>, vector<2x512x128xf32>,
      %select_n3A_236 = arith.select %eq3A_230, %get3A_193, %select_n3A_211 : vector<2x512x128xi1>, vector<2x512x128xi32>
      %swap3A_237 = arith.constant 0 : index
      %swap3A_238 = arith.constant 0 : index
      %swap3A_239 = arith.constant 0 : index
      %swap3A_240 = vector.load %arg6[%swap3A_237, %swap3A_238, %swap3A_239] : memref<2x512x128xi32, #tpu.memory_space<vmem>>, vector<2x512x128xi32>
      tpu.vector_store %arg6[%swap3A_237, %swap3A_238, %swap3A_239], %select_n3A_236 {strides = array<i32>} : memref<2x512x128xi32, #tpu.memory_space<vmem>>, vector<2x512x128xi32>,
    }
    %scan3A_89 = arith.constant 2 : i32
    %scan3A_90 = arith.constant 38 : i32
    %scan3A_91 = arith.constant 7 : i32
    %scan3A_92 = arith.addi %scan3A_90, %scan3A_91 : i32
    %scan3A_93 = arith.constant 1 : i32
    scf.for %scan3A_173 = %scan3A_90 to %scan3A_92 step %scan3A_93  : i32 {
      %get3A_174 = arith.index_cast %scan3A_173 : i32 to index
      %get3A_175 = memref.load %arg0[%get3A_174] : memref<136xi32, #tpu.memory_space<smem>>
      %and3A_176 = vector.broadcast %get3A_175 : i32 to vector<512x128xi32>
      %and3A_177 = arith.andi %add3A, %and3A_176 : vector<512x128xi32>
      %eq3A_178 = arith.constant 0 : i32
      %eq3A_179 = vector.broadcast %eq3A_178 : i32 to vector<512x128xi32>
      %eq3A_180 = arith.cmpi eq, %and3A_177, %eq3A_179 : vector<512x128xi32>
      %broadcast_in_dim3A_181 = vector.shape_cast %eq3A_180 : vector<512x128xi1> to vector<1x512x128xi1>
      %get3A_182 = arith.index_cast %scan3A_173 : i32 to index
      %get3A_183 = memref.load %arg1[%get3A_182] : memref<136xi32, #tpu.memory_space<smem>>
      %get3A_184 = arith.constant 0 : index
      %get3A_185 = arith.constant 0 : index
      %get3A_186 = arith.constant 0 : index
      %get3A_187 = vector.load %arg5[%get3A_184, %get3A_185, %get3A_186] : memref<2x512x128xf32, #tpu.memory_space<vmem>>, vector<2x512x128xf32>
      %get3A_188 = arith.constant 0 : index
      %get3A_189 = arith.constant 0 : index
      %get3A_190 = arith.constant 0 : index
      %get3A_191 = vector.load %arg6[%get3A_188, %get3A_189, %get3A_190] : memref<2x512x128xi32, #tpu.memory_space<vmem>>, vector<2x512x128xi32>
      %sub3A_192 = arith.constant 128 : i32
      %sub3A_193 = arith.subi %sub3A_192, %get3A_175 : i32
      %and3A_194 = arith.constant 127 : i32
      %and3A_195 = arith.andi %sub3A_193, %and3A_194 : i32
      %roll3A_196 = tpu.dynamic_rotate %get3A_187 by %and3A_195 dim 2 : vector<2x512x128xf32>, i32 -> vector<2x512x128xf32>
      %roll3A_197 = tpu.dynamic_rotate %get3A_187 by %get3A_175 dim 2 : vector<2x512x128xf32>, i32 -> vector<2x512x128xf32>
      %broadcast_in_dim3A_198 = vector.shape_cast %broadcast_in_dim3A_181 : vector<1x512x128xi1> to vector<1x512x128xi1>
      %broadcast_in_dim3A_199 = vector.broadcast %broadcast_in_dim3A_198 : vector<1x512x128xi1> to vector<2x512x128xi1>
      %select_n3A_200 = arith.select %broadcast_in_dim3A_199, %roll3A_196, %roll3A_197 : vector<2x512x128xi1>, vector<2x512x128xf32>
      %sub3A_201 = arith.constant 128 : i32
      %sub3A_202 = arith.subi %sub3A_201, %get3A_175 : i32
      %and3A_203 = arith.constant 127 : i32
      %and3A_204 = arith.andi %sub3A_202, %and3A_203 : i32
      %roll3A_205 = tpu.dynamic_rotate %get3A_191 by %and3A_204 dim 2 : vector<2x512x128xi32>, i32 -> vector<2x512x128xi32>
      %roll3A_206 = tpu.dynamic_rotate %get3A_191 by %get3A_175 dim 2 : vector<2x512x128xi32>, i32 -> vector<2x512x128xi32>
      %broadcast_in_dim3A_207 = vector.shape_cast %broadcast_in_dim3A_181 : vector<1x512x128xi1> to vector<1x512x128xi1>
      %broadcast_in_dim3A_208 = vector.broadcast %broadcast_in_dim3A_207 : vector<1x512x128xi1> to vector<2x512x128xi1>
      %select_n3A_209 = arith.select %broadcast_in_dim3A_208, %roll3A_205, %roll3A_206 : vector<2x512x128xi1>, vector<2x512x128xi32>
      %and3A_210 = vector.broadcast %get3A_183 : i32 to vector<512x128xi32>
      %and3A_211 = arith.andi %add3A, %and3A_210 : vector<512x128xi32>
      %eq3A_212 = arith.constant 0 : i32
      %eq3A_213 = vector.broadcast %eq3A_212 : i32 to vector<512x128xi32>
      %eq3A_214 = arith.cmpi eq, %and3A_211, %eq3A_213 : vector<512x128xi32>
      %broadcast_in_dim3A_215 = vector.shape_cast %eq3A_214 : vector<512x128xi1> to vector<1x512x128xi1>
      %eq3A_216 = arith.xori %broadcast_in_dim3A_181, %broadcast_in_dim3A_215 : vector<1x512x128xi1>
      %eq3A_217 = arith.constant dense<true> : vector<1x512x128xi1>
      %eq3A_218 = arith.xori %eq3A_216, %eq3A_217 : vector<1x512x128xi1>
      %gt3A_219 = arith.cmpf ogt, %get3A_187, %select_n3A_200 : vector<2x512x128xf32>
      %eq3A_220 = arith.cmpf oeq, %get3A_187, %select_n3A_200 : vector<2x512x128xf32>
      %lt3A_221 = arith.cmpi slt, %get3A_191, %select_n3A_209 : vector<2x512x128xi32>
      %and3A_222 = arith.andi %eq3A_220, %lt3A_221 : vector<2x512x128xi1>
      %or3A_223 = arith.ori %gt3A_219, %and3A_222 : vector<2x512x128xi1>
      %eq3A_224 = vector.broadcast %eq3A_218 : vector<1x512x128xi1> to vector<2x512x128xi1>
      %eq3A_225 = vector.broadcast %eq3A_224 : vector<2x512x128xi1> to vector<2x512x128xi1>
      %eq3A_226 = arith.xori %eq3A_225, %or3A_223 : vector<2x512x128xi1>
      %eq3A_227 = arith.constant dense<true> : vector<2x512x128xi1>
      %eq3A_228 = arith.xori %eq3A_226, %eq3A_227 : vector<2x512x128xi1>
      %select_n3A_229 = arith.select %eq3A_228, %get3A_187, %select_n3A_200 : vector<2x512x128xi1>, vector<2x512x128xf32>
      %swap3A_230 = arith.constant 0 : index
      %swap3A_231 = arith.constant 0 : index
      %swap3A_232 = arith.constant 0 : index
      %swap3A_233 = vector.load %arg5[%swap3A_230, %swap3A_231, %swap3A_232] : memref<2x512x128xf32, #tpu.memory_space<vmem>>, vector<2x512x128xf32>
      tpu.vector_store %arg5[%swap3A_230, %swap3A_231, %swap3A_232], %select_n3A_229 {strides = array<i32>} : memref<2x512x128xf32, #tpu.memory_space<vmem>>, vector<2x512x128xf32>,
      %select_n3A_234 = arith.select %eq3A_228, %get3A_191, %select_n3A_209 : vector<2x512x128xi1>, vector<2x512x128xi32>
      %swap3A_235 = arith.constant 0 : index
      %swap3A_236 = arith.constant 0 : index
      %swap3A_237 = arith.constant 0 : index
      %swap3A_238 = vector.load %arg6[%swap3A_235, %swap3A_236, %swap3A_237] : memref<2x512x128xi32, #tpu.memory_space<vmem>>, vector<2x512x128xi32>
      tpu.vector_store %arg6[%swap3A_235, %swap3A_236, %swap3A_237], %select_n3A_234 {strides = array<i32>} : memref<2x512x128xi32, #tpu.memory_space<vmem>>, vector<2x512x128xi32>,
    }
    %scan3A_94 = arith.constant 7 : i32
    %scan3A_95 = arith.constant 45 : i32
    %scan3A_96 = arith.constant 3 : i32
    %scan3A_97 = arith.addi %scan3A_95, %scan3A_96 : i32
    %scan3A_98 = arith.constant 1 : i32
    scf.for %scan3A_173 = %scan3A_95 to %scan3A_97 step %scan3A_98  : i32 {
      %get3A_174 = arith.index_cast %scan3A_173 : i32 to index
      %get3A_175 = memref.load %arg0[%get3A_174] : memref<136xi32, #tpu.memory_space<smem>>
      %shift_right_arithmetic3A_176 = arith.constant 7 : i32
      %shift_right_arithmetic3A_177 = arith.shrsi %get3A_175, %shift_right_arithmetic3A_176 : i32
      %and3A_178 = vector.broadcast %get3A_175 : i32 to vector<512x128xi32>
      %and3A_179 = arith.andi %add3A, %and3A_178 : vector<512x128xi32>
      %eq3A_180 = arith.constant 0 : i32
      %eq3A_181 = vector.broadcast %eq3A_180 : i32 to vector<512x128xi32>
      %eq3A_182 = arith.cmpi eq, %and3A_179, %eq3A_181 : vector<512x128xi32>
      %broadcast_in_dim3A_183 = vector.shape_cast %eq3A_182 : vector<512x128xi1> to vector<1x512x128xi1>
      %get3A_184 = arith.index_cast %scan3A_173 : i32 to index
      %get3A_185 = memref.load %arg1[%get3A_184] : memref<136xi32, #tpu.memory_space<smem>>
      %get3A_186 = arith.constant 0 : index
      %get3A_187 = arith.constant 0 : index
      %get3A_188 = arith.constant 0 : index
      %get3A_189 = vector.load %arg5[%get3A_186, %get3A_187, %get3A_188] : memref<2x512x128xf32, #tpu.memory_space<vmem>>, vector<2x512x128xf32>
      %get3A_190 = arith.constant 0 : index
      %get3A_191 = arith.constant 0 : index
      %get3A_192 = arith.constant 0 : index
      %get3A_193 = vector.load %arg6[%get3A_190, %get3A_191, %get3A_192] : memref<2x512x128xi32, #tpu.memory_space<vmem>>, vector<2x512x128xi32>
      %sub3A_194 = arith.constant 512 : i32
      %sub3A_195 = arith.subi %sub3A_194, %shift_right_arithmetic3A_177 : i32
      %and3A_196 = arith.constant 511 : i32
      %and3A_197 = arith.andi %sub3A_195, %and3A_196 : i32
      %roll3A_198 = tpu.dynamic_rotate %get3A_189 by %and3A_197 dim 1 : vector<2x512x128xf32>, i32 -> vector<2x512x128xf32>
      %roll3A_199 = tpu.dynamic_rotate %get3A_189 by %shift_right_arithmetic3A_177 dim 1 : vector<2x512x128xf32>, i32 -> vector<2x512x128xf32>
      %broadcast_in_dim3A_200 = vector.shape_cast %broadcast_in_dim3A_183 : vector<1x512x128xi1> to vector<1x512x128xi1>
      %broadcast_in_dim3A_201 = vector.broadcast %broadcast_in_dim3A_200 : vector<1x512x128xi1> to vector<2x512x128xi1>
      %select_n3A_202 = arith.select %broadcast_in_dim3A_201, %roll3A_198, %roll3A_199 : vector<2x512x128xi1>, vector<2x512x128xf32>
      %sub3A_203 = arith.constant 512 : i32
      %sub3A_204 = arith.subi %sub3A_203, %shift_right_arithmetic3A_177 : i32
      %and3A_205 = arith.constant 511 : i32
      %and3A_206 = arith.andi %sub3A_204, %and3A_205 : i32
      %roll3A_207 = tpu.dynamic_rotate %get3A_193 by %and3A_206 dim 1 : vector<2x512x128xi32>, i32 -> vector<2x512x128xi32>
      %roll3A_208 = tpu.dynamic_rotate %get3A_193 by %shift_right_arithmetic3A_177 dim 1 : vector<2x512x128xi32>, i32 -> vector<2x512x128xi32>
      %broadcast_in_dim3A_209 = vector.shape_cast %broadcast_in_dim3A_183 : vector<1x512x128xi1> to vector<1x512x128xi1>
      %broadcast_in_dim3A_210 = vector.broadcast %broadcast_in_dim3A_209 : vector<1x512x128xi1> to vector<2x512x128xi1>
      %select_n3A_211 = arith.select %broadcast_in_dim3A_210, %roll3A_207, %roll3A_208 : vector<2x512x128xi1>, vector<2x512x128xi32>
      %and3A_212 = vector.broadcast %get3A_185 : i32 to vector<512x128xi32>
      %and3A_213 = arith.andi %add3A, %and3A_212 : vector<512x128xi32>
      %eq3A_214 = arith.constant 0 : i32
      %eq3A_215 = vector.broadcast %eq3A_214 : i32 to vector<512x128xi32>
      %eq3A_216 = arith.cmpi eq, %and3A_213, %eq3A_215 : vector<512x128xi32>
      %broadcast_in_dim3A_217 = vector.shape_cast %eq3A_216 : vector<512x128xi1> to vector<1x512x128xi1>
      %eq3A_218 = arith.xori %broadcast_in_dim3A_183, %broadcast_in_dim3A_217 : vector<1x512x128xi1>
      %eq3A_219 = arith.constant dense<true> : vector<1x512x128xi1>
      %eq3A_220 = arith.xori %eq3A_218, %eq3A_219 : vector<1x512x128xi1>
      %gt3A_221 = arith.cmpf ogt, %get3A_189, %select_n3A_202 : vector<2x512x128xf32>
      %eq3A_222 = arith.cmpf oeq, %get3A_189, %select_n3A_202 : vector<2x512x128xf32>
      %lt3A_223 = arith.cmpi slt, %get3A_193, %select_n3A_211 : vector<2x512x128xi32>
      %and3A_224 = arith.andi %eq3A_222, %lt3A_223 : vector<2x512x128xi1>
      %or3A_225 = arith.ori %gt3A_221, %and3A_224 : vector<2x512x128xi1>
      %eq3A_226 = vector.broadcast %eq3A_220 : vector<1x512x128xi1> to vector<2x512x128xi1>
      %eq3A_227 = vector.broadcast %eq3A_226 : vector<2x512x128xi1> to vector<2x512x128xi1>
      %eq3A_228 = arith.xori %eq3A_227, %or3A_225 : vector<2x512x128xi1>
      %eq3A_229 = arith.constant dense<true> : vector<2x512x128xi1>
      %eq3A_230 = arith.xori %eq3A_228, %eq3A_229 : vector<2x512x128xi1>
      %select_n3A_231 = arith.select %eq3A_230, %get3A_189, %select_n3A_202 : vector<2x512x128xi1>, vector<2x512x128xf32>
      %swap3A_232 = arith.constant 0 : index
      %swap3A_233 = arith.constant 0 : index
      %swap3A_234 = arith.constant 0 : index
      %swap3A_235 = vector.load %arg5[%swap3A_232, %swap3A_233, %swap3A_234] : memref<2x512x128xf32, #tpu.memory_space<vmem>>, vector<2x512x128xf32>
      tpu.vector_store %arg5[%swap3A_232, %swap3A_233, %swap3A_234], %select_n3A_231 {strides = array<i32>} : memref<2x512x128xf32, #tpu.memory_space<vmem>>, vector<2x512x128xf32>,
      %select_n3A_236 = arith.select %eq3A_230, %get3A_193, %select_n3A_211 : vector<2x512x128xi1>, vector<2x512x128xi32>
      %swap3A_237 = arith.constant 0 : index
      %swap3A_238 = arith.constant 0 : index
      %swap3A_239 = arith.constant 0 : index
      %swap3A_240 = vector.load %arg6[%swap3A_237, %swap3A_238, %swap3A_239] : memref<2x512x128xi32, #tpu.memory_space<vmem>>, vector<2x512x128xi32>
      tpu.vector_store %arg6[%swap3A_237, %swap3A_238, %swap3A_239], %select_n3A_236 {strides = array<i32>} : memref<2x512x128xi32, #tpu.memory_space<vmem>>, vector<2x512x128xi32>,
    }
    %scan3A_99 = arith.constant 3 : i32
    %scan3A_100 = arith.constant 48 : i32
    %scan3A_101 = arith.constant 7 : i32
    %scan3A_102 = arith.addi %scan3A_100, %scan3A_101 : i32
    %scan3A_103 = arith.constant 1 : i32
    scf.for %scan3A_173 = %scan3A_100 to %scan3A_102 step %scan3A_103  : i32 {
      %get3A_174 = arith.index_cast %scan3A_173 : i32 to index
      %get3A_175 = memref.load %arg0[%get3A_174] : memref<136xi32, #tpu.memory_space<smem>>
      %and3A_176 = vector.broadcast %get3A_175 : i32 to vector<512x128xi32>
      %and3A_177 = arith.andi %add3A, %and3A_176 : vector<512x128xi32>
      %eq3A_178 = arith.constant 0 : i32
      %eq3A_179 = vector.broadcast %eq3A_178 : i32 to vector<512x128xi32>
      %eq3A_180 = arith.cmpi eq, %and3A_177, %eq3A_179 : vector<512x128xi32>
      %broadcast_in_dim3A_181 = vector.shape_cast %eq3A_180 : vector<512x128xi1> to vector<1x512x128xi1>
      %get3A_182 = arith.index_cast %scan3A_173 : i32 to index
      %get3A_183 = memref.load %arg1[%get3A_182] : memref<136xi32, #tpu.memory_space<smem>>
      %get3A_184 = arith.constant 0 : index
      %get3A_185 = arith.constant 0 : index
      %get3A_186 = arith.constant 0 : index
      %get3A_187 = vector.load %arg5[%get3A_184, %get3A_185, %get3A_186] : memref<2x512x128xf32, #tpu.memory_space<vmem>>, vector<2x512x128xf32>
      %get3A_188 = arith.constant 0 : index
      %get3A_189 = arith.constant 0 : index
      %get3A_190 = arith.constant 0 : index
      %get3A_191 = vector.load %arg6[%get3A_188, %get3A_189, %get3A_190] : memref<2x512x128xi32, #tpu.memory_space<vmem>>, vector<2x512x128xi32>
      %sub3A_192 = arith.constant 128 : i32
      %sub3A_193 = arith.subi %sub3A_192, %get3A_175 : i32
      %and3A_194 = arith.constant 127 : i32
      %and3A_195 = arith.andi %sub3A_193, %and3A_194 : i32
      %roll3A_196 = tpu.dynamic_rotate %get3A_187 by %and3A_195 dim 2 : vector<2x512x128xf32>, i32 -> vector<2x512x128xf32>
      %roll3A_197 = tpu.dynamic_rotate %get3A_187 by %get3A_175 dim 2 : vector<2x512x128xf32>, i32 -> vector<2x512x128xf32>
      %broadcast_in_dim3A_198 = vector.shape_cast %broadcast_in_dim3A_181 : vector<1x512x128xi1> to vector<1x512x128xi1>
      %broadcast_in_dim3A_199 = vector.broadcast %broadcast_in_dim3A_198 : vector<1x512x128xi1> to vector<2x512x128xi1>
      %select_n3A_200 = arith.select %broadcast_in_dim3A_199, %roll3A_196, %roll3A_197 : vector<2x512x128xi1>, vector<2x512x128xf32>
      %sub3A_201 = arith.constant 128 : i32
      %sub3A_202 = arith.subi %sub3A_201, %get3A_175 : i32
      %and3A_203 = arith.constant 127 : i32
      %and3A_204 = arith.andi %sub3A_202, %and3A_203 : i32
      %roll3A_205 = tpu.dynamic_rotate %get3A_191 by %and3A_204 dim 2 : vector<2x512x128xi32>, i32 -> vector<2x512x128xi32>
      %roll3A_206 = tpu.dynamic_rotate %get3A_191 by %get3A_175 dim 2 : vector<2x512x128xi32>, i32 -> vector<2x512x128xi32>
      %broadcast_in_dim3A_207 = vector.shape_cast %broadcast_in_dim3A_181 : vector<1x512x128xi1> to vector<1x512x128xi1>
      %broadcast_in_dim3A_208 = vector.broadcast %broadcast_in_dim3A_207 : vector<1x512x128xi1> to vector<2x512x128xi1>
      %select_n3A_209 = arith.select %broadcast_in_dim3A_208, %roll3A_205, %roll3A_206 : vector<2x512x128xi1>, vector<2x512x128xi32>
      %and3A_210 = vector.broadcast %get3A_183 : i32 to vector<512x128xi32>
      %and3A_211 = arith.andi %add3A, %and3A_210 : vector<512x128xi32>
      %eq3A_212 = arith.constant 0 : i32
      %eq3A_213 = vector.broadcast %eq3A_212 : i32 to vector<512x128xi32>
      %eq3A_214 = arith.cmpi eq, %and3A_211, %eq3A_213 : vector<512x128xi32>
      %broadcast_in_dim3A_215 = vector.shape_cast %eq3A_214 : vector<512x128xi1> to vector<1x512x128xi1>
      %eq3A_216 = arith.xori %broadcast_in_dim3A_181, %broadcast_in_dim3A_215 : vector<1x512x128xi1>
      %eq3A_217 = arith.constant dense<true> : vector<1x512x128xi1>
      %eq3A_218 = arith.xori %eq3A_216, %eq3A_217 : vector<1x512x128xi1>
      %gt3A_219 = arith.cmpf ogt, %get3A_187, %select_n3A_200 : vector<2x512x128xf32>
      %eq3A_220 = arith.cmpf oeq, %get3A_187, %select_n3A_200 : vector<2x512x128xf32>
      %lt3A_221 = arith.cmpi slt, %get3A_191, %select_n3A_209 : vector<2x512x128xi32>
      %and3A_222 = arith.andi %eq3A_220, %lt3A_221 : vector<2x512x128xi1>
      %or3A_223 = arith.ori %gt3A_219, %and3A_222 : vector<2x512x128xi1>
      %eq3A_224 = vector.broadcast %eq3A_218 : vector<1x512x128xi1> to vector<2x512x128xi1>
      %eq3A_225 = vector.broadcast %eq3A_224 : vector<2x512x128xi1> to vector<2x512x128xi1>
      %eq3A_226 = arith.xori %eq3A_225, %or3A_223 : vector<2x512x128xi1>
      %eq3A_227 = arith.constant dense<true> : vector<2x512x128xi1>
      %eq3A_228 = arith.xori %eq3A_226, %eq3A_227 : vector<2x512x128xi1>
      %select_n3A_229 = arith.select %eq3A_228, %get3A_187, %select_n3A_200 : vector<2x512x128xi1>, vector<2x512x128xf32>
      %swap3A_230 = arith.constant 0 : index
      %swap3A_231 = arith.constant 0 : index
      %swap3A_232 = arith.constant 0 : index
      %swap3A_233 = vector.load %arg5[%swap3A_230, %swap3A_231, %swap3A_232] : memref<2x512x128xf32, #tpu.memory_space<vmem>>, vector<2x512x128xf32>
      tpu.vector_store %arg5[%swap3A_230, %swap3A_231, %swap3A_232], %select_n3A_229 {strides = array<i32>} : memref<2x512x128xf32, #tpu.memory_space<vmem>>, vector<2x512x128xf32>,
      %select_n3A_234 = arith.select %eq3A_228, %get3A_191, %select_n3A_209 : vector<2x512x128xi1>, vector<2x512x128xi32>
      %swap3A_235 = arith.constant 0 : index
      %swap3A_236 = arith.constant 0 : index
      %swap3A_237 = arith.constant 0 : index
      %swap3A_238 = vector.load %arg6[%swap3A_235, %swap3A_236, %swap3A_237] : memref<2x512x128xi32, #tpu.memory_space<vmem>>, vector<2x512x128xi32>
      tpu.vector_store %arg6[%swap3A_235, %swap3A_236, %swap3A_237], %select_n3A_234 {strides = array<i32>} : memref<2x512x128xi32, #tpu.memory_space<vmem>>, vector<2x512x128xi32>,
    }
    %scan3A_104 = arith.constant 7 : i32
    %scan3A_105 = arith.constant 55 : i32
    %scan3A_106 = arith.constant 4 : i32
    %scan3A_107 = arith.addi %scan3A_105, %scan3A_106 : i32
    %scan3A_108 = arith.constant 1 : i32
    scf.for %scan3A_173 = %scan3A_105 to %scan3A_107 step %scan3A_108  : i32 {
      %get3A_174 = arith.index_cast %scan3A_173 : i32 to index
      %get3A_175 = memref.load %arg0[%get3A_174] : memref<136xi32, #tpu.memory_space<smem>>
      %shift_right_arithmetic3A_176 = arith.constant 7 : i32
      %shift_right_arithmetic3A_177 = arith.shrsi %get3A_175, %shift_right_arithmetic3A_176 : i32
      %and3A_178 = vector.broadcast %get3A_175 : i32 to vector<512x128xi32>
      %and3A_179 = arith.andi %add3A, %and3A_178 : vector<512x128xi32>
      %eq3A_180 = arith.constant 0 : i32
      %eq3A_181 = vector.broadcast %eq3A_180 : i32 to vector<512x128xi32>
      %eq3A_182 = arith.cmpi eq, %and3A_179, %eq3A_181 : vector<512x128xi32>
      %broadcast_in_dim3A_183 = vector.shape_cast %eq3A_182 : vector<512x128xi1> to vector<1x512x128xi1>
      %get3A_184 = arith.index_cast %scan3A_173 : i32 to index
      %get3A_185 = memref.load %arg1[%get3A_184] : memref<136xi32, #tpu.memory_space<smem>>
      %get3A_186 = arith.constant 0 : index
      %get3A_187 = arith.constant 0 : index
      %get3A_188 = arith.constant 0 : index
      %get3A_189 = vector.load %arg5[%get3A_186, %get3A_187, %get3A_188] : memref<2x512x128xf32, #tpu.memory_space<vmem>>, vector<2x512x128xf32>
      %get3A_190 = arith.constant 0 : index
      %get3A_191 = arith.constant 0 : index
      %get3A_192 = arith.constant 0 : index
      %get3A_193 = vector.load %arg6[%get3A_190, %get3A_191, %get3A_192] : memref<2x512x128xi32, #tpu.memory_space<vmem>>, vector<2x512x128xi32>
      %sub3A_194 = arith.constant 512 : i32
      %sub3A_195 = arith.subi %sub3A_194, %shift_right_arithmetic3A_177 : i32
      %and3A_196 = arith.constant 511 : i32
      %and3A_197 = arith.andi %sub3A_195, %and3A_196 : i32
      %roll3A_198 = tpu.dynamic_rotate %get3A_189 by %and3A_197 dim 1 : vector<2x512x128xf32>, i32 -> vector<2x512x128xf32>
      %roll3A_199 = tpu.dynamic_rotate %get3A_189 by %shift_right_arithmetic3A_177 dim 1 : vector<2x512x128xf32>, i32 -> vector<2x512x128xf32>
      %broadcast_in_dim3A_200 = vector.shape_cast %broadcast_in_dim3A_183 : vector<1x512x128xi1> to vector<1x512x128xi1>
      %broadcast_in_dim3A_201 = vector.broadcast %broadcast_in_dim3A_200 : vector<1x512x128xi1> to vector<2x512x128xi1>
      %select_n3A_202 = arith.select %broadcast_in_dim3A_201, %roll3A_198, %roll3A_199 : vector<2x512x128xi1>, vector<2x512x128xf32>
      %sub3A_203 = arith.constant 512 : i32
      %sub3A_204 = arith.subi %sub3A_203, %shift_right_arithmetic3A_177 : i32
      %and3A_205 = arith.constant 511 : i32
      %and3A_206 = arith.andi %sub3A_204, %and3A_205 : i32
      %roll3A_207 = tpu.dynamic_rotate %get3A_193 by %and3A_206 dim 1 : vector<2x512x128xi32>, i32 -> vector<2x512x128xi32>
      %roll3A_208 = tpu.dynamic_rotate %get3A_193 by %shift_right_arithmetic3A_177 dim 1 : vector<2x512x128xi32>, i32 -> vector<2x512x128xi32>
      %broadcast_in_dim3A_209 = vector.shape_cast %broadcast_in_dim3A_183 : vector<1x512x128xi1> to vector<1x512x128xi1>
      %broadcast_in_dim3A_210 = vector.broadcast %broadcast_in_dim3A_209 : vector<1x512x128xi1> to vector<2x512x128xi1>
      %select_n3A_211 = arith.select %broadcast_in_dim3A_210, %roll3A_207, %roll3A_208 : vector<2x512x128xi1>, vector<2x512x128xi32>
      %and3A_212 = vector.broadcast %get3A_185 : i32 to vector<512x128xi32>
      %and3A_213 = arith.andi %add3A, %and3A_212 : vector<512x128xi32>
      %eq3A_214 = arith.constant 0 : i32
      %eq3A_215 = vector.broadcast %eq3A_214 : i32 to vector<512x128xi32>
      %eq3A_216 = arith.cmpi eq, %and3A_213, %eq3A_215 : vector<512x128xi32>
      %broadcast_in_dim3A_217 = vector.shape_cast %eq3A_216 : vector<512x128xi1> to vector<1x512x128xi1>
      %eq3A_218 = arith.xori %broadcast_in_dim3A_183, %broadcast_in_dim3A_217 : vector<1x512x128xi1>
      %eq3A_219 = arith.constant dense<true> : vector<1x512x128xi1>
      %eq3A_220 = arith.xori %eq3A_218, %eq3A_219 : vector<1x512x128xi1>
      %gt3A_221 = arith.cmpf ogt, %get3A_189, %select_n3A_202 : vector<2x512x128xf32>
      %eq3A_222 = arith.cmpf oeq, %get3A_189, %select_n3A_202 : vector<2x512x128xf32>
      %lt3A_223 = arith.cmpi slt, %get3A_193, %select_n3A_211 : vector<2x512x128xi32>
      %and3A_224 = arith.andi %eq3A_222, %lt3A_223 : vector<2x512x128xi1>
      %or3A_225 = arith.ori %gt3A_221, %and3A_224 : vector<2x512x128xi1>
      %eq3A_226 = vector.broadcast %eq3A_220 : vector<1x512x128xi1> to vector<2x512x128xi1>
      %eq3A_227 = vector.broadcast %eq3A_226 : vector<2x512x128xi1> to vector<2x512x128xi1>
      %eq3A_228 = arith.xori %eq3A_227, %or3A_225 : vector<2x512x128xi1>
      %eq3A_229 = arith.constant dense<true> : vector<2x512x128xi1>
      %eq3A_230 = arith.xori %eq3A_228, %eq3A_229 : vector<2x512x128xi1>
      %select_n3A_231 = arith.select %eq3A_230, %get3A_189, %select_n3A_202 : vector<2x512x128xi1>, vector<2x512x128xf32>
      %swap3A_232 = arith.constant 0 : index
      %swap3A_233 = arith.constant 0 : index
      %swap3A_234 = arith.constant 0 : index
      %swap3A_235 = vector.load %arg5[%swap3A_232, %swap3A_233, %swap3A_234] : memref<2x512x128xf32, #tpu.memory_space<vmem>>, vector<2x512x128xf32>
      tpu.vector_store %arg5[%swap3A_232, %swap3A_233, %swap3A_234], %select_n3A_231 {strides = array<i32>} : memref<2x512x128xf32, #tpu.memory_space<vmem>>, vector<2x512x128xf32>,
      %select_n3A_236 = arith.select %eq3A_230, %get3A_193, %select_n3A_211 : vector<2x512x128xi1>, vector<2x512x128xi32>
      %swap3A_237 = arith.constant 0 : index
      %swap3A_238 = arith.constant 0 : index
      %swap3A_239 = arith.constant 0 : index
      %swap3A_240 = vector.load %arg6[%swap3A_237, %swap3A_238, %swap3A_239] : memref<2x512x128xi32, #tpu.memory_space<vmem>>, vector<2x512x128xi32>
      tpu.vector_store %arg6[%swap3A_237, %swap3A_238, %swap3A_239], %select_n3A_236 {strides = array<i32>} : memref<2x512x128xi32, #tpu.memory_space<vmem>>, vector<2x512x128xi32>,
    }
    %scan3A_109 = arith.constant 4 : i32
    %scan3A_110 = arith.constant 59 : i32
    %scan3A_111 = arith.constant 7 : i32
    %scan3A_112 = arith.addi %scan3A_110, %scan3A_111 : i32
    %scan3A_113 = arith.constant 1 : i32
    scf.for %scan3A_173 = %scan3A_110 to %scan3A_112 step %scan3A_113  : i32 {
      %get3A_174 = arith.index_cast %scan3A_173 : i32 to index
      %get3A_175 = memref.load %arg0[%get3A_174] : memref<136xi32, #tpu.memory_space<smem>>
      %and3A_176 = vector.broadcast %get3A_175 : i32 to vector<512x128xi32>
      %and3A_177 = arith.andi %add3A, %and3A_176 : vector<512x128xi32>
      %eq3A_178 = arith.constant 0 : i32
      %eq3A_179 = vector.broadcast %eq3A_178 : i32 to vector<512x128xi32>
      %eq3A_180 = arith.cmpi eq, %and3A_177, %eq3A_179 : vector<512x128xi32>
      %broadcast_in_dim3A_181 = vector.shape_cast %eq3A_180 : vector<512x128xi1> to vector<1x512x128xi1>
      %get3A_182 = arith.index_cast %scan3A_173 : i32 to index
      %get3A_183 = memref.load %arg1[%get3A_182] : memref<136xi32, #tpu.memory_space<smem>>
      %get3A_184 = arith.constant 0 : index
      %get3A_185 = arith.constant 0 : index
      %get3A_186 = arith.constant 0 : index
      %get3A_187 = vector.load %arg5[%get3A_184, %get3A_185, %get3A_186] : memref<2x512x128xf32, #tpu.memory_space<vmem>>, vector<2x512x128xf32>
      %get3A_188 = arith.constant 0 : index
      %get3A_189 = arith.constant 0 : index
      %get3A_190 = arith.constant 0 : index
      %get3A_191 = vector.load %arg6[%get3A_188, %get3A_189, %get3A_190] : memref<2x512x128xi32, #tpu.memory_space<vmem>>, vector<2x512x128xi32>
      %sub3A_192 = arith.constant 128 : i32
      %sub3A_193 = arith.subi %sub3A_192, %get3A_175 : i32
      %and3A_194 = arith.constant 127 : i32
      %and3A_195 = arith.andi %sub3A_193, %and3A_194 : i32
      %roll3A_196 = tpu.dynamic_rotate %get3A_187 by %and3A_195 dim 2 : vector<2x512x128xf32>, i32 -> vector<2x512x128xf32>
      %roll3A_197 = tpu.dynamic_rotate %get3A_187 by %get3A_175 dim 2 : vector<2x512x128xf32>, i32 -> vector<2x512x128xf32>
      %broadcast_in_dim3A_198 = vector.shape_cast %broadcast_in_dim3A_181 : vector<1x512x128xi1> to vector<1x512x128xi1>
      %broadcast_in_dim3A_199 = vector.broadcast %broadcast_in_dim3A_198 : vector<1x512x128xi1> to vector<2x512x128xi1>
      %select_n3A_200 = arith.select %broadcast_in_dim3A_199, %roll3A_196, %roll3A_197 : vector<2x512x128xi1>, vector<2x512x128xf32>
      %sub3A_201 = arith.constant 128 : i32
      %sub3A_202 = arith.subi %sub3A_201, %get3A_175 : i32
      %and3A_203 = arith.constant 127 : i32
      %and3A_204 = arith.andi %sub3A_202, %and3A_203 : i32
      %roll3A_205 = tpu.dynamic_rotate %get3A_191 by %and3A_204 dim 2 : vector<2x512x128xi32>, i32 -> vector<2x512x128xi32>
      %roll3A_206 = tpu.dynamic_rotate %get3A_191 by %get3A_175 dim 2 : vector<2x512x128xi32>, i32 -> vector<2x512x128xi32>
      %broadcast_in_dim3A_207 = vector.shape_cast %broadcast_in_dim3A_181 : vector<1x512x128xi1> to vector<1x512x128xi1>
      %broadcast_in_dim3A_208 = vector.broadcast %broadcast_in_dim3A_207 : vector<1x512x128xi1> to vector<2x512x128xi1>
      %select_n3A_209 = arith.select %broadcast_in_dim3A_208, %roll3A_205, %roll3A_206 : vector<2x512x128xi1>, vector<2x512x128xi32>
      %and3A_210 = vector.broadcast %get3A_183 : i32 to vector<512x128xi32>
      %and3A_211 = arith.andi %add3A, %and3A_210 : vector<512x128xi32>
      %eq3A_212 = arith.constant 0 : i32
      %eq3A_213 = vector.broadcast %eq3A_212 : i32 to vector<512x128xi32>
      %eq3A_214 = arith.cmpi eq, %and3A_211, %eq3A_213 : vector<512x128xi32>
      %broadcast_in_dim3A_215 = vector.shape_cast %eq3A_214 : vector<512x128xi1> to vector<1x512x128xi1>
      %eq3A_216 = arith.xori %broadcast_in_dim3A_181, %broadcast_in_dim3A_215 : vector<1x512x128xi1>
      %eq3A_217 = arith.constant dense<true> : vector<1x512x128xi1>
      %eq3A_218 = arith.xori %eq3A_216, %eq3A_217 : vector<1x512x128xi1>
      %gt3A_219 = arith.cmpf ogt, %get3A_187, %select_n3A_200 : vector<2x512x128xf32>
      %eq3A_220 = arith.cmpf oeq, %get3A_187, %select_n3A_200 : vector<2x512x128xf32>
      %lt3A_221 = arith.cmpi slt, %get3A_191, %select_n3A_209 : vector<2x512x128xi32>
      %and3A_222 = arith.andi %eq3A_220, %lt3A_221 : vector<2x512x128xi1>
      %or3A_223 = arith.ori %gt3A_219, %and3A_222 : vector<2x512x128xi1>
      %eq3A_224 = vector.broadcast %eq3A_218 : vector<1x512x128xi1> to vector<2x512x128xi1>
      %eq3A_225 = vector.broadcast %eq3A_224 : vector<2x512x128xi1> to vector<2x512x128xi1>
      %eq3A_226 = arith.xori %eq3A_225, %or3A_223 : vector<2x512x128xi1>
      %eq3A_227 = arith.constant dense<true> : vector<2x512x128xi1>
      %eq3A_228 = arith.xori %eq3A_226, %eq3A_227 : vector<2x512x128xi1>
      %select_n3A_229 = arith.select %eq3A_228, %get3A_187, %select_n3A_200 : vector<2x512x128xi1>, vector<2x512x128xf32>
      %swap3A_230 = arith.constant 0 : index
      %swap3A_231 = arith.constant 0 : index
      %swap3A_232 = arith.constant 0 : index
      %swap3A_233 = vector.load %arg5[%swap3A_230, %swap3A_231, %swap3A_232] : memref<2x512x128xf32, #tpu.memory_space<vmem>>, vector<2x512x128xf32>
      tpu.vector_store %arg5[%swap3A_230, %swap3A_231, %swap3A_232], %select_n3A_229 {strides = array<i32>} : memref<2x512x128xf32, #tpu.memory_space<vmem>>, vector<2x512x128xf32>,
      %select_n3A_234 = arith.select %eq3A_228, %get3A_191, %select_n3A_209 : vector<2x512x128xi1>, vector<2x512x128xi32>
      %swap3A_235 = arith.constant 0 : index
      %swap3A_236 = arith.constant 0 : index
      %swap3A_237 = arith.constant 0 : index
      %swap3A_238 = vector.load %arg6[%swap3A_235, %swap3A_236, %swap3A_237] : memref<2x512x128xi32, #tpu.memory_space<vmem>>, vector<2x512x128xi32>
      tpu.vector_store %arg6[%swap3A_235, %swap3A_236, %swap3A_237], %select_n3A_234 {strides = array<i32>} : memref<2x512x128xi32, #tpu.memory_space<vmem>>, vector<2x512x128xi32>,
    }
    %scan3A_114 = arith.constant 7 : i32
    %scan3A_115 = arith.constant 66 : i32
    %scan3A_116 = arith.constant 5 : i32
    %scan3A_117 = arith.addi %scan3A_115, %scan3A_116 : i32
    %scan3A_118 = arith.constant 1 : i32
    scf.for %scan3A_173 = %scan3A_115 to %scan3A_117 step %scan3A_118  : i32 {
      %get3A_174 = arith.index_cast %scan3A_173 : i32 to index
      %get3A_175 = memref.load %arg0[%get3A_174] : memref<136xi32, #tpu.memory_space<smem>>
      %shift_right_arithmetic3A_176 = arith.constant 7 : i32
      %shift_right_arithmetic3A_177 = arith.shrsi %get3A_175, %shift_right_arithmetic3A_176 : i32
      %and3A_178 = vector.broadcast %get3A_175 : i32 to vector<512x128xi32>
      %and3A_179 = arith.andi %add3A, %and3A_178 : vector<512x128xi32>
      %eq3A_180 = arith.constant 0 : i32
      %eq3A_181 = vector.broadcast %eq3A_180 : i32 to vector<512x128xi32>
      %eq3A_182 = arith.cmpi eq, %and3A_179, %eq3A_181 : vector<512x128xi32>
      %broadcast_in_dim3A_183 = vector.shape_cast %eq3A_182 : vector<512x128xi1> to vector<1x512x128xi1>
      %get3A_184 = arith.index_cast %scan3A_173 : i32 to index
      %get3A_185 = memref.load %arg1[%get3A_184] : memref<136xi32, #tpu.memory_space<smem>>
      %get3A_186 = arith.constant 0 : index
      %get3A_187 = arith.constant 0 : index
      %get3A_188 = arith.constant 0 : index
      %get3A_189 = vector.load %arg5[%get3A_186, %get3A_187, %get3A_188] : memref<2x512x128xf32, #tpu.memory_space<vmem>>, vector<2x512x128xf32>
      %get3A_190 = arith.constant 0 : index
      %get3A_191 = arith.constant 0 : index
      %get3A_192 = arith.constant 0 : index
      %get3A_193 = vector.load %arg6[%get3A_190, %get3A_191, %get3A_192] : memref<2x512x128xi32, #tpu.memory_space<vmem>>, vector<2x512x128xi32>
      %sub3A_194 = arith.constant 512 : i32
      %sub3A_195 = arith.subi %sub3A_194, %shift_right_arithmetic3A_177 : i32
      %and3A_196 = arith.constant 511 : i32
      %and3A_197 = arith.andi %sub3A_195, %and3A_196 : i32
      %roll3A_198 = tpu.dynamic_rotate %get3A_189 by %and3A_197 dim 1 : vector<2x512x128xf32>, i32 -> vector<2x512x128xf32>
      %roll3A_199 = tpu.dynamic_rotate %get3A_189 by %shift_right_arithmetic3A_177 dim 1 : vector<2x512x128xf32>, i32 -> vector<2x512x128xf32>
      %broadcast_in_dim3A_200 = vector.shape_cast %broadcast_in_dim3A_183 : vector<1x512x128xi1> to vector<1x512x128xi1>
      %broadcast_in_dim3A_201 = vector.broadcast %broadcast_in_dim3A_200 : vector<1x512x128xi1> to vector<2x512x128xi1>
      %select_n3A_202 = arith.select %broadcast_in_dim3A_201, %roll3A_198, %roll3A_199 : vector<2x512x128xi1>, vector<2x512x128xf32>
      %sub3A_203 = arith.constant 512 : i32
      %sub3A_204 = arith.subi %sub3A_203, %shift_right_arithmetic3A_177 : i32
      %and3A_205 = arith.constant 511 : i32
      %and3A_206 = arith.andi %sub3A_204, %and3A_205 : i32
      %roll3A_207 = tpu.dynamic_rotate %get3A_193 by %and3A_206 dim 1 : vector<2x512x128xi32>, i32 -> vector<2x512x128xi32>
      %roll3A_208 = tpu.dynamic_rotate %get3A_193 by %shift_right_arithmetic3A_177 dim 1 : vector<2x512x128xi32>, i32 -> vector<2x512x128xi32>
      %broadcast_in_dim3A_209 = vector.shape_cast %broadcast_in_dim3A_183 : vector<1x512x128xi1> to vector<1x512x128xi1>
      %broadcast_in_dim3A_210 = vector.broadcast %broadcast_in_dim3A_209 : vector<1x512x128xi1> to vector<2x512x128xi1>
      %select_n3A_211 = arith.select %broadcast_in_dim3A_210, %roll3A_207, %roll3A_208 : vector<2x512x128xi1>, vector<2x512x128xi32>
      %and3A_212 = vector.broadcast %get3A_185 : i32 to vector<512x128xi32>
      %and3A_213 = arith.andi %add3A, %and3A_212 : vector<512x128xi32>
      %eq3A_214 = arith.constant 0 : i32
      %eq3A_215 = vector.broadcast %eq3A_214 : i32 to vector<512x128xi32>
      %eq3A_216 = arith.cmpi eq, %and3A_213, %eq3A_215 : vector<512x128xi32>
      %broadcast_in_dim3A_217 = vector.shape_cast %eq3A_216 : vector<512x128xi1> to vector<1x512x128xi1>
      %eq3A_218 = arith.xori %broadcast_in_dim3A_183, %broadcast_in_dim3A_217 : vector<1x512x128xi1>
      %eq3A_219 = arith.constant dense<true> : vector<1x512x128xi1>
      %eq3A_220 = arith.xori %eq3A_218, %eq3A_219 : vector<1x512x128xi1>
      %gt3A_221 = arith.cmpf ogt, %get3A_189, %select_n3A_202 : vector<2x512x128xf32>
      %eq3A_222 = arith.cmpf oeq, %get3A_189, %select_n3A_202 : vector<2x512x128xf32>
      %lt3A_223 = arith.cmpi slt, %get3A_193, %select_n3A_211 : vector<2x512x128xi32>
      %and3A_224 = arith.andi %eq3A_222, %lt3A_223 : vector<2x512x128xi1>
      %or3A_225 = arith.ori %gt3A_221, %and3A_224 : vector<2x512x128xi1>
      %eq3A_226 = vector.broadcast %eq3A_220 : vector<1x512x128xi1> to vector<2x512x128xi1>
      %eq3A_227 = vector.broadcast %eq3A_226 : vector<2x512x128xi1> to vector<2x512x128xi1>
      %eq3A_228 = arith.xori %eq3A_227, %or3A_225 : vector<2x512x128xi1>
      %eq3A_229 = arith.constant dense<true> : vector<2x512x128xi1>
      %eq3A_230 = arith.xori %eq3A_228, %eq3A_229 : vector<2x512x128xi1>
      %select_n3A_231 = arith.select %eq3A_230, %get3A_189, %select_n3A_202 : vector<2x512x128xi1>, vector<2x512x128xf32>
      %swap3A_232 = arith.constant 0 : index
      %swap3A_233 = arith.constant 0 : index
      %swap3A_234 = arith.constant 0 : index
      %swap3A_235 = vector.load %arg5[%swap3A_232, %swap3A_233, %swap3A_234] : memref<2x512x128xf32, #tpu.memory_space<vmem>>, vector<2x512x128xf32>
      tpu.vector_store %arg5[%swap3A_232, %swap3A_233, %swap3A_234], %select_n3A_231 {strides = array<i32>} : memref<2x512x128xf32, #tpu.memory_space<vmem>>, vector<2x512x128xf32>,
      %select_n3A_236 = arith.select %eq3A_230, %get3A_193, %select_n3A_211 : vector<2x512x128xi1>, vector<2x512x128xi32>
      %swap3A_237 = arith.constant 0 : index
      %swap3A_238 = arith.constant 0 : index
      %swap3A_239 = arith.constant 0 : index
      %swap3A_240 = vector.load %arg6[%swap3A_237, %swap3A_238, %swap3A_239] : memref<2x512x128xi32, #tpu.memory_space<vmem>>, vector<2x512x128xi32>
      tpu.vector_store %arg6[%swap3A_237, %swap3A_238, %swap3A_239], %select_n3A_236 {strides = array<i32>} : memref<2x512x128xi32, #tpu.memory_space<vmem>>, vector<2x512x128xi32>,
    }
    %scan3A_119 = arith.constant 5 : i32
    %scan3A_120 = arith.constant 71 : i32
    %scan3A_121 = arith.constant 7 : i32
    %scan3A_122 = arith.addi %scan3A_120, %scan3A_121 : i32
    %scan3A_123 = arith.constant 1 : i32
    scf.for %scan3A_173 = %scan3A_120 to %scan3A_122 step %scan3A_123  : i32 {
      %get3A_174 = arith.index_cast %scan3A_173 : i32 to index
      %get3A_175 = memref.load %arg0[%get3A_174] : memref<136xi32, #tpu.memory_space<smem>>
      %and3A_176 = vector.broadcast %get3A_175 : i32 to vector<512x128xi32>
      %and3A_177 = arith.andi %add3A, %and3A_176 : vector<512x128xi32>
      %eq3A_178 = arith.constant 0 : i32
      %eq3A_179 = vector.broadcast %eq3A_178 : i32 to vector<512x128xi32>
      %eq3A_180 = arith.cmpi eq, %and3A_177, %eq3A_179 : vector<512x128xi32>
      %broadcast_in_dim3A_181 = vector.shape_cast %eq3A_180 : vector<512x128xi1> to vector<1x512x128xi1>
      %get3A_182 = arith.index_cast %scan3A_173 : i32 to index
      %get3A_183 = memref.load %arg1[%get3A_182] : memref<136xi32, #tpu.memory_space<smem>>
      %get3A_184 = arith.constant 0 : index
      %get3A_185 = arith.constant 0 : index
      %get3A_186 = arith.constant 0 : index
      %get3A_187 = vector.load %arg5[%get3A_184, %get3A_185, %get3A_186] : memref<2x512x128xf32, #tpu.memory_space<vmem>>, vector<2x512x128xf32>
      %get3A_188 = arith.constant 0 : index
      %get3A_189 = arith.constant 0 : index
      %get3A_190 = arith.constant 0 : index
      %get3A_191 = vector.load %arg6[%get3A_188, %get3A_189, %get3A_190] : memref<2x512x128xi32, #tpu.memory_space<vmem>>, vector<2x512x128xi32>
      %sub3A_192 = arith.constant 128 : i32
      %sub3A_193 = arith.subi %sub3A_192, %get3A_175 : i32
      %and3A_194 = arith.constant 127 : i32
      %and3A_195 = arith.andi %sub3A_193, %and3A_194 : i32
      %roll3A_196 = tpu.dynamic_rotate %get3A_187 by %and3A_195 dim 2 : vector<2x512x128xf32>, i32 -> vector<2x512x128xf32>
      %roll3A_197 = tpu.dynamic_rotate %get3A_187 by %get3A_175 dim 2 : vector<2x512x128xf32>, i32 -> vector<2x512x128xf32>
      %broadcast_in_dim3A_198 = vector.shape_cast %broadcast_in_dim3A_181 : vector<1x512x128xi1> to vector<1x512x128xi1>
      %broadcast_in_dim3A_199 = vector.broadcast %broadcast_in_dim3A_198 : vector<1x512x128xi1> to vector<2x512x128xi1>
      %select_n3A_200 = arith.select %broadcast_in_dim3A_199, %roll3A_196, %roll3A_197 : vector<2x512x128xi1>, vector<2x512x128xf32>
      %sub3A_201 = arith.constant 128 : i32
      %sub3A_202 = arith.subi %sub3A_201, %get3A_175 : i32
      %and3A_203 = arith.constant 127 : i32
      %and3A_204 = arith.andi %sub3A_202, %and3A_203 : i32
      %roll3A_205 = tpu.dynamic_rotate %get3A_191 by %and3A_204 dim 2 : vector<2x512x128xi32>, i32 -> vector<2x512x128xi32>
      %roll3A_206 = tpu.dynamic_rotate %get3A_191 by %get3A_175 dim 2 : vector<2x512x128xi32>, i32 -> vector<2x512x128xi32>
      %broadcast_in_dim3A_207 = vector.shape_cast %broadcast_in_dim3A_181 : vector<1x512x128xi1> to vector<1x512x128xi1>
      %broadcast_in_dim3A_208 = vector.broadcast %broadcast_in_dim3A_207 : vector<1x512x128xi1> to vector<2x512x128xi1>
      %select_n3A_209 = arith.select %broadcast_in_dim3A_208, %roll3A_205, %roll3A_206 : vector<2x512x128xi1>, vector<2x512x128xi32>
      %and3A_210 = vector.broadcast %get3A_183 : i32 to vector<512x128xi32>
      %and3A_211 = arith.andi %add3A, %and3A_210 : vector<512x128xi32>
      %eq3A_212 = arith.constant 0 : i32
      %eq3A_213 = vector.broadcast %eq3A_212 : i32 to vector<512x128xi32>
      %eq3A_214 = arith.cmpi eq, %and3A_211, %eq3A_213 : vector<512x128xi32>
      %broadcast_in_dim3A_215 = vector.shape_cast %eq3A_214 : vector<512x128xi1> to vector<1x512x128xi1>
      %eq3A_216 = arith.xori %broadcast_in_dim3A_181, %broadcast_in_dim3A_215 : vector<1x512x128xi1>
      %eq3A_217 = arith.constant dense<true> : vector<1x512x128xi1>
      %eq3A_218 = arith.xori %eq3A_216, %eq3A_217 : vector<1x512x128xi1>
      %gt3A_219 = arith.cmpf ogt, %get3A_187, %select_n3A_200 : vector<2x512x128xf32>
      %eq3A_220 = arith.cmpf oeq, %get3A_187, %select_n3A_200 : vector<2x512x128xf32>
      %lt3A_221 = arith.cmpi slt, %get3A_191, %select_n3A_209 : vector<2x512x128xi32>
      %and3A_222 = arith.andi %eq3A_220, %lt3A_221 : vector<2x512x128xi1>
      %or3A_223 = arith.ori %gt3A_219, %and3A_222 : vector<2x512x128xi1>
      %eq3A_224 = vector.broadcast %eq3A_218 : vector<1x512x128xi1> to vector<2x512x128xi1>
      %eq3A_225 = vector.broadcast %eq3A_224 : vector<2x512x128xi1> to vector<2x512x128xi1>
      %eq3A_226 = arith.xori %eq3A_225, %or3A_223 : vector<2x512x128xi1>
      %eq3A_227 = arith.constant dense<true> : vector<2x512x128xi1>
      %eq3A_228 = arith.xori %eq3A_226, %eq3A_227 : vector<2x512x128xi1>
      %select_n3A_229 = arith.select %eq3A_228, %get3A_187, %select_n3A_200 : vector<2x512x128xi1>, vector<2x512x128xf32>
      %swap3A_230 = arith.constant 0 : index
      %swap3A_231 = arith.constant 0 : index
      %swap3A_232 = arith.constant 0 : index
      %swap3A_233 = vector.load %arg5[%swap3A_230, %swap3A_231, %swap3A_232] : memref<2x512x128xf32, #tpu.memory_space<vmem>>, vector<2x512x128xf32>
      tpu.vector_store %arg5[%swap3A_230, %swap3A_231, %swap3A_232], %select_n3A_229 {strides = array<i32>} : memref<2x512x128xf32, #tpu.memory_space<vmem>>, vector<2x512x128xf32>,
      %select_n3A_234 = arith.select %eq3A_228, %get3A_191, %select_n3A_209 : vector<2x512x128xi1>, vector<2x512x128xi32>
      %swap3A_235 = arith.constant 0 : index
      %swap3A_236 = arith.constant 0 : index
      %swap3A_237 = arith.constant 0 : index
      %swap3A_238 = vector.load %arg6[%swap3A_235, %swap3A_236, %swap3A_237] : memref<2x512x128xi32, #tpu.memory_space<vmem>>, vector<2x512x128xi32>
      tpu.vector_store %arg6[%swap3A_235, %swap3A_236, %swap3A_237], %select_n3A_234 {strides = array<i32>} : memref<2x512x128xi32, #tpu.memory_space<vmem>>, vector<2x512x128xi32>,
    }
    %scan3A_124 = arith.constant 7 : i32
    %scan3A_125 = arith.constant 78 : i32
    %scan3A_126 = arith.constant 6 : i32
    %scan3A_127 = arith.addi %scan3A_125, %scan3A_126 : i32
    %scan3A_128 = arith.constant 1 : i32
    scf.for %scan3A_173 = %scan3A_125 to %scan3A_127 step %scan3A_128  : i32 {
      %get3A_174 = arith.index_cast %scan3A_173 : i32 to index
      %get3A_175 = memref.load %arg0[%get3A_174] : memref<136xi32, #tpu.memory_space<smem>>
      %shift_right_arithmetic3A_176 = arith.constant 7 : i32
      %shift_right_arithmetic3A_177 = arith.shrsi %get3A_175, %shift_right_arithmetic3A_176 : i32
      %and3A_178 = vector.broadcast %get3A_175 : i32 to vector<512x128xi32>
      %and3A_179 = arith.andi %add3A, %and3A_178 : vector<512x128xi32>
      %eq3A_180 = arith.constant 0 : i32
      %eq3A_181 = vector.broadcast %eq3A_180 : i32 to vector<512x128xi32>
      %eq3A_182 = arith.cmpi eq, %and3A_179, %eq3A_181 : vector<512x128xi32>
      %broadcast_in_dim3A_183 = vector.shape_cast %eq3A_182 : vector<512x128xi1> to vector<1x512x128xi1>
      %get3A_184 = arith.index_cast %scan3A_173 : i32 to index
      %get3A_185 = memref.load %arg1[%get3A_184] : memref<136xi32, #tpu.memory_space<smem>>
      %get3A_186 = arith.constant 0 : index
      %get3A_187 = arith.constant 0 : index
      %get3A_188 = arith.constant 0 : index
      %get3A_189 = vector.load %arg5[%get3A_186, %get3A_187, %get3A_188] : memref<2x512x128xf32, #tpu.memory_space<vmem>>, vector<2x512x128xf32>
      %get3A_190 = arith.constant 0 : index
      %get3A_191 = arith.constant 0 : index
      %get3A_192 = arith.constant 0 : index
      %get3A_193 = vector.load %arg6[%get3A_190, %get3A_191, %get3A_192] : memref<2x512x128xi32, #tpu.memory_space<vmem>>, vector<2x512x128xi32>
      %sub3A_194 = arith.constant 512 : i32
      %sub3A_195 = arith.subi %sub3A_194, %shift_right_arithmetic3A_177 : i32
      %and3A_196 = arith.constant 511 : i32
      %and3A_197 = arith.andi %sub3A_195, %and3A_196 : i32
      %roll3A_198 = tpu.dynamic_rotate %get3A_189 by %and3A_197 dim 1 : vector<2x512x128xf32>, i32 -> vector<2x512x128xf32>
      %roll3A_199 = tpu.dynamic_rotate %get3A_189 by %shift_right_arithmetic3A_177 dim 1 : vector<2x512x128xf32>, i32 -> vector<2x512x128xf32>
      %broadcast_in_dim3A_200 = vector.shape_cast %broadcast_in_dim3A_183 : vector<1x512x128xi1> to vector<1x512x128xi1>
      %broadcast_in_dim3A_201 = vector.broadcast %broadcast_in_dim3A_200 : vector<1x512x128xi1> to vector<2x512x128xi1>
      %select_n3A_202 = arith.select %broadcast_in_dim3A_201, %roll3A_198, %roll3A_199 : vector<2x512x128xi1>, vector<2x512x128xf32>
      %sub3A_203 = arith.constant 512 : i32
      %sub3A_204 = arith.subi %sub3A_203, %shift_right_arithmetic3A_177 : i32
      %and3A_205 = arith.constant 511 : i32
      %and3A_206 = arith.andi %sub3A_204, %and3A_205 : i32
      %roll3A_207 = tpu.dynamic_rotate %get3A_193 by %and3A_206 dim 1 : vector<2x512x128xi32>, i32 -> vector<2x512x128xi32>
      %roll3A_208 = tpu.dynamic_rotate %get3A_193 by %shift_right_arithmetic3A_177 dim 1 : vector<2x512x128xi32>, i32 -> vector<2x512x128xi32>
      %broadcast_in_dim3A_209 = vector.shape_cast %broadcast_in_dim3A_183 : vector<1x512x128xi1> to vector<1x512x128xi1>
      %broadcast_in_dim3A_210 = vector.broadcast %broadcast_in_dim3A_209 : vector<1x512x128xi1> to vector<2x512x128xi1>
      %select_n3A_211 = arith.select %broadcast_in_dim3A_210, %roll3A_207, %roll3A_208 : vector<2x512x128xi1>, vector<2x512x128xi32>
      %and3A_212 = vector.broadcast %get3A_185 : i32 to vector<512x128xi32>
      %and3A_213 = arith.andi %add3A, %and3A_212 : vector<512x128xi32>
      %eq3A_214 = arith.constant 0 : i32
      %eq3A_215 = vector.broadcast %eq3A_214 : i32 to vector<512x128xi32>
      %eq3A_216 = arith.cmpi eq, %and3A_213, %eq3A_215 : vector<512x128xi32>
      %broadcast_in_dim3A_217 = vector.shape_cast %eq3A_216 : vector<512x128xi1> to vector<1x512x128xi1>
      %eq3A_218 = arith.xori %broadcast_in_dim3A_183, %broadcast_in_dim3A_217 : vector<1x512x128xi1>
      %eq3A_219 = arith.constant dense<true> : vector<1x512x128xi1>
      %eq3A_220 = arith.xori %eq3A_218, %eq3A_219 : vector<1x512x128xi1>
      %gt3A_221 = arith.cmpf ogt, %get3A_189, %select_n3A_202 : vector<2x512x128xf32>
      %eq3A_222 = arith.cmpf oeq, %get3A_189, %select_n3A_202 : vector<2x512x128xf32>
      %lt3A_223 = arith.cmpi slt, %get3A_193, %select_n3A_211 : vector<2x512x128xi32>
      %and3A_224 = arith.andi %eq3A_222, %lt3A_223 : vector<2x512x128xi1>
      %or3A_225 = arith.ori %gt3A_221, %and3A_224 : vector<2x512x128xi1>
      %eq3A_226 = vector.broadcast %eq3A_220 : vector<1x512x128xi1> to vector<2x512x128xi1>
      %eq3A_227 = vector.broadcast %eq3A_226 : vector<2x512x128xi1> to vector<2x512x128xi1>
      %eq3A_228 = arith.xori %eq3A_227, %or3A_225 : vector<2x512x128xi1>
      %eq3A_229 = arith.constant dense<true> : vector<2x512x128xi1>
      %eq3A_230 = arith.xori %eq3A_228, %eq3A_229 : vector<2x512x128xi1>
      %select_n3A_231 = arith.select %eq3A_230, %get3A_189, %select_n3A_202 : vector<2x512x128xi1>, vector<2x512x128xf32>
      %swap3A_232 = arith.constant 0 : index
      %swap3A_233 = arith.constant 0 : index
      %swap3A_234 = arith.constant 0 : index
      %swap3A_235 = vector.load %arg5[%swap3A_232, %swap3A_233, %swap3A_234] : memref<2x512x128xf32, #tpu.memory_space<vmem>>, vector<2x512x128xf32>
      tpu.vector_store %arg5[%swap3A_232, %swap3A_233, %swap3A_234], %select_n3A_231 {strides = array<i32>} : memref<2x512x128xf32, #tpu.memory_space<vmem>>, vector<2x512x128xf32>,
      %select_n3A_236 = arith.select %eq3A_230, %get3A_193, %select_n3A_211 : vector<2x512x128xi1>, vector<2x512x128xi32>
      %swap3A_237 = arith.constant 0 : index
      %swap3A_238 = arith.constant 0 : index
      %swap3A_239 = arith.constant 0 : index
      %swap3A_240 = vector.load %arg6[%swap3A_237, %swap3A_238, %swap3A_239] : memref<2x512x128xi32, #tpu.memory_space<vmem>>, vector<2x512x128xi32>
      tpu.vector_store %arg6[%swap3A_237, %swap3A_238, %swap3A_239], %select_n3A_236 {strides = array<i32>} : memref<2x512x128xi32, #tpu.memory_space<vmem>>, vector<2x512x128xi32>,
    }
    %scan3A_129 = arith.constant 6 : i32
    %scan3A_130 = arith.constant 84 : i32
    %scan3A_131 = arith.constant 7 : i32
    %scan3A_132 = arith.addi %scan3A_130, %scan3A_131 : i32
    %scan3A_133 = arith.constant 1 : i32
    scf.for %scan3A_173 = %scan3A_130 to %scan3A_132 step %scan3A_133  : i32 {
      %get3A_174 = arith.index_cast %scan3A_173 : i32 to index
      %get3A_175 = memref.load %arg0[%get3A_174] : memref<136xi32, #tpu.memory_space<smem>>
      %and3A_176 = vector.broadcast %get3A_175 : i32 to vector<512x128xi32>
      %and3A_177 = arith.andi %add3A, %and3A_176 : vector<512x128xi32>
      %eq3A_178 = arith.constant 0 : i32
      %eq3A_179 = vector.broadcast %eq3A_178 : i32 to vector<512x128xi32>
      %eq3A_180 = arith.cmpi eq, %and3A_177, %eq3A_179 : vector<512x128xi32>
      %broadcast_in_dim3A_181 = vector.shape_cast %eq3A_180 : vector<512x128xi1> to vector<1x512x128xi1>
      %get3A_182 = arith.index_cast %scan3A_173 : i32 to index
      %get3A_183 = memref.load %arg1[%get3A_182] : memref<136xi32, #tpu.memory_space<smem>>
      %get3A_184 = arith.constant 0 : index
      %get3A_185 = arith.constant 0 : index
      %get3A_186 = arith.constant 0 : index
      %get3A_187 = vector.load %arg5[%get3A_184, %get3A_185, %get3A_186] : memref<2x512x128xf32, #tpu.memory_space<vmem>>, vector<2x512x128xf32>
      %get3A_188 = arith.constant 0 : index
      %get3A_189 = arith.constant 0 : index
      %get3A_190 = arith.constant 0 : index
      %get3A_191 = vector.load %arg6[%get3A_188, %get3A_189, %get3A_190] : memref<2x512x128xi32, #tpu.memory_space<vmem>>, vector<2x512x128xi32>
      %sub3A_192 = arith.constant 128 : i32
      %sub3A_193 = arith.subi %sub3A_192, %get3A_175 : i32
      %and3A_194 = arith.constant 127 : i32
      %and3A_195 = arith.andi %sub3A_193, %and3A_194 : i32
      %roll3A_196 = tpu.dynamic_rotate %get3A_187 by %and3A_195 dim 2 : vector<2x512x128xf32>, i32 -> vector<2x512x128xf32>
      %roll3A_197 = tpu.dynamic_rotate %get3A_187 by %get3A_175 dim 2 : vector<2x512x128xf32>, i32 -> vector<2x512x128xf32>
      %broadcast_in_dim3A_198 = vector.shape_cast %broadcast_in_dim3A_181 : vector<1x512x128xi1> to vector<1x512x128xi1>
      %broadcast_in_dim3A_199 = vector.broadcast %broadcast_in_dim3A_198 : vector<1x512x128xi1> to vector<2x512x128xi1>
      %select_n3A_200 = arith.select %broadcast_in_dim3A_199, %roll3A_196, %roll3A_197 : vector<2x512x128xi1>, vector<2x512x128xf32>
      %sub3A_201 = arith.constant 128 : i32
      %sub3A_202 = arith.subi %sub3A_201, %get3A_175 : i32
      %and3A_203 = arith.constant 127 : i32
      %and3A_204 = arith.andi %sub3A_202, %and3A_203 : i32
      %roll3A_205 = tpu.dynamic_rotate %get3A_191 by %and3A_204 dim 2 : vector<2x512x128xi32>, i32 -> vector<2x512x128xi32>
      %roll3A_206 = tpu.dynamic_rotate %get3A_191 by %get3A_175 dim 2 : vector<2x512x128xi32>, i32 -> vector<2x512x128xi32>
      %broadcast_in_dim3A_207 = vector.shape_cast %broadcast_in_dim3A_181 : vector<1x512x128xi1> to vector<1x512x128xi1>
      %broadcast_in_dim3A_208 = vector.broadcast %broadcast_in_dim3A_207 : vector<1x512x128xi1> to vector<2x512x128xi1>
      %select_n3A_209 = arith.select %broadcast_in_dim3A_208, %roll3A_205, %roll3A_206 : vector<2x512x128xi1>, vector<2x512x128xi32>
      %and3A_210 = vector.broadcast %get3A_183 : i32 to vector<512x128xi32>
      %and3A_211 = arith.andi %add3A, %and3A_210 : vector<512x128xi32>
      %eq3A_212 = arith.constant 0 : i32
      %eq3A_213 = vector.broadcast %eq3A_212 : i32 to vector<512x128xi32>
      %eq3A_214 = arith.cmpi eq, %and3A_211, %eq3A_213 : vector<512x128xi32>
      %broadcast_in_dim3A_215 = vector.shape_cast %eq3A_214 : vector<512x128xi1> to vector<1x512x128xi1>
      %eq3A_216 = arith.xori %broadcast_in_dim3A_181, %broadcast_in_dim3A_215 : vector<1x512x128xi1>
      %eq3A_217 = arith.constant dense<true> : vector<1x512x128xi1>
      %eq3A_218 = arith.xori %eq3A_216, %eq3A_217 : vector<1x512x128xi1>
      %gt3A_219 = arith.cmpf ogt, %get3A_187, %select_n3A_200 : vector<2x512x128xf32>
      %eq3A_220 = arith.cmpf oeq, %get3A_187, %select_n3A_200 : vector<2x512x128xf32>
      %lt3A_221 = arith.cmpi slt, %get3A_191, %select_n3A_209 : vector<2x512x128xi32>
      %and3A_222 = arith.andi %eq3A_220, %lt3A_221 : vector<2x512x128xi1>
      %or3A_223 = arith.ori %gt3A_219, %and3A_222 : vector<2x512x128xi1>
      %eq3A_224 = vector.broadcast %eq3A_218 : vector<1x512x128xi1> to vector<2x512x128xi1>
      %eq3A_225 = vector.broadcast %eq3A_224 : vector<2x512x128xi1> to vector<2x512x128xi1>
      %eq3A_226 = arith.xori %eq3A_225, %or3A_223 : vector<2x512x128xi1>
      %eq3A_227 = arith.constant dense<true> : vector<2x512x128xi1>
      %eq3A_228 = arith.xori %eq3A_226, %eq3A_227 : vector<2x512x128xi1>
      %select_n3A_229 = arith.select %eq3A_228, %get3A_187, %select_n3A_200 : vector<2x512x128xi1>, vector<2x512x128xf32>
      %swap3A_230 = arith.constant 0 : index
      %swap3A_231 = arith.constant 0 : index
      %swap3A_232 = arith.constant 0 : index
      %swap3A_233 = vector.load %arg5[%swap3A_230, %swap3A_231, %swap3A_232] : memref<2x512x128xf32, #tpu.memory_space<vmem>>, vector<2x512x128xf32>
      tpu.vector_store %arg5[%swap3A_230, %swap3A_231, %swap3A_232], %select_n3A_229 {strides = array<i32>} : memref<2x512x128xf32, #tpu.memory_space<vmem>>, vector<2x512x128xf32>,
      %select_n3A_234 = arith.select %eq3A_228, %get3A_191, %select_n3A_209 : vector<2x512x128xi1>, vector<2x512x128xi32>
      %swap3A_235 = arith.constant 0 : index
      %swap3A_236 = arith.constant 0 : index
      %swap3A_237 = arith.constant 0 : index
      %swap3A_238 = vector.load %arg6[%swap3A_235, %swap3A_236, %swap3A_237] : memref<2x512x128xi32, #tpu.memory_space<vmem>>, vector<2x512x128xi32>
      tpu.vector_store %arg6[%swap3A_235, %swap3A_236, %swap3A_237], %select_n3A_234 {strides = array<i32>} : memref<2x512x128xi32, #tpu.memory_space<vmem>>, vector<2x512x128xi32>,
    }
    %scan3A_134 = arith.constant 7 : i32
    %scan3A_135 = arith.constant 91 : i32
    %scan3A_136 = arith.constant 7 : i32
    %scan3A_137 = arith.addi %scan3A_135, %scan3A_136 : i32
    %scan3A_138 = arith.constant 1 : i32
    scf.for %scan3A_173 = %scan3A_135 to %scan3A_137 step %scan3A_138  : i32 {
      %get3A_174 = arith.index_cast %scan3A_173 : i32 to index
      %get3A_175 = memref.load %arg0[%get3A_174] : memref<136xi32, #tpu.memory_space<smem>>
      %shift_right_arithmetic3A_176 = arith.constant 7 : i32
      %shift_right_arithmetic3A_177 = arith.shrsi %get3A_175, %shift_right_arithmetic3A_176 : i32
      %and3A_178 = vector.broadcast %get3A_175 : i32 to vector<512x128xi32>
      %and3A_179 = arith.andi %add3A, %and3A_178 : vector<512x128xi32>
      %eq3A_180 = arith.constant 0 : i32
      %eq3A_181 = vector.broadcast %eq3A_180 : i32 to vector<512x128xi32>
      %eq3A_182 = arith.cmpi eq, %and3A_179, %eq3A_181 : vector<512x128xi32>
      %broadcast_in_dim3A_183 = vector.shape_cast %eq3A_182 : vector<512x128xi1> to vector<1x512x128xi1>
      %get3A_184 = arith.index_cast %scan3A_173 : i32 to index
      %get3A_185 = memref.load %arg1[%get3A_184] : memref<136xi32, #tpu.memory_space<smem>>
      %get3A_186 = arith.constant 0 : index
      %get3A_187 = arith.constant 0 : index
      %get3A_188 = arith.constant 0 : index
      %get3A_189 = vector.load %arg5[%get3A_186, %get3A_187, %get3A_188] : memref<2x512x128xf32, #tpu.memory_space<vmem>>, vector<2x512x128xf32>
      %get3A_190 = arith.constant 0 : index
      %get3A_191 = arith.constant 0 : index
      %get3A_192 = arith.constant 0 : index
      %get3A_193 = vector.load %arg6[%get3A_190, %get3A_191, %get3A_192] : memref<2x512x128xi32, #tpu.memory_space<vmem>>, vector<2x512x128xi32>
      %sub3A_194 = arith.constant 512 : i32
      %sub3A_195 = arith.subi %sub3A_194, %shift_right_arithmetic3A_177 : i32
      %and3A_196 = arith.constant 511 : i32
      %and3A_197 = arith.andi %sub3A_195, %and3A_196 : i32
      %roll3A_198 = tpu.dynamic_rotate %get3A_189 by %and3A_197 dim 1 : vector<2x512x128xf32>, i32 -> vector<2x512x128xf32>
      %roll3A_199 = tpu.dynamic_rotate %get3A_189 by %shift_right_arithmetic3A_177 dim 1 : vector<2x512x128xf32>, i32 -> vector<2x512x128xf32>
      %broadcast_in_dim3A_200 = vector.shape_cast %broadcast_in_dim3A_183 : vector<1x512x128xi1> to vector<1x512x128xi1>
      %broadcast_in_dim3A_201 = vector.broadcast %broadcast_in_dim3A_200 : vector<1x512x128xi1> to vector<2x512x128xi1>
      %select_n3A_202 = arith.select %broadcast_in_dim3A_201, %roll3A_198, %roll3A_199 : vector<2x512x128xi1>, vector<2x512x128xf32>
      %sub3A_203 = arith.constant 512 : i32
      %sub3A_204 = arith.subi %sub3A_203, %shift_right_arithmetic3A_177 : i32
      %and3A_205 = arith.constant 511 : i32
      %and3A_206 = arith.andi %sub3A_204, %and3A_205 : i32
      %roll3A_207 = tpu.dynamic_rotate %get3A_193 by %and3A_206 dim 1 : vector<2x512x128xi32>, i32 -> vector<2x512x128xi32>
      %roll3A_208 = tpu.dynamic_rotate %get3A_193 by %shift_right_arithmetic3A_177 dim 1 : vector<2x512x128xi32>, i32 -> vector<2x512x128xi32>
      %broadcast_in_dim3A_209 = vector.shape_cast %broadcast_in_dim3A_183 : vector<1x512x128xi1> to vector<1x512x128xi1>
      %broadcast_in_dim3A_210 = vector.broadcast %broadcast_in_dim3A_209 : vector<1x512x128xi1> to vector<2x512x128xi1>
      %select_n3A_211 = arith.select %broadcast_in_dim3A_210, %roll3A_207, %roll3A_208 : vector<2x512x128xi1>, vector<2x512x128xi32>
      %and3A_212 = vector.broadcast %get3A_185 : i32 to vector<512x128xi32>
      %and3A_213 = arith.andi %add3A, %and3A_212 : vector<512x128xi32>
      %eq3A_214 = arith.constant 0 : i32
      %eq3A_215 = vector.broadcast %eq3A_214 : i32 to vector<512x128xi32>
      %eq3A_216 = arith.cmpi eq, %and3A_213, %eq3A_215 : vector<512x128xi32>
      %broadcast_in_dim3A_217 = vector.shape_cast %eq3A_216 : vector<512x128xi1> to vector<1x512x128xi1>
      %eq3A_218 = arith.xori %broadcast_in_dim3A_183, %broadcast_in_dim3A_217 : vector<1x512x128xi1>
      %eq3A_219 = arith.constant dense<true> : vector<1x512x128xi1>
      %eq3A_220 = arith.xori %eq3A_218, %eq3A_219 : vector<1x512x128xi1>
      %gt3A_221 = arith.cmpf ogt, %get3A_189, %select_n3A_202 : vector<2x512x128xf32>
      %eq3A_222 = arith.cmpf oeq, %get3A_189, %select_n3A_202 : vector<2x512x128xf32>
      %lt3A_223 = arith.cmpi slt, %get3A_193, %select_n3A_211 : vector<2x512x128xi32>
      %and3A_224 = arith.andi %eq3A_222, %lt3A_223 : vector<2x512x128xi1>
      %or3A_225 = arith.ori %gt3A_221, %and3A_224 : vector<2x512x128xi1>
      %eq3A_226 = vector.broadcast %eq3A_220 : vector<1x512x128xi1> to vector<2x512x128xi1>
      %eq3A_227 = vector.broadcast %eq3A_226 : vector<2x512x128xi1> to vector<2x512x128xi1>
      %eq3A_228 = arith.xori %eq3A_227, %or3A_225 : vector<2x512x128xi1>
      %eq3A_229 = arith.constant dense<true> : vector<2x512x128xi1>
      %eq3A_230 = arith.xori %eq3A_228, %eq3A_229 : vector<2x512x128xi1>
      %select_n3A_231 = arith.select %eq3A_230, %get3A_189, %select_n3A_202 : vector<2x512x128xi1>, vector<2x512x128xf32>
      %swap3A_232 = arith.constant 0 : index
      %swap3A_233 = arith.constant 0 : index
      %swap3A_234 = arith.constant 0 : index
      %swap3A_235 = vector.load %arg5[%swap3A_232, %swap3A_233, %swap3A_234] : memref<2x512x128xf32, #tpu.memory_space<vmem>>, vector<2x512x128xf32>
      tpu.vector_store %arg5[%swap3A_232, %swap3A_233, %swap3A_234], %select_n3A_231 {strides = array<i32>} : memref<2x512x128xf32, #tpu.memory_space<vmem>>, vector<2x512x128xf32>,
      %select_n3A_236 = arith.select %eq3A_230, %get3A_193, %select_n3A_211 : vector<2x512x128xi1>, vector<2x512x128xi32>
      %swap3A_237 = arith.constant 0 : index
      %swap3A_238 = arith.constant 0 : index
      %swap3A_239 = arith.constant 0 : index
      %swap3A_240 = vector.load %arg6[%swap3A_237, %swap3A_238, %swap3A_239] : memref<2x512x128xi32, #tpu.memory_space<vmem>>, vector<2x512x128xi32>
      tpu.vector_store %arg6[%swap3A_237, %swap3A_238, %swap3A_239], %select_n3A_236 {strides = array<i32>} : memref<2x512x128xi32, #tpu.memory_space<vmem>>, vector<2x512x128xi32>,
    }
    %scan3A_139 = arith.constant 7 : i32
    %scan3A_140 = arith.constant 98 : i32
    %scan3A_141 = arith.constant 7 : i32
    %scan3A_142 = arith.addi %scan3A_140, %scan3A_141 : i32
    %scan3A_143 = arith.constant 1 : i32
    scf.for %scan3A_173 = %scan3A_140 to %scan3A_142 step %scan3A_143  : i32 {
      %get3A_174 = arith.index_cast %scan3A_173 : i32 to index
      %get3A_175 = memref.load %arg0[%get3A_174] : memref<136xi32, #tpu.memory_space<smem>>
      %and3A_176 = vector.broadcast %get3A_175 : i32 to vector<512x128xi32>
      %and3A_177 = arith.andi %add3A, %and3A_176 : vector<512x128xi32>
      %eq3A_178 = arith.constant 0 : i32
      %eq3A_179 = vector.broadcast %eq3A_178 : i32 to vector<512x128xi32>
      %eq3A_180 = arith.cmpi eq, %and3A_177, %eq3A_179 : vector<512x128xi32>
      %broadcast_in_dim3A_181 = vector.shape_cast %eq3A_180 : vector<512x128xi1> to vector<1x512x128xi1>
      %get3A_182 = arith.index_cast %scan3A_173 : i32 to index
      %get3A_183 = memref.load %arg1[%get3A_182] : memref<136xi32, #tpu.memory_space<smem>>
      %get3A_184 = arith.constant 0 : index
      %get3A_185 = arith.constant 0 : index
      %get3A_186 = arith.constant 0 : index
      %get3A_187 = vector.load %arg5[%get3A_184, %get3A_185, %get3A_186] : memref<2x512x128xf32, #tpu.memory_space<vmem>>, vector<2x512x128xf32>
      %get3A_188 = arith.constant 0 : index
      %get3A_189 = arith.constant 0 : index
      %get3A_190 = arith.constant 0 : index
      %get3A_191 = vector.load %arg6[%get3A_188, %get3A_189, %get3A_190] : memref<2x512x128xi32, #tpu.memory_space<vmem>>, vector<2x512x128xi32>
      %sub3A_192 = arith.constant 128 : i32
      %sub3A_193 = arith.subi %sub3A_192, %get3A_175 : i32
      %and3A_194 = arith.constant 127 : i32
      %and3A_195 = arith.andi %sub3A_193, %and3A_194 : i32
      %roll3A_196 = tpu.dynamic_rotate %get3A_187 by %and3A_195 dim 2 : vector<2x512x128xf32>, i32 -> vector<2x512x128xf32>
      %roll3A_197 = tpu.dynamic_rotate %get3A_187 by %get3A_175 dim 2 : vector<2x512x128xf32>, i32 -> vector<2x512x128xf32>
      %broadcast_in_dim3A_198 = vector.shape_cast %broadcast_in_dim3A_181 : vector<1x512x128xi1> to vector<1x512x128xi1>
      %broadcast_in_dim3A_199 = vector.broadcast %broadcast_in_dim3A_198 : vector<1x512x128xi1> to vector<2x512x128xi1>
      %select_n3A_200 = arith.select %broadcast_in_dim3A_199, %roll3A_196, %roll3A_197 : vector<2x512x128xi1>, vector<2x512x128xf32>
      %sub3A_201 = arith.constant 128 : i32
      %sub3A_202 = arith.subi %sub3A_201, %get3A_175 : i32
      %and3A_203 = arith.constant 127 : i32
      %and3A_204 = arith.andi %sub3A_202, %and3A_203 : i32
      %roll3A_205 = tpu.dynamic_rotate %get3A_191 by %and3A_204 dim 2 : vector<2x512x128xi32>, i32 -> vector<2x512x128xi32>
      %roll3A_206 = tpu.dynamic_rotate %get3A_191 by %get3A_175 dim 2 : vector<2x512x128xi32>, i32 -> vector<2x512x128xi32>
      %broadcast_in_dim3A_207 = vector.shape_cast %broadcast_in_dim3A_181 : vector<1x512x128xi1> to vector<1x512x128xi1>
      %broadcast_in_dim3A_208 = vector.broadcast %broadcast_in_dim3A_207 : vector<1x512x128xi1> to vector<2x512x128xi1>
      %select_n3A_209 = arith.select %broadcast_in_dim3A_208, %roll3A_205, %roll3A_206 : vector<2x512x128xi1>, vector<2x512x128xi32>
      %and3A_210 = vector.broadcast %get3A_183 : i32 to vector<512x128xi32>
      %and3A_211 = arith.andi %add3A, %and3A_210 : vector<512x128xi32>
      %eq3A_212 = arith.constant 0 : i32
      %eq3A_213 = vector.broadcast %eq3A_212 : i32 to vector<512x128xi32>
      %eq3A_214 = arith.cmpi eq, %and3A_211, %eq3A_213 : vector<512x128xi32>
      %broadcast_in_dim3A_215 = vector.shape_cast %eq3A_214 : vector<512x128xi1> to vector<1x512x128xi1>
      %eq3A_216 = arith.xori %broadcast_in_dim3A_181, %broadcast_in_dim3A_215 : vector<1x512x128xi1>
      %eq3A_217 = arith.constant dense<true> : vector<1x512x128xi1>
      %eq3A_218 = arith.xori %eq3A_216, %eq3A_217 : vector<1x512x128xi1>
      %gt3A_219 = arith.cmpf ogt, %get3A_187, %select_n3A_200 : vector<2x512x128xf32>
      %eq3A_220 = arith.cmpf oeq, %get3A_187, %select_n3A_200 : vector<2x512x128xf32>
      %lt3A_221 = arith.cmpi slt, %get3A_191, %select_n3A_209 : vector<2x512x128xi32>
      %and3A_222 = arith.andi %eq3A_220, %lt3A_221 : vector<2x512x128xi1>
      %or3A_223 = arith.ori %gt3A_219, %and3A_222 : vector<2x512x128xi1>
      %eq3A_224 = vector.broadcast %eq3A_218 : vector<1x512x128xi1> to vector<2x512x128xi1>
      %eq3A_225 = vector.broadcast %eq3A_224 : vector<2x512x128xi1> to vector<2x512x128xi1>
      %eq3A_226 = arith.xori %eq3A_225, %or3A_223 : vector<2x512x128xi1>
      %eq3A_227 = arith.constant dense<true> : vector<2x512x128xi1>
      %eq3A_228 = arith.xori %eq3A_226, %eq3A_227 : vector<2x512x128xi1>
      %select_n3A_229 = arith.select %eq3A_228, %get3A_187, %select_n3A_200 : vector<2x512x128xi1>, vector<2x512x128xf32>
      %swap3A_230 = arith.constant 0 : index
      %swap3A_231 = arith.constant 0 : index
      %swap3A_232 = arith.constant 0 : index
      %swap3A_233 = vector.load %arg5[%swap3A_230, %swap3A_231, %swap3A_232] : memref<2x512x128xf32, #tpu.memory_space<vmem>>, vector<2x512x128xf32>
      tpu.vector_store %arg5[%swap3A_230, %swap3A_231, %swap3A_232], %select_n3A_229 {strides = array<i32>} : memref<2x512x128xf32, #tpu.memory_space<vmem>>, vector<2x512x128xf32>,
      %select_n3A_234 = arith.select %eq3A_228, %get3A_191, %select_n3A_209 : vector<2x512x128xi1>, vector<2x512x128xi32>
      %swap3A_235 = arith.constant 0 : index
      %swap3A_236 = arith.constant 0 : index
      %swap3A_237 = arith.constant 0 : index
      %swap3A_238 = vector.load %arg6[%swap3A_235, %swap3A_236, %swap3A_237] : memref<2x512x128xi32, #tpu.memory_space<vmem>>, vector<2x512x128xi32>
      tpu.vector_store %arg6[%swap3A_235, %swap3A_236, %swap3A_237], %select_n3A_234 {strides = array<i32>} : memref<2x512x128xi32, #tpu.memory_space<vmem>>, vector<2x512x128xi32>,
    }
    %scan3A_144 = arith.constant 7 : i32
    %scan3A_145 = arith.constant 105 : i32
    %scan3A_146 = arith.constant 8 : i32
    %scan3A_147 = arith.addi %scan3A_145, %scan3A_146 : i32
    %scan3A_148 = arith.constant 1 : i32
    scf.for %scan3A_173 = %scan3A_145 to %scan3A_147 step %scan3A_148  : i32 {
      %get3A_174 = arith.index_cast %scan3A_173 : i32 to index
      %get3A_175 = memref.load %arg0[%get3A_174] : memref<136xi32, #tpu.memory_space<smem>>
      %shift_right_arithmetic3A_176 = arith.constant 7 : i32
      %shift_right_arithmetic3A_177 = arith.shrsi %get3A_175, %shift_right_arithmetic3A_176 : i32
      %and3A_178 = vector.broadcast %get3A_175 : i32 to vector<512x128xi32>
      %and3A_179 = arith.andi %add3A, %and3A_178 : vector<512x128xi32>
      %eq3A_180 = arith.constant 0 : i32
      %eq3A_181 = vector.broadcast %eq3A_180 : i32 to vector<512x128xi32>
      %eq3A_182 = arith.cmpi eq, %and3A_179, %eq3A_181 : vector<512x128xi32>
      %broadcast_in_dim3A_183 = vector.shape_cast %eq3A_182 : vector<512x128xi1> to vector<1x512x128xi1>
      %get3A_184 = arith.index_cast %scan3A_173 : i32 to index
      %get3A_185 = memref.load %arg1[%get3A_184] : memref<136xi32, #tpu.memory_space<smem>>
      %get3A_186 = arith.constant 0 : index
      %get3A_187 = arith.constant 0 : index
      %get3A_188 = arith.constant 0 : index
      %get3A_189 = vector.load %arg5[%get3A_186, %get3A_187, %get3A_188] : memref<2x512x128xf32, #tpu.memory_space<vmem>>, vector<2x512x128xf32>
      %get3A_190 = arith.constant 0 : index
      %get3A_191 = arith.constant 0 : index
      %get3A_192 = arith.constant 0 : index
      %get3A_193 = vector.load %arg6[%get3A_190, %get3A_191, %get3A_192] : memref<2x512x128xi32, #tpu.memory_space<vmem>>, vector<2x512x128xi32>
      %sub3A_194 = arith.constant 512 : i32
      %sub3A_195 = arith.subi %sub3A_194, %shift_right_arithmetic3A_177 : i32
      %and3A_196 = arith.constant 511 : i32
      %and3A_197 = arith.andi %sub3A_195, %and3A_196 : i32
      %roll3A_198 = tpu.dynamic_rotate %get3A_189 by %and3A_197 dim 1 : vector<2x512x128xf32>, i32 -> vector<2x512x128xf32>
      %roll3A_199 = tpu.dynamic_rotate %get3A_189 by %shift_right_arithmetic3A_177 dim 1 : vector<2x512x128xf32>, i32 -> vector<2x512x128xf32>
      %broadcast_in_dim3A_200 = vector.shape_cast %broadcast_in_dim3A_183 : vector<1x512x128xi1> to vector<1x512x128xi1>
      %broadcast_in_dim3A_201 = vector.broadcast %broadcast_in_dim3A_200 : vector<1x512x128xi1> to vector<2x512x128xi1>
      %select_n3A_202 = arith.select %broadcast_in_dim3A_201, %roll3A_198, %roll3A_199 : vector<2x512x128xi1>, vector<2x512x128xf32>
      %sub3A_203 = arith.constant 512 : i32
      %sub3A_204 = arith.subi %sub3A_203, %shift_right_arithmetic3A_177 : i32
      %and3A_205 = arith.constant 511 : i32
      %and3A_206 = arith.andi %sub3A_204, %and3A_205 : i32
      %roll3A_207 = tpu.dynamic_rotate %get3A_193 by %and3A_206 dim 1 : vector<2x512x128xi32>, i32 -> vector<2x512x128xi32>
      %roll3A_208 = tpu.dynamic_rotate %get3A_193 by %shift_right_arithmetic3A_177 dim 1 : vector<2x512x128xi32>, i32 -> vector<2x512x128xi32>
      %broadcast_in_dim3A_209 = vector.shape_cast %broadcast_in_dim3A_183 : vector<1x512x128xi1> to vector<1x512x128xi1>
      %broadcast_in_dim3A_210 = vector.broadcast %broadcast_in_dim3A_209 : vector<1x512x128xi1> to vector<2x512x128xi1>
      %select_n3A_211 = arith.select %broadcast_in_dim3A_210, %roll3A_207, %roll3A_208 : vector<2x512x128xi1>, vector<2x512x128xi32>
      %and3A_212 = vector.broadcast %get3A_185 : i32 to vector<512x128xi32>
      %and3A_213 = arith.andi %add3A, %and3A_212 : vector<512x128xi32>
      %eq3A_214 = arith.constant 0 : i32
      %eq3A_215 = vector.broadcast %eq3A_214 : i32 to vector<512x128xi32>
      %eq3A_216 = arith.cmpi eq, %and3A_213, %eq3A_215 : vector<512x128xi32>
      %broadcast_in_dim3A_217 = vector.shape_cast %eq3A_216 : vector<512x128xi1> to vector<1x512x128xi1>
      %eq3A_218 = arith.xori %broadcast_in_dim3A_183, %broadcast_in_dim3A_217 : vector<1x512x128xi1>
      %eq3A_219 = arith.constant dense<true> : vector<1x512x128xi1>
      %eq3A_220 = arith.xori %eq3A_218, %eq3A_219 : vector<1x512x128xi1>
      %gt3A_221 = arith.cmpf ogt, %get3A_189, %select_n3A_202 : vector<2x512x128xf32>
      %eq3A_222 = arith.cmpf oeq, %get3A_189, %select_n3A_202 : vector<2x512x128xf32>
      %lt3A_223 = arith.cmpi slt, %get3A_193, %select_n3A_211 : vector<2x512x128xi32>
      %and3A_224 = arith.andi %eq3A_222, %lt3A_223 : vector<2x512x128xi1>
      %or3A_225 = arith.ori %gt3A_221, %and3A_224 : vector<2x512x128xi1>
      %eq3A_226 = vector.broadcast %eq3A_220 : vector<1x512x128xi1> to vector<2x512x128xi1>
      %eq3A_227 = vector.broadcast %eq3A_226 : vector<2x512x128xi1> to vector<2x512x128xi1>
      %eq3A_228 = arith.xori %eq3A_227, %or3A_225 : vector<2x512x128xi1>
      %eq3A_229 = arith.constant dense<true> : vector<2x512x128xi1>
      %eq3A_230 = arith.xori %eq3A_228, %eq3A_229 : vector<2x512x128xi1>
      %select_n3A_231 = arith.select %eq3A_230, %get3A_189, %select_n3A_202 : vector<2x512x128xi1>, vector<2x512x128xf32>
      %swap3A_232 = arith.constant 0 : index
      %swap3A_233 = arith.constant 0 : index
      %swap3A_234 = arith.constant 0 : index
      %swap3A_235 = vector.load %arg5[%swap3A_232, %swap3A_233, %swap3A_234] : memref<2x512x128xf32, #tpu.memory_space<vmem>>, vector<2x512x128xf32>
      tpu.vector_store %arg5[%swap3A_232, %swap3A_233, %swap3A_234], %select_n3A_231 {strides = array<i32>} : memref<2x512x128xf32, #tpu.memory_space<vmem>>, vector<2x512x128xf32>,
      %select_n3A_236 = arith.select %eq3A_230, %get3A_193, %select_n3A_211 : vector<2x512x128xi1>, vector<2x512x128xi32>
      %swap3A_237 = arith.constant 0 : index
      %swap3A_238 = arith.constant 0 : index
      %swap3A_239 = arith.constant 0 : index
      %swap3A_240 = vector.load %arg6[%swap3A_237, %swap3A_238, %swap3A_239] : memref<2x512x128xi32, #tpu.memory_space<vmem>>, vector<2x512x128xi32>
      tpu.vector_store %arg6[%swap3A_237, %swap3A_238, %swap3A_239], %select_n3A_236 {strides = array<i32>} : memref<2x512x128xi32, #tpu.memory_space<vmem>>, vector<2x512x128xi32>,
    }
    %scan3A_149 = arith.constant 8 : i32
    %scan3A_150 = arith.constant 113 : i32
    %scan3A_151 = arith.constant 7 : i32
    %scan3A_152 = arith.addi %scan3A_150, %scan3A_151 : i32
    %scan3A_153 = arith.constant 1 : i32
    scf.for %scan3A_173 = %scan3A_150 to %scan3A_152 step %scan3A_153  : i32 {
      %get3A_174 = arith.index_cast %scan3A_173 : i32 to index
      %get3A_175 = memref.load %arg0[%get3A_174] : memref<136xi32, #tpu.memory_space<smem>>
      %and3A_176 = vector.broadcast %get3A_175 : i32 to vector<512x128xi32>
      %and3A_177 = arith.andi %add3A, %and3A_176 : vector<512x128xi32>
      %eq3A_178 = arith.constant 0 : i32
      %eq3A_179 = vector.broadcast %eq3A_178 : i32 to vector<512x128xi32>
      %eq3A_180 = arith.cmpi eq, %and3A_177, %eq3A_179 : vector<512x128xi32>
      %broadcast_in_dim3A_181 = vector.shape_cast %eq3A_180 : vector<512x128xi1> to vector<1x512x128xi1>
      %get3A_182 = arith.index_cast %scan3A_173 : i32 to index
      %get3A_183 = memref.load %arg1[%get3A_182] : memref<136xi32, #tpu.memory_space<smem>>
      %get3A_184 = arith.constant 0 : index
      %get3A_185 = arith.constant 0 : index
      %get3A_186 = arith.constant 0 : index
      %get3A_187 = vector.load %arg5[%get3A_184, %get3A_185, %get3A_186] : memref<2x512x128xf32, #tpu.memory_space<vmem>>, vector<2x512x128xf32>
      %get3A_188 = arith.constant 0 : index
      %get3A_189 = arith.constant 0 : index
      %get3A_190 = arith.constant 0 : index
      %get3A_191 = vector.load %arg6[%get3A_188, %get3A_189, %get3A_190] : memref<2x512x128xi32, #tpu.memory_space<vmem>>, vector<2x512x128xi32>
      %sub3A_192 = arith.constant 128 : i32
      %sub3A_193 = arith.subi %sub3A_192, %get3A_175 : i32
      %and3A_194 = arith.constant 127 : i32
      %and3A_195 = arith.andi %sub3A_193, %and3A_194 : i32
      %roll3A_196 = tpu.dynamic_rotate %get3A_187 by %and3A_195 dim 2 : vector<2x512x128xf32>, i32 -> vector<2x512x128xf32>
      %roll3A_197 = tpu.dynamic_rotate %get3A_187 by %get3A_175 dim 2 : vector<2x512x128xf32>, i32 -> vector<2x512x128xf32>
      %broadcast_in_dim3A_198 = vector.shape_cast %broadcast_in_dim3A_181 : vector<1x512x128xi1> to vector<1x512x128xi1>
      %broadcast_in_dim3A_199 = vector.broadcast %broadcast_in_dim3A_198 : vector<1x512x128xi1> to vector<2x512x128xi1>
      %select_n3A_200 = arith.select %broadcast_in_dim3A_199, %roll3A_196, %roll3A_197 : vector<2x512x128xi1>, vector<2x512x128xf32>
      %sub3A_201 = arith.constant 128 : i32
      %sub3A_202 = arith.subi %sub3A_201, %get3A_175 : i32
      %and3A_203 = arith.constant 127 : i32
      %and3A_204 = arith.andi %sub3A_202, %and3A_203 : i32
      %roll3A_205 = tpu.dynamic_rotate %get3A_191 by %and3A_204 dim 2 : vector<2x512x128xi32>, i32 -> vector<2x512x128xi32>
      %roll3A_206 = tpu.dynamic_rotate %get3A_191 by %get3A_175 dim 2 : vector<2x512x128xi32>, i32 -> vector<2x512x128xi32>
      %broadcast_in_dim3A_207 = vector.shape_cast %broadcast_in_dim3A_181 : vector<1x512x128xi1> to vector<1x512x128xi1>
      %broadcast_in_dim3A_208 = vector.broadcast %broadcast_in_dim3A_207 : vector<1x512x128xi1> to vector<2x512x128xi1>
      %select_n3A_209 = arith.select %broadcast_in_dim3A_208, %roll3A_205, %roll3A_206 : vector<2x512x128xi1>, vector<2x512x128xi32>
      %and3A_210 = vector.broadcast %get3A_183 : i32 to vector<512x128xi32>
      %and3A_211 = arith.andi %add3A, %and3A_210 : vector<512x128xi32>
      %eq3A_212 = arith.constant 0 : i32
      %eq3A_213 = vector.broadcast %eq3A_212 : i32 to vector<512x128xi32>
      %eq3A_214 = arith.cmpi eq, %and3A_211, %eq3A_213 : vector<512x128xi32>
      %broadcast_in_dim3A_215 = vector.shape_cast %eq3A_214 : vector<512x128xi1> to vector<1x512x128xi1>
      %eq3A_216 = arith.xori %broadcast_in_dim3A_181, %broadcast_in_dim3A_215 : vector<1x512x128xi1>
      %eq3A_217 = arith.constant dense<true> : vector<1x512x128xi1>
      %eq3A_218 = arith.xori %eq3A_216, %eq3A_217 : vector<1x512x128xi1>
      %gt3A_219 = arith.cmpf ogt, %get3A_187, %select_n3A_200 : vector<2x512x128xf32>
      %eq3A_220 = arith.cmpf oeq, %get3A_187, %select_n3A_200 : vector<2x512x128xf32>
      %lt3A_221 = arith.cmpi slt, %get3A_191, %select_n3A_209 : vector<2x512x128xi32>
      %and3A_222 = arith.andi %eq3A_220, %lt3A_221 : vector<2x512x128xi1>
      %or3A_223 = arith.ori %gt3A_219, %and3A_222 : vector<2x512x128xi1>
      %eq3A_224 = vector.broadcast %eq3A_218 : vector<1x512x128xi1> to vector<2x512x128xi1>
      %eq3A_225 = vector.broadcast %eq3A_224 : vector<2x512x128xi1> to vector<2x512x128xi1>
      %eq3A_226 = arith.xori %eq3A_225, %or3A_223 : vector<2x512x128xi1>
      %eq3A_227 = arith.constant dense<true> : vector<2x512x128xi1>
      %eq3A_228 = arith.xori %eq3A_226, %eq3A_227 : vector<2x512x128xi1>
      %select_n3A_229 = arith.select %eq3A_228, %get3A_187, %select_n3A_200 : vector<2x512x128xi1>, vector<2x512x128xf32>
      %swap3A_230 = arith.constant 0 : index
      %swap3A_231 = arith.constant 0 : index
      %swap3A_232 = arith.constant 0 : index
      %swap3A_233 = vector.load %arg5[%swap3A_230, %swap3A_231, %swap3A_232] : memref<2x512x128xf32, #tpu.memory_space<vmem>>, vector<2x512x128xf32>
      tpu.vector_store %arg5[%swap3A_230, %swap3A_231, %swap3A_232], %select_n3A_229 {strides = array<i32>} : memref<2x512x128xf32, #tpu.memory_space<vmem>>, vector<2x512x128xf32>,
      %select_n3A_234 = arith.select %eq3A_228, %get3A_191, %select_n3A_209 : vector<2x512x128xi1>, vector<2x512x128xi32>
      %swap3A_235 = arith.constant 0 : index
      %swap3A_236 = arith.constant 0 : index
      %swap3A_237 = arith.constant 0 : index
      %swap3A_238 = vector.load %arg6[%swap3A_235, %swap3A_236, %swap3A_237] : memref<2x512x128xi32, #tpu.memory_space<vmem>>, vector<2x512x128xi32>
      tpu.vector_store %arg6[%swap3A_235, %swap3A_236, %swap3A_237], %select_n3A_234 {strides = array<i32>} : memref<2x512x128xi32, #tpu.memory_space<vmem>>, vector<2x512x128xi32>,
    }
    %scan3A_154 = arith.constant 7 : i32
    %scan3A_155 = arith.constant 120 : i32
    %scan3A_156 = arith.constant 9 : i32
    %scan3A_157 = arith.addi %scan3A_155, %scan3A_156 : i32
    %scan3A_158 = arith.constant 1 : i32
    scf.for %scan3A_173 = %scan3A_155 to %scan3A_157 step %scan3A_158  : i32 {
      %get3A_174 = arith.index_cast %scan3A_173 : i32 to index
      %get3A_175 = memref.load %arg0[%get3A_174] : memref<136xi32, #tpu.memory_space<smem>>
      %shift_right_arithmetic3A_176 = arith.constant 7 : i32
      %shift_right_arithmetic3A_177 = arith.shrsi %get3A_175, %shift_right_arithmetic3A_176 : i32
      %and3A_178 = vector.broadcast %get3A_175 : i32 to vector<512x128xi32>
      %and3A_179 = arith.andi %add3A, %and3A_178 : vector<512x128xi32>
      %eq3A_180 = arith.constant 0 : i32
      %eq3A_181 = vector.broadcast %eq3A_180 : i32 to vector<512x128xi32>
      %eq3A_182 = arith.cmpi eq, %and3A_179, %eq3A_181 : vector<512x128xi32>
      %broadcast_in_dim3A_183 = vector.shape_cast %eq3A_182 : vector<512x128xi1> to vector<1x512x128xi1>
      %get3A_184 = arith.index_cast %scan3A_173 : i32 to index
      %get3A_185 = memref.load %arg1[%get3A_184] : memref<136xi32, #tpu.memory_space<smem>>
      %get3A_186 = arith.constant 0 : index
      %get3A_187 = arith.constant 0 : index
      %get3A_188 = arith.constant 0 : index
      %get3A_189 = vector.load %arg5[%get3A_186, %get3A_187, %get3A_188] : memref<2x512x128xf32, #tpu.memory_space<vmem>>, vector<2x512x128xf32>
      %get3A_190 = arith.constant 0 : index
      %get3A_191 = arith.constant 0 : index
      %get3A_192 = arith.constant 0 : index
      %get3A_193 = vector.load %arg6[%get3A_190, %get3A_191, %get3A_192] : memref<2x512x128xi32, #tpu.memory_space<vmem>>, vector<2x512x128xi32>
      %sub3A_194 = arith.constant 512 : i32
      %sub3A_195 = arith.subi %sub3A_194, %shift_right_arithmetic3A_177 : i32
      %and3A_196 = arith.constant 511 : i32
      %and3A_197 = arith.andi %sub3A_195, %and3A_196 : i32
      %roll3A_198 = tpu.dynamic_rotate %get3A_189 by %and3A_197 dim 1 : vector<2x512x128xf32>, i32 -> vector<2x512x128xf32>
      %roll3A_199 = tpu.dynamic_rotate %get3A_189 by %shift_right_arithmetic3A_177 dim 1 : vector<2x512x128xf32>, i32 -> vector<2x512x128xf32>
      %broadcast_in_dim3A_200 = vector.shape_cast %broadcast_in_dim3A_183 : vector<1x512x128xi1> to vector<1x512x128xi1>
      %broadcast_in_dim3A_201 = vector.broadcast %broadcast_in_dim3A_200 : vector<1x512x128xi1> to vector<2x512x128xi1>
      %select_n3A_202 = arith.select %broadcast_in_dim3A_201, %roll3A_198, %roll3A_199 : vector<2x512x128xi1>, vector<2x512x128xf32>
      %sub3A_203 = arith.constant 512 : i32
      %sub3A_204 = arith.subi %sub3A_203, %shift_right_arithmetic3A_177 : i32
      %and3A_205 = arith.constant 511 : i32
      %and3A_206 = arith.andi %sub3A_204, %and3A_205 : i32
      %roll3A_207 = tpu.dynamic_rotate %get3A_193 by %and3A_206 dim 1 : vector<2x512x128xi32>, i32 -> vector<2x512x128xi32>
      %roll3A_208 = tpu.dynamic_rotate %get3A_193 by %shift_right_arithmetic3A_177 dim 1 : vector<2x512x128xi32>, i32 -> vector<2x512x128xi32>
      %broadcast_in_dim3A_209 = vector.shape_cast %broadcast_in_dim3A_183 : vector<1x512x128xi1> to vector<1x512x128xi1>
      %broadcast_in_dim3A_210 = vector.broadcast %broadcast_in_dim3A_209 : vector<1x512x128xi1> to vector<2x512x128xi1>
      %select_n3A_211 = arith.select %broadcast_in_dim3A_210, %roll3A_207, %roll3A_208 : vector<2x512x128xi1>, vector<2x512x128xi32>
      %and3A_212 = vector.broadcast %get3A_185 : i32 to vector<512x128xi32>
      %and3A_213 = arith.andi %add3A, %and3A_212 : vector<512x128xi32>
      %eq3A_214 = arith.constant 0 : i32
      %eq3A_215 = vector.broadcast %eq3A_214 : i32 to vector<512x128xi32>
      %eq3A_216 = arith.cmpi eq, %and3A_213, %eq3A_215 : vector<512x128xi32>
      %broadcast_in_dim3A_217 = vector.shape_cast %eq3A_216 : vector<512x128xi1> to vector<1x512x128xi1>
      %eq3A_218 = arith.xori %broadcast_in_dim3A_183, %broadcast_in_dim3A_217 : vector<1x512x128xi1>
      %eq3A_219 = arith.constant dense<true> : vector<1x512x128xi1>
      %eq3A_220 = arith.xori %eq3A_218, %eq3A_219 : vector<1x512x128xi1>
      %gt3A_221 = arith.cmpf ogt, %get3A_189, %select_n3A_202 : vector<2x512x128xf32>
      %eq3A_222 = arith.cmpf oeq, %get3A_189, %select_n3A_202 : vector<2x512x128xf32>
      %lt3A_223 = arith.cmpi slt, %get3A_193, %select_n3A_211 : vector<2x512x128xi32>
      %and3A_224 = arith.andi %eq3A_222, %lt3A_223 : vector<2x512x128xi1>
      %or3A_225 = arith.ori %gt3A_221, %and3A_224 : vector<2x512x128xi1>
      %eq3A_226 = vector.broadcast %eq3A_220 : vector<1x512x128xi1> to vector<2x512x128xi1>
      %eq3A_227 = vector.broadcast %eq3A_226 : vector<2x512x128xi1> to vector<2x512x128xi1>
      %eq3A_228 = arith.xori %eq3A_227, %or3A_225 : vector<2x512x128xi1>
      %eq3A_229 = arith.constant dense<true> : vector<2x512x128xi1>
      %eq3A_230 = arith.xori %eq3A_228, %eq3A_229 : vector<2x512x128xi1>
      %select_n3A_231 = arith.select %eq3A_230, %get3A_189, %select_n3A_202 : vector<2x512x128xi1>, vector<2x512x128xf32>
      %swap3A_232 = arith.constant 0 : index
      %swap3A_233 = arith.constant 0 : index
      %swap3A_234 = arith.constant 0 : index
      %swap3A_235 = vector.load %arg5[%swap3A_232, %swap3A_233, %swap3A_234] : memref<2x512x128xf32, #tpu.memory_space<vmem>>, vector<2x512x128xf32>
      tpu.vector_store %arg5[%swap3A_232, %swap3A_233, %swap3A_234], %select_n3A_231 {strides = array<i32>} : memref<2x512x128xf32, #tpu.memory_space<vmem>>, vector<2x512x128xf32>,
      %select_n3A_236 = arith.select %eq3A_230, %get3A_193, %select_n3A_211 : vector<2x512x128xi1>, vector<2x512x128xi32>
      %swap3A_237 = arith.constant 0 : index
      %swap3A_238 = arith.constant 0 : index
      %swap3A_239 = arith.constant 0 : index
      %swap3A_240 = vector.load %arg6[%swap3A_237, %swap3A_238, %swap3A_239] : memref<2x512x128xi32, #tpu.memory_space<vmem>>, vector<2x512x128xi32>
      tpu.vector_store %arg6[%swap3A_237, %swap3A_238, %swap3A_239], %select_n3A_236 {strides = array<i32>} : memref<2x512x128xi32, #tpu.memory_space<vmem>>, vector<2x512x128xi32>,
    }
    %scan3A_159 = arith.constant 9 : i32
    %scan3A_160 = arith.constant 129 : i32
    %scan3A_161 = arith.constant 7 : i32
    %scan3A_162 = arith.addi %scan3A_160, %scan3A_161 : i32
    %scan3A_163 = arith.constant 1 : i32
    scf.for %scan3A_173 = %scan3A_160 to %scan3A_162 step %scan3A_163  : i32 {
      %get3A_174 = arith.index_cast %scan3A_173 : i32 to index
      %get3A_175 = memref.load %arg0[%get3A_174] : memref<136xi32, #tpu.memory_space<smem>>
      %and3A_176 = vector.broadcast %get3A_175 : i32 to vector<512x128xi32>
      %and3A_177 = arith.andi %add3A, %and3A_176 : vector<512x128xi32>
      %eq3A_178 = arith.constant 0 : i32
      %eq3A_179 = vector.broadcast %eq3A_178 : i32 to vector<512x128xi32>
      %eq3A_180 = arith.cmpi eq, %and3A_177, %eq3A_179 : vector<512x128xi32>
      %broadcast_in_dim3A_181 = vector.shape_cast %eq3A_180 : vector<512x128xi1> to vector<1x512x128xi1>
      %get3A_182 = arith.index_cast %scan3A_173 : i32 to index
      %get3A_183 = memref.load %arg1[%get3A_182] : memref<136xi32, #tpu.memory_space<smem>>
      %get3A_184 = arith.constant 0 : index
      %get3A_185 = arith.constant 0 : index
      %get3A_186 = arith.constant 0 : index
      %get3A_187 = vector.load %arg5[%get3A_184, %get3A_185, %get3A_186] : memref<2x512x128xf32, #tpu.memory_space<vmem>>, vector<2x512x128xf32>
      %get3A_188 = arith.constant 0 : index
      %get3A_189 = arith.constant 0 : index
      %get3A_190 = arith.constant 0 : index
      %get3A_191 = vector.load %arg6[%get3A_188, %get3A_189, %get3A_190] : memref<2x512x128xi32, #tpu.memory_space<vmem>>, vector<2x512x128xi32>
      %sub3A_192 = arith.constant 128 : i32
      %sub3A_193 = arith.subi %sub3A_192, %get3A_175 : i32
      %and3A_194 = arith.constant 127 : i32
      %and3A_195 = arith.andi %sub3A_193, %and3A_194 : i32
      %roll3A_196 = tpu.dynamic_rotate %get3A_187 by %and3A_195 dim 2 : vector<2x512x128xf32>, i32 -> vector<2x512x128xf32>
      %roll3A_197 = tpu.dynamic_rotate %get3A_187 by %get3A_175 dim 2 : vector<2x512x128xf32>, i32 -> vector<2x512x128xf32>
      %broadcast_in_dim3A_198 = vector.shape_cast %broadcast_in_dim3A_181 : vector<1x512x128xi1> to vector<1x512x128xi1>
      %broadcast_in_dim3A_199 = vector.broadcast %broadcast_in_dim3A_198 : vector<1x512x128xi1> to vector<2x512x128xi1>
      %select_n3A_200 = arith.select %broadcast_in_dim3A_199, %roll3A_196, %roll3A_197 : vector<2x512x128xi1>, vector<2x512x128xf32>
      %sub3A_201 = arith.constant 128 : i32
      %sub3A_202 = arith.subi %sub3A_201, %get3A_175 : i32
      %and3A_203 = arith.constant 127 : i32
      %and3A_204 = arith.andi %sub3A_202, %and3A_203 : i32
      %roll3A_205 = tpu.dynamic_rotate %get3A_191 by %and3A_204 dim 2 : vector<2x512x128xi32>, i32 -> vector<2x512x128xi32>
      %roll3A_206 = tpu.dynamic_rotate %get3A_191 by %get3A_175 dim 2 : vector<2x512x128xi32>, i32 -> vector<2x512x128xi32>
      %broadcast_in_dim3A_207 = vector.shape_cast %broadcast_in_dim3A_181 : vector<1x512x128xi1> to vector<1x512x128xi1>
      %broadcast_in_dim3A_208 = vector.broadcast %broadcast_in_dim3A_207 : vector<1x512x128xi1> to vector<2x512x128xi1>
      %select_n3A_209 = arith.select %broadcast_in_dim3A_208, %roll3A_205, %roll3A_206 : vector<2x512x128xi1>, vector<2x512x128xi32>
      %and3A_210 = vector.broadcast %get3A_183 : i32 to vector<512x128xi32>
      %and3A_211 = arith.andi %add3A, %and3A_210 : vector<512x128xi32>
      %eq3A_212 = arith.constant 0 : i32
      %eq3A_213 = vector.broadcast %eq3A_212 : i32 to vector<512x128xi32>
      %eq3A_214 = arith.cmpi eq, %and3A_211, %eq3A_213 : vector<512x128xi32>
      %broadcast_in_dim3A_215 = vector.shape_cast %eq3A_214 : vector<512x128xi1> to vector<1x512x128xi1>
      %eq3A_216 = arith.xori %broadcast_in_dim3A_181, %broadcast_in_dim3A_215 : vector<1x512x128xi1>
      %eq3A_217 = arith.constant dense<true> : vector<1x512x128xi1>
      %eq3A_218 = arith.xori %eq3A_216, %eq3A_217 : vector<1x512x128xi1>
      %gt3A_219 = arith.cmpf ogt, %get3A_187, %select_n3A_200 : vector<2x512x128xf32>
      %eq3A_220 = arith.cmpf oeq, %get3A_187, %select_n3A_200 : vector<2x512x128xf32>
      %lt3A_221 = arith.cmpi slt, %get3A_191, %select_n3A_209 : vector<2x512x128xi32>
      %and3A_222 = arith.andi %eq3A_220, %lt3A_221 : vector<2x512x128xi1>
      %or3A_223 = arith.ori %gt3A_219, %and3A_222 : vector<2x512x128xi1>
      %eq3A_224 = vector.broadcast %eq3A_218 : vector<1x512x128xi1> to vector<2x512x128xi1>
      %eq3A_225 = vector.broadcast %eq3A_224 : vector<2x512x128xi1> to vector<2x512x128xi1>
      %eq3A_226 = arith.xori %eq3A_225, %or3A_223 : vector<2x512x128xi1>
      %eq3A_227 = arith.constant dense<true> : vector<2x512x128xi1>
      %eq3A_228 = arith.xori %eq3A_226, %eq3A_227 : vector<2x512x128xi1>
      %select_n3A_229 = arith.select %eq3A_228, %get3A_187, %select_n3A_200 : vector<2x512x128xi1>, vector<2x512x128xf32>
      %swap3A_230 = arith.constant 0 : index
      %swap3A_231 = arith.constant 0 : index
      %swap3A_232 = arith.constant 0 : index
      %swap3A_233 = vector.load %arg5[%swap3A_230, %swap3A_231, %swap3A_232] : memref<2x512x128xf32, #tpu.memory_space<vmem>>, vector<2x512x128xf32>
      tpu.vector_store %arg5[%swap3A_230, %swap3A_231, %swap3A_232], %select_n3A_229 {strides = array<i32>} : memref<2x512x128xf32, #tpu.memory_space<vmem>>, vector<2x512x128xf32>,
      %select_n3A_234 = arith.select %eq3A_228, %get3A_191, %select_n3A_209 : vector<2x512x128xi1>, vector<2x512x128xi32>
      %swap3A_235 = arith.constant 0 : index
      %swap3A_236 = arith.constant 0 : index
      %swap3A_237 = arith.constant 0 : index
      %swap3A_238 = vector.load %arg6[%swap3A_235, %swap3A_236, %swap3A_237] : memref<2x512x128xi32, #tpu.memory_space<vmem>>, vector<2x512x128xi32>
      tpu.vector_store %arg6[%swap3A_235, %swap3A_236, %swap3A_237], %select_n3A_234 {strides = array<i32>} : memref<2x512x128xi32, #tpu.memory_space<vmem>>, vector<2x512x128xi32>,
    }
    %scan3A_164 = arith.constant 7 : i32
    %get3A_165 = arith.constant 0 : index
    %get3A_166 = arith.constant 0 : index
    %get3A_167 = arith.constant 0 : index
    %get3A_168 = vector.load %arg6[%get3A_165, %get3A_166, %get3A_167] : memref<2x512x128xi32, #tpu.memory_space<vmem>>, vector<2x48x128xi32>
    %swap3A_169 = arith.constant 0 : index
    %swap3A_170 = arith.constant 0 : index
    %swap3A_171 = arith.constant 0 : index
    %swap3A_172 = vector.load %arg4[%swap3A_169, %swap3A_170, %swap3A_171] : memref<2x48x128xi32, #tpu.memory_space<vmem>>, vector<2x48x128xi32>
    tpu.vector_store %arg4[%swap3A_169, %swap3A_170, %swap3A_171], %get3A_168 {strides = array<i32>} : memref<2x48x128xi32, #tpu.memory_space<vmem>>, vector<2x48x128xi32>,
    return
  }
}

module attributes {stable_mosaic.version = 14 : i64} {
  func.func @_nms_kernel(%arg0: memref<2x48x128xf32, #tpu.memory_space<vmem>>, %arg1: memref<2x48x128xf32, #tpu.memory_space<vmem>>, %arg2: memref<2x48x128xf32, #tpu.memory_space<vmem>>, %arg3: memref<2x48x128xf32, #tpu.memory_space<vmem>>, %arg4: memref<2x304x128xf32, #tpu.memory_space<vmem>>) attributes {dimension_semantics = [], scalar_prefetch = 0 : i64, scratch_operands = 0 : i64, tpu.core_type = #tpu.core_type<tc>} {
    %get3A = arith.constant 0 : index
    %get3A_0 = arith.constant 0 : index
    %get3A_1 = arith.constant 0 : index
    %get3A_2 = vector.load %arg0[%get3A, %get3A_0, %get3A_1] : memref<2x48x128xf32, #tpu.memory_space<vmem>>, vector<2x48x128xf32>
    %get3A_3 = arith.constant 0 : index
    %get3A_4 = arith.constant 0 : index
    %get3A_5 = arith.constant 0 : index
    %get3A_6 = vector.load %arg1[%get3A_3, %get3A_4, %get3A_5] : memref<2x48x128xf32, #tpu.memory_space<vmem>>, vector<2x48x128xf32>
    %get3A_7 = arith.constant 0 : index
    %get3A_8 = arith.constant 0 : index
    %get3A_9 = arith.constant 0 : index
    %get3A_10 = vector.load %arg2[%get3A_7, %get3A_8, %get3A_9] : memref<2x48x128xf32, #tpu.memory_space<vmem>>, vector<2x48x128xf32>
    %get3A_11 = arith.constant 0 : index
    %get3A_12 = arith.constant 0 : index
    %get3A_13 = arith.constant 0 : index
    %get3A_14 = vector.load %arg3[%get3A_11, %get3A_12, %get3A_13] : memref<2x48x128xf32, #tpu.memory_space<vmem>>, vector<2x48x128xf32>
    %iota3A = tpu.iota {dimensions = array<i32: 0>} : vector<48x128xi32>
    %mul3A = arith.constant 128 : i32
    %mul3A_15 = vector.broadcast %mul3A : i32 to vector<48x128xi32>
    %mul3A_16 = arith.muli %iota3A, %mul3A_15 : vector<48x128xi32>
    %iota3A_17 = tpu.iota {dimensions = array<i32: 1>} : vector<48x128xi32>
    %add3A = arith.addi %mul3A_16, %iota3A_17 : vector<48x128xi32>
    %broadcast_in_dim3A = vector.shape_cast %add3A : vector<48x128xi32> to vector<1x48x128xi32>
    %sub3A = arith.subf %get3A_10, %get3A_2 : vector<2x48x128xf32>
    %sub3A_18 = arith.subf %get3A_14, %get3A_6 : vector<2x48x128xf32>
    %mul3A_19 = arith.mulf %sub3A, %sub3A_18 : vector<2x48x128xf32>
    %lt3A = arith.constant 6000 : i32
    %lt3A_20 = vector.broadcast %lt3A : i32 to vector<1x48x128xi32>
    %lt3A_21 = arith.cmpi slt, %broadcast_in_dim3A, %lt3A_20 : vector<1x48x128xi32>
    %broadcast_in_dim3A_22 = vector.shape_cast %lt3A_21 : vector<1x48x128xi1> to vector<1x48x128xi1>
    %broadcast_in_dim3A_23 = vector.broadcast %broadcast_in_dim3A_22 : vector<1x48x128xi1> to vector<2x48x128xi1>
    %convert_element_type3A = arith.extui %broadcast_in_dim3A_23 : vector<2x48x128xi1> to vector<2x48x128xi32>
    %iota3A_24 = tpu.iota {dimensions = array<i32: 2>} : vector<1x1x128xi32>
    %scan3A = arith.constant 0 : i32
    %scan3A_25 = arith.constant 300 : i32
    %scan3A_26 = arith.addi %scan3A, %scan3A_25 : i32
    %scan3A_27 = arith.constant 1 : i32
    %scan3A_28 = scf.for %scan3A_30 = %scan3A to %scan3A_26 step %scan3A_27 iter_args(%scan3A_31 = %convert_element_type3A) -> (vector<2x48x128xi32>)  : i32 {
      %ne3A = arith.constant 0 : i32
      %ne3A_32 = vector.broadcast %ne3A : i32 to vector<2x48x128xi32>
      %ne3A_33 = arith.cmpi ne, %scan3A_31, %ne3A_32 : vector<2x48x128xi32>
      %jit3A = arith.constant 1073741824 : i32
      %broadcast_in_dim3A_34 = vector.shape_cast %broadcast_in_dim3A : vector<1x48x128xi32> to vector<1x48x128xi32>
      %broadcast_in_dim3A_35 = vector.broadcast %broadcast_in_dim3A_34 : vector<1x48x128xi32> to vector<2x48x128xi32>
      %broadcast_in_dim3A_36 = vector.broadcast %jit3A : i32 to vector<2x48x128xi32>
      %select_n3A = arith.select %ne3A_33, %broadcast_in_dim3A_35, %broadcast_in_dim3A_36 : vector<2x48x128xi1>, vector<2x48x128xi32>
      %reduce_min3A = arith.constant dense<2147483647> : vector<2xi32>
      %reduce_min3A_37 = vector.multi_reduction <minsi>, %select_n3A, %reduce_min3A [1, 2] : vector<2x48x128xi32> to vector<2xi32>
      %broadcast_in_dim3A_38 = vector.shape_cast %reduce_min3A_37 : vector<2xi32> to vector<2x1x1xi32>
      %lt3A_39 = arith.constant 1073741824 : i32
      %lt3A_40 = vector.broadcast %lt3A_39 : i32 to vector<2x1x1xi32>
      %lt3A_41 = arith.cmpi slt, %broadcast_in_dim3A_38, %lt3A_40 : vector<2x1x1xi32>
      %eq3A = vector.broadcast %broadcast_in_dim3A : vector<1x48x128xi32> to vector<2x48x128xi32>
      %eq3A_42 = vector.broadcast %broadcast_in_dim3A_38 : vector<2x1x1xi32> to vector<2x48x128xi32>
      %eq3A_43 = arith.cmpi eq, %eq3A, %eq3A_42 : vector<2x48x128xi32>
      %convert_element_type3A_44 = arith.extui %eq3A_43 : vector<2x48x128xi1> to vector<2x48x128xi32>
      %convert_element_type3A_45 = arith.sitofp %convert_element_type3A_44 : vector<2x48x128xi32> to vector<2x48x128xf32>
      %mul3A_46 = arith.mulf %get3A_2, %convert_element_type3A_45 : vector<2x48x128xf32>
      %reduce_sum3A = arith.constant dense<0.000000e+00> : vector<2xf32>
      %reduce_sum3A_47 = vector.multi_reduction <add>, %mul3A_46, %reduce_sum3A [1, 2] : vector<2x48x128xf32> to vector<2xf32>
      %broadcast_in_dim3A_48 = vector.shape_cast %reduce_sum3A_47 : vector<2xf32> to vector<2x1x1xf32>
      %mul3A_49 = arith.mulf %get3A_6, %convert_element_type3A_45 : vector<2x48x128xf32>
      %reduce_sum3A_50 = arith.constant dense<0.000000e+00> : vector<2xf32>
      %reduce_sum3A_51 = vector.multi_reduction <add>, %mul3A_49, %reduce_sum3A_50 [1, 2] : vector<2x48x128xf32> to vector<2xf32>
      %broadcast_in_dim3A_52 = vector.shape_cast %reduce_sum3A_51 : vector<2xf32> to vector<2x1x1xf32>
      %mul3A_53 = arith.mulf %get3A_10, %convert_element_type3A_45 : vector<2x48x128xf32>
      %reduce_sum3A_54 = arith.constant dense<0.000000e+00> : vector<2xf32>
      %reduce_sum3A_55 = vector.multi_reduction <add>, %mul3A_53, %reduce_sum3A_54 [1, 2] : vector<2x48x128xf32> to vector<2xf32>
      %broadcast_in_dim3A_56 = vector.shape_cast %reduce_sum3A_55 : vector<2xf32> to vector<2x1x1xf32>
      %mul3A_57 = arith.mulf %get3A_14, %convert_element_type3A_45 : vector<2x48x128xf32>
      %reduce_sum3A_58 = arith.constant dense<0.000000e+00> : vector<2xf32>
      %reduce_sum3A_59 = vector.multi_reduction <add>, %mul3A_57, %reduce_sum3A_58 [1, 2] : vector<2x48x128xf32> to vector<2xf32>
      %broadcast_in_dim3A_60 = vector.shape_cast %reduce_sum3A_59 : vector<2xf32> to vector<2x1x1xf32>
      %sub3A_61 = arith.subf %broadcast_in_dim3A_56, %broadcast_in_dim3A_48 : vector<2x1x1xf32>
      %sub3A_62 = arith.subf %broadcast_in_dim3A_60, %broadcast_in_dim3A_52 : vector<2x1x1xf32>
      %mul3A_63 = arith.mulf %sub3A_61, %sub3A_62 : vector<2x1x1xf32>
      %max3A = vector.broadcast %broadcast_in_dim3A_48 : vector<2x1x1xf32> to vector<2x48x128xf32>
      %max3A_64 = arith.maximumf %max3A, %get3A_2 : vector<2x48x128xf32>
      %max3A_65 = vector.broadcast %broadcast_in_dim3A_52 : vector<2x1x1xf32> to vector<2x48x128xf32>
      %max3A_66 = arith.maximumf %max3A_65, %get3A_6 : vector<2x48x128xf32>
      %min3A = vector.broadcast %broadcast_in_dim3A_56 : vector<2x1x1xf32> to vector<2x48x128xf32>
      %min3A_67 = arith.minimumf %min3A, %get3A_10 : vector<2x48x128xf32>
      %min3A_68 = vector.broadcast %broadcast_in_dim3A_60 : vector<2x1x1xf32> to vector<2x48x128xf32>
      %min3A_69 = arith.minimumf %min3A_68, %get3A_14 : vector<2x48x128xf32>
      %sub3A_70 = arith.subf %min3A_67, %max3A_64 : vector<2x48x128xf32>
      %max3A_71 = arith.constant 0.000000e+00 : f32
      %max3A_72 = vector.broadcast %max3A_71 : f32 to vector<2x48x128xf32>
      %max3A_73 = arith.maximumf %sub3A_70, %max3A_72 : vector<2x48x128xf32>
      %sub3A_74 = arith.subf %min3A_69, %max3A_66 : vector<2x48x128xf32>
      %max3A_75 = arith.constant 0.000000e+00 : f32
      %max3A_76 = vector.broadcast %max3A_75 : f32 to vector<2x48x128xf32>
      %max3A_77 = arith.maximumf %sub3A_74, %max3A_76 : vector<2x48x128xf32>
      %mul3A_78 = arith.mulf %max3A_73, %max3A_77 : vector<2x48x128xf32>
      %add3A_79 = vector.broadcast %mul3A_63 : vector<2x1x1xf32> to vector<2x48x128xf32>
      %add3A_80 = arith.addf %add3A_79, %mul3A_19 : vector<2x48x128xf32>
      %sub3A_81 = arith.subf %add3A_80, %mul3A_78 : vector<2x48x128xf32>
      %add3A_82 = arith.constant 9.99999971E-10 : f32
      %add3A_83 = vector.broadcast %add3A_82 : f32 to vector<2x48x128xf32>
      %add3A_84 = arith.addf %sub3A_81, %add3A_83 : vector<2x48x128xf32>
      %div3A = arith.divf %mul3A_78, %add3A_84 : vector<2x48x128xf32>
      %gt3A = arith.constant 0.699999988 : f32
      %gt3A_85 = vector.broadcast %gt3A : f32 to vector<2x48x128xf32>
      %gt3A_86 = arith.cmpf ogt, %div3A, %gt3A_85 : vector<2x48x128xf32>
      %and3A = vector.broadcast %lt3A_41 : vector<2x1x1xi1> to vector<2x48x128xi1>
      %and3A_87 = arith.andi %gt3A_86, %and3A : vector<2x48x128xi1>
      %not3A = arith.constant dense<true> : vector<2x48x128xi1>
      %not3A_88 = arith.xori %and3A_87, %not3A : vector<2x48x128xi1>
      %and3A_89 = arith.andi %ne3A_33, %not3A_88 : vector<2x48x128xi1>
      %ne3A_90 = vector.broadcast %broadcast_in_dim3A : vector<1x48x128xi32> to vector<2x48x128xi32>
      %ne3A_91 = vector.broadcast %broadcast_in_dim3A_38 : vector<2x1x1xi32> to vector<2x48x128xi32>
      %ne3A_92 = arith.cmpi ne, %ne3A_90, %ne3A_91 : vector<2x48x128xi32>
      %and3A_93 = arith.andi %and3A_89, %ne3A_92 : vector<2x48x128xi1>
      %eq3A_94 = arith.constant 0 : i32
      %eq3A_95 = vector.broadcast %eq3A_94 : i32 to vector<1x1x128xi32>
      %eq3A_96 = arith.cmpi eq, %iota3A_24, %eq3A_95 : vector<1x1x128xi32>
      %jit3A_97 = arith.constant 0.000000e+00 : f32
      %broadcast_in_dim3A_98 = vector.shape_cast %eq3A_96 : vector<1x1x128xi1> to vector<1x1x128xi1>
      %broadcast_in_dim3A_99 = vector.broadcast %broadcast_in_dim3A_98 : vector<1x1x128xi1> to vector<2x1x128xi1>
      %broadcast_in_dim3A_100 = vector.shape_cast %broadcast_in_dim3A_48 : vector<2x1x1xf32> to vector<2x1x1xf32>
      %broadcast_in_dim3A_101 = vector.broadcast %broadcast_in_dim3A_100 : vector<2x1x1xf32> to vector<2x1x128xf32>
      %broadcast_in_dim3A_102 = vector.broadcast %jit3A_97 : f32 to vector<2x1x128xf32>
      %select_n3A_103 = arith.select %broadcast_in_dim3A_99, %broadcast_in_dim3A_101, %broadcast_in_dim3A_102 : vector<2x1x128xi1>, vector<2x1x128xf32>
      %eq3A_104 = arith.constant 1 : i32
      %eq3A_105 = vector.broadcast %eq3A_104 : i32 to vector<1x1x128xi32>
      %eq3A_106 = arith.cmpi eq, %iota3A_24, %eq3A_105 : vector<1x1x128xi32>
      %jit3A_107 = arith.constant 0.000000e+00 : f32
      %broadcast_in_dim3A_108 = vector.shape_cast %eq3A_106 : vector<1x1x128xi1> to vector<1x1x128xi1>
      %broadcast_in_dim3A_109 = vector.broadcast %broadcast_in_dim3A_108 : vector<1x1x128xi1> to vector<2x1x128xi1>
      %broadcast_in_dim3A_110 = vector.shape_cast %broadcast_in_dim3A_52 : vector<2x1x1xf32> to vector<2x1x1xf32>
      %broadcast_in_dim3A_111 = vector.broadcast %broadcast_in_dim3A_110 : vector<2x1x1xf32> to vector<2x1x128xf32>
      %broadcast_in_dim3A_112 = vector.broadcast %jit3A_107 : f32 to vector<2x1x128xf32>
      %select_n3A_113 = arith.select %broadcast_in_dim3A_109, %broadcast_in_dim3A_111, %broadcast_in_dim3A_112 : vector<2x1x128xi1>, vector<2x1x128xf32>
      %add3A_114 = arith.addf %select_n3A_103, %select_n3A_113 : vector<2x1x128xf32>
      %eq3A_115 = arith.constant 2 : i32
      %eq3A_116 = vector.broadcast %eq3A_115 : i32 to vector<1x1x128xi32>
      %eq3A_117 = arith.cmpi eq, %iota3A_24, %eq3A_116 : vector<1x1x128xi32>
      %jit3A_118 = arith.constant 0.000000e+00 : f32
      %broadcast_in_dim3A_119 = vector.shape_cast %eq3A_117 : vector<1x1x128xi1> to vector<1x1x128xi1>
      %broadcast_in_dim3A_120 = vector.broadcast %broadcast_in_dim3A_119 : vector<1x1x128xi1> to vector<2x1x128xi1>
      %broadcast_in_dim3A_121 = vector.shape_cast %broadcast_in_dim3A_56 : vector<2x1x1xf32> to vector<2x1x1xf32>
      %broadcast_in_dim3A_122 = vector.broadcast %broadcast_in_dim3A_121 : vector<2x1x1xf32> to vector<2x1x128xf32>
      %broadcast_in_dim3A_123 = vector.broadcast %jit3A_118 : f32 to vector<2x1x128xf32>
      %select_n3A_124 = arith.select %broadcast_in_dim3A_120, %broadcast_in_dim3A_122, %broadcast_in_dim3A_123 : vector<2x1x128xi1>, vector<2x1x128xf32>
      %add3A_125 = arith.addf %add3A_114, %select_n3A_124 : vector<2x1x128xf32>
      %eq3A_126 = arith.constant 3 : i32
      %eq3A_127 = vector.broadcast %eq3A_126 : i32 to vector<1x1x128xi32>
      %eq3A_128 = arith.cmpi eq, %iota3A_24, %eq3A_127 : vector<1x1x128xi32>
      %jit3A_129 = arith.constant 0.000000e+00 : f32
      %broadcast_in_dim3A_130 = vector.shape_cast %eq3A_128 : vector<1x1x128xi1> to vector<1x1x128xi1>
      %broadcast_in_dim3A_131 = vector.broadcast %broadcast_in_dim3A_130 : vector<1x1x128xi1> to vector<2x1x128xi1>
      %broadcast_in_dim3A_132 = vector.shape_cast %broadcast_in_dim3A_60 : vector<2x1x1xf32> to vector<2x1x1xf32>
      %broadcast_in_dim3A_133 = vector.broadcast %broadcast_in_dim3A_132 : vector<2x1x1xf32> to vector<2x1x128xf32>
      %broadcast_in_dim3A_134 = vector.broadcast %jit3A_129 : f32 to vector<2x1x128xf32>
      %select_n3A_135 = arith.select %broadcast_in_dim3A_131, %broadcast_in_dim3A_133, %broadcast_in_dim3A_134 : vector<2x1x128xi1>, vector<2x1x128xf32>
      %add3A_136 = arith.addf %add3A_125, %select_n3A_135 : vector<2x1x128xf32>
      %jit3A_137 = arith.constant 0.000000e+00 : f32
      %broadcast_in_dim3A_138 = vector.shape_cast %lt3A_41 : vector<2x1x1xi1> to vector<2x1x1xi1>
      %broadcast_in_dim3A_139 = vector.broadcast %broadcast_in_dim3A_138 : vector<2x1x1xi1> to vector<2x1x128xi1>
      %broadcast_in_dim3A_140 = vector.broadcast %jit3A_137 : f32 to vector<2x1x128xf32>
      %select_n3A_141 = arith.select %broadcast_in_dim3A_139, %add3A_136, %broadcast_in_dim3A_140 : vector<2x1x128xi1>, vector<2x1x128xf32>
      %swap3A = arith.constant 0 : index
      %swap3A_142 = arith.index_cast %scan3A_30 : i32 to index
      %swap3A_143 = arith.constant 0 : index
      %swap3A_144 = vector.load %arg4[%swap3A, %swap3A_142, %swap3A_143] : memref<2x304x128xf32, #tpu.memory_space<vmem>>, vector<2x1x128xf32>
      tpu.vector_store %arg4[%swap3A, %swap3A_142, %swap3A_143], %select_n3A_141 {strides = array<i32>} : memref<2x304x128xf32, #tpu.memory_space<vmem>>, vector<2x1x128xf32>,
      %convert_element_type3A_145 = arith.extui %and3A_93 : vector<2x48x128xi1> to vector<2x48x128xi32>
      scf.yield %convert_element_type3A_145 : vector<2x48x128xi32>
    }
    %scan3A_29 = arith.constant 300 : i32
    return
  }
}

</mosaic_0001>

<sc_bundles>
// kernel: kernel.9.cloned.1.call-start
scs
__scs_entry_jumppad:
0x0: {  	(pc) =	sbr.rel $0x88, $3  }
0x1: {  	(tag) =	ssettag $0x0;
	lr =	simm.s32 $0x1  }
0x2: {  	[smem:$0x3F96] =	sst lr;
	_ =	strace $0xD0000000  }
0x3: {  	_ = 	snop  }
0x4: {  	_ = 	snop  }
0x5: {  	_ = 	snop  }
0x6: {  	_ = 	snop  }
0x7: {  	_ = 	snop  }
__scs_overlays_trampoline_lowered:
0x8: {  	[smem:$0x3FA5] =	sst s0  }
0x9: {  	[smem:$0x3FA6] =	sst s1  }
0xa: {  	[smem:$0x3FA7] =	sst s2  }
0xb: {  	[smem:$0x3FA8] =	sst s3  }
0xc: {  	[smem:$0x3FA9] =	sst s4  }
0xd: {  	[smem:$0x3FAA] =	sst s5  }
0xe: {  	[smem:$0x3FAB] =	sst s6  }
0xf: {  	[smem:$0x3FAC] =	sst s7  }
0x10: {  	[smem:$0x3FAD] =	sst s8  }
0x11: {  	[smem:$0x3FAE] =	sst s9;
	s0 =	simm.s32 @!p0 $0x0  }
0x12: {  	s1 =	sld [smem:$0x3F94];
	s0 =	simm.s32 @p0 $0x1  }
0x13: {  	[smem:$0x3FAF] =	sst s0;
	s0 =	simm.s32 @!p1 $0x0  }
0x14: {  	s2 =	sld [smem:$0x3F93];
	s0 =	simm.s32 @p1 $0x1  }
0x15: {  	[smem:$0x3FB0] =	sst s0;
	s0 =	simm.s32 @!p2 $0x0  }
0x16: {  	s3 =	sld [smem:$0x3FDB];
	s0 =	simm.s32 @p2 $0x1  }
0x17: {  	s4 =	simm.s32 $0x1BF5;
	[smem:$0x3FB2] =	sst s0  }
0x18: {  	s0 =	sld [smem:$0x3F95];
	_ =	swait.ge [sflag:s4], $0x0  }
0x19: {  	s7 =	sld [smem:$0x3F96]  }
0x1a: {  	s8 =	sadd.s32 $0xFFFFE003, lr  }
0x1b: {  	s9 =	sadd.s32 $0xFFFFFEF7, lr;
	s5 =	simm.s32 $0xFFFFFFFF;
	p2 =	slt.u32 s8, $0xFFFFF086  }
0x1c: {  	p1 =	slt.u32 s9, $0xF7A;
	s5 =	simm.s32 @!p2 $0x0  }
0x1d: {  	s5 =	simm.s32 @p1 $0x1;
	p0 =	seq.s32 s7, s2  }
0x1e: {  	s7 =	smul.u32 @!p0 $0xF7A, s2;
	p2 =	seq.s32 @!p0 s5, $0x0  }
0x1f: {  	s9 =	smul.u32 $0xF7A, s1;
	s8 =	simm.s32 @!p0 $0x1BF5;
	p2 =	por !p2, p0  }
0x20: {  	[sflag:s8] =	ssyncset.s32 @!p0 $0xFFFFF086;
	s6 =	sadd.s32 @!p0 s3, s7;
	s7 =	simm.s32 @!p0 $0x108  }
0x21: {  	s3 =	sadd.s32 s3, s9;
	s6 =	sadd.s32 @!p0 $0x88, s6;
	s7 =	simm.s32 @p2 $0x1082  }
0x22: {  	[simem:s7], [sflag:s8] =	dma.local @!p0 [hbm:s6], $0xF7A  }
0x23: {  	s9 =	sor.u32 $0xD0000000, s2;
	s6 =	simm.s32 $0x108;
	_ =	swait.ge @!p0 [sflag:s8], $0x0  }
0x24: {  	s3 =	sadd.s32 $0x88, s3;
	s6 =	simm.s32 @!p1 $0x1082;
	[sflag:s4] =	ssyncset.s32 $0xFFFFF086  }
0x25: {  	[simem:s6], [sflag:s4] =	dma.local [hbm:s3], $0xF7A  }
0x26: {  	[smem:$0x3F96] =	sst s1;
	(tag) =	ssettag s2;
	_ =	strace s9  }
0x27: {  	s1 =	sld [smem:$0x3FA6]  }
0x28: {  	s2 =	sld [smem:$0x3FA7]  }
0x29: {  	s4 =	sld [smem:$0x3FA9]  }
0x2a: {  	p0 =	seq.s32 s5, $0x0;
	s5 =	sld [smem:$0x3FAA]  }
0x2b: {  	s6 =	sld [smem:$0x3FAB]  }
0x2c: {  	s7 =	sld [smem:$0x3FAC]  }
0x2d: {  	s3 =	simm.s32 $0x108;
	s8 =	sld [smem:$0x3FAD]  }
0x2e: {  	s3 =	simm.s32 @!p0 $0x1082;
	s9 =	sld [smem:$0x3FAE]  }
0x2f: {  	lr =	sadd.s32 s0, s3;
	s0 =	sld [smem:$0x3FA5]  }
0x30: {  	s3 =	sld [smem:$0x3FA8]  }
0x31: {  	[smem:$0x3FB1] =	sst s10  }
0x32: {  	s10 =	sld [smem:$0x3FAF];
	_ =	sdelay $0x3  }
0x33: {  	p0 =	seq.s32 s10, $0x1;
	s10 =	sld [smem:$0x3FB1];
	_ =	sdelay $0x3  }
0x34: {  	[smem:$0x3FB1] =	sst s10  }
0x35: {  	s10 =	sld [smem:$0x3FB0];
	_ =	sdelay $0x3  }
0x36: {  	p1 =	seq.s32 s10, $0x1;
	s10 =	sld [smem:$0x3FB1];
	_ =	sdelay $0x3  }
0x37: {  	[smem:$0x3FB1] =	sst s10  }
0x38: {  	s10 =	sld [smem:$0x3FB2]  }
0x39: {  	_ = 	snop;
	(pc) =	sbr.ind lr, $3  }
0x3a: {  	_ = 	snop  }
0x3b: {  	_ = 	snop  }
0x3c: {  	p2 =	seq.s32 s10, $0x1;
	s10 =	sld [smem:$0x3FB1]  }
0x3d: {  	_ =	shalt  }
0x3e: {  	_ =	shalt  }
0x3f: {  	_ =	shalt  }
0x40: {  	_ =	shalt  }
0x41: {  	_ =	shalt  }
0x42: {  	_ =	shalt  }
0x43: {  	_ =	shalt  }
0x44: {  	_ =	shalt  }
0x45: {  	_ =	shalt  }
0x46: {  	_ =	shalt  }
0x47: {  	_ =	shalt  }
0x48: {  	_ =	shalt  }
0x49: {  	_ =	shalt  }
0x4a: {  	_ =	shalt  }
0x4b: {  	_ =	shalt  }
0x4c: {  	_ =	shalt  }
0x4d: {  	_ =	shalt  }
0x4e: {  	_ =	shalt  }
0x4f: {  	_ =	shalt  }
0x50: {  	_ =	shalt  }
0x51: {  	_ =	shalt  }
0x52: {  	_ =	shalt  }
0x53: {  	_ =	shalt  }
0x54: {  	_ =	shalt  }
0x55: {  	_ =	shalt  }
0x56: {  	_ =	shalt  }
0x57: {  	_ =	shalt  }
0x58: {  	_ =	shalt  }
0x59: {  	_ =	shalt  }
0x5a: {  	_ =	shalt  }
0x5b: {  	_ =	shalt  }
0x5c: {  	_ =	shalt  }
0x5d: {  	_ =	shalt  }
0x5e: {  	_ =	shalt  }
0x5f: {  	_ =	shalt  }
0x60: {  	_ =	shalt  }
0x61: {  	_ =	shalt  }
0x62: {  	_ =	shalt  }
0x63: {  	_ =	shalt  }
0x64: {  	_ =	shalt  }
0x65: {  	_ =	shalt  }
0x66: {  	_ =	shalt  }
0x67: {  	_ =	shalt  }
0x68: {  	_ =	shalt  }
0x69: {  	_ =	shalt  }
0x6a: {  	_ =	shalt  }
0x6b: {  	_ =	shalt  }
0x6c: {  	_ =	shalt  }
0x6d: {  	_ =	shalt  }
0x6e: {  	_ =	shalt  }
0x6f: {  	_ =	shalt  }
0x70: {  	_ =	shalt  }
0x71: {  	_ =	shalt  }
0x72: {  	_ =	shalt  }
0x73: {  	_ =	shalt  }
0x74: {  	_ =	shalt  }
0x75: {  	_ =	shalt  }
0x76: {  	_ =	shalt  }
0x77: {  	_ =	shalt  }
0x78: {  	_ =	shalt  }
0x79: {  	_ =	shalt  }
0x7a: {  	_ =	shalt  }
0x7b: {  	_ =	shalt  }
0x7c: {  	_ =	shalt  }
0x7d: {  	_ =	shalt  }
0x7e: {  	_ =	shalt  }
0x7f: {  	_ =	shalt  }
0x80: {  	_ =	shalt  }
0x81: {  	_ =	shalt  }
0x82: {  	_ =	shalt  }
0x83: {  	_ =	shalt  }
0x84: {  	_ =	shalt  }
0x85: {  	_ =	shalt  }
0x86: {  	_ =	shalt  }
0x87: {  	_ =	shalt  }
.Lfunc_end0:
.L_simem_size_0:
called_computation_lowered:
.L_overlay_start_0:
0x88: {  	s2 =	sld [smem:$0x3FD9]  }
0x89: {  	s3 =	sld [smem:$0x3FFE];
	_ =	sdelay $0x1  }
0x8a: {  	s1 =	srdreg.scid  }
0x8b: {  	s0 =	sand.u32 $0x1, s1  }
0x8c: {  	s16 =	sshll.u32 s0, $0xA;
	s2 =	sadd.s32 s3, s2  }
0x8d: {  	s2 =	sadd.s32 s2, s16  }
0x8e: {  	[smem:$0x3FBD] =	sst s2  }
0x8f: {  	_ = 	snop  }
0x90: {  	(tm) =	ssettm $0x1  }
0x91: {  	s17 =	sld [smem:$0x3FFB];
	_ =	sdelay $0x3  }
0x92: {  	_ =	strace s17  }
0x93: {  	s2 =	sld [smem:$0x3FFC];
	_ =	sdelay $0x3  }
0x94: {  	_ =	strace s2  }
0x95: {  	s2 =	sld [smem:$0x3FFD];
	_ =	sdelay $0x3  }
0x96: {  	_ =	strace s2  }
0x97: {  	_ =	strace $0x8FFFFFFF  }
0x98: {  	s18 =	sld [smem:$0x3FDB];
	_ =	sdelay $0x1  }
0x99: {  	s19 =	simm.s32 $_scs_section_size  }
0x9a: {  	s4 =	simm.s32 $_size__tile_overlayer_lowered;
	s5 =	simm.s32 $_tile_overlayer_lowered  }
0x9b: {  	s22 =	simm.s32 $0x1BFF;
	s21 =	sshll.u32 s5, $0x1;
	s2 =	sadd.s32 s19, s18  }
0x9c: {  	s6 =	simm.s32 $0x0;
	s20 =	sshll.u32 s4, $0x1;
	s4 =	sadd.s32 s21, s2  }
0x9d: {  	[timem:s6], [sflag:s22] =	dma.local [hbm:s4], s20  }
0x9e: {  	_ =	swait.ge [sflag:s22], s20  }
0x9f: {  	s3 =	ssub.s32 $0x0, s20;
	[sflag:s22] =	ssyncset.done $0x0  }
0xa0: {  	[sflag:s22] =	ssyncadd.s32 s3;
	_ =	sdelay $0x1  }
0xa1: {  	s23 =	simm.s32 $0x1B8B  }
0xa2: {  	_ =	swait.ge [sflag:s23], $0x1  }
0xa3: {  	[sflag:s23] =	ssyncset.done $0x0  }
0xa4: {  	s25 =	simm.s32 $0x1B8E;
	s24 =	sld [smem:$0x3FFE];
	[sflag:s23] =	ssyncadd.s32 $0xFFFFFFFF  }
0xa5: {  	s26 =	simm.s32 $execute0_lowered;
	[smem:$0x3FD2] =	sst s25  }
0xa6: {  	s4 =	sshll.u32 s26, $0x1;
	_ =	strace $0x80000046;
	[dreg:$0x1] =	wrdreg $0xFFFFFFFF  }
0xa7: {  	s28 =	simm.s32 $_size_execute0_lowered;
	s2 =	sadd.s32 s2, s4;
	[dreg:$0x0] =	wrdreg $0x0  }
0xa8: {  	s4 =	sshll.u32 s28, $0x1;
	[dreg:$0x2] =	wrdreg s2  }
0xa9: {  	[dreg:$0x3] =	wrdreg s4  }
0xaa: {  	[dreg:$0x4] =	wrdreg $0xC0  }
0xab: {  	_ =	task [dreg:s6], $0x5FFFF  }
0xac: {  	[dreg:$0x1] =	wrdreg $0xFFFFFFFF  }
0xad: {  	[dreg:$0x0] =	wrdreg $0x60  }
0xae: {  	[dreg:$0x2] =	wrdreg s24  }
0xaf: {  	[dreg:$0x3] =	wrdreg $0x9  }
0xb0: {  	_ =	task.clear_ibuf [dreg:s6], $0x4FFFF;
	_ =	strace $0x90000046  }
0xb1: {  	s29 =	simm.s32 $0x9;
	_ =	strace $0x80000048  }
0xb2: {  	_ =	swait.ge [sflag:s29], $0x1  }
0xb3: {  	[sflag:s29] =	ssyncadd.s32 $0xFFFFFFFF  }
0xb4: {  	_ =	strace $0x90000048  }
0xb5: {  	_ =	sfence  }
0xb6: {  	s30 =	sld [smem:$0x0];
	_ =	sdelay $0x2  }
0xb7: {  	s31 =	sshll.u32 s1, $0xD;
	s1 =	sshrl.u32 s1, $0x2  }
0xb8: {  	s3 =	sand.u32 $0x4000, s31;
	s1 =	sadd.s32 s1, s30  }
0xb9: {  	s0 =	sor.u32 s3, s0;
	s1 =	sshll.u32 s1, $0x11  }
0xba: {  	s0 =	sor.u32 s1, s0  }
0xbb: {  	s0 =	sadd.s32 $0x8F2B, s0  }
0xbc: {  	[sflag:s0] =	ssyncadd.remote.s32 $0x1  }
0xbd: {  	_ =	sfence.sel $0xFFFF  }
0xbe: {  	[dreg:$0x0] =	wrdreg $0xFFFFFFFF;
	(pc) =	sbr.abs _section_cstart, $3  }
0xbf: {  	[dreg:$0x1] =	wrdreg $0xFFFFFFFF  }
0xc0: {  	_ =	task.clear_ibuf [dreg:s6], $0x2FFFF;
	_ =	strace $0x9FFFFFFF  }
0xc1: {  	(tm) =	ssettm $0x7FFFFFFF  }
tec
execute0_lowered:
.L_overlay_start_1:
0x0: {  	(tag) =	ssettag $0x1  }
0x1: {  	s1 =	srdreg.scid;
	s0 =	stileid.u32  }
0x2: {  	s18 =	sand.u32 $0x1, s1;
	s31 =	sshll.u32 s0, $0x1  }
0x3: {  	s1 =	sor.u32 s18, s31  }
0x4: {  	s17 =	rddreg [dreg:$0x0];
	s2 =	simm.s32 $0x0;
	s3 =	smul.u32 $0x30, s1  }
0x5: {  	[smem:$0x7FF] =	sst s2  }
0x6: {  	s1 =	rddreg [dreg:$0x1];
	s19 =	sadd.s32 s3, s17  }
0x7: {  	_ =	strace $0x80000047;
	s3 =	simm.s32 $0x2;
	s4 =	sadd.s32 $0x13400, s19  }
0x8: {  	[tilespmem:s2], [sflag:$0x2] =	stream.linear.gather [hbm4b:s4+s2], $0x180, $0x38;
	[tilespmem:$0x900] =	vst v63  }
0x9: {  	_ =	swait.ge [sflag:s3], $0x180  }
0xa: {  	s6 =	simm.s32 $0x180;
	[sflag:s3] =	ssyncset.done $0x0  }
0xb: {  	s7 =	simm.s32 $0x1;
	s5 =	sadd.s32 $0x13A00, s17;
	[sflag:s3] =	ssyncadd.s32 $0xFFFFFE80  }
0xc: {  	[tilespmem:s6], [sflag:$0x1] =	stream.indirect.gather [hbm4b:s5+s6], $0x1, s2, s6, $0xb8;
	[tilespmem:$0x900] =	vst v63  }
0xd: {  	_ =	swait.ge [sflag:s7], $0x180  }
0xe: {  	[sflag:s7] =	ssyncset.done $0x0  }
0xf: {  	s9 =	simm.s32 $0x300;
	s8 =	sadd.s32 $0xF400, s17;
	[sflag:s7] =	ssyncadd.s32 $0xFFFFFE80  }
0x10: {  	[tilespmem:s9], [sflag:$0x1] =	stream.indirect.gather [hbm4b:s8+s6], $0x1, s6, s6, $0xb8;
	[tilespmem:$0x900] =	vst v63  }
0x11: {  	_ =	swait.ge [sflag:s7], $0x180  }
0x12: {  	[sflag:s7] =	ssyncset.done $0x0  }
0x13: {  	s10 =	sadd.s32 $0x17A00, s19;
	[sflag:s7] =	ssyncadd.s32 $0xFFFFFE80  }
0x14: {  	[hbm4b:s10+s2] =	stream.linear.scatter [tilespmem:s9], [sflag:$0x2], $0x180, $0x38;
	[tilespmem:$0x900] =	vst v63  }
0x15: {  	_ =	swait.ge [sflag:s3], $0x180  }
0x16: {  	[sflag:s3] =	ssyncset.done $0x0  }
0x17: {  	s12 =	simm.s32 $0x480;
	s11 =	sadd.s32 $0xB400, s17;
	[sflag:s3] =	ssyncadd.s32 $0xFFFFFE80  }
0x18: {  	[tilespmem:s12], [sflag:$0x1] =	stream.indirect.gather [hbm4b:s11+s6], $0x1, s6, s6, $0xb8;
	[tilespmem:$0x900] =	vst v63  }
0x19: {  	_ =	swait.ge [sflag:s7], $0x180  }
0x1a: {  	[sflag:s7] =	ssyncset.done $0x0  }
0x1b: {  	s13 =	sadd.s32 $0x18000, s19;
	[sflag:s7] =	ssyncadd.s32 $0xFFFFFE80  }
0x1c: {  	[hbm4b:s13+s2] =	stream.linear.scatter [tilespmem:s12], [sflag:$0x2], $0x180, $0x38;
	[tilespmem:$0x900] =	vst v63  }
0x1d: {  	_ =	swait.ge [sflag:s3], $0x180  }
0x1e: {  	[sflag:s3] =	ssyncset.done $0x0  }
0x1f: {  	s15 =	simm.s32 $0x600;
	s14 =	sadd.s32 $0x7400, s17;
	[sflag:s3] =	ssyncadd.s32 $0xFFFFFE80  }
0x20: {  	[tilespmem:s15], [sflag:$0x1] =	stream.indirect.gather [hbm4b:s14+s6], $0x1, s6, s6, $0xb8;
	[tilespmem:$0x900] =	vst v63  }
0x21: {  	_ =	swait.ge [sflag:s7], $0x180  }
0x22: {  	[sflag:s7] =	ssyncset.done $0x0  }
0x23: {  	s20 =	ssub.s32 $0x2, s18;
	s16 =	sadd.s32 $0x18600, s19;
	[sflag:s7] =	ssyncadd.s32 $0xFFFFFE80  }
0x24: {  	[hbm4b:s16+s2] =	stream.linear.scatter [tilespmem:s15], [sflag:$0x2], $0x180, $0x38;
	[tilespmem:$0x900] =	vst v63  }
0x25: {  	s21 =	sshrl.u32 s20, $0x1;
	_ =	swait.ge [sflag:s3], $0x180  }
0x26: {  	s18 =	simm.s32 $0x780;
	s20 =	ssub.s32 s20, s21;
	[sflag:s3] =	ssyncset.done $0x0  }
0x27: {  	s17 =	sadd.s32 $0x3400, s17;
	s20 =	smax.u32 s20, $0x1;
	[sflag:s3] =	ssyncadd.s32 $0xFFFFFE80  }
0x28: {  	[tilespmem:s18], [sflag:$0x1] =	stream.indirect.gather [hbm4b:s17+s6], $0x1, s6, s6, $0xb8;
	[tilespmem:$0x900] =	vst v63  }
0x29: {  	p0 =	sne.s32 s20, $0x1;
	_ =	swait.ge [sflag:s7], $0x180  }
.Ltmp0:
0x2a: {  	[sflag:s7] =	ssyncset.done $0x0;
	(pc) =	sbr.rel @!p0 .LBB2_2-.Ltmp0, $4  }
0x2b: {  	s19 =	sadd.s32 $0x18C00, s19;
	[sflag:s7] =	ssyncadd.s32 $0xFFFFFE80  }
0x2c: {  	[hbm4b:s19+s2] =	stream.linear.scatter [tilespmem:s18], [sflag:$0x2], $0x180, $0x38;
	[tilespmem:$0x900] =	vst v63  }
0x2d: {  	_ =	swait.ge [sflag:s3], $0x180  }
0x2e: {  	s20 =	sadd.s32 $0xFFFFFFFF, s20;
	[sflag:s3] =	ssyncset.done $0x0  }
.LBB2_1:
0x2f: {  	p0 =	sne.s32 s20, $0x1;
	s20 =	sadd.s32 $0xFFFFFFFF, s20;
	[sflag:s3] =	ssyncadd.s32 $0xFFFFFE80  }
0x30: {  	[tilespmem:s2], [sflag:$0x2] =	stream.linear.gather [hbm4b:s4+s2], $0x180, $0x38;
	[tilespmem:$0x900] =	vst v63  }
0x31: {  	_ =	swait.ge [sflag:s3], $0x180  }
0x32: {  	[sflag:s3] =	ssyncset.done $0x0  }
0x33: {  	[sflag:s3] =	ssyncadd.s32 $0xFFFFFE80  }
0x34: {  	[tilespmem:s6], [sflag:$0x1] =	stream.indirect.gather [hbm4b:s5+s6], $0x1, s2, s6, $0xb8;
	[tilespmem:$0x900] =	vst v63  }
0x35: {  	_ =	swait.ge [sflag:s7], $0x180  }
0x36: {  	[sflag:s7] =	ssyncset.done $0x0  }
0x37: {  	[sflag:s7] =	ssyncadd.s32 $0xFFFFFE80  }
0x38: {  	[tilespmem:s9], [sflag:$0x1] =	stream.indirect.gather [hbm4b:s8+s6], $0x1, s6, s6, $0xb8;
	[tilespmem:$0x900] =	vst v63  }
0x39: {  	_ =	swait.ge [sflag:s7], $0x180  }
0x3a: {  	[sflag:s7] =	ssyncset.done $0x0  }
0x3b: {  	[sflag:s7] =	ssyncadd.s32 $0xFFFFFE80  }
0x3c: {  	[hbm4b:s10+s2] =	stream.linear.scatter [tilespmem:s9], [sflag:$0x2], $0x180, $0x38;
	[tilespmem:$0x900] =	vst v63  }
0x3d: {  	_ =	swait.ge [sflag:s3], $0x180  }
0x3e: {  	[sflag:s3] =	ssyncset.done $0x0  }
0x3f: {  	[sflag:s3] =	ssyncadd.s32 $0xFFFFFE80  }
0x40: {  	[tilespmem:s12], [sflag:$0x1] =	stream.indirect.gather [hbm4b:s11+s6], $0x1, s6, s6, $0xb8;
	[tilespmem:$0x900] =	vst v63  }
0x41: {  	_ =	swait.ge [sflag:s7], $0x180  }
0x42: {  	[sflag:s7] =	ssyncset.done $0x0  }
0x43: {  	[sflag:s7] =	ssyncadd.s32 $0xFFFFFE80  }
0x44: {  	[hbm4b:s13+s2] =	stream.linear.scatter [tilespmem:s12], [sflag:$0x2], $0x180, $0x38;
	[tilespmem:$0x900] =	vst v63  }
0x45: {  	_ =	swait.ge [sflag:s3], $0x180  }
0x46: {  	[sflag:s3] =	ssyncset.done $0x0  }
0x47: {  	[sflag:s3] =	ssyncadd.s32 $0xFFFFFE80  }
0x48: {  	[tilespmem:s15], [sflag:$0x1] =	stream.indirect.gather [hbm4b:s14+s6], $0x1, s6, s6, $0xb8;
	[tilespmem:$0x900] =	vst v63  }
0x49: {  	_ =	swait.ge [sflag:s7], $0x180  }
0x4a: {  	[sflag:s7] =	ssyncset.done $0x0  }
0x4b: {  	[sflag:s7] =	ssyncadd.s32 $0xFFFFFE80  }
0x4c: {  	[hbm4b:s16+s2] =	stream.linear.scatter [tilespmem:s15], [sflag:$0x2], $0x180, $0x38;
	[tilespmem:$0x900] =	vst v63  }
0x4d: {  	_ =	swait.ge [sflag:s3], $0x180  }
0x4e: {  	[sflag:s3] =	ssyncset.done $0x0  }
0x4f: {  	[sflag:s3] =	ssyncadd.s32 $0xFFFFFE80  }
0x50: {  	[tilespmem:s18], [sflag:$0x1] =	stream.indirect.gather [hbm4b:s17+s6], $0x1, s6, s6, $0xb8;
	[tilespmem:$0x900] =	vst v63  }
0x51: {  	_ =	swait.ge [sflag:s7], $0x180  }
.Ltmp1:
0x52: {  	[sflag:s7] =	ssyncset.done $0x0;
	(pc) =	sbr.rel @p0 .LBB2_1-.Ltmp1, $4  }
0x53: {  	[sflag:s7] =	ssyncadd.s32 $0xFFFFFE80  }
0x54: {  	[hbm4b:s19+s2] =	stream.linear.scatter [tilespmem:s18], [sflag:$0x2], $0x180, $0x38;
	[tilespmem:$0x900] =	vst v63  }
0x55: {  	_ =	swait.ge [sflag:s3], $0x180  }
0x56: {  	[sflag:s3] =	ssyncset.done $0x0  }
.LBB2_2:
0x57: {  	[sflag:s3] =	ssyncadd.s32 $0xFFFFFE80  }
0x58: {  	_ =	sfence.sel $0x180000  }
0x59: {  	[bflag:$0x0] =	sbarrier.arrive $0xFFFF  }
0x5a: {  	p0 =	sne.s32 s0, $0x0;
	_ =	strace $0x90000047  }
0x5b: {  	s0 =	sadd.s32 @!p0 $0x100000, s1;
	[bflag:$0x2] =	sbarrier.arrive $0xFFFF  }
0x5c: {  	[sflag:s0] =	ssyncadd.tile.s32 @!p0 $0x1;
	_ =	shalt  }
.Lfunc_end2:
_tile_overlayer_lowered:
.L_overlay_start_2:
0x5d: {  	(tag) =	ssettag $0x2  }
0x5e: {  	s0 =	rddreg [dreg:$0x0];
	s2 =	stileid.u32  }
0x5f: {  	s1 =	rddreg [dreg:$0x1];
	p0 =	sne.s32 s2, $0x0  }
0x60: {  	s3 =	rddreg [dreg:$0x2];
	[bflag:$0x3] =	sbarrier.arrive $0xFFFF;
	s2 =	simm.s32 @!p0 $0x1C02  }
0x61: {  	[timem:s3], [sflag:s2] =	dma.local @!p0 [hbm:s0], s1  }
0x62: {  	s0 =	simm.s32 @!p0 $0x2  }
0x63: {  	_ =	swait.ge @!p0 [sflag:s0], s1  }
0x64: {  	s1 =	ssub.s32 @!p0 $0x0, s1;
	[sflag:s0] =	ssyncset.done @!p0 $0x0  }
0x65: {  	[sflag:s0] =	ssyncadd.s32 @!p0 s1  }
0x66: {  	[bflag:$0x3] =	sbarrier.arrive $0xFFFF  }
0x67: {  	_ =	shalt  }

</sc_bundles>
